<compile_context>
chip_gen: v7x
topology: tpu7x:2x2x1
jax: 0.10.2.dev20260603
libtpu: 0.0.44.dev20260713+nightly
codegen_flags: <defaults>
</compile_context>

<pallas_src>
import jax
import jax.numpy as jnp
from jax import lax
from jax.experimental import pallas as pl
from jax.experimental.pallas import tpu as pltpu
from jax.experimental.pallas import tpu_sc as plsc

NUM_ROWS = 100000
DIM = 64
SEQS = 16384
SLEN = 50

NC = 2
NS = 16
NW = NC * NS
IBLK = 128
BLK_PER_W = SEQS // (NW * IBLK)
S_PER_W = IBLK * BLK_PER_W
N_CELLS = SLEN * BLK_PER_W
NBUF = 4
N_GROUPS = N_CELLS // NBUF

TBLK = 2048
TB2 = TBLK // 2


def _emb_body(w_hbm, xt_hbm, g_hbm, idx_v, g_v, *sems):
    gsems, ssems = sems[:NBUF], sems[NBUF:]
    wid = lax.axis_index("s") * NC + lax.axis_index("c")
    sbase = wid * S_PER_W
    pltpu.sync_copy(xt_hbm.at[:, pl.ds(sbase, S_PER_W)], idx_v)

    def cell(c):
        j = c // BLK_PER_W
        itl = c % BLK_PER_W
        i0 = sbase + itl * IBLK
        p0 = (i0 // TBLK) * TB2 + (i0 % TBLK) % TB2
        half = (i0 % TBLK) // TB2
        return j, itl, p0, half

    def start_gather(c, b):
        j, itl, _, _ = cell(c)
        pltpu.async_copy(
            w_hbm.at[idx_v.at[j, pl.ds(itl * IBLK, IBLK)]], g_v.at[b],
            gsems[b])

    def wait_gather(c, b):
        j, itl, _, _ = cell(c)
        pltpu.make_async_copy(
            w_hbm.at[idx_v.at[j, pl.ds(itl * IBLK, IBLK)]], g_v.at[b],
            gsems[b]).wait()

    def start_store(c, b):
        j, _, p0, half = cell(c)
        pltpu.async_copy(
            g_v.at[b],
            g_hbm.at[j, pl.ds(p0, IBLK), pl.ds(half * DIM, DIM)],
            ssems[b])

    def wait_store(c, b):
        j, _, p0, half = cell(c)
        pltpu.make_async_copy(
            g_v.at[b],
            g_hbm.at[j, pl.ds(p0, IBLK), pl.ds(half * DIM, DIM)],
            ssems[b]).wait()

    for b in range(NBUF):
        start_gather(b, b)

    def group(g, _):
        c0 = g * NBUF
        for b in range(NBUF):
            wait_gather(c0 + b, b)
            start_store(c0 + b, b)
        for b in range(NBUF):
            wait_store(c0 + b, b)
            start_gather(c0 + NBUF + b, b)
        return ()

    lax.fori_loop(0, N_GROUPS - 1, group, (), unroll=False)

    c0 = (N_GROUPS - 1) * NBUF
    for b in range(NBUF):
        wait_gather(c0 + b, b)
        start_store(c0 + b, b)
    for b in range(NBUF):
        wait_store(c0 + b, b)


def _tr_body(g_ref, o_ref):
    v = g_ref[0]
    a = v[:, 0:DIM].T
    b = v[:, DIM:2 * DIM].T
    o_ref[0] = jnp.concatenate([a, b], axis=1)


@jax.jit
def _embedding_sc(xt, W):
    mesh = plsc.VectorSubcoreMesh(core_axis_name="c", subcore_axis_name="s")
    gather = pl.kernel(
        _emb_body,
        out_type=jax.ShapeDtypeStruct((SLEN, SEQS * DIM // 128, 128),
                                      jnp.float32),
        mesh=mesh,
        scratch_types=(
            [pltpu.VMEM((SLEN, S_PER_W), jnp.int32),
             pltpu.VMEM((NBUF, IBLK, DIM), jnp.float32)]
            + [pltpu.SemaphoreType.DMA] * (2 * NBUF)
        ),
        compiler_params=pltpu.CompilerParams(use_tc_tiling_on_sc=False),
    )
    g2 = gather(W, xt)
    out_t = pl.pallas_call(
        _tr_body,
        out_shape=jax.ShapeDtypeStruct((SLEN, DIM, SEQS), jnp.float32),
        grid=(SLEN, SEQS // TBLK),
        in_specs=[pl.BlockSpec((1, TB2, 128), lambda j, i: (j, i, 0))],
        out_specs=pl.BlockSpec((1, DIM, TBLK), lambda j, i: (j, 0, i)),
    )(g2)
    return out_t


def kernel(x, W):
    xt = jnp.transpose(x.astype(jnp.int32), (1, 0))
    out_t = _embedding_sc(xt, W)
    return jnp.transpose(out_t, (2, 0, 1))

# --- scband reference (transcript-rebuilt; emitter-appended) ---
"""Pipeline reference for scband-embedding-28467043238058 (READ-ONLY COPY).

The authoritative reference and input builder live on the scoring server;
editing this copy changes nothing except your own understanding.
"""

import jax, jax.numpy as jnp
import numpy as np

NUM_EMBEDDINGS = 100000
EMBEDDING_DIM = 64

def setup_inputs(seed: int = 0) -> dict:
    key = jax.random.key(seed)
    k1, k2 = jax.random.split(key)
    x = jax.random.randint(k1, (16384, 50), 0, NUM_EMBEDDINGS, dtype=jnp.int64 if jax.config.jax_enable_x64 else jnp.int32)
    # trunc_normal_(std=0.02): truncated normal in [-2, 2] sigma scaled by std
    W = jax.random.truncated_normal(k2, -2.0, 2.0, (NUM_EMBEDDINGS, EMBEDDING_DIM), dtype=jnp.float32) * 0.02
    return {"x": x, "W": W}

def reference(x, W):
    # Faithful translation of: return self.W[x]
    return jnp.take(W, x, axis=0)

if __name__ == "__main__":
    import jax
    _d = setup_inputs()
    print(jax.jit(kernel)(*tuple(_d.values())))

</pallas_src>

<mosaic_0001>
#map = affine_map<(d0, d1) -> (0, 0)>
#map1 = affine_map<(d0, d1) -> (0, 0, 0)>
module attributes {stable_mosaic.version = 14 : i64} {
  func.func @_emb_body(%arg0: i32, %arg1: i32, %arg2: memref<100000x64xf32, #tpu.memory_space<hbm>>, %arg3: memref<50x16384xi32, #tpu.memory_space<hbm>>, %arg4: memref<50x8192x128xf32, #tpu.memory_space<hbm>>, %arg5: memref<50x512xi32, #tpu.memory_space<vmem>>, %arg6: memref<4x128x64xf32, #tpu.memory_space<vmem>>, %arg7: memref<!tpu.dma_semaphore, #tpu.memory_space<semaphore_mem>>, %arg8: memref<!tpu.dma_semaphore, #tpu.memory_space<semaphore_mem>>, %arg9: memref<!tpu.dma_semaphore, #tpu.memory_space<semaphore_mem>>, %arg10: memref<!tpu.dma_semaphore, #tpu.memory_space<semaphore_mem>>, %arg11: memref<!tpu.dma_semaphore, #tpu.memory_space<semaphore_mem>>, %arg12: memref<!tpu.dma_semaphore, #tpu.memory_space<semaphore_mem>>, %arg13: memref<!tpu.dma_semaphore, #tpu.memory_space<semaphore_mem>>, %arg14: memref<!tpu.dma_semaphore, #tpu.memory_space<semaphore_mem>>) attributes {dimension_semantics = [#tpu.dimension_semantics<core_parallel>, #tpu.dimension_semantics<subcore_parallel>], iteration_bounds = array<i64: 2, 16>, scalar_prefetch = 0 : i64, scratch_operands = 10 : i64, tpu.core_type = #tpu.core_type<sc_vector_subcore>, window_params = [{transform_indices = #map}, {transform_indices = #map}, {transform_indices = #map1}]} {
    %mul3A = arith.constant 2 : i32
    %mul3A_0 = arith.muli %arg1, %mul3A : i32
    %add3A = arith.addi %mul3A_0, %arg0 : i32
    %mul3A_1 = arith.constant 512 : i32
    %mul3A_2 = arith.muli %add3A, %mul3A_1 : i32
    "tpu.region"() ({
      %run_scoped3A = tpu.sem_alloc : memref<!tpu.dma_semaphore, #tpu.memory_space<semaphore_mem>>
      %dma_start3A_1835 = arith.constant 0 : i32
      %dma_start3A_1836 = tpu.memref_slice %arg3[%dma_start3A_1835, %mul3A_2] : memref<50x16384xi32, #tpu.memory_space<hbm>> -> memref<50x512xi32, #tpu.memory_space<hbm>>
      %dma_start3A_1837 = arith.constant 0 : i32
      %dma_start3A_1838 = tpu.memref_slice %arg3[%dma_start3A_1837, %mul3A_2] : memref<50x16384xi32, #tpu.memory_space<hbm>> -> memref<50x512xi32, #tpu.memory_space<hbm>>
      tpu.enqueue_dma source(%dma_start3A_1838 : memref<50x512xi32, #tpu.memory_space<hbm>>) target(%arg5 : memref<50x512xi32, #tpu.memory_space<vmem>>) target_semaphore(%run_scoped3A : memref<!tpu.dma_semaphore, #tpu.memory_space<semaphore_mem>>)
      %dma_wait3A_1839 = arith.constant 0 : i32
      %dma_wait3A_1840 = tpu.memref_slice %arg3[%dma_wait3A_1839, %mul3A_2] : memref<50x16384xi32, #tpu.memory_space<hbm>> -> memref<50x512xi32, #tpu.memory_space<hbm>>
      %dma_wait3A_1841 = arith.constant 0 : i32
      %dma_wait3A_1842 = tpu.memref_slice %arg3[%dma_wait3A_1841, %mul3A_2] : memref<50x16384xi32, #tpu.memory_space<hbm>> -> memref<50x512xi32, #tpu.memory_space<hbm>>
      tpu.wait_dma2 semaphore(%run_scoped3A : memref<!tpu.dma_semaphore, #tpu.memory_space<semaphore_mem>>) src(%dma_wait3A_1842 : memref<50x512xi32, #tpu.memory_space<hbm>>) dst(%arg5 : memref<50x512xi32, #tpu.memory_space<vmem>>)
      tpu.yield
    }) : () -> ()
    %add3A_3 = arith.constant 0 : i32
    %add3A_4 = arith.addi %mul3A_2, %add3A_3 : i32
    %jit3A = arith.constant 2048 : i32
    %div3A = arith.divsi %add3A_4, %jit3A : i32
    %sign3A = arith.constant 0 : i32
    %sign3A_5 = arith.cmpi sgt, %add3A_4, %sign3A : i32
    %sign3A_6 = arith.extui %sign3A_5 : i1 to i32
    %sign3A_7 = arith.constant 0 : i32
    %sign3A_8 = arith.cmpi slt, %add3A_4, %sign3A_7 : i32
    %sign3A_9 = arith.extui %sign3A_8 : i1 to i32
    %sign3A_10 = arith.subi %sign3A_6, %sign3A_9 : i32
    %sign3A_11 = arith.constant 0 : i32
    %sign3A_12 = arith.cmpi sgt, %jit3A, %sign3A_11 : i32
    %sign3A_13 = arith.extui %sign3A_12 : i1 to i32
    %sign3A_14 = arith.constant 0 : i32
    %sign3A_15 = arith.cmpi slt, %jit3A, %sign3A_14 : i32
    %sign3A_16 = arith.extui %sign3A_15 : i1 to i32
    %sign3A_17 = arith.subi %sign3A_13, %sign3A_16 : i32
    %ne3A = arith.cmpi ne, %sign3A_10, %sign3A_17 : i32
    %rem3A = arith.remsi %add3A_4, %jit3A : i32
    %ne3A_18 = arith.constant 0 : i32
    %ne3A_19 = arith.cmpi ne, %rem3A, %ne3A_18 : i32
    %and3A = arith.andi %ne3A, %ne3A_19 : i1
    %sub3A = arith.constant 1 : i32
    %sub3A_20 = arith.subi %div3A, %sub3A : i32
    %select_n3A = arith.select %and3A, %sub3A_20, %div3A : i32
    %mul3A_21 = arith.constant 1024 : i32
    %mul3A_22 = arith.muli %select_n3A, %mul3A_21 : i32
    %jit3A_23 = arith.constant 2048 : i32
    %eq3A = arith.constant 0 : i32
    %eq3A_24 = arith.cmpi eq, %jit3A_23, %eq3A : i32
    %jit3A_25 = arith.constant 1 : i32
    %select_n3A_26 = arith.select %eq3A_24, %jit3A_25, %jit3A_23 : i32
    %rem3A_27 = arith.remsi %add3A_4, %select_n3A_26 : i32
    %ne3A_28 = arith.constant 0 : i32
    %ne3A_29 = arith.cmpi ne, %rem3A_27, %ne3A_28 : i32
    %lt3A = arith.constant 0 : i32
    %lt3A_30 = arith.cmpi slt, %rem3A_27, %lt3A : i32
    %lt3A_31 = arith.constant 0 : i32
    %lt3A_32 = arith.cmpi slt, %select_n3A_26, %lt3A_31 : i32
    %ne3A_33 = arith.xori %lt3A_30, %lt3A_32 : i1
    %and3A_34 = arith.andi %ne3A_33, %ne3A_29 : i1
    %add3A_35 = arith.addi %rem3A_27, %select_n3A_26 : i32
    %select_n3A_36 = arith.select %and3A_34, %add3A_35, %rem3A_27 : i32
    %jit3A_37 = arith.constant 1024 : i32
    %eq3A_38 = arith.constant 0 : i32
    %eq3A_39 = arith.cmpi eq, %jit3A_37, %eq3A_38 : i32
    %jit3A_40 = arith.constant 1 : i32
    %select_n3A_41 = arith.select %eq3A_39, %jit3A_40, %jit3A_37 : i32
    %rem3A_42 = arith.remsi %select_n3A_36, %select_n3A_41 : i32
    %ne3A_43 = arith.constant 0 : i32
    %ne3A_44 = arith.cmpi ne, %rem3A_42, %ne3A_43 : i32
    %lt3A_45 = arith.constant 0 : i32
    %lt3A_46 = arith.cmpi slt, %rem3A_42, %lt3A_45 : i32
    %lt3A_47 = arith.constant 0 : i32
    %lt3A_48 = arith.cmpi slt, %select_n3A_41, %lt3A_47 : i32
    %ne3A_49 = arith.xori %lt3A_46, %lt3A_48 : i1
    %and3A_50 = arith.andi %ne3A_49, %ne3A_44 : i1
    %add3A_51 = arith.addi %rem3A_42, %select_n3A_41 : i32
    %select_n3A_52 = arith.select %and3A_50, %add3A_51, %rem3A_42 : i32
    %add3A_53 = arith.addi %mul3A_22, %select_n3A_52 : i32
    %jit3A_54 = arith.constant 2048 : i32
    %eq3A_55 = arith.constant 0 : i32
    %eq3A_56 = arith.cmpi eq, %jit3A_54, %eq3A_55 : i32
    %jit3A_57 = arith.constant 1 : i32
    %select_n3A_58 = arith.select %eq3A_56, %jit3A_57, %jit3A_54 : i32
    %rem3A_59 = arith.remsi %add3A_4, %select_n3A_58 : i32
    %ne3A_60 = arith.constant 0 : i32
    %ne3A_61 = arith.cmpi ne, %rem3A_59, %ne3A_60 : i32
    %lt3A_62 = arith.constant 0 : i32
    %lt3A_63 = arith.cmpi slt, %rem3A_59, %lt3A_62 : i32
    %lt3A_64 = arith.constant 0 : i32
    %lt3A_65 = arith.cmpi slt, %select_n3A_58, %lt3A_64 : i32
    %ne3A_66 = arith.xori %lt3A_63, %lt3A_65 : i1
    %and3A_67 = arith.andi %ne3A_66, %ne3A_61 : i1
    %add3A_68 = arith.addi %rem3A_59, %select_n3A_58 : i32
    %select_n3A_69 = arith.select %and3A_67, %add3A_68, %rem3A_59 : i32
    %jit3A_70 = arith.constant 1024 : i32
    %div3A_71 = arith.divsi %select_n3A_69, %jit3A_70 : i32
    %sign3A_72 = arith.constant 0 : i32
    %sign3A_73 = arith.cmpi sgt, %select_n3A_69, %sign3A_72 : i32
    %sign3A_74 = arith.extui %sign3A_73 : i1 to i32
    %sign3A_75 = arith.constant 0 : i32
    %sign3A_76 = arith.cmpi slt, %select_n3A_69, %sign3A_75 : i32
    %sign3A_77 = arith.extui %sign3A_76 : i1 to i32
    %sign3A_78 = arith.subi %sign3A_74, %sign3A_77 : i32
    %sign3A_79 = arith.constant 0 : i32
    %sign3A_80 = arith.cmpi sgt, %jit3A_70, %sign3A_79 : i32
    %sign3A_81 = arith.extui %sign3A_80 : i1 to i32
    %sign3A_82 = arith.constant 0 : i32
    %sign3A_83 = arith.cmpi slt, %jit3A_70, %sign3A_82 : i32
    %sign3A_84 = arith.extui %sign3A_83 : i1 to i32
    %sign3A_85 = arith.subi %sign3A_81, %sign3A_84 : i32
    %ne3A_86 = arith.cmpi ne, %sign3A_78, %sign3A_85 : i32
    %rem3A_87 = arith.remsi %select_n3A_69, %jit3A_70 : i32
    %ne3A_88 = arith.constant 0 : i32
    %ne3A_89 = arith.cmpi ne, %rem3A_87, %ne3A_88 : i32
    %and3A_90 = arith.andi %ne3A_86, %ne3A_89 : i1
    %sub3A_91 = arith.constant 1 : i32
    %sub3A_92 = arith.subi %div3A_71, %sub3A_91 : i32
    %select_n3A_93 = arith.select %and3A_90, %sub3A_92, %div3A_71 : i32
    %dma_start3A = arith.constant 0 : i32
    %dma_start3A_94 = arith.constant 0 : i32
    %dma_start3A_95 = arith.constant 0 : i32
    %dma_start3A_96 = arith.constant 0 : i32
    %dma_start3A_97 = tpu.memref_slice %arg6[%dma_start3A_94, %dma_start3A_95, %dma_start3A_96] : memref<4x128x64xf32, #tpu.memory_space<vmem>> -> memref<1x128x64xf32, #tpu.memory_space<vmem>>
    %dma_start3A_98 = tpu.memref_squeeze %dma_start3A_97 : memref<1x128x64xf32, #tpu.memory_space<vmem>> -> memref<128x64xf32, #tpu.memory_space<vmem>>
    %dma_start3A_99 = arith.constant 0 : i32
    %dma_start3A_100 = tpu.memref_slice %arg5[%dma_start3A, %dma_start3A_99] : memref<50x512xi32, #tpu.memory_space<vmem>> -> memref<1x128xi32, #tpu.memory_space<vmem>>
    %dma_start3A_101 = tpu.memref_squeeze %dma_start3A_100 : memref<1x128xi32, #tpu.memory_space<vmem>> -> memref<128xi32, #tpu.memory_space<vmem>>
    %dma_start3A_102 = arith.constant 0 : i32
    %dma_start3A_103 = arith.constant 0 : i32
    %dma_start3A_104 = tpu.memref_slice %arg2[%dma_start3A_102, %dma_start3A_103] : memref<100000x64xf32, #tpu.memory_space<hbm>> -> memref<100000x64xf32, #tpu.memory_space<hbm>>
    tpu.enqueue_indirect_dma source(%dma_start3A_104 : memref<100000x64xf32, #tpu.memory_space<hbm>>) target(%dma_start3A_98 : memref<128x64xf32, #tpu.memory_space<vmem>>) offsets(%dma_start3A_101 : memref<128xi32, #tpu.memory_space<vmem>>) semaphore(%arg7 : memref<!tpu.dma_semaphore, #tpu.memory_space<semaphore_mem>>)
    %add3A_105 = arith.constant 128 : i32
    %add3A_106 = arith.addi %mul3A_2, %add3A_105 : i32
    %jit3A_107 = arith.constant 2048 : i32
    %div3A_108 = arith.divsi %add3A_106, %jit3A_107 : i32
    %sign3A_109 = arith.constant 0 : i32
    %sign3A_110 = arith.cmpi sgt, %add3A_106, %sign3A_109 : i32
    %sign3A_111 = arith.extui %sign3A_110 : i1 to i32
    %sign3A_112 = arith.constant 0 : i32
    %sign3A_113 = arith.cmpi slt, %add3A_106, %sign3A_112 : i32
    %sign3A_114 = arith.extui %sign3A_113 : i1 to i32
    %sign3A_115 = arith.subi %sign3A_111, %sign3A_114 : i32
    %sign3A_116 = arith.constant 0 : i32
    %sign3A_117 = arith.cmpi sgt, %jit3A_107, %sign3A_116 : i32
    %sign3A_118 = arith.extui %sign3A_117 : i1 to i32
    %sign3A_119 = arith.constant 0 : i32
    %sign3A_120 = arith.cmpi slt, %jit3A_107, %sign3A_119 : i32
    %sign3A_121 = arith.extui %sign3A_120 : i1 to i32
    %sign3A_122 = arith.subi %sign3A_118, %sign3A_121 : i32
    %ne3A_123 = arith.cmpi ne, %sign3A_115, %sign3A_122 : i32
    %rem3A_124 = arith.remsi %add3A_106, %jit3A_107 : i32
    %ne3A_125 = arith.constant 0 : i32
    %ne3A_126 = arith.cmpi ne, %rem3A_124, %ne3A_125 : i32
    %and3A_127 = arith.andi %ne3A_123, %ne3A_126 : i1
    %sub3A_128 = arith.constant 1 : i32
    %sub3A_129 = arith.subi %div3A_108, %sub3A_128 : i32
    %select_n3A_130 = arith.select %and3A_127, %sub3A_129, %div3A_108 : i32
    %mul3A_131 = arith.constant 1024 : i32
    %mul3A_132 = arith.muli %select_n3A_130, %mul3A_131 : i32
    %jit3A_133 = arith.constant 2048 : i32
    %eq3A_134 = arith.constant 0 : i32
    %eq3A_135 = arith.cmpi eq, %jit3A_133, %eq3A_134 : i32
    %jit3A_136 = arith.constant 1 : i32
    %select_n3A_137 = arith.select %eq3A_135, %jit3A_136, %jit3A_133 : i32
    %rem3A_138 = arith.remsi %add3A_106, %select_n3A_137 : i32
    %ne3A_139 = arith.constant 0 : i32
    %ne3A_140 = arith.cmpi ne, %rem3A_138, %ne3A_139 : i32
    %lt3A_141 = arith.constant 0 : i32
    %lt3A_142 = arith.cmpi slt, %rem3A_138, %lt3A_141 : i32
    %lt3A_143 = arith.constant 0 : i32
    %lt3A_144 = arith.cmpi slt, %select_n3A_137, %lt3A_143 : i32
    %ne3A_145 = arith.xori %lt3A_142, %lt3A_144 : i1
    %and3A_146 = arith.andi %ne3A_145, %ne3A_140 : i1
    %add3A_147 = arith.addi %rem3A_138, %select_n3A_137 : i32
    %select_n3A_148 = arith.select %and3A_146, %add3A_147, %rem3A_138 : i32
    %jit3A_149 = arith.constant 1024 : i32
    %eq3A_150 = arith.constant 0 : i32
    %eq3A_151 = arith.cmpi eq, %jit3A_149, %eq3A_150 : i32
    %jit3A_152 = arith.constant 1 : i32
    %select_n3A_153 = arith.select %eq3A_151, %jit3A_152, %jit3A_149 : i32
    %rem3A_154 = arith.remsi %select_n3A_148, %select_n3A_153 : i32
    %ne3A_155 = arith.constant 0 : i32
    %ne3A_156 = arith.cmpi ne, %rem3A_154, %ne3A_155 : i32
    %lt3A_157 = arith.constant 0 : i32
    %lt3A_158 = arith.cmpi slt, %rem3A_154, %lt3A_157 : i32
    %lt3A_159 = arith.constant 0 : i32
    %lt3A_160 = arith.cmpi slt, %select_n3A_153, %lt3A_159 : i32
    %ne3A_161 = arith.xori %lt3A_158, %lt3A_160 : i1
    %and3A_162 = arith.andi %ne3A_161, %ne3A_156 : i1
    %add3A_163 = arith.addi %rem3A_154, %select_n3A_153 : i32
    %select_n3A_164 = arith.select %and3A_162, %add3A_163, %rem3A_154 : i32
    %add3A_165 = arith.addi %mul3A_132, %select_n3A_164 : i32
    %jit3A_166 = arith.constant 2048 : i32
    %eq3A_167 = arith.constant 0 : i32
    %eq3A_168 = arith.cmpi eq, %jit3A_166, %eq3A_167 : i32
    %jit3A_169 = arith.constant 1 : i32
    %select_n3A_170 = arith.select %eq3A_168, %jit3A_169, %jit3A_166 : i32
    %rem3A_171 = arith.remsi %add3A_106, %select_n3A_170 : i32
    %ne3A_172 = arith.constant 0 : i32
    %ne3A_173 = arith.cmpi ne, %rem3A_171, %ne3A_172 : i32
    %lt3A_174 = arith.constant 0 : i32
    %lt3A_175 = arith.cmpi slt, %rem3A_171, %lt3A_174 : i32
    %lt3A_176 = arith.constant 0 : i32
    %lt3A_177 = arith.cmpi slt, %select_n3A_170, %lt3A_176 : i32
    %ne3A_178 = arith.xori %lt3A_175, %lt3A_177 : i1
    %and3A_179 = arith.andi %ne3A_178, %ne3A_173 : i1
    %add3A_180 = arith.addi %rem3A_171, %select_n3A_170 : i32
    %select_n3A_181 = arith.select %and3A_179, %add3A_180, %rem3A_171 : i32
    %jit3A_182 = arith.constant 1024 : i32
    %div3A_183 = arith.divsi %select_n3A_181, %jit3A_182 : i32
    %sign3A_184 = arith.constant 0 : i32
    %sign3A_185 = arith.cmpi sgt, %select_n3A_181, %sign3A_184 : i32
    %sign3A_186 = arith.extui %sign3A_185 : i1 to i32
    %sign3A_187 = arith.constant 0 : i32
    %sign3A_188 = arith.cmpi slt, %select_n3A_181, %sign3A_187 : i32
    %sign3A_189 = arith.extui %sign3A_188 : i1 to i32
    %sign3A_190 = arith.subi %sign3A_186, %sign3A_189 : i32
    %sign3A_191 = arith.constant 0 : i32
    %sign3A_192 = arith.cmpi sgt, %jit3A_182, %sign3A_191 : i32
    %sign3A_193 = arith.extui %sign3A_192 : i1 to i32
    %sign3A_194 = arith.constant 0 : i32
    %sign3A_195 = arith.cmpi slt, %jit3A_182, %sign3A_194 : i32
    %sign3A_196 = arith.extui %sign3A_195 : i1 to i32
    %sign3A_197 = arith.subi %sign3A_193, %sign3A_196 : i32
    %ne3A_198 = arith.cmpi ne, %sign3A_190, %sign3A_197 : i32
    %rem3A_199 = arith.remsi %select_n3A_181, %jit3A_182 : i32
    %ne3A_200 = arith.constant 0 : i32
    %ne3A_201 = arith.cmpi ne, %rem3A_199, %ne3A_200 : i32
    %and3A_202 = arith.andi %ne3A_198, %ne3A_201 : i1
    %sub3A_203 = arith.constant 1 : i32
    %sub3A_204 = arith.subi %div3A_183, %sub3A_203 : i32
    %select_n3A_205 = arith.select %and3A_202, %sub3A_204, %div3A_183 : i32
    %dma_start3A_206 = arith.constant 0 : i32
    %dma_start3A_207 = arith.constant 1 : i32
    %dma_start3A_208 = arith.constant 0 : i32
    %dma_start3A_209 = arith.constant 0 : i32
    %dma_start3A_210 = tpu.memref_slice %arg6[%dma_start3A_207, %dma_start3A_208, %dma_start3A_209] : memref<4x128x64xf32, #tpu.memory_space<vmem>> -> memref<1x128x64xf32, #tpu.memory_space<vmem>>
    %dma_start3A_211 = tpu.memref_squeeze %dma_start3A_210 : memref<1x128x64xf32, #tpu.memory_space<vmem>> -> memref<128x64xf32, #tpu.memory_space<vmem>>
    %dma_start3A_212 = arith.constant 128 : i32
    %dma_start3A_213 = tpu.memref_slice %arg5[%dma_start3A_206, %dma_start3A_212] : memref<50x512xi32, #tpu.memory_space<vmem>> -> memref<1x128xi32, #tpu.memory_space<vmem>>
    %dma_start3A_214 = tpu.memref_squeeze %dma_start3A_213 : memref<1x128xi32, #tpu.memory_space<vmem>> -> memref<128xi32, #tpu.memory_space<vmem>>
    %dma_start3A_215 = arith.constant 0 : i32
    %dma_start3A_216 = arith.constant 0 : i32
    %dma_start3A_217 = tpu.memref_slice %arg2[%dma_start3A_215, %dma_start3A_216] : memref<100000x64xf32, #tpu.memory_space<hbm>> -> memref<100000x64xf32, #tpu.memory_space<hbm>>
    tpu.enqueue_indirect_dma source(%dma_start3A_217 : memref<100000x64xf32, #tpu.memory_space<hbm>>) target(%dma_start3A_211 : memref<128x64xf32, #tpu.memory_space<vmem>>) offsets(%dma_start3A_214 : memref<128xi32, #tpu.memory_space<vmem>>) semaphore(%arg8 : memref<!tpu.dma_semaphore, #tpu.memory_space<semaphore_mem>>)
    %add3A_218 = arith.constant 256 : i32
    %add3A_219 = arith.addi %mul3A_2, %add3A_218 : i32
    %jit3A_220 = arith.constant 2048 : i32
    %div3A_221 = arith.divsi %add3A_219, %jit3A_220 : i32
    %sign3A_222 = arith.constant 0 : i32
    %sign3A_223 = arith.cmpi sgt, %add3A_219, %sign3A_222 : i32
    %sign3A_224 = arith.extui %sign3A_223 : i1 to i32
    %sign3A_225 = arith.constant 0 : i32
    %sign3A_226 = arith.cmpi slt, %add3A_219, %sign3A_225 : i32
    %sign3A_227 = arith.extui %sign3A_226 : i1 to i32
    %sign3A_228 = arith.subi %sign3A_224, %sign3A_227 : i32
    %sign3A_229 = arith.constant 0 : i32
    %sign3A_230 = arith.cmpi sgt, %jit3A_220, %sign3A_229 : i32
    %sign3A_231 = arith.extui %sign3A_230 : i1 to i32
    %sign3A_232 = arith.constant 0 : i32
    %sign3A_233 = arith.cmpi slt, %jit3A_220, %sign3A_232 : i32
    %sign3A_234 = arith.extui %sign3A_233 : i1 to i32
    %sign3A_235 = arith.subi %sign3A_231, %sign3A_234 : i32
    %ne3A_236 = arith.cmpi ne, %sign3A_228, %sign3A_235 : i32
    %rem3A_237 = arith.remsi %add3A_219, %jit3A_220 : i32
    %ne3A_238 = arith.constant 0 : i32
    %ne3A_239 = arith.cmpi ne, %rem3A_237, %ne3A_238 : i32
    %and3A_240 = arith.andi %ne3A_236, %ne3A_239 : i1
    %sub3A_241 = arith.constant 1 : i32
    %sub3A_242 = arith.subi %div3A_221, %sub3A_241 : i32
    %select_n3A_243 = arith.select %and3A_240, %sub3A_242, %div3A_221 : i32
    %mul3A_244 = arith.constant 1024 : i32
    %mul3A_245 = arith.muli %select_n3A_243, %mul3A_244 : i32
    %jit3A_246 = arith.constant 2048 : i32
    %eq3A_247 = arith.constant 0 : i32
    %eq3A_248 = arith.cmpi eq, %jit3A_246, %eq3A_247 : i32
    %jit3A_249 = arith.constant 1 : i32
    %select_n3A_250 = arith.select %eq3A_248, %jit3A_249, %jit3A_246 : i32
    %rem3A_251 = arith.remsi %add3A_219, %select_n3A_250 : i32
    %ne3A_252 = arith.constant 0 : i32
    %ne3A_253 = arith.cmpi ne, %rem3A_251, %ne3A_252 : i32
    %lt3A_254 = arith.constant 0 : i32
    %lt3A_255 = arith.cmpi slt, %rem3A_251, %lt3A_254 : i32
    %lt3A_256 = arith.constant 0 : i32
    %lt3A_257 = arith.cmpi slt, %select_n3A_250, %lt3A_256 : i32
    %ne3A_258 = arith.xori %lt3A_255, %lt3A_257 : i1
    %and3A_259 = arith.andi %ne3A_258, %ne3A_253 : i1
    %add3A_260 = arith.addi %rem3A_251, %select_n3A_250 : i32
    %select_n3A_261 = arith.select %and3A_259, %add3A_260, %rem3A_251 : i32
    %jit3A_262 = arith.constant 1024 : i32
    %eq3A_263 = arith.constant 0 : i32
    %eq3A_264 = arith.cmpi eq, %jit3A_262, %eq3A_263 : i32
    %jit3A_265 = arith.constant 1 : i32
    %select_n3A_266 = arith.select %eq3A_264, %jit3A_265, %jit3A_262 : i32
    %rem3A_267 = arith.remsi %select_n3A_261, %select_n3A_266 : i32
    %ne3A_268 = arith.constant 0 : i32
    %ne3A_269 = arith.cmpi ne, %rem3A_267, %ne3A_268 : i32
    %lt3A_270 = arith.constant 0 : i32
    %lt3A_271 = arith.cmpi slt, %rem3A_267, %lt3A_270 : i32
    %lt3A_272 = arith.constant 0 : i32
    %lt3A_273 = arith.cmpi slt, %select_n3A_266, %lt3A_272 : i32
    %ne3A_274 = arith.xori %lt3A_271, %lt3A_273 : i1
    %and3A_275 = arith.andi %ne3A_274, %ne3A_269 : i1
    %add3A_276 = arith.addi %rem3A_267, %select_n3A_266 : i32
    %select_n3A_277 = arith.select %and3A_275, %add3A_276, %rem3A_267 : i32
    %add3A_278 = arith.addi %mul3A_245, %select_n3A_277 : i32
    %jit3A_279 = arith.constant 2048 : i32
    %eq3A_280 = arith.constant 0 : i32
    %eq3A_281 = arith.cmpi eq, %jit3A_279, %eq3A_280 : i32
    %jit3A_282 = arith.constant 1 : i32
    %select_n3A_283 = arith.select %eq3A_281, %jit3A_282, %jit3A_279 : i32
    %rem3A_284 = arith.remsi %add3A_219, %select_n3A_283 : i32
    %ne3A_285 = arith.constant 0 : i32
    %ne3A_286 = arith.cmpi ne, %rem3A_284, %ne3A_285 : i32
    %lt3A_287 = arith.constant 0 : i32
    %lt3A_288 = arith.cmpi slt, %rem3A_284, %lt3A_287 : i32
    %lt3A_289 = arith.constant 0 : i32
    %lt3A_290 = arith.cmpi slt, %select_n3A_283, %lt3A_289 : i32
    %ne3A_291 = arith.xori %lt3A_288, %lt3A_290 : i1
    %and3A_292 = arith.andi %ne3A_291, %ne3A_286 : i1
    %add3A_293 = arith.addi %rem3A_284, %select_n3A_283 : i32
    %select_n3A_294 = arith.select %and3A_292, %add3A_293, %rem3A_284 : i32
    %jit3A_295 = arith.constant 1024 : i32
    %div3A_296 = arith.divsi %select_n3A_294, %jit3A_295 : i32
    %sign3A_297 = arith.constant 0 : i32
    %sign3A_298 = arith.cmpi sgt, %select_n3A_294, %sign3A_297 : i32
    %sign3A_299 = arith.extui %sign3A_298 : i1 to i32
    %sign3A_300 = arith.constant 0 : i32
    %sign3A_301 = arith.cmpi slt, %select_n3A_294, %sign3A_300 : i32
    %sign3A_302 = arith.extui %sign3A_301 : i1 to i32
    %sign3A_303 = arith.subi %sign3A_299, %sign3A_302 : i32
    %sign3A_304 = arith.constant 0 : i32
    %sign3A_305 = arith.cmpi sgt, %jit3A_295, %sign3A_304 : i32
    %sign3A_306 = arith.extui %sign3A_305 : i1 to i32
    %sign3A_307 = arith.constant 0 : i32
    %sign3A_308 = arith.cmpi slt, %jit3A_295, %sign3A_307 : i32
    %sign3A_309 = arith.extui %sign3A_308 : i1 to i32
    %sign3A_310 = arith.subi %sign3A_306, %sign3A_309 : i32
    %ne3A_311 = arith.cmpi ne, %sign3A_303, %sign3A_310 : i32
    %rem3A_312 = arith.remsi %select_n3A_294, %jit3A_295 : i32
    %ne3A_313 = arith.constant 0 : i32
    %ne3A_314 = arith.cmpi ne, %rem3A_312, %ne3A_313 : i32
    %and3A_315 = arith.andi %ne3A_311, %ne3A_314 : i1
    %sub3A_316 = arith.constant 1 : i32
    %sub3A_317 = arith.subi %div3A_296, %sub3A_316 : i32
    %select_n3A_318 = arith.select %and3A_315, %sub3A_317, %div3A_296 : i32
    %dma_start3A_319 = arith.constant 0 : i32
    %dma_start3A_320 = arith.constant 2 : i32
    %dma_start3A_321 = arith.constant 0 : i32
    %dma_start3A_322 = arith.constant 0 : i32
    %dma_start3A_323 = tpu.memref_slice %arg6[%dma_start3A_320, %dma_start3A_321, %dma_start3A_322] : memref<4x128x64xf32, #tpu.memory_space<vmem>> -> memref<1x128x64xf32, #tpu.memory_space<vmem>>
    %dma_start3A_324 = tpu.memref_squeeze %dma_start3A_323 : memref<1x128x64xf32, #tpu.memory_space<vmem>> -> memref<128x64xf32, #tpu.memory_space<vmem>>
    %dma_start3A_325 = arith.constant 256 : i32
    %dma_start3A_326 = tpu.memref_slice %arg5[%dma_start3A_319, %dma_start3A_325] : memref<50x512xi32, #tpu.memory_space<vmem>> -> memref<1x128xi32, #tpu.memory_space<vmem>>
    %dma_start3A_327 = tpu.memref_squeeze %dma_start3A_326 : memref<1x128xi32, #tpu.memory_space<vmem>> -> memref<128xi32, #tpu.memory_space<vmem>>
    %dma_start3A_328 = arith.constant 0 : i32
    %dma_start3A_329 = arith.constant 0 : i32
    %dma_start3A_330 = tpu.memref_slice %arg2[%dma_start3A_328, %dma_start3A_329] : memref<100000x64xf32, #tpu.memory_space<hbm>> -> memref<100000x64xf32, #tpu.memory_space<hbm>>
    tpu.enqueue_indirect_dma source(%dma_start3A_330 : memref<100000x64xf32, #tpu.memory_space<hbm>>) target(%dma_start3A_324 : memref<128x64xf32, #tpu.memory_space<vmem>>) offsets(%dma_start3A_327 : memref<128xi32, #tpu.memory_space<vmem>>) semaphore(%arg9 : memref<!tpu.dma_semaphore, #tpu.memory_space<semaphore_mem>>)
    %add3A_331 = arith.constant 384 : i32
    %add3A_332 = arith.addi %mul3A_2, %add3A_331 : i32
    %jit3A_333 = arith.constant 2048 : i32
    %div3A_334 = arith.divsi %add3A_332, %jit3A_333 : i32
    %sign3A_335 = arith.constant 0 : i32
    %sign3A_336 = arith.cmpi sgt, %add3A_332, %sign3A_335 : i32
    %sign3A_337 = arith.extui %sign3A_336 : i1 to i32
    %sign3A_338 = arith.constant 0 : i32
    %sign3A_339 = arith.cmpi slt, %add3A_332, %sign3A_338 : i32
    %sign3A_340 = arith.extui %sign3A_339 : i1 to i32
    %sign3A_341 = arith.subi %sign3A_337, %sign3A_340 : i32
    %sign3A_342 = arith.constant 0 : i32
    %sign3A_343 = arith.cmpi sgt, %jit3A_333, %sign3A_342 : i32
    %sign3A_344 = arith.extui %sign3A_343 : i1 to i32
    %sign3A_345 = arith.constant 0 : i32
    %sign3A_346 = arith.cmpi slt, %jit3A_333, %sign3A_345 : i32
    %sign3A_347 = arith.extui %sign3A_346 : i1 to i32
    %sign3A_348 = arith.subi %sign3A_344, %sign3A_347 : i32
    %ne3A_349 = arith.cmpi ne, %sign3A_341, %sign3A_348 : i32
    %rem3A_350 = arith.remsi %add3A_332, %jit3A_333 : i32
    %ne3A_351 = arith.constant 0 : i32
    %ne3A_352 = arith.cmpi ne, %rem3A_350, %ne3A_351 : i32
    %and3A_353 = arith.andi %ne3A_349, %ne3A_352 : i1
    %sub3A_354 = arith.constant 1 : i32
    %sub3A_355 = arith.subi %div3A_334, %sub3A_354 : i32
    %select_n3A_356 = arith.select %and3A_353, %sub3A_355, %div3A_334 : i32
    %mul3A_357 = arith.constant 1024 : i32
    %mul3A_358 = arith.muli %select_n3A_356, %mul3A_357 : i32
    %jit3A_359 = arith.constant 2048 : i32
    %eq3A_360 = arith.constant 0 : i32
    %eq3A_361 = arith.cmpi eq, %jit3A_359, %eq3A_360 : i32
    %jit3A_362 = arith.constant 1 : i32
    %select_n3A_363 = arith.select %eq3A_361, %jit3A_362, %jit3A_359 : i32
    %rem3A_364 = arith.remsi %add3A_332, %select_n3A_363 : i32
    %ne3A_365 = arith.constant 0 : i32
    %ne3A_366 = arith.cmpi ne, %rem3A_364, %ne3A_365 : i32
    %lt3A_367 = arith.constant 0 : i32
    %lt3A_368 = arith.cmpi slt, %rem3A_364, %lt3A_367 : i32
    %lt3A_369 = arith.constant 0 : i32
    %lt3A_370 = arith.cmpi slt, %select_n3A_363, %lt3A_369 : i32
    %ne3A_371 = arith.xori %lt3A_368, %lt3A_370 : i1
    %and3A_372 = arith.andi %ne3A_371, %ne3A_366 : i1
    %add3A_373 = arith.addi %rem3A_364, %select_n3A_363 : i32
    %select_n3A_374 = arith.select %and3A_372, %add3A_373, %rem3A_364 : i32
    %jit3A_375 = arith.constant 1024 : i32
    %eq3A_376 = arith.constant 0 : i32
    %eq3A_377 = arith.cmpi eq, %jit3A_375, %eq3A_376 : i32
    %jit3A_378 = arith.constant 1 : i32
    %select_n3A_379 = arith.select %eq3A_377, %jit3A_378, %jit3A_375 : i32
    %rem3A_380 = arith.remsi %select_n3A_374, %select_n3A_379 : i32
    %ne3A_381 = arith.constant 0 : i32
    %ne3A_382 = arith.cmpi ne, %rem3A_380, %ne3A_381 : i32
    %lt3A_383 = arith.constant 0 : i32
    %lt3A_384 = arith.cmpi slt, %rem3A_380, %lt3A_383 : i32
    %lt3A_385 = arith.constant 0 : i32
    %lt3A_386 = arith.cmpi slt, %select_n3A_379, %lt3A_385 : i32
    %ne3A_387 = arith.xori %lt3A_384, %lt3A_386 : i1
    %and3A_388 = arith.andi %ne3A_387, %ne3A_382 : i1
    %add3A_389 = arith.addi %rem3A_380, %select_n3A_379 : i32
    %select_n3A_390 = arith.select %and3A_388, %add3A_389, %rem3A_380 : i32
    %add3A_391 = arith.addi %mul3A_358, %select_n3A_390 : i32
    %jit3A_392 = arith.constant 2048 : i32
    %eq3A_393 = arith.constant 0 : i32
    %eq3A_394 = arith.cmpi eq, %jit3A_392, %eq3A_393 : i32
    %jit3A_395 = arith.constant 1 : i32
    %select_n3A_396 = arith.select %eq3A_394, %jit3A_395, %jit3A_392 : i32
    %rem3A_397 = arith.remsi %add3A_332, %select_n3A_396 : i32
    %ne3A_398 = arith.constant 0 : i32
    %ne3A_399 = arith.cmpi ne, %rem3A_397, %ne3A_398 : i32
    %lt3A_400 = arith.constant 0 : i32
    %lt3A_401 = arith.cmpi slt, %rem3A_397, %lt3A_400 : i32
    %lt3A_402 = arith.constant 0 : i32
    %lt3A_403 = arith.cmpi slt, %select_n3A_396, %lt3A_402 : i32
    %ne3A_404 = arith.xori %lt3A_401, %lt3A_403 : i1
    %and3A_405 = arith.andi %ne3A_404, %ne3A_399 : i1
    %add3A_406 = arith.addi %rem3A_397, %select_n3A_396 : i32
    %select_n3A_407 = arith.select %and3A_405, %add3A_406, %rem3A_397 : i32
    %jit3A_408 = arith.constant 1024 : i32
    %div3A_409 = arith.divsi %select_n3A_407, %jit3A_408 : i32
    %sign3A_410 = arith.constant 0 : i32
    %sign3A_411 = arith.cmpi sgt, %select_n3A_407, %sign3A_410 : i32
    %sign3A_412 = arith.extui %sign3A_411 : i1 to i32
    %sign3A_413 = arith.constant 0 : i32
    %sign3A_414 = arith.cmpi slt, %select_n3A_407, %sign3A_413 : i32
    %sign3A_415 = arith.extui %sign3A_414 : i1 to i32
    %sign3A_416 = arith.subi %sign3A_412, %sign3A_415 : i32
    %sign3A_417 = arith.constant 0 : i32
    %sign3A_418 = arith.cmpi sgt, %jit3A_408, %sign3A_417 : i32
    %sign3A_419 = arith.extui %sign3A_418 : i1 to i32
    %sign3A_420 = arith.constant 0 : i32
    %sign3A_421 = arith.cmpi slt, %jit3A_408, %sign3A_420 : i32
    %sign3A_422 = arith.extui %sign3A_421 : i1 to i32
    %sign3A_423 = arith.subi %sign3A_419, %sign3A_422 : i32
    %ne3A_424 = arith.cmpi ne, %sign3A_416, %sign3A_423 : i32
    %rem3A_425 = arith.remsi %select_n3A_407, %jit3A_408 : i32
    %ne3A_426 = arith.constant 0 : i32
    %ne3A_427 = arith.cmpi ne, %rem3A_425, %ne3A_426 : i32
    %and3A_428 = arith.andi %ne3A_424, %ne3A_427 : i1
    %sub3A_429 = arith.constant 1 : i32
    %sub3A_430 = arith.subi %div3A_409, %sub3A_429 : i32
    %select_n3A_431 = arith.select %and3A_428, %sub3A_430, %div3A_409 : i32
    %dma_start3A_432 = arith.constant 0 : i32
    %dma_start3A_433 = arith.constant 3 : i32
    %dma_start3A_434 = arith.constant 0 : i32
    %dma_start3A_435 = arith.constant 0 : i32
    %dma_start3A_436 = tpu.memref_slice %arg6[%dma_start3A_433, %dma_start3A_434, %dma_start3A_435] : memref<4x128x64xf32, #tpu.memory_space<vmem>> -> memref<1x128x64xf32, #tpu.memory_space<vmem>>
    %dma_start3A_437 = tpu.memref_squeeze %dma_start3A_436 : memref<1x128x64xf32, #tpu.memory_space<vmem>> -> memref<128x64xf32, #tpu.memory_space<vmem>>
    %dma_start3A_438 = arith.constant 384 : i32
    %dma_start3A_439 = tpu.memref_slice %arg5[%dma_start3A_432, %dma_start3A_438] : memref<50x512xi32, #tpu.memory_space<vmem>> -> memref<1x128xi32, #tpu.memory_space<vmem>>
    %dma_start3A_440 = tpu.memref_squeeze %dma_start3A_439 : memref<1x128xi32, #tpu.memory_space<vmem>> -> memref<128xi32, #tpu.memory_space<vmem>>
    %dma_start3A_441 = arith.constant 0 : i32
    %dma_start3A_442 = arith.constant 0 : i32
    %dma_start3A_443 = tpu.memref_slice %arg2[%dma_start3A_441, %dma_start3A_442] : memref<100000x64xf32, #tpu.memory_space<hbm>> -> memref<100000x64xf32, #tpu.memory_space<hbm>>
    tpu.enqueue_indirect_dma source(%dma_start3A_443 : memref<100000x64xf32, #tpu.memory_space<hbm>>) target(%dma_start3A_437 : memref<128x64xf32, #tpu.memory_space<vmem>>) offsets(%dma_start3A_440 : memref<128xi32, #tpu.memory_space<vmem>>) semaphore(%arg10 : memref<!tpu.dma_semaphore, #tpu.memory_space<semaphore_mem>>)
    %scan3A = arith.constant 0 : i32
    %scan3A_444 = arith.constant 49 : i32
    %scan3A_445 = arith.addi %scan3A, %scan3A_444 : i32
    %scan3A_446 = arith.constant 1 : i32
    scf.for %scan3A_1835 = %scan3A to %scan3A_445 step %scan3A_446  : i32 {
      %mul3A_1836 = arith.constant 4 : i32
      %mul3A_1837 = arith.muli %scan3A_1835, %mul3A_1836 : i32
      %add3A_1838 = arith.constant 0 : i32
      %add3A_1839 = arith.addi %mul3A_1837, %add3A_1838 : i32
      %jit3A_1840 = arith.constant 4 : i32
      %div3A_1841 = arith.divsi %add3A_1839, %jit3A_1840 : i32
      %sign3A_1842 = arith.constant 0 : i32
      %sign3A_1843 = arith.cmpi sgt, %add3A_1839, %sign3A_1842 : i32
      %sign3A_1844 = arith.extui %sign3A_1843 : i1 to i32
      %sign3A_1845 = arith.constant 0 : i32
      %sign3A_1846 = arith.cmpi slt, %add3A_1839, %sign3A_1845 : i32
      %sign3A_1847 = arith.extui %sign3A_1846 : i1 to i32
      %sign3A_1848 = arith.subi %sign3A_1844, %sign3A_1847 : i32
      %sign3A_1849 = arith.constant 0 : i32
      %sign3A_1850 = arith.cmpi sgt, %jit3A_1840, %sign3A_1849 : i32
      %sign3A_1851 = arith.extui %sign3A_1850 : i1 to i32
      %sign3A_1852 = arith.constant 0 : i32
      %sign3A_1853 = arith.cmpi slt, %jit3A_1840, %sign3A_1852 : i32
      %sign3A_1854 = arith.extui %sign3A_1853 : i1 to i32
      %sign3A_1855 = arith.subi %sign3A_1851, %sign3A_1854 : i32
      %ne3A_1856 = arith.cmpi ne, %sign3A_1848, %sign3A_1855 : i32
      %rem3A_1857 = arith.remsi %add3A_1839, %jit3A_1840 : i32
      %ne3A_1858 = arith.constant 0 : i32
      %ne3A_1859 = arith.cmpi ne, %rem3A_1857, %ne3A_1858 : i32
      %and3A_1860 = arith.andi %ne3A_1856, %ne3A_1859 : i1
      %sub3A_1861 = arith.constant 1 : i32
      %sub3A_1862 = arith.subi %div3A_1841, %sub3A_1861 : i32
      %select_n3A_1863 = arith.select %and3A_1860, %sub3A_1862, %div3A_1841 : i32
      %jit3A_1864 = arith.constant 4 : i32
      %eq3A_1865 = arith.constant 0 : i32
      %eq3A_1866 = arith.cmpi eq, %jit3A_1864, %eq3A_1865 : i32
      %jit3A_1867 = arith.constant 1 : i32
      %select_n3A_1868 = arith.select %eq3A_1866, %jit3A_1867, %jit3A_1864 : i32
      %rem3A_1869 = arith.remsi %add3A_1839, %select_n3A_1868 : i32
      %ne3A_1870 = arith.constant 0 : i32
      %ne3A_1871 = arith.cmpi ne, %rem3A_1869, %ne3A_1870 : i32
      %lt3A_1872 = arith.constant 0 : i32
      %lt3A_1873 = arith.cmpi slt, %rem3A_1869, %lt3A_1872 : i32
      %lt3A_1874 = arith.constant 0 : i32
      %lt3A_1875 = arith.cmpi slt, %select_n3A_1868, %lt3A_1874 : i32
      %ne3A_1876 = arith.xori %lt3A_1873, %lt3A_1875 : i1
      %and3A_1877 = arith.andi %ne3A_1876, %ne3A_1871 : i1
      %add3A_1878 = arith.addi %rem3A_1869, %select_n3A_1868 : i32
      %select_n3A_1879 = arith.select %and3A_1877, %add3A_1878, %rem3A_1869 : i32
      %mul3A_1880 = arith.constant 128 : i32
      %mul3A_1881 = arith.muli %select_n3A_1879, %mul3A_1880 : i32
      %add3A_1882 = arith.addi %mul3A_2, %mul3A_1881 : i32
      %jit3A_1883 = arith.constant 2048 : i32
      %div3A_1884 = arith.divsi %add3A_1882, %jit3A_1883 : i32
      %sign3A_1885 = arith.constant 0 : i32
      %sign3A_1886 = arith.cmpi sgt, %add3A_1882, %sign3A_1885 : i32
      %sign3A_1887 = arith.extui %sign3A_1886 : i1 to i32
      %sign3A_1888 = arith.constant 0 : i32
      %sign3A_1889 = arith.cmpi slt, %add3A_1882, %sign3A_1888 : i32
      %sign3A_1890 = arith.extui %sign3A_1889 : i1 to i32
      %sign3A_1891 = arith.subi %sign3A_1887, %sign3A_1890 : i32
      %sign3A_1892 = arith.constant 0 : i32
      %sign3A_1893 = arith.cmpi sgt, %jit3A_1883, %sign3A_1892 : i32
      %sign3A_1894 = arith.extui %sign3A_1893 : i1 to i32
      %sign3A_1895 = arith.constant 0 : i32
      %sign3A_1896 = arith.cmpi slt, %jit3A_1883, %sign3A_1895 : i32
      %sign3A_1897 = arith.extui %sign3A_1896 : i1 to i32
      %sign3A_1898 = arith.subi %sign3A_1894, %sign3A_1897 : i32
      %ne3A_1899 = arith.cmpi ne, %sign3A_1891, %sign3A_1898 : i32
      %rem3A_1900 = arith.remsi %add3A_1882, %jit3A_1883 : i32
      %ne3A_1901 = arith.constant 0 : i32
      %ne3A_1902 = arith.cmpi ne, %rem3A_1900, %ne3A_1901 : i32
      %and3A_1903 = arith.andi %ne3A_1899, %ne3A_1902 : i1
      %sub3A_1904 = arith.constant 1 : i32
      %sub3A_1905 = arith.subi %div3A_1884, %sub3A_1904 : i32
      %select_n3A_1906 = arith.select %and3A_1903, %sub3A_1905, %div3A_1884 : i32
      %mul3A_1907 = arith.constant 1024 : i32
      %mul3A_1908 = arith.muli %select_n3A_1906, %mul3A_1907 : i32
      %jit3A_1909 = arith.constant 2048 : i32
      %eq3A_1910 = arith.constant 0 : i32
      %eq3A_1911 = arith.cmpi eq, %jit3A_1909, %eq3A_1910 : i32
      %jit3A_1912 = arith.constant 1 : i32
      %select_n3A_1913 = arith.select %eq3A_1911, %jit3A_1912, %jit3A_1909 : i32
      %rem3A_1914 = arith.remsi %add3A_1882, %select_n3A_1913 : i32
      %ne3A_1915 = arith.constant 0 : i32
      %ne3A_1916 = arith.cmpi ne, %rem3A_1914, %ne3A_1915 : i32
      %lt3A_1917 = arith.constant 0 : i32
      %lt3A_1918 = arith.cmpi slt, %rem3A_1914, %lt3A_1917 : i32
      %lt3A_1919 = arith.constant 0 : i32
      %lt3A_1920 = arith.cmpi slt, %select_n3A_1913, %lt3A_1919 : i32
      %ne3A_1921 = arith.xori %lt3A_1918, %lt3A_1920 : i1
      %and3A_1922 = arith.andi %ne3A_1921, %ne3A_1916 : i1
      %add3A_1923 = arith.addi %rem3A_1914, %select_n3A_1913 : i32
      %select_n3A_1924 = arith.select %and3A_1922, %add3A_1923, %rem3A_1914 : i32
      %jit3A_1925 = arith.constant 1024 : i32
      %eq3A_1926 = arith.constant 0 : i32
      %eq3A_1927 = arith.cmpi eq, %jit3A_1925, %eq3A_1926 : i32
      %jit3A_1928 = arith.constant 1 : i32
      %select_n3A_1929 = arith.select %eq3A_1927, %jit3A_1928, %jit3A_1925 : i32
      %rem3A_1930 = arith.remsi %select_n3A_1924, %select_n3A_1929 : i32
      %ne3A_1931 = arith.constant 0 : i32
      %ne3A_1932 = arith.cmpi ne, %rem3A_1930, %ne3A_1931 : i32
      %lt3A_1933 = arith.constant 0 : i32
      %lt3A_1934 = arith.cmpi slt, %rem3A_1930, %lt3A_1933 : i32
      %lt3A_1935 = arith.constant 0 : i32
      %lt3A_1936 = arith.cmpi slt, %select_n3A_1929, %lt3A_1935 : i32
      %ne3A_1937 = arith.xori %lt3A_1934, %lt3A_1936 : i1
      %and3A_1938 = arith.andi %ne3A_1937, %ne3A_1932 : i1
      %add3A_1939 = arith.addi %rem3A_1930, %select_n3A_1929 : i32
      %select_n3A_1940 = arith.select %and3A_1938, %add3A_1939, %rem3A_1930 : i32
      %add3A_1941 = arith.addi %mul3A_1908, %select_n3A_1940 : i32
      %jit3A_1942 = arith.constant 2048 : i32
      %eq3A_1943 = arith.constant 0 : i32
      %eq3A_1944 = arith.cmpi eq, %jit3A_1942, %eq3A_1943 : i32
      %jit3A_1945 = arith.constant 1 : i32
      %select_n3A_1946 = arith.select %eq3A_1944, %jit3A_1945, %jit3A_1942 : i32
      %rem3A_1947 = arith.remsi %add3A_1882, %select_n3A_1946 : i32
      %ne3A_1948 = arith.constant 0 : i32
      %ne3A_1949 = arith.cmpi ne, %rem3A_1947, %ne3A_1948 : i32
      %lt3A_1950 = arith.constant 0 : i32
      %lt3A_1951 = arith.cmpi slt, %rem3A_1947, %lt3A_1950 : i32
      %lt3A_1952 = arith.constant 0 : i32
      %lt3A_1953 = arith.cmpi slt, %select_n3A_1946, %lt3A_1952 : i32
      %ne3A_1954 = arith.xori %lt3A_1951, %lt3A_1953 : i1
      %and3A_1955 = arith.andi %ne3A_1954, %ne3A_1949 : i1
      %add3A_1956 = arith.addi %rem3A_1947, %select_n3A_1946 : i32
      %select_n3A_1957 = arith.select %and3A_1955, %add3A_1956, %rem3A_1947 : i32
      %jit3A_1958 = arith.constant 1024 : i32
      %div3A_1959 = arith.divsi %select_n3A_1957, %jit3A_1958 : i32
      %sign3A_1960 = arith.constant 0 : i32
      %sign3A_1961 = arith.cmpi sgt, %select_n3A_1957, %sign3A_1960 : i32
      %sign3A_1962 = arith.extui %sign3A_1961 : i1 to i32
      %sign3A_1963 = arith.constant 0 : i32
      %sign3A_1964 = arith.cmpi slt, %select_n3A_1957, %sign3A_1963 : i32
      %sign3A_1965 = arith.extui %sign3A_1964 : i1 to i32
      %sign3A_1966 = arith.subi %sign3A_1962, %sign3A_1965 : i32
      %sign3A_1967 = arith.constant 0 : i32
      %sign3A_1968 = arith.cmpi sgt, %jit3A_1958, %sign3A_1967 : i32
      %sign3A_1969 = arith.extui %sign3A_1968 : i1 to i32
      %sign3A_1970 = arith.constant 0 : i32
      %sign3A_1971 = arith.cmpi slt, %jit3A_1958, %sign3A_1970 : i32
      %sign3A_1972 = arith.extui %sign3A_1971 : i1 to i32
      %sign3A_1973 = arith.subi %sign3A_1969, %sign3A_1972 : i32
      %ne3A_1974 = arith.cmpi ne, %sign3A_1966, %sign3A_1973 : i32
      %rem3A_1975 = arith.remsi %select_n3A_1957, %jit3A_1958 : i32
      %ne3A_1976 = arith.constant 0 : i32
      %ne3A_1977 = arith.cmpi ne, %rem3A_1975, %ne3A_1976 : i32
      %and3A_1978 = arith.andi %ne3A_1974, %ne3A_1977 : i1
      %sub3A_1979 = arith.constant 1 : i32
      %sub3A_1980 = arith.subi %div3A_1959, %sub3A_1979 : i32
      %select_n3A_1981 = arith.select %and3A_1978, %sub3A_1980, %div3A_1959 : i32
      %mul3A_1982 = arith.constant 128 : i32
      %mul3A_1983 = arith.muli %select_n3A_1879, %mul3A_1982 : i32
      %dma_wait3A_1984 = arith.constant 0 : i32
      %dma_wait3A_1985 = arith.constant 0 : i32
      %dma_wait3A_1986 = arith.constant 0 : i32
      %dma_wait3A_1987 = tpu.memref_slice %arg6[%dma_wait3A_1984, %dma_wait3A_1985, %dma_wait3A_1986] : memref<4x128x64xf32, #tpu.memory_space<vmem>> -> memref<1x128x64xf32, #tpu.memory_space<vmem>>
      %dma_wait3A_1988 = tpu.memref_squeeze %dma_wait3A_1987 : memref<1x128x64xf32, #tpu.memory_space<vmem>> -> memref<128x64xf32, #tpu.memory_space<vmem>>
      %dma_wait3A_1989 = tpu.memref_slice %arg5[%select_n3A_1863, %mul3A_1983] : memref<50x512xi32, #tpu.memory_space<vmem>> -> memref<1x128xi32, #tpu.memory_space<vmem>>
      %dma_wait3A_1990 = tpu.memref_squeeze %dma_wait3A_1989 : memref<1x128xi32, #tpu.memory_space<vmem>> -> memref<128xi32, #tpu.memory_space<vmem>>
      %dma_wait3A_1991 = arith.constant 0 : i32
      %dma_wait3A_1992 = arith.constant 0 : i32
      %dma_wait3A_1993 = tpu.memref_slice %arg2[%dma_wait3A_1991, %dma_wait3A_1992] : memref<100000x64xf32, #tpu.memory_space<hbm>> -> memref<100000x64xf32, #tpu.memory_space<hbm>>
      tpu.wait_indirect_dma semaphore(%arg7 : memref<!tpu.dma_semaphore, #tpu.memory_space<semaphore_mem>>) src(%dma_wait3A_1993 : memref<100000x64xf32, #tpu.memory_space<hbm>>) dst(%dma_wait3A_1988 : memref<128x64xf32, #tpu.memory_space<vmem>>)
      %add3A_1994 = arith.constant 0 : i32
      %add3A_1995 = arith.addi %mul3A_1837, %add3A_1994 : i32
      %jit3A_1996 = arith.constant 4 : i32
      %div3A_1997 = arith.divsi %add3A_1995, %jit3A_1996 : i32
      %sign3A_1998 = arith.constant 0 : i32
      %sign3A_1999 = arith.cmpi sgt, %add3A_1995, %sign3A_1998 : i32
      %sign3A_2000 = arith.extui %sign3A_1999 : i1 to i32
      %sign3A_2001 = arith.constant 0 : i32
      %sign3A_2002 = arith.cmpi slt, %add3A_1995, %sign3A_2001 : i32
      %sign3A_2003 = arith.extui %sign3A_2002 : i1 to i32
      %sign3A_2004 = arith.subi %sign3A_2000, %sign3A_2003 : i32
      %sign3A_2005 = arith.constant 0 : i32
      %sign3A_2006 = arith.cmpi sgt, %jit3A_1996, %sign3A_2005 : i32
      %sign3A_2007 = arith.extui %sign3A_2006 : i1 to i32
      %sign3A_2008 = arith.constant 0 : i32
      %sign3A_2009 = arith.cmpi slt, %jit3A_1996, %sign3A_2008 : i32
      %sign3A_2010 = arith.extui %sign3A_2009 : i1 to i32
      %sign3A_2011 = arith.subi %sign3A_2007, %sign3A_2010 : i32
      %ne3A_2012 = arith.cmpi ne, %sign3A_2004, %sign3A_2011 : i32
      %rem3A_2013 = arith.remsi %add3A_1995, %jit3A_1996 : i32
      %ne3A_2014 = arith.constant 0 : i32
      %ne3A_2015 = arith.cmpi ne, %rem3A_2013, %ne3A_2014 : i32
      %and3A_2016 = arith.andi %ne3A_2012, %ne3A_2015 : i1
      %sub3A_2017 = arith.constant 1 : i32
      %sub3A_2018 = arith.subi %div3A_1997, %sub3A_2017 : i32
      %select_n3A_2019 = arith.select %and3A_2016, %sub3A_2018, %div3A_1997 : i32
      %jit3A_2020 = arith.constant 4 : i32
      %eq3A_2021 = arith.constant 0 : i32
      %eq3A_2022 = arith.cmpi eq, %jit3A_2020, %eq3A_2021 : i32
      %jit3A_2023 = arith.constant 1 : i32
      %select_n3A_2024 = arith.select %eq3A_2022, %jit3A_2023, %jit3A_2020 : i32
      %rem3A_2025 = arith.remsi %add3A_1995, %select_n3A_2024 : i32
      %ne3A_2026 = arith.constant 0 : i32
      %ne3A_2027 = arith.cmpi ne, %rem3A_2025, %ne3A_2026 : i32
      %lt3A_2028 = arith.constant 0 : i32
      %lt3A_2029 = arith.cmpi slt, %rem3A_2025, %lt3A_2028 : i32
      %lt3A_2030 = arith.constant 0 : i32
      %lt3A_2031 = arith.cmpi slt, %select_n3A_2024, %lt3A_2030 : i32
      %ne3A_2032 = arith.xori %lt3A_2029, %lt3A_2031 : i1
      %and3A_2033 = arith.andi %ne3A_2032, %ne3A_2027 : i1
      %add3A_2034 = arith.addi %rem3A_2025, %select_n3A_2024 : i32
      %select_n3A_2035 = arith.select %and3A_2033, %add3A_2034, %rem3A_2025 : i32
      %mul3A_2036 = arith.constant 128 : i32
      %mul3A_2037 = arith.muli %select_n3A_2035, %mul3A_2036 : i32
      %add3A_2038 = arith.addi %mul3A_2, %mul3A_2037 : i32
      %jit3A_2039 = arith.constant 2048 : i32
      %div3A_2040 = arith.divsi %add3A_2038, %jit3A_2039 : i32
      %sign3A_2041 = arith.constant 0 : i32
      %sign3A_2042 = arith.cmpi sgt, %add3A_2038, %sign3A_2041 : i32
      %sign3A_2043 = arith.extui %sign3A_2042 : i1 to i32
      %sign3A_2044 = arith.constant 0 : i32
      %sign3A_2045 = arith.cmpi slt, %add3A_2038, %sign3A_2044 : i32
      %sign3A_2046 = arith.extui %sign3A_2045 : i1 to i32
      %sign3A_2047 = arith.subi %sign3A_2043, %sign3A_2046 : i32
      %sign3A_2048 = arith.constant 0 : i32
      %sign3A_2049 = arith.cmpi sgt, %jit3A_2039, %sign3A_2048 : i32
      %sign3A_2050 = arith.extui %sign3A_2049 : i1 to i32
      %sign3A_2051 = arith.constant 0 : i32
      %sign3A_2052 = arith.cmpi slt, %jit3A_2039, %sign3A_2051 : i32
      %sign3A_2053 = arith.extui %sign3A_2052 : i1 to i32
      %sign3A_2054 = arith.subi %sign3A_2050, %sign3A_2053 : i32
      %ne3A_2055 = arith.cmpi ne, %sign3A_2047, %sign3A_2054 : i32
      %rem3A_2056 = arith.remsi %add3A_2038, %jit3A_2039 : i32
      %ne3A_2057 = arith.constant 0 : i32
      %ne3A_2058 = arith.cmpi ne, %rem3A_2056, %ne3A_2057 : i32
      %and3A_2059 = arith.andi %ne3A_2055, %ne3A_2058 : i1
      %sub3A_2060 = arith.constant 1 : i32
      %sub3A_2061 = arith.subi %div3A_2040, %sub3A_2060 : i32
      %select_n3A_2062 = arith.select %and3A_2059, %sub3A_2061, %div3A_2040 : i32
      %mul3A_2063 = arith.constant 1024 : i32
      %mul3A_2064 = arith.muli %select_n3A_2062, %mul3A_2063 : i32
      %jit3A_2065 = arith.constant 2048 : i32
      %eq3A_2066 = arith.constant 0 : i32
      %eq3A_2067 = arith.cmpi eq, %jit3A_2065, %eq3A_2066 : i32
      %jit3A_2068 = arith.constant 1 : i32
      %select_n3A_2069 = arith.select %eq3A_2067, %jit3A_2068, %jit3A_2065 : i32
      %rem3A_2070 = arith.remsi %add3A_2038, %select_n3A_2069 : i32
      %ne3A_2071 = arith.constant 0 : i32
      %ne3A_2072 = arith.cmpi ne, %rem3A_2070, %ne3A_2071 : i32
      %lt3A_2073 = arith.constant 0 : i32
      %lt3A_2074 = arith.cmpi slt, %rem3A_2070, %lt3A_2073 : i32
      %lt3A_2075 = arith.constant 0 : i32
      %lt3A_2076 = arith.cmpi slt, %select_n3A_2069, %lt3A_2075 : i32
      %ne3A_2077 = arith.xori %lt3A_2074, %lt3A_2076 : i1
      %and3A_2078 = arith.andi %ne3A_2077, %ne3A_2072 : i1
      %add3A_2079 = arith.addi %rem3A_2070, %select_n3A_2069 : i32
      %select_n3A_2080 = arith.select %and3A_2078, %add3A_2079, %rem3A_2070 : i32
      %jit3A_2081 = arith.constant 1024 : i32
      %eq3A_2082 = arith.constant 0 : i32
      %eq3A_2083 = arith.cmpi eq, %jit3A_2081, %eq3A_2082 : i32
      %jit3A_2084 = arith.constant 1 : i32
      %select_n3A_2085 = arith.select %eq3A_2083, %jit3A_2084, %jit3A_2081 : i32
      %rem3A_2086 = arith.remsi %select_n3A_2080, %select_n3A_2085 : i32
      %ne3A_2087 = arith.constant 0 : i32
      %ne3A_2088 = arith.cmpi ne, %rem3A_2086, %ne3A_2087 : i32
      %lt3A_2089 = arith.constant 0 : i32
      %lt3A_2090 = arith.cmpi slt, %rem3A_2086, %lt3A_2089 : i32
      %lt3A_2091 = arith.constant 0 : i32
      %lt3A_2092 = arith.cmpi slt, %select_n3A_2085, %lt3A_2091 : i32
      %ne3A_2093 = arith.xori %lt3A_2090, %lt3A_2092 : i1
      %and3A_2094 = arith.andi %ne3A_2093, %ne3A_2088 : i1
      %add3A_2095 = arith.addi %rem3A_2086, %select_n3A_2085 : i32
      %select_n3A_2096 = arith.select %and3A_2094, %add3A_2095, %rem3A_2086 : i32
      %add3A_2097 = arith.addi %mul3A_2064, %select_n3A_2096 : i32
      %jit3A_2098 = arith.constant 2048 : i32
      %eq3A_2099 = arith.constant 0 : i32
      %eq3A_2100 = arith.cmpi eq, %jit3A_2098, %eq3A_2099 : i32
      %jit3A_2101 = arith.constant 1 : i32
      %select_n3A_2102 = arith.select %eq3A_2100, %jit3A_2101, %jit3A_2098 : i32
      %rem3A_2103 = arith.remsi %add3A_2038, %select_n3A_2102 : i32
      %ne3A_2104 = arith.constant 0 : i32
      %ne3A_2105 = arith.cmpi ne, %rem3A_2103, %ne3A_2104 : i32
      %lt3A_2106 = arith.constant 0 : i32
      %lt3A_2107 = arith.cmpi slt, %rem3A_2103, %lt3A_2106 : i32
      %lt3A_2108 = arith.constant 0 : i32
      %lt3A_2109 = arith.cmpi slt, %select_n3A_2102, %lt3A_2108 : i32
      %ne3A_2110 = arith.xori %lt3A_2107, %lt3A_2109 : i1
      %and3A_2111 = arith.andi %ne3A_2110, %ne3A_2105 : i1
      %add3A_2112 = arith.addi %rem3A_2103, %select_n3A_2102 : i32
      %select_n3A_2113 = arith.select %and3A_2111, %add3A_2112, %rem3A_2103 : i32
      %jit3A_2114 = arith.constant 1024 : i32
      %div3A_2115 = arith.divsi %select_n3A_2113, %jit3A_2114 : i32
      %sign3A_2116 = arith.constant 0 : i32
      %sign3A_2117 = arith.cmpi sgt, %select_n3A_2113, %sign3A_2116 : i32
      %sign3A_2118 = arith.extui %sign3A_2117 : i1 to i32
      %sign3A_2119 = arith.constant 0 : i32
      %sign3A_2120 = arith.cmpi slt, %select_n3A_2113, %sign3A_2119 : i32
      %sign3A_2121 = arith.extui %sign3A_2120 : i1 to i32
      %sign3A_2122 = arith.subi %sign3A_2118, %sign3A_2121 : i32
      %sign3A_2123 = arith.constant 0 : i32
      %sign3A_2124 = arith.cmpi sgt, %jit3A_2114, %sign3A_2123 : i32
      %sign3A_2125 = arith.extui %sign3A_2124 : i1 to i32
      %sign3A_2126 = arith.constant 0 : i32
      %sign3A_2127 = arith.cmpi slt, %jit3A_2114, %sign3A_2126 : i32
      %sign3A_2128 = arith.extui %sign3A_2127 : i1 to i32
      %sign3A_2129 = arith.subi %sign3A_2125, %sign3A_2128 : i32
      %ne3A_2130 = arith.cmpi ne, %sign3A_2122, %sign3A_2129 : i32
      %rem3A_2131 = arith.remsi %select_n3A_2113, %jit3A_2114 : i32
      %ne3A_2132 = arith.constant 0 : i32
      %ne3A_2133 = arith.cmpi ne, %rem3A_2131, %ne3A_2132 : i32
      %and3A_2134 = arith.andi %ne3A_2130, %ne3A_2133 : i1
      %sub3A_2135 = arith.constant 1 : i32
      %sub3A_2136 = arith.subi %div3A_2115, %sub3A_2135 : i32
      %select_n3A_2137 = arith.select %and3A_2134, %sub3A_2136, %div3A_2115 : i32
      %mul3A_2138 = arith.constant 64 : i32
      %mul3A_2139 = arith.muli %select_n3A_2137, %mul3A_2138 : i32
      %dma_start3A_2140 = arith.constant 0 : i32
      %dma_start3A_2141 = arith.constant 0 : i32
      %dma_start3A_2142 = arith.constant 0 : i32
      %dma_start3A_2143 = tpu.memref_slice %arg6[%dma_start3A_2140, %dma_start3A_2141, %dma_start3A_2142] : memref<4x128x64xf32, #tpu.memory_space<vmem>> -> memref<1x128x64xf32, #tpu.memory_space<vmem>>
      %dma_start3A_2144 = tpu.memref_squeeze %dma_start3A_2143 : memref<1x128x64xf32, #tpu.memory_space<vmem>> -> memref<128x64xf32, #tpu.memory_space<vmem>>
      %dma_start3A_2145 = tpu.memref_slice %arg4[%select_n3A_2019, %add3A_2097, %mul3A_2139] : memref<50x8192x128xf32, #tpu.memory_space<hbm>> -> memref<1x128x64xf32, #tpu.memory_space<hbm>>
      %dma_start3A_2146 = tpu.memref_squeeze %dma_start3A_2145 : memref<1x128x64xf32, #tpu.memory_space<hbm>> -> memref<128x64xf32, #tpu.memory_space<hbm>>
      %dma_start3A_2147 = tpu.memref_slice %arg4[%select_n3A_2019, %add3A_2097, %mul3A_2139] : memref<50x8192x128xf32, #tpu.memory_space<hbm>> -> memref<1x128x64xf32, #tpu.memory_space<hbm>>
      %dma_start3A_2148 = tpu.memref_squeeze %dma_start3A_2147 : memref<1x128x64xf32, #tpu.memory_space<hbm>> -> memref<128x64xf32, #tpu.memory_space<hbm>>
      %dma_start3A_2149 = arith.constant 0 : i32
      %dma_start3A_2150 = arith.constant 0 : i32
      %dma_start3A_2151 = tpu.memref_slice %arg6[%dma_start3A_2140, %dma_start3A_2149, %dma_start3A_2150] : memref<4x128x64xf32, #tpu.memory_space<vmem>> -> memref<1x128x64xf32, #tpu.memory_space<vmem>>
      %dma_start3A_2152 = tpu.memref_squeeze %dma_start3A_2151 : memref<1x128x64xf32, #tpu.memory_space<vmem>> -> memref<128x64xf32, #tpu.memory_space<vmem>>
      tpu.enqueue_dma source(%dma_start3A_2152 : memref<128x64xf32, #tpu.memory_space<vmem>>) target(%dma_start3A_2148 : memref<128x64xf32, #tpu.memory_space<hbm>>) target_semaphore(%arg11 : memref<!tpu.dma_semaphore, #tpu.memory_space<semaphore_mem>>)
      %add3A_2153 = arith.constant 1 : i32
      %add3A_2154 = arith.addi %mul3A_1837, %add3A_2153 : i32
      %jit3A_2155 = arith.constant 4 : i32
      %div3A_2156 = arith.divsi %add3A_2154, %jit3A_2155 : i32
      %sign3A_2157 = arith.constant 0 : i32
      %sign3A_2158 = arith.cmpi sgt, %add3A_2154, %sign3A_2157 : i32
      %sign3A_2159 = arith.extui %sign3A_2158 : i1 to i32
      %sign3A_2160 = arith.constant 0 : i32
      %sign3A_2161 = arith.cmpi slt, %add3A_2154, %sign3A_2160 : i32
      %sign3A_2162 = arith.extui %sign3A_2161 : i1 to i32
      %sign3A_2163 = arith.subi %sign3A_2159, %sign3A_2162 : i32
      %sign3A_2164 = arith.constant 0 : i32
      %sign3A_2165 = arith.cmpi sgt, %jit3A_2155, %sign3A_2164 : i32
      %sign3A_2166 = arith.extui %sign3A_2165 : i1 to i32
      %sign3A_2167 = arith.constant 0 : i32
      %sign3A_2168 = arith.cmpi slt, %jit3A_2155, %sign3A_2167 : i32
      %sign3A_2169 = arith.extui %sign3A_2168 : i1 to i32
      %sign3A_2170 = arith.subi %sign3A_2166, %sign3A_2169 : i32
      %ne3A_2171 = arith.cmpi ne, %sign3A_2163, %sign3A_2170 : i32
      %rem3A_2172 = arith.remsi %add3A_2154, %jit3A_2155 : i32
      %ne3A_2173 = arith.constant 0 : i32
      %ne3A_2174 = arith.cmpi ne, %rem3A_2172, %ne3A_2173 : i32
      %and3A_2175 = arith.andi %ne3A_2171, %ne3A_2174 : i1
      %sub3A_2176 = arith.constant 1 : i32
      %sub3A_2177 = arith.subi %div3A_2156, %sub3A_2176 : i32
      %select_n3A_2178 = arith.select %and3A_2175, %sub3A_2177, %div3A_2156 : i32
      %jit3A_2179 = arith.constant 4 : i32
      %eq3A_2180 = arith.constant 0 : i32
      %eq3A_2181 = arith.cmpi eq, %jit3A_2179, %eq3A_2180 : i32
      %jit3A_2182 = arith.constant 1 : i32
      %select_n3A_2183 = arith.select %eq3A_2181, %jit3A_2182, %jit3A_2179 : i32
      %rem3A_2184 = arith.remsi %add3A_2154, %select_n3A_2183 : i32
      %ne3A_2185 = arith.constant 0 : i32
      %ne3A_2186 = arith.cmpi ne, %rem3A_2184, %ne3A_2185 : i32
      %lt3A_2187 = arith.constant 0 : i32
      %lt3A_2188 = arith.cmpi slt, %rem3A_2184, %lt3A_2187 : i32
      %lt3A_2189 = arith.constant 0 : i32
      %lt3A_2190 = arith.cmpi slt, %select_n3A_2183, %lt3A_2189 : i32
      %ne3A_2191 = arith.xori %lt3A_2188, %lt3A_2190 : i1
      %and3A_2192 = arith.andi %ne3A_2191, %ne3A_2186 : i1
      %add3A_2193 = arith.addi %rem3A_2184, %select_n3A_2183 : i32
      %select_n3A_2194 = arith.select %and3A_2192, %add3A_2193, %rem3A_2184 : i32
      %mul3A_2195 = arith.constant 128 : i32
      %mul3A_2196 = arith.muli %select_n3A_2194, %mul3A_2195 : i32
      %add3A_2197 = arith.addi %mul3A_2, %mul3A_2196 : i32
      %jit3A_2198 = arith.constant 2048 : i32
      %div3A_2199 = arith.divsi %add3A_2197, %jit3A_2198 : i32
      %sign3A_2200 = arith.constant 0 : i32
      %sign3A_2201 = arith.cmpi sgt, %add3A_2197, %sign3A_2200 : i32
      %sign3A_2202 = arith.extui %sign3A_2201 : i1 to i32
      %sign3A_2203 = arith.constant 0 : i32
      %sign3A_2204 = arith.cmpi slt, %add3A_2197, %sign3A_2203 : i32
      %sign3A_2205 = arith.extui %sign3A_2204 : i1 to i32
      %sign3A_2206 = arith.subi %sign3A_2202, %sign3A_2205 : i32
      %sign3A_2207 = arith.constant 0 : i32
      %sign3A_2208 = arith.cmpi sgt, %jit3A_2198, %sign3A_2207 : i32
      %sign3A_2209 = arith.extui %sign3A_2208 : i1 to i32
      %sign3A_2210 = arith.constant 0 : i32
      %sign3A_2211 = arith.cmpi slt, %jit3A_2198, %sign3A_2210 : i32
      %sign3A_2212 = arith.extui %sign3A_2211 : i1 to i32
      %sign3A_2213 = arith.subi %sign3A_2209, %sign3A_2212 : i32
      %ne3A_2214 = arith.cmpi ne, %sign3A_2206, %sign3A_2213 : i32
      %rem3A_2215 = arith.remsi %add3A_2197, %jit3A_2198 : i32
      %ne3A_2216 = arith.constant 0 : i32
      %ne3A_2217 = arith.cmpi ne, %rem3A_2215, %ne3A_2216 : i32
      %and3A_2218 = arith.andi %ne3A_2214, %ne3A_2217 : i1
      %sub3A_2219 = arith.constant 1 : i32
      %sub3A_2220 = arith.subi %div3A_2199, %sub3A_2219 : i32
      %select_n3A_2221 = arith.select %and3A_2218, %sub3A_2220, %div3A_2199 : i32
      %mul3A_2222 = arith.constant 1024 : i32
      %mul3A_2223 = arith.muli %select_n3A_2221, %mul3A_2222 : i32
      %jit3A_2224 = arith.constant 2048 : i32
      %eq3A_2225 = arith.constant 0 : i32
      %eq3A_2226 = arith.cmpi eq, %jit3A_2224, %eq3A_2225 : i32
      %jit3A_2227 = arith.constant 1 : i32
      %select_n3A_2228 = arith.select %eq3A_2226, %jit3A_2227, %jit3A_2224 : i32
      %rem3A_2229 = arith.remsi %add3A_2197, %select_n3A_2228 : i32
      %ne3A_2230 = arith.constant 0 : i32
      %ne3A_2231 = arith.cmpi ne, %rem3A_2229, %ne3A_2230 : i32
      %lt3A_2232 = arith.constant 0 : i32
      %lt3A_2233 = arith.cmpi slt, %rem3A_2229, %lt3A_2232 : i32
      %lt3A_2234 = arith.constant 0 : i32
      %lt3A_2235 = arith.cmpi slt, %select_n3A_2228, %lt3A_2234 : i32
      %ne3A_2236 = arith.xori %lt3A_2233, %lt3A_2235 : i1
      %and3A_2237 = arith.andi %ne3A_2236, %ne3A_2231 : i1
      %add3A_2238 = arith.addi %rem3A_2229, %select_n3A_2228 : i32
      %select_n3A_2239 = arith.select %and3A_2237, %add3A_2238, %rem3A_2229 : i32
      %jit3A_2240 = arith.constant 1024 : i32
      %eq3A_2241 = arith.constant 0 : i32
      %eq3A_2242 = arith.cmpi eq, %jit3A_2240, %eq3A_2241 : i32
      %jit3A_2243 = arith.constant 1 : i32
      %select_n3A_2244 = arith.select %eq3A_2242, %jit3A_2243, %jit3A_2240 : i32
      %rem3A_2245 = arith.remsi %select_n3A_2239, %select_n3A_2244 : i32
      %ne3A_2246 = arith.constant 0 : i32
      %ne3A_2247 = arith.cmpi ne, %rem3A_2245, %ne3A_2246 : i32
      %lt3A_2248 = arith.constant 0 : i32
      %lt3A_2249 = arith.cmpi slt, %rem3A_2245, %lt3A_2248 : i32
      %lt3A_2250 = arith.constant 0 : i32
      %lt3A_2251 = arith.cmpi slt, %select_n3A_2244, %lt3A_2250 : i32
      %ne3A_2252 = arith.xori %lt3A_2249, %lt3A_2251 : i1
      %and3A_2253 = arith.andi %ne3A_2252, %ne3A_2247 : i1
      %add3A_2254 = arith.addi %rem3A_2245, %select_n3A_2244 : i32
      %select_n3A_2255 = arith.select %and3A_2253, %add3A_2254, %rem3A_2245 : i32
      %add3A_2256 = arith.addi %mul3A_2223, %select_n3A_2255 : i32
      %jit3A_2257 = arith.constant 2048 : i32
      %eq3A_2258 = arith.constant 0 : i32
      %eq3A_2259 = arith.cmpi eq, %jit3A_2257, %eq3A_2258 : i32
      %jit3A_2260 = arith.constant 1 : i32
      %select_n3A_2261 = arith.select %eq3A_2259, %jit3A_2260, %jit3A_2257 : i32
      %rem3A_2262 = arith.remsi %add3A_2197, %select_n3A_2261 : i32
      %ne3A_2263 = arith.constant 0 : i32
      %ne3A_2264 = arith.cmpi ne, %rem3A_2262, %ne3A_2263 : i32
      %lt3A_2265 = arith.constant 0 : i32
      %lt3A_2266 = arith.cmpi slt, %rem3A_2262, %lt3A_2265 : i32
      %lt3A_2267 = arith.constant 0 : i32
      %lt3A_2268 = arith.cmpi slt, %select_n3A_2261, %lt3A_2267 : i32
      %ne3A_2269 = arith.xori %lt3A_2266, %lt3A_2268 : i1
      %and3A_2270 = arith.andi %ne3A_2269, %ne3A_2264 : i1
      %add3A_2271 = arith.addi %rem3A_2262, %select_n3A_2261 : i32
      %select_n3A_2272 = arith.select %and3A_2270, %add3A_2271, %rem3A_2262 : i32
      %jit3A_2273 = arith.constant 1024 : i32
      %div3A_2274 = arith.divsi %select_n3A_2272, %jit3A_2273 : i32
      %sign3A_2275 = arith.constant 0 : i32
      %sign3A_2276 = arith.cmpi sgt, %select_n3A_2272, %sign3A_2275 : i32
      %sign3A_2277 = arith.extui %sign3A_2276 : i1 to i32
      %sign3A_2278 = arith.constant 0 : i32
      %sign3A_2279 = arith.cmpi slt, %select_n3A_2272, %sign3A_2278 : i32
      %sign3A_2280 = arith.extui %sign3A_2279 : i1 to i32
      %sign3A_2281 = arith.subi %sign3A_2277, %sign3A_2280 : i32
      %sign3A_2282 = arith.constant 0 : i32
      %sign3A_2283 = arith.cmpi sgt, %jit3A_2273, %sign3A_2282 : i32
      %sign3A_2284 = arith.extui %sign3A_2283 : i1 to i32
      %sign3A_2285 = arith.constant 0 : i32
      %sign3A_2286 = arith.cmpi slt, %jit3A_2273, %sign3A_2285 : i32
      %sign3A_2287 = arith.extui %sign3A_2286 : i1 to i32
      %sign3A_2288 = arith.subi %sign3A_2284, %sign3A_2287 : i32
      %ne3A_2289 = arith.cmpi ne, %sign3A_2281, %sign3A_2288 : i32
      %rem3A_2290 = arith.remsi %select_n3A_2272, %jit3A_2273 : i32
      %ne3A_2291 = arith.constant 0 : i32
      %ne3A_2292 = arith.cmpi ne, %rem3A_2290, %ne3A_2291 : i32
      %and3A_2293 = arith.andi %ne3A_2289, %ne3A_2292 : i1
      %sub3A_2294 = arith.constant 1 : i32
      %sub3A_2295 = arith.subi %div3A_2274, %sub3A_2294 : i32
      %select_n3A_2296 = arith.select %and3A_2293, %sub3A_2295, %div3A_2274 : i32
      %mul3A_2297 = arith.constant 128 : i32
      %mul3A_2298 = arith.muli %select_n3A_2194, %mul3A_2297 : i32
      %dma_wait3A_2299 = arith.constant 1 : i32
      %dma_wait3A_2300 = arith.constant 0 : i32
      %dma_wait3A_2301 = arith.constant 0 : i32
      %dma_wait3A_2302 = tpu.memref_slice %arg6[%dma_wait3A_2299, %dma_wait3A_2300, %dma_wait3A_2301] : memref<4x128x64xf32, #tpu.memory_space<vmem>> -> memref<1x128x64xf32, #tpu.memory_space<vmem>>
      %dma_wait3A_2303 = tpu.memref_squeeze %dma_wait3A_2302 : memref<1x128x64xf32, #tpu.memory_space<vmem>> -> memref<128x64xf32, #tpu.memory_space<vmem>>
      %dma_wait3A_2304 = tpu.memref_slice %arg5[%select_n3A_2178, %mul3A_2298] : memref<50x512xi32, #tpu.memory_space<vmem>> -> memref<1x128xi32, #tpu.memory_space<vmem>>
      %dma_wait3A_2305 = tpu.memref_squeeze %dma_wait3A_2304 : memref<1x128xi32, #tpu.memory_space<vmem>> -> memref<128xi32, #tpu.memory_space<vmem>>
      %dma_wait3A_2306 = arith.constant 0 : i32
      %dma_wait3A_2307 = arith.constant 0 : i32
      %dma_wait3A_2308 = tpu.memref_slice %arg2[%dma_wait3A_2306, %dma_wait3A_2307] : memref<100000x64xf32, #tpu.memory_space<hbm>> -> memref<100000x64xf32, #tpu.memory_space<hbm>>
      tpu.wait_indirect_dma semaphore(%arg8 : memref<!tpu.dma_semaphore, #tpu.memory_space<semaphore_mem>>) src(%dma_wait3A_2308 : memref<100000x64xf32, #tpu.memory_space<hbm>>) dst(%dma_wait3A_2303 : memref<128x64xf32, #tpu.memory_space<vmem>>)
      %add3A_2309 = arith.constant 1 : i32
      %add3A_2310 = arith.addi %mul3A_1837, %add3A_2309 : i32
      %jit3A_2311 = arith.constant 4 : i32
      %div3A_2312 = arith.divsi %add3A_2310, %jit3A_2311 : i32
      %sign3A_2313 = arith.constant 0 : i32
      %sign3A_2314 = arith.cmpi sgt, %add3A_2310, %sign3A_2313 : i32
      %sign3A_2315 = arith.extui %sign3A_2314 : i1 to i32
      %sign3A_2316 = arith.constant 0 : i32
      %sign3A_2317 = arith.cmpi slt, %add3A_2310, %sign3A_2316 : i32
      %sign3A_2318 = arith.extui %sign3A_2317 : i1 to i32
      %sign3A_2319 = arith.subi %sign3A_2315, %sign3A_2318 : i32
      %sign3A_2320 = arith.constant 0 : i32
      %sign3A_2321 = arith.cmpi sgt, %jit3A_2311, %sign3A_2320 : i32
      %sign3A_2322 = arith.extui %sign3A_2321 : i1 to i32
      %sign3A_2323 = arith.constant 0 : i32
      %sign3A_2324 = arith.cmpi slt, %jit3A_2311, %sign3A_2323 : i32
      %sign3A_2325 = arith.extui %sign3A_2324 : i1 to i32
      %sign3A_2326 = arith.subi %sign3A_2322, %sign3A_2325 : i32
      %ne3A_2327 = arith.cmpi ne, %sign3A_2319, %sign3A_2326 : i32
      %rem3A_2328 = arith.remsi %add3A_2310, %jit3A_2311 : i32
      %ne3A_2329 = arith.constant 0 : i32
      %ne3A_2330 = arith.cmpi ne, %rem3A_2328, %ne3A_2329 : i32
      %and3A_2331 = arith.andi %ne3A_2327, %ne3A_2330 : i1
      %sub3A_2332 = arith.constant 1 : i32
      %sub3A_2333 = arith.subi %div3A_2312, %sub3A_2332 : i32
      %select_n3A_2334 = arith.select %and3A_2331, %sub3A_2333, %div3A_2312 : i32
      %jit3A_2335 = arith.constant 4 : i32
      %eq3A_2336 = arith.constant 0 : i32
      %eq3A_2337 = arith.cmpi eq, %jit3A_2335, %eq3A_2336 : i32
      %jit3A_2338 = arith.constant 1 : i32
      %select_n3A_2339 = arith.select %eq3A_2337, %jit3A_2338, %jit3A_2335 : i32
      %rem3A_2340 = arith.remsi %add3A_2310, %select_n3A_2339 : i32
      %ne3A_2341 = arith.constant 0 : i32
      %ne3A_2342 = arith.cmpi ne, %rem3A_2340, %ne3A_2341 : i32
      %lt3A_2343 = arith.constant 0 : i32
      %lt3A_2344 = arith.cmpi slt, %rem3A_2340, %lt3A_2343 : i32
      %lt3A_2345 = arith.constant 0 : i32
      %lt3A_2346 = arith.cmpi slt, %select_n3A_2339, %lt3A_2345 : i32
      %ne3A_2347 = arith.xori %lt3A_2344, %lt3A_2346 : i1
      %and3A_2348 = arith.andi %ne3A_2347, %ne3A_2342 : i1
      %add3A_2349 = arith.addi %rem3A_2340, %select_n3A_2339 : i32
      %select_n3A_2350 = arith.select %and3A_2348, %add3A_2349, %rem3A_2340 : i32
      %mul3A_2351 = arith.constant 128 : i32
      %mul3A_2352 = arith.muli %select_n3A_2350, %mul3A_2351 : i32
      %add3A_2353 = arith.addi %mul3A_2, %mul3A_2352 : i32
      %jit3A_2354 = arith.constant 2048 : i32
      %div3A_2355 = arith.divsi %add3A_2353, %jit3A_2354 : i32
      %sign3A_2356 = arith.constant 0 : i32
      %sign3A_2357 = arith.cmpi sgt, %add3A_2353, %sign3A_2356 : i32
      %sign3A_2358 = arith.extui %sign3A_2357 : i1 to i32
      %sign3A_2359 = arith.constant 0 : i32
      %sign3A_2360 = arith.cmpi slt, %add3A_2353, %sign3A_2359 : i32
      %sign3A_2361 = arith.extui %sign3A_2360 : i1 to i32
      %sign3A_2362 = arith.subi %sign3A_2358, %sign3A_2361 : i32
      %sign3A_2363 = arith.constant 0 : i32
      %sign3A_2364 = arith.cmpi sgt, %jit3A_2354, %sign3A_2363 : i32
      %sign3A_2365 = arith.extui %sign3A_2364 : i1 to i32
      %sign3A_2366 = arith.constant 0 : i32
      %sign3A_2367 = arith.cmpi slt, %jit3A_2354, %sign3A_2366 : i32
      %sign3A_2368 = arith.extui %sign3A_2367 : i1 to i32
      %sign3A_2369 = arith.subi %sign3A_2365, %sign3A_2368 : i32
      %ne3A_2370 = arith.cmpi ne, %sign3A_2362, %sign3A_2369 : i32
      %rem3A_2371 = arith.remsi %add3A_2353, %jit3A_2354 : i32
      %ne3A_2372 = arith.constant 0 : i32
      %ne3A_2373 = arith.cmpi ne, %rem3A_2371, %ne3A_2372 : i32
      %and3A_2374 = arith.andi %ne3A_2370, %ne3A_2373 : i1
      %sub3A_2375 = arith.constant 1 : i32
      %sub3A_2376 = arith.subi %div3A_2355, %sub3A_2375 : i32
      %select_n3A_2377 = arith.select %and3A_2374, %sub3A_2376, %div3A_2355 : i32
      %mul3A_2378 = arith.constant 1024 : i32
      %mul3A_2379 = arith.muli %select_n3A_2377, %mul3A_2378 : i32
      %jit3A_2380 = arith.constant 2048 : i32
      %eq3A_2381 = arith.constant 0 : i32
      %eq3A_2382 = arith.cmpi eq, %jit3A_2380, %eq3A_2381 : i32
      %jit3A_2383 = arith.constant 1 : i32
      %select_n3A_2384 = arith.select %eq3A_2382, %jit3A_2383, %jit3A_2380 : i32
      %rem3A_2385 = arith.remsi %add3A_2353, %select_n3A_2384 : i32
      %ne3A_2386 = arith.constant 0 : i32
      %ne3A_2387 = arith.cmpi ne, %rem3A_2385, %ne3A_2386 : i32
      %lt3A_2388 = arith.constant 0 : i32
      %lt3A_2389 = arith.cmpi slt, %rem3A_2385, %lt3A_2388 : i32
      %lt3A_2390 = arith.constant 0 : i32
      %lt3A_2391 = arith.cmpi slt, %select_n3A_2384, %lt3A_2390 : i32
      %ne3A_2392 = arith.xori %lt3A_2389, %lt3A_2391 : i1
      %and3A_2393 = arith.andi %ne3A_2392, %ne3A_2387 : i1
      %add3A_2394 = arith.addi %rem3A_2385, %select_n3A_2384 : i32
      %select_n3A_2395 = arith.select %and3A_2393, %add3A_2394, %rem3A_2385 : i32
      %jit3A_2396 = arith.constant 1024 : i32
      %eq3A_2397 = arith.constant 0 : i32
      %eq3A_2398 = arith.cmpi eq, %jit3A_2396, %eq3A_2397 : i32
      %jit3A_2399 = arith.constant 1 : i32
      %select_n3A_2400 = arith.select %eq3A_2398, %jit3A_2399, %jit3A_2396 : i32
      %rem3A_2401 = arith.remsi %select_n3A_2395, %select_n3A_2400 : i32
      %ne3A_2402 = arith.constant 0 : i32
      %ne3A_2403 = arith.cmpi ne, %rem3A_2401, %ne3A_2402 : i32
      %lt3A_2404 = arith.constant 0 : i32
      %lt3A_2405 = arith.cmpi slt, %rem3A_2401, %lt3A_2404 : i32
      %lt3A_2406 = arith.constant 0 : i32
      %lt3A_2407 = arith.cmpi slt, %select_n3A_2400, %lt3A_2406 : i32
      %ne3A_2408 = arith.xori %lt3A_2405, %lt3A_2407 : i1
      %and3A_2409 = arith.andi %ne3A_2408, %ne3A_2403 : i1
      %add3A_2410 = arith.addi %rem3A_2401, %select_n3A_2400 : i32
      %select_n3A_2411 = arith.select %and3A_2409, %add3A_2410, %rem3A_2401 : i32
      %add3A_2412 = arith.addi %mul3A_2379, %select_n3A_2411 : i32
      %jit3A_2413 = arith.constant 2048 : i32
      %eq3A_2414 = arith.constant 0 : i32
      %eq3A_2415 = arith.cmpi eq, %jit3A_2413, %eq3A_2414 : i32
      %jit3A_2416 = arith.constant 1 : i32
      %select_n3A_2417 = arith.select %eq3A_2415, %jit3A_2416, %jit3A_2413 : i32
      %rem3A_2418 = arith.remsi %add3A_2353, %select_n3A_2417 : i32
      %ne3A_2419 = arith.constant 0 : i32
      %ne3A_2420 = arith.cmpi ne, %rem3A_2418, %ne3A_2419 : i32
      %lt3A_2421 = arith.constant 0 : i32
      %lt3A_2422 = arith.cmpi slt, %rem3A_2418, %lt3A_2421 : i32
      %lt3A_2423 = arith.constant 0 : i32
      %lt3A_2424 = arith.cmpi slt, %select_n3A_2417, %lt3A_2423 : i32
      %ne3A_2425 = arith.xori %lt3A_2422, %lt3A_2424 : i1
      %and3A_2426 = arith.andi %ne3A_2425, %ne3A_2420 : i1
      %add3A_2427 = arith.addi %rem3A_2418, %select_n3A_2417 : i32
      %select_n3A_2428 = arith.select %and3A_2426, %add3A_2427, %rem3A_2418 : i32
      %jit3A_2429 = arith.constant 1024 : i32
      %div3A_2430 = arith.divsi %select_n3A_2428, %jit3A_2429 : i32
      %sign3A_2431 = arith.constant 0 : i32
      %sign3A_2432 = arith.cmpi sgt, %select_n3A_2428, %sign3A_2431 : i32
      %sign3A_2433 = arith.extui %sign3A_2432 : i1 to i32
      %sign3A_2434 = arith.constant 0 : i32
      %sign3A_2435 = arith.cmpi slt, %select_n3A_2428, %sign3A_2434 : i32
      %sign3A_2436 = arith.extui %sign3A_2435 : i1 to i32
      %sign3A_2437 = arith.subi %sign3A_2433, %sign3A_2436 : i32
      %sign3A_2438 = arith.constant 0 : i32
      %sign3A_2439 = arith.cmpi sgt, %jit3A_2429, %sign3A_2438 : i32
      %sign3A_2440 = arith.extui %sign3A_2439 : i1 to i32
      %sign3A_2441 = arith.constant 0 : i32
      %sign3A_2442 = arith.cmpi slt, %jit3A_2429, %sign3A_2441 : i32
      %sign3A_2443 = arith.extui %sign3A_2442 : i1 to i32
      %sign3A_2444 = arith.subi %sign3A_2440, %sign3A_2443 : i32
      %ne3A_2445 = arith.cmpi ne, %sign3A_2437, %sign3A_2444 : i32
      %rem3A_2446 = arith.remsi %select_n3A_2428, %jit3A_2429 : i32
      %ne3A_2447 = arith.constant 0 : i32
      %ne3A_2448 = arith.cmpi ne, %rem3A_2446, %ne3A_2447 : i32
      %and3A_2449 = arith.andi %ne3A_2445, %ne3A_2448 : i1
      %sub3A_2450 = arith.constant 1 : i32
      %sub3A_2451 = arith.subi %div3A_2430, %sub3A_2450 : i32
      %select_n3A_2452 = arith.select %and3A_2449, %sub3A_2451, %div3A_2430 : i32
      %mul3A_2453 = arith.constant 64 : i32
      %mul3A_2454 = arith.muli %select_n3A_2452, %mul3A_2453 : i32
      %dma_start3A_2455 = arith.constant 1 : i32
      %dma_start3A_2456 = arith.constant 0 : i32
      %dma_start3A_2457 = arith.constant 0 : i32
      %dma_start3A_2458 = tpu.memref_slice %arg6[%dma_start3A_2455, %dma_start3A_2456, %dma_start3A_2457] : memref<4x128x64xf32, #tpu.memory_space<vmem>> -> memref<1x128x64xf32, #tpu.memory_space<vmem>>
      %dma_start3A_2459 = tpu.memref_squeeze %dma_start3A_2458 : memref<1x128x64xf32, #tpu.memory_space<vmem>> -> memref<128x64xf32, #tpu.memory_space<vmem>>
      %dma_start3A_2460 = tpu.memref_slice %arg4[%select_n3A_2334, %add3A_2412, %mul3A_2454] : memref<50x8192x128xf32, #tpu.memory_space<hbm>> -> memref<1x128x64xf32, #tpu.memory_space<hbm>>
      %dma_start3A_2461 = tpu.memref_squeeze %dma_start3A_2460 : memref<1x128x64xf32, #tpu.memory_space<hbm>> -> memref<128x64xf32, #tpu.memory_space<hbm>>
      %dma_start3A_2462 = tpu.memref_slice %arg4[%select_n3A_2334, %add3A_2412, %mul3A_2454] : memref<50x8192x128xf32, #tpu.memory_space<hbm>> -> memref<1x128x64xf32, #tpu.memory_space<hbm>>
      %dma_start3A_2463 = tpu.memref_squeeze %dma_start3A_2462 : memref<1x128x64xf32, #tpu.memory_space<hbm>> -> memref<128x64xf32, #tpu.memory_space<hbm>>
      %dma_start3A_2464 = arith.constant 0 : i32
      %dma_start3A_2465 = arith.constant 0 : i32
      %dma_start3A_2466 = tpu.memref_slice %arg6[%dma_start3A_2455, %dma_start3A_2464, %dma_start3A_2465] : memref<4x128x64xf32, #tpu.memory_space<vmem>> -> memref<1x128x64xf32, #tpu.memory_space<vmem>>
      %dma_start3A_2467 = tpu.memref_squeeze %dma_start3A_2466 : memref<1x128x64xf32, #tpu.memory_space<vmem>> -> memref<128x64xf32, #tpu.memory_space<vmem>>
      tpu.enqueue_dma source(%dma_start3A_2467 : memref<128x64xf32, #tpu.memory_space<vmem>>) target(%dma_start3A_2463 : memref<128x64xf32, #tpu.memory_space<hbm>>) target_semaphore(%arg12 : memref<!tpu.dma_semaphore, #tpu.memory_space<semaphore_mem>>)
      %add3A_2468 = arith.constant 2 : i32
      %add3A_2469 = arith.addi %mul3A_1837, %add3A_2468 : i32
      %jit3A_2470 = arith.constant 4 : i32
      %div3A_2471 = arith.divsi %add3A_2469, %jit3A_2470 : i32
      %sign3A_2472 = arith.constant 0 : i32
      %sign3A_2473 = arith.cmpi sgt, %add3A_2469, %sign3A_2472 : i32
      %sign3A_2474 = arith.extui %sign3A_2473 : i1 to i32
      %sign3A_2475 = arith.constant 0 : i32
      %sign3A_2476 = arith.cmpi slt, %add3A_2469, %sign3A_2475 : i32
      %sign3A_2477 = arith.extui %sign3A_2476 : i1 to i32
      %sign3A_2478 = arith.subi %sign3A_2474, %sign3A_2477 : i32
      %sign3A_2479 = arith.constant 0 : i32
      %sign3A_2480 = arith.cmpi sgt, %jit3A_2470, %sign3A_2479 : i32
      %sign3A_2481 = arith.extui %sign3A_2480 : i1 to i32
      %sign3A_2482 = arith.constant 0 : i32
      %sign3A_2483 = arith.cmpi slt, %jit3A_2470, %sign3A_2482 : i32
      %sign3A_2484 = arith.extui %sign3A_2483 : i1 to i32
      %sign3A_2485 = arith.subi %sign3A_2481, %sign3A_2484 : i32
      %ne3A_2486 = arith.cmpi ne, %sign3A_2478, %sign3A_2485 : i32
      %rem3A_2487 = arith.remsi %add3A_2469, %jit3A_2470 : i32
      %ne3A_2488 = arith.constant 0 : i32
      %ne3A_2489 = arith.cmpi ne, %rem3A_2487, %ne3A_2488 : i32
      %and3A_2490 = arith.andi %ne3A_2486, %ne3A_2489 : i1
      %sub3A_2491 = arith.constant 1 : i32
      %sub3A_2492 = arith.subi %div3A_2471, %sub3A_2491 : i32
      %select_n3A_2493 = arith.select %and3A_2490, %sub3A_2492, %div3A_2471 : i32
      %jit3A_2494 = arith.constant 4 : i32
      %eq3A_2495 = arith.constant 0 : i32
      %eq3A_2496 = arith.cmpi eq, %jit3A_2494, %eq3A_2495 : i32
      %jit3A_2497 = arith.constant 1 : i32
      %select_n3A_2498 = arith.select %eq3A_2496, %jit3A_2497, %jit3A_2494 : i32
      %rem3A_2499 = arith.remsi %add3A_2469, %select_n3A_2498 : i32
      %ne3A_2500 = arith.constant 0 : i32
      %ne3A_2501 = arith.cmpi ne, %rem3A_2499, %ne3A_2500 : i32
      %lt3A_2502 = arith.constant 0 : i32
      %lt3A_2503 = arith.cmpi slt, %rem3A_2499, %lt3A_2502 : i32
      %lt3A_2504 = arith.constant 0 : i32
      %lt3A_2505 = arith.cmpi slt, %select_n3A_2498, %lt3A_2504 : i32
      %ne3A_2506 = arith.xori %lt3A_2503, %lt3A_2505 : i1
      %and3A_2507 = arith.andi %ne3A_2506, %ne3A_2501 : i1
      %add3A_2508 = arith.addi %rem3A_2499, %select_n3A_2498 : i32
      %select_n3A_2509 = arith.select %and3A_2507, %add3A_2508, %rem3A_2499 : i32
      %mul3A_2510 = arith.constant 128 : i32
      %mul3A_2511 = arith.muli %select_n3A_2509, %mul3A_2510 : i32
      %add3A_2512 = arith.addi %mul3A_2, %mul3A_2511 : i32
      %jit3A_2513 = arith.constant 2048 : i32
      %div3A_2514 = arith.divsi %add3A_2512, %jit3A_2513 : i32
      %sign3A_2515 = arith.constant 0 : i32
      %sign3A_2516 = arith.cmpi sgt, %add3A_2512, %sign3A_2515 : i32
      %sign3A_2517 = arith.extui %sign3A_2516 : i1 to i32
      %sign3A_2518 = arith.constant 0 : i32
      %sign3A_2519 = arith.cmpi slt, %add3A_2512, %sign3A_2518 : i32
      %sign3A_2520 = arith.extui %sign3A_2519 : i1 to i32
      %sign3A_2521 = arith.subi %sign3A_2517, %sign3A_2520 : i32
      %sign3A_2522 = arith.constant 0 : i32
      %sign3A_2523 = arith.cmpi sgt, %jit3A_2513, %sign3A_2522 : i32
      %sign3A_2524 = arith.extui %sign3A_2523 : i1 to i32
      %sign3A_2525 = arith.constant 0 : i32
      %sign3A_2526 = arith.cmpi slt, %jit3A_2513, %sign3A_2525 : i32
      %sign3A_2527 = arith.extui %sign3A_2526 : i1 to i32
      %sign3A_2528 = arith.subi %sign3A_2524, %sign3A_2527 : i32
      %ne3A_2529 = arith.cmpi ne, %sign3A_2521, %sign3A_2528 : i32
      %rem3A_2530 = arith.remsi %add3A_2512, %jit3A_2513 : i32
      %ne3A_2531 = arith.constant 0 : i32
      %ne3A_2532 = arith.cmpi ne, %rem3A_2530, %ne3A_2531 : i32
      %and3A_2533 = arith.andi %ne3A_2529, %ne3A_2532 : i1
      %sub3A_2534 = arith.constant 1 : i32
      %sub3A_2535 = arith.subi %div3A_2514, %sub3A_2534 : i32
      %select_n3A_2536 = arith.select %and3A_2533, %sub3A_2535, %div3A_2514 : i32
      %mul3A_2537 = arith.constant 1024 : i32
      %mul3A_2538 = arith.muli %select_n3A_2536, %mul3A_2537 : i32
      %jit3A_2539 = arith.constant 2048 : i32
      %eq3A_2540 = arith.constant 0 : i32
      %eq3A_2541 = arith.cmpi eq, %jit3A_2539, %eq3A_2540 : i32
      %jit3A_2542 = arith.constant 1 : i32
      %select_n3A_2543 = arith.select %eq3A_2541, %jit3A_2542, %jit3A_2539 : i32
      %rem3A_2544 = arith.remsi %add3A_2512, %select_n3A_2543 : i32
      %ne3A_2545 = arith.constant 0 : i32
      %ne3A_2546 = arith.cmpi ne, %rem3A_2544, %ne3A_2545 : i32
      %lt3A_2547 = arith.constant 0 : i32
      %lt3A_2548 = arith.cmpi slt, %rem3A_2544, %lt3A_2547 : i32
      %lt3A_2549 = arith.constant 0 : i32
      %lt3A_2550 = arith.cmpi slt, %select_n3A_2543, %lt3A_2549 : i32
      %ne3A_2551 = arith.xori %lt3A_2548, %lt3A_2550 : i1
      %and3A_2552 = arith.andi %ne3A_2551, %ne3A_2546 : i1
      %add3A_2553 = arith.addi %rem3A_2544, %select_n3A_2543 : i32
      %select_n3A_2554 = arith.select %and3A_2552, %add3A_2553, %rem3A_2544 : i32
      %jit3A_2555 = arith.constant 1024 : i32
      %eq3A_2556 = arith.constant 0 : i32
      %eq3A_2557 = arith.cmpi eq, %jit3A_2555, %eq3A_2556 : i32
      %jit3A_2558 = arith.constant 1 : i32
      %select_n3A_2559 = arith.select %eq3A_2557, %jit3A_2558, %jit3A_2555 : i32
      %rem3A_2560 = arith.remsi %select_n3A_2554, %select_n3A_2559 : i32
      %ne3A_2561 = arith.constant 0 : i32
      %ne3A_2562 = arith.cmpi ne, %rem3A_2560, %ne3A_2561 : i32
      %lt3A_2563 = arith.constant 0 : i32
      %lt3A_2564 = arith.cmpi slt, %rem3A_2560, %lt3A_2563 : i32
      %lt3A_2565 = arith.constant 0 : i32
      %lt3A_2566 = arith.cmpi slt, %select_n3A_2559, %lt3A_2565 : i32
      %ne3A_2567 = arith.xori %lt3A_2564, %lt3A_2566 : i1
      %and3A_2568 = arith.andi %ne3A_2567, %ne3A_2562 : i1
      %add3A_2569 = arith.addi %rem3A_2560, %select_n3A_2559 : i32
      %select_n3A_2570 = arith.select %and3A_2568, %add3A_2569, %rem3A_2560 : i32
      %add3A_2571 = arith.addi %mul3A_2538, %select_n3A_2570 : i32
      %jit3A_2572 = arith.constant 2048 : i32
      %eq3A_2573 = arith.constant 0 : i32
      %eq3A_2574 = arith.cmpi eq, %jit3A_2572, %eq3A_2573 : i32
      %jit3A_2575 = arith.constant 1 : i32
      %select_n3A_2576 = arith.select %eq3A_2574, %jit3A_2575, %jit3A_2572 : i32
      %rem3A_2577 = arith.remsi %add3A_2512, %select_n3A_2576 : i32
      %ne3A_2578 = arith.constant 0 : i32
      %ne3A_2579 = arith.cmpi ne, %rem3A_2577, %ne3A_2578 : i32
      %lt3A_2580 = arith.constant 0 : i32
      %lt3A_2581 = arith.cmpi slt, %rem3A_2577, %lt3A_2580 : i32
      %lt3A_2582 = arith.constant 0 : i32
      %lt3A_2583 = arith.cmpi slt, %select_n3A_2576, %lt3A_2582 : i32
      %ne3A_2584 = arith.xori %lt3A_2581, %lt3A_2583 : i1
      %and3A_2585 = arith.andi %ne3A_2584, %ne3A_2579 : i1
      %add3A_2586 = arith.addi %rem3A_2577, %select_n3A_2576 : i32
      %select_n3A_2587 = arith.select %and3A_2585, %add3A_2586, %rem3A_2577 : i32
      %jit3A_2588 = arith.constant 1024 : i32
      %div3A_2589 = arith.divsi %select_n3A_2587, %jit3A_2588 : i32
      %sign3A_2590 = arith.constant 0 : i32
      %sign3A_2591 = arith.cmpi sgt, %select_n3A_2587, %sign3A_2590 : i32
      %sign3A_2592 = arith.extui %sign3A_2591 : i1 to i32
      %sign3A_2593 = arith.constant 0 : i32
      %sign3A_2594 = arith.cmpi slt, %select_n3A_2587, %sign3A_2593 : i32
      %sign3A_2595 = arith.extui %sign3A_2594 : i1 to i32
      %sign3A_2596 = arith.subi %sign3A_2592, %sign3A_2595 : i32
      %sign3A_2597 = arith.constant 0 : i32
      %sign3A_2598 = arith.cmpi sgt, %jit3A_2588, %sign3A_2597 : i32
      %sign3A_2599 = arith.extui %sign3A_2598 : i1 to i32
      %sign3A_2600 = arith.constant 0 : i32
      %sign3A_2601 = arith.cmpi slt, %jit3A_2588, %sign3A_2600 : i32
      %sign3A_2602 = arith.extui %sign3A_2601 : i1 to i32
      %sign3A_2603 = arith.subi %sign3A_2599, %sign3A_2602 : i32
      %ne3A_2604 = arith.cmpi ne, %sign3A_2596, %sign3A_2603 : i32
      %rem3A_2605 = arith.remsi %select_n3A_2587, %jit3A_2588 : i32
      %ne3A_2606 = arith.constant 0 : i32
      %ne3A_2607 = arith.cmpi ne, %rem3A_2605, %ne3A_2606 : i32
      %and3A_2608 = arith.andi %ne3A_2604, %ne3A_2607 : i1
      %sub3A_2609 = arith.constant 1 : i32
      %sub3A_2610 = arith.subi %div3A_2589, %sub3A_2609 : i32
      %select_n3A_2611 = arith.select %and3A_2608, %sub3A_2610, %div3A_2589 : i32
      %mul3A_2612 = arith.constant 128 : i32
      %mul3A_2613 = arith.muli %select_n3A_2509, %mul3A_2612 : i32
      %dma_wait3A_2614 = arith.constant 2 : i32
      %dma_wait3A_2615 = arith.constant 0 : i32
      %dma_wait3A_2616 = arith.constant 0 : i32
      %dma_wait3A_2617 = tpu.memref_slice %arg6[%dma_wait3A_2614, %dma_wait3A_2615, %dma_wait3A_2616] : memref<4x128x64xf32, #tpu.memory_space<vmem>> -> memref<1x128x64xf32, #tpu.memory_space<vmem>>
      %dma_wait3A_2618 = tpu.memref_squeeze %dma_wait3A_2617 : memref<1x128x64xf32, #tpu.memory_space<vmem>> -> memref<128x64xf32, #tpu.memory_space<vmem>>
      %dma_wait3A_2619 = tpu.memref_slice %arg5[%select_n3A_2493, %mul3A_2613] : memref<50x512xi32, #tpu.memory_space<vmem>> -> memref<1x128xi32, #tpu.memory_space<vmem>>
      %dma_wait3A_2620 = tpu.memref_squeeze %dma_wait3A_2619 : memref<1x128xi32, #tpu.memory_space<vmem>> -> memref<128xi32, #tpu.memory_space<vmem>>
      %dma_wait3A_2621 = arith.constant 0 : i32
      %dma_wait3A_2622 = arith.constant 0 : i32
      %dma_wait3A_2623 = tpu.memref_slice %arg2[%dma_wait3A_2621, %dma_wait3A_2622] : memref<100000x64xf32, #tpu.memory_space<hbm>> -> memref<100000x64xf32, #tpu.memory_space<hbm>>
      tpu.wait_indirect_dma semaphore(%arg9 : memref<!tpu.dma_semaphore, #tpu.memory_space<semaphore_mem>>) src(%dma_wait3A_2623 : memref<100000x64xf32, #tpu.memory_space<hbm>>) dst(%dma_wait3A_2618 : memref<128x64xf32, #tpu.memory_space<vmem>>)
      %add3A_2624 = arith.constant 2 : i32
      %add3A_2625 = arith.addi %mul3A_1837, %add3A_2624 : i32
      %jit3A_2626 = arith.constant 4 : i32
      %div3A_2627 = arith.divsi %add3A_2625, %jit3A_2626 : i32
      %sign3A_2628 = arith.constant 0 : i32
      %sign3A_2629 = arith.cmpi sgt, %add3A_2625, %sign3A_2628 : i32
      %sign3A_2630 = arith.extui %sign3A_2629 : i1 to i32
      %sign3A_2631 = arith.constant 0 : i32
      %sign3A_2632 = arith.cmpi slt, %add3A_2625, %sign3A_2631 : i32
      %sign3A_2633 = arith.extui %sign3A_2632 : i1 to i32
      %sign3A_2634 = arith.subi %sign3A_2630, %sign3A_2633 : i32
      %sign3A_2635 = arith.constant 0 : i32
      %sign3A_2636 = arith.cmpi sgt, %jit3A_2626, %sign3A_2635 : i32
      %sign3A_2637 = arith.extui %sign3A_2636 : i1 to i32
      %sign3A_2638 = arith.constant 0 : i32
      %sign3A_2639 = arith.cmpi slt, %jit3A_2626, %sign3A_2638 : i32
      %sign3A_2640 = arith.extui %sign3A_2639 : i1 to i32
      %sign3A_2641 = arith.subi %sign3A_2637, %sign3A_2640 : i32
      %ne3A_2642 = arith.cmpi ne, %sign3A_2634, %sign3A_2641 : i32
      %rem3A_2643 = arith.remsi %add3A_2625, %jit3A_2626 : i32
      %ne3A_2644 = arith.constant 0 : i32
      %ne3A_2645 = arith.cmpi ne, %rem3A_2643, %ne3A_2644 : i32
      %and3A_2646 = arith.andi %ne3A_2642, %ne3A_2645 : i1
      %sub3A_2647 = arith.constant 1 : i32
      %sub3A_2648 = arith.subi %div3A_2627, %sub3A_2647 : i32
      %select_n3A_2649 = arith.select %and3A_2646, %sub3A_2648, %div3A_2627 : i32
      %jit3A_2650 = arith.constant 4 : i32
      %eq3A_2651 = arith.constant 0 : i32
      %eq3A_2652 = arith.cmpi eq, %jit3A_2650, %eq3A_2651 : i32
      %jit3A_2653 = arith.constant 1 : i32
      %select_n3A_2654 = arith.select %eq3A_2652, %jit3A_2653, %jit3A_2650 : i32
      %rem3A_2655 = arith.remsi %add3A_2625, %select_n3A_2654 : i32
      %ne3A_2656 = arith.constant 0 : i32
      %ne3A_2657 = arith.cmpi ne, %rem3A_2655, %ne3A_2656 : i32
      %lt3A_2658 = arith.constant 0 : i32
      %lt3A_2659 = arith.cmpi slt, %rem3A_2655, %lt3A_2658 : i32
      %lt3A_2660 = arith.constant 0 : i32
      %lt3A_2661 = arith.cmpi slt, %select_n3A_2654, %lt3A_2660 : i32
      %ne3A_2662 = arith.xori %lt3A_2659, %lt3A_2661 : i1
      %and3A_2663 = arith.andi %ne3A_2662, %ne3A_2657 : i1
      %add3A_2664 = arith.addi %rem3A_2655, %select_n3A_2654 : i32
      %select_n3A_2665 = arith.select %and3A_2663, %add3A_2664, %rem3A_2655 : i32
      %mul3A_2666 = arith.constant 128 : i32
      %mul3A_2667 = arith.muli %select_n3A_2665, %mul3A_2666 : i32
      %add3A_2668 = arith.addi %mul3A_2, %mul3A_2667 : i32
      %jit3A_2669 = arith.constant 2048 : i32
      %div3A_2670 = arith.divsi %add3A_2668, %jit3A_2669 : i32
      %sign3A_2671 = arith.constant 0 : i32
      %sign3A_2672 = arith.cmpi sgt, %add3A_2668, %sign3A_2671 : i32
      %sign3A_2673 = arith.extui %sign3A_2672 : i1 to i32
      %sign3A_2674 = arith.constant 0 : i32
      %sign3A_2675 = arith.cmpi slt, %add3A_2668, %sign3A_2674 : i32
      %sign3A_2676 = arith.extui %sign3A_2675 : i1 to i32
      %sign3A_2677 = arith.subi %sign3A_2673, %sign3A_2676 : i32
      %sign3A_2678 = arith.constant 0 : i32
      %sign3A_2679 = arith.cmpi sgt, %jit3A_2669, %sign3A_2678 : i32
      %sign3A_2680 = arith.extui %sign3A_2679 : i1 to i32
      %sign3A_2681 = arith.constant 0 : i32
      %sign3A_2682 = arith.cmpi slt, %jit3A_2669, %sign3A_2681 : i32
      %sign3A_2683 = arith.extui %sign3A_2682 : i1 to i32
      %sign3A_2684 = arith.subi %sign3A_2680, %sign3A_2683 : i32
      %ne3A_2685 = arith.cmpi ne, %sign3A_2677, %sign3A_2684 : i32
      %rem3A_2686 = arith.remsi %add3A_2668, %jit3A_2669 : i32
      %ne3A_2687 = arith.constant 0 : i32
      %ne3A_2688 = arith.cmpi ne, %rem3A_2686, %ne3A_2687 : i32
      %and3A_2689 = arith.andi %ne3A_2685, %ne3A_2688 : i1
      %sub3A_2690 = arith.constant 1 : i32
      %sub3A_2691 = arith.subi %div3A_2670, %sub3A_2690 : i32
      %select_n3A_2692 = arith.select %and3A_2689, %sub3A_2691, %div3A_2670 : i32
      %mul3A_2693 = arith.constant 1024 : i32
      %mul3A_2694 = arith.muli %select_n3A_2692, %mul3A_2693 : i32
      %jit3A_2695 = arith.constant 2048 : i32
      %eq3A_2696 = arith.constant 0 : i32
      %eq3A_2697 = arith.cmpi eq, %jit3A_2695, %eq3A_2696 : i32
      %jit3A_2698 = arith.constant 1 : i32
      %select_n3A_2699 = arith.select %eq3A_2697, %jit3A_2698, %jit3A_2695 : i32
      %rem3A_2700 = arith.remsi %add3A_2668, %select_n3A_2699 : i32
      %ne3A_2701 = arith.constant 0 : i32
      %ne3A_2702 = arith.cmpi ne, %rem3A_2700, %ne3A_2701 : i32
      %lt3A_2703 = arith.constant 0 : i32
      %lt3A_2704 = arith.cmpi slt, %rem3A_2700, %lt3A_2703 : i32
      %lt3A_2705 = arith.constant 0 : i32
      %lt3A_2706 = arith.cmpi slt, %select_n3A_2699, %lt3A_2705 : i32
      %ne3A_2707 = arith.xori %lt3A_2704, %lt3A_2706 : i1
      %and3A_2708 = arith.andi %ne3A_2707, %ne3A_2702 : i1
      %add3A_2709 = arith.addi %rem3A_2700, %select_n3A_2699 : i32
      %select_n3A_2710 = arith.select %and3A_2708, %add3A_2709, %rem3A_2700 : i32
      %jit3A_2711 = arith.constant 1024 : i32
      %eq3A_2712 = arith.constant 0 : i32
      %eq3A_2713 = arith.cmpi eq, %jit3A_2711, %eq3A_2712 : i32
      %jit3A_2714 = arith.constant 1 : i32
      %select_n3A_2715 = arith.select %eq3A_2713, %jit3A_2714, %jit3A_2711 : i32
      %rem3A_2716 = arith.remsi %select_n3A_2710, %select_n3A_2715 : i32
      %ne3A_2717 = arith.constant 0 : i32
      %ne3A_2718 = arith.cmpi ne, %rem3A_2716, %ne3A_2717 : i32
      %lt3A_2719 = arith.constant 0 : i32
      %lt3A_2720 = arith.cmpi slt, %rem3A_2716, %lt3A_2719 : i32
      %lt3A_2721 = arith.constant 0 : i32
      %lt3A_2722 = arith.cmpi slt, %select_n3A_2715, %lt3A_2721 : i32
      %ne3A_2723 = arith.xori %lt3A_2720, %lt3A_2722 : i1
      %and3A_2724 = arith.andi %ne3A_2723, %ne3A_2718 : i1
      %add3A_2725 = arith.addi %rem3A_2716, %select_n3A_2715 : i32
      %select_n3A_2726 = arith.select %and3A_2724, %add3A_2725, %rem3A_2716 : i32
      %add3A_2727 = arith.addi %mul3A_2694, %select_n3A_2726 : i32
      %jit3A_2728 = arith.constant 2048 : i32
      %eq3A_2729 = arith.constant 0 : i32
      %eq3A_2730 = arith.cmpi eq, %jit3A_2728, %eq3A_2729 : i32
      %jit3A_2731 = arith.constant 1 : i32
      %select_n3A_2732 = arith.select %eq3A_2730, %jit3A_2731, %jit3A_2728 : i32
      %rem3A_2733 = arith.remsi %add3A_2668, %select_n3A_2732 : i32
      %ne3A_2734 = arith.constant 0 : i32
      %ne3A_2735 = arith.cmpi ne, %rem3A_2733, %ne3A_2734 : i32
      %lt3A_2736 = arith.constant 0 : i32
      %lt3A_2737 = arith.cmpi slt, %rem3A_2733, %lt3A_2736 : i32
      %lt3A_2738 = arith.constant 0 : i32
      %lt3A_2739 = arith.cmpi slt, %select_n3A_2732, %lt3A_2738 : i32
      %ne3A_2740 = arith.xori %lt3A_2737, %lt3A_2739 : i1
      %and3A_2741 = arith.andi %ne3A_2740, %ne3A_2735 : i1
      %add3A_2742 = arith.addi %rem3A_2733, %select_n3A_2732 : i32
      %select_n3A_2743 = arith.select %and3A_2741, %add3A_2742, %rem3A_2733 : i32
      %jit3A_2744 = arith.constant 1024 : i32
      %div3A_2745 = arith.divsi %select_n3A_2743, %jit3A_2744 : i32
      %sign3A_2746 = arith.constant 0 : i32
      %sign3A_2747 = arith.cmpi sgt, %select_n3A_2743, %sign3A_2746 : i32
      %sign3A_2748 = arith.extui %sign3A_2747 : i1 to i32
      %sign3A_2749 = arith.constant 0 : i32
      %sign3A_2750 = arith.cmpi slt, %select_n3A_2743, %sign3A_2749 : i32
      %sign3A_2751 = arith.extui %sign3A_2750 : i1 to i32
      %sign3A_2752 = arith.subi %sign3A_2748, %sign3A_2751 : i32
      %sign3A_2753 = arith.constant 0 : i32
      %sign3A_2754 = arith.cmpi sgt, %jit3A_2744, %sign3A_2753 : i32
      %sign3A_2755 = arith.extui %sign3A_2754 : i1 to i32
      %sign3A_2756 = arith.constant 0 : i32
      %sign3A_2757 = arith.cmpi slt, %jit3A_2744, %sign3A_2756 : i32
      %sign3A_2758 = arith.extui %sign3A_2757 : i1 to i32
      %sign3A_2759 = arith.subi %sign3A_2755, %sign3A_2758 : i32
      %ne3A_2760 = arith.cmpi ne, %sign3A_2752, %sign3A_2759 : i32
      %rem3A_2761 = arith.remsi %select_n3A_2743, %jit3A_2744 : i32
      %ne3A_2762 = arith.constant 0 : i32
      %ne3A_2763 = arith.cmpi ne, %rem3A_2761, %ne3A_2762 : i32
      %and3A_2764 = arith.andi %ne3A_2760, %ne3A_2763 : i1
      %sub3A_2765 = arith.constant 1 : i32
      %sub3A_2766 = arith.subi %div3A_2745, %sub3A_2765 : i32
      %select_n3A_2767 = arith.select %and3A_2764, %sub3A_2766, %div3A_2745 : i32
      %mul3A_2768 = arith.constant 64 : i32
      %mul3A_2769 = arith.muli %select_n3A_2767, %mul3A_2768 : i32
      %dma_start3A_2770 = arith.constant 2 : i32
      %dma_start3A_2771 = arith.constant 0 : i32
      %dma_start3A_2772 = arith.constant 0 : i32
      %dma_start3A_2773 = tpu.memref_slice %arg6[%dma_start3A_2770, %dma_start3A_2771, %dma_start3A_2772] : memref<4x128x64xf32, #tpu.memory_space<vmem>> -> memref<1x128x64xf32, #tpu.memory_space<vmem>>
      %dma_start3A_2774 = tpu.memref_squeeze %dma_start3A_2773 : memref<1x128x64xf32, #tpu.memory_space<vmem>> -> memref<128x64xf32, #tpu.memory_space<vmem>>
      %dma_start3A_2775 = tpu.memref_slice %arg4[%select_n3A_2649, %add3A_2727, %mul3A_2769] : memref<50x8192x128xf32, #tpu.memory_space<hbm>> -> memref<1x128x64xf32, #tpu.memory_space<hbm>>
      %dma_start3A_2776 = tpu.memref_squeeze %dma_start3A_2775 : memref<1x128x64xf32, #tpu.memory_space<hbm>> -> memref<128x64xf32, #tpu.memory_space<hbm>>
      %dma_start3A_2777 = tpu.memref_slice %arg4[%select_n3A_2649, %add3A_2727, %mul3A_2769] : memref<50x8192x128xf32, #tpu.memory_space<hbm>> -> memref<1x128x64xf32, #tpu.memory_space<hbm>>
      %dma_start3A_2778 = tpu.memref_squeeze %dma_start3A_2777 : memref<1x128x64xf32, #tpu.memory_space<hbm>> -> memref<128x64xf32, #tpu.memory_space<hbm>>
      %dma_start3A_2779 = arith.constant 0 : i32
      %dma_start3A_2780 = arith.constant 0 : i32
      %dma_start3A_2781 = tpu.memref_slice %arg6[%dma_start3A_2770, %dma_start3A_2779, %dma_start3A_2780] : memref<4x128x64xf32, #tpu.memory_space<vmem>> -> memref<1x128x64xf32, #tpu.memory_space<vmem>>
      %dma_start3A_2782 = tpu.memref_squeeze %dma_start3A_2781 : memref<1x128x64xf32, #tpu.memory_space<vmem>> -> memref<128x64xf32, #tpu.memory_space<vmem>>
      tpu.enqueue_dma source(%dma_start3A_2782 : memref<128x64xf32, #tpu.memory_space<vmem>>) target(%dma_start3A_2778 : memref<128x64xf32, #tpu.memory_space<hbm>>) target_semaphore(%arg13 : memref<!tpu.dma_semaphore, #tpu.memory_space<semaphore_mem>>)
      %add3A_2783 = arith.constant 3 : i32
      %add3A_2784 = arith.addi %mul3A_1837, %add3A_2783 : i32
      %jit3A_2785 = arith.constant 4 : i32
      %div3A_2786 = arith.divsi %add3A_2784, %jit3A_2785 : i32
      %sign3A_2787 = arith.constant 0 : i32
      %sign3A_2788 = arith.cmpi sgt, %add3A_2784, %sign3A_2787 : i32
      %sign3A_2789 = arith.extui %sign3A_2788 : i1 to i32
      %sign3A_2790 = arith.constant 0 : i32
      %sign3A_2791 = arith.cmpi slt, %add3A_2784, %sign3A_2790 : i32
      %sign3A_2792 = arith.extui %sign3A_2791 : i1 to i32
      %sign3A_2793 = arith.subi %sign3A_2789, %sign3A_2792 : i32
      %sign3A_2794 = arith.constant 0 : i32
      %sign3A_2795 = arith.cmpi sgt, %jit3A_2785, %sign3A_2794 : i32
      %sign3A_2796 = arith.extui %sign3A_2795 : i1 to i32
      %sign3A_2797 = arith.constant 0 : i32
      %sign3A_2798 = arith.cmpi slt, %jit3A_2785, %sign3A_2797 : i32
      %sign3A_2799 = arith.extui %sign3A_2798 : i1 to i32
      %sign3A_2800 = arith.subi %sign3A_2796, %sign3A_2799 : i32
      %ne3A_2801 = arith.cmpi ne, %sign3A_2793, %sign3A_2800 : i32
      %rem3A_2802 = arith.remsi %add3A_2784, %jit3A_2785 : i32
      %ne3A_2803 = arith.constant 0 : i32
      %ne3A_2804 = arith.cmpi ne, %rem3A_2802, %ne3A_2803 : i32
      %and3A_2805 = arith.andi %ne3A_2801, %ne3A_2804 : i1
      %sub3A_2806 = arith.constant 1 : i32
      %sub3A_2807 = arith.subi %div3A_2786, %sub3A_2806 : i32
      %select_n3A_2808 = arith.select %and3A_2805, %sub3A_2807, %div3A_2786 : i32
      %jit3A_2809 = arith.constant 4 : i32
      %eq3A_2810 = arith.constant 0 : i32
      %eq3A_2811 = arith.cmpi eq, %jit3A_2809, %eq3A_2810 : i32
      %jit3A_2812 = arith.constant 1 : i32
      %select_n3A_2813 = arith.select %eq3A_2811, %jit3A_2812, %jit3A_2809 : i32
      %rem3A_2814 = arith.remsi %add3A_2784, %select_n3A_2813 : i32
      %ne3A_2815 = arith.constant 0 : i32
      %ne3A_2816 = arith.cmpi ne, %rem3A_2814, %ne3A_2815 : i32
      %lt3A_2817 = arith.constant 0 : i32
      %lt3A_2818 = arith.cmpi slt, %rem3A_2814, %lt3A_2817 : i32
      %lt3A_2819 = arith.constant 0 : i32
      %lt3A_2820 = arith.cmpi slt, %select_n3A_2813, %lt3A_2819 : i32
      %ne3A_2821 = arith.xori %lt3A_2818, %lt3A_2820 : i1
      %and3A_2822 = arith.andi %ne3A_2821, %ne3A_2816 : i1
      %add3A_2823 = arith.addi %rem3A_2814, %select_n3A_2813 : i32
      %select_n3A_2824 = arith.select %and3A_2822, %add3A_2823, %rem3A_2814 : i32
      %mul3A_2825 = arith.constant 128 : i32
      %mul3A_2826 = arith.muli %select_n3A_2824, %mul3A_2825 : i32
      %add3A_2827 = arith.addi %mul3A_2, %mul3A_2826 : i32
      %jit3A_2828 = arith.constant 2048 : i32
      %div3A_2829 = arith.divsi %add3A_2827, %jit3A_2828 : i32
      %sign3A_2830 = arith.constant 0 : i32
      %sign3A_2831 = arith.cmpi sgt, %add3A_2827, %sign3A_2830 : i32
      %sign3A_2832 = arith.extui %sign3A_2831 : i1 to i32
      %sign3A_2833 = arith.constant 0 : i32
      %sign3A_2834 = arith.cmpi slt, %add3A_2827, %sign3A_2833 : i32
      %sign3A_2835 = arith.extui %sign3A_2834 : i1 to i32
      %sign3A_2836 = arith.subi %sign3A_2832, %sign3A_2835 : i32
      %sign3A_2837 = arith.constant 0 : i32
      %sign3A_2838 = arith.cmpi sgt, %jit3A_2828, %sign3A_2837 : i32
      %sign3A_2839 = arith.extui %sign3A_2838 : i1 to i32
      %sign3A_2840 = arith.constant 0 : i32
      %sign3A_2841 = arith.cmpi slt, %jit3A_2828, %sign3A_2840 : i32
      %sign3A_2842 = arith.extui %sign3A_2841 : i1 to i32
      %sign3A_2843 = arith.subi %sign3A_2839, %sign3A_2842 : i32
      %ne3A_2844 = arith.cmpi ne, %sign3A_2836, %sign3A_2843 : i32
      %rem3A_2845 = arith.remsi %add3A_2827, %jit3A_2828 : i32
      %ne3A_2846 = arith.constant 0 : i32
      %ne3A_2847 = arith.cmpi ne, %rem3A_2845, %ne3A_2846 : i32
      %and3A_2848 = arith.andi %ne3A_2844, %ne3A_2847 : i1
      %sub3A_2849 = arith.constant 1 : i32
      %sub3A_2850 = arith.subi %div3A_2829, %sub3A_2849 : i32
      %select_n3A_2851 = arith.select %and3A_2848, %sub3A_2850, %div3A_2829 : i32
      %mul3A_2852 = arith.constant 1024 : i32
      %mul3A_2853 = arith.muli %select_n3A_2851, %mul3A_2852 : i32
      %jit3A_2854 = arith.constant 2048 : i32
      %eq3A_2855 = arith.constant 0 : i32
      %eq3A_2856 = arith.cmpi eq, %jit3A_2854, %eq3A_2855 : i32
      %jit3A_2857 = arith.constant 1 : i32
      %select_n3A_2858 = arith.select %eq3A_2856, %jit3A_2857, %jit3A_2854 : i32
      %rem3A_2859 = arith.remsi %add3A_2827, %select_n3A_2858 : i32
      %ne3A_2860 = arith.constant 0 : i32
      %ne3A_2861 = arith.cmpi ne, %rem3A_2859, %ne3A_2860 : i32
      %lt3A_2862 = arith.constant 0 : i32
      %lt3A_2863 = arith.cmpi slt, %rem3A_2859, %lt3A_2862 : i32
      %lt3A_2864 = arith.constant 0 : i32
      %lt3A_2865 = arith.cmpi slt, %select_n3A_2858, %lt3A_2864 : i32
      %ne3A_2866 = arith.xori %lt3A_2863, %lt3A_2865 : i1
      %and3A_2867 = arith.andi %ne3A_2866, %ne3A_2861 : i1
      %add3A_2868 = arith.addi %rem3A_2859, %select_n3A_2858 : i32
      %select_n3A_2869 = arith.select %and3A_2867, %add3A_2868, %rem3A_2859 : i32
      %jit3A_2870 = arith.constant 1024 : i32
      %eq3A_2871 = arith.constant 0 : i32
      %eq3A_2872 = arith.cmpi eq, %jit3A_2870, %eq3A_2871 : i32
      %jit3A_2873 = arith.constant 1 : i32
      %select_n3A_2874 = arith.select %eq3A_2872, %jit3A_2873, %jit3A_2870 : i32
      %rem3A_2875 = arith.remsi %select_n3A_2869, %select_n3A_2874 : i32
      %ne3A_2876 = arith.constant 0 : i32
      %ne3A_2877 = arith.cmpi ne, %rem3A_2875, %ne3A_2876 : i32
      %lt3A_2878 = arith.constant 0 : i32
      %lt3A_2879 = arith.cmpi slt, %rem3A_2875, %lt3A_2878 : i32
      %lt3A_2880 = arith.constant 0 : i32
      %lt3A_2881 = arith.cmpi slt, %select_n3A_2874, %lt3A_2880 : i32
      %ne3A_2882 = arith.xori %lt3A_2879, %lt3A_2881 : i1
      %and3A_2883 = arith.andi %ne3A_2882, %ne3A_2877 : i1
      %add3A_2884 = arith.addi %rem3A_2875, %select_n3A_2874 : i32
      %select_n3A_2885 = arith.select %and3A_2883, %add3A_2884, %rem3A_2875 : i32
      %add3A_2886 = arith.addi %mul3A_2853, %select_n3A_2885 : i32
      %jit3A_2887 = arith.constant 2048 : i32
      %eq3A_2888 = arith.constant 0 : i32
      %eq3A_2889 = arith.cmpi eq, %jit3A_2887, %eq3A_2888 : i32
      %jit3A_2890 = arith.constant 1 : i32
      %select_n3A_2891 = arith.select %eq3A_2889, %jit3A_2890, %jit3A_2887 : i32
      %rem3A_2892 = arith.remsi %add3A_2827, %select_n3A_2891 : i32
      %ne3A_2893 = arith.constant 0 : i32
      %ne3A_2894 = arith.cmpi ne, %rem3A_2892, %ne3A_2893 : i32
      %lt3A_2895 = arith.constant 0 : i32
      %lt3A_2896 = arith.cmpi slt, %rem3A_2892, %lt3A_2895 : i32
      %lt3A_2897 = arith.constant 0 : i32
      %lt3A_2898 = arith.cmpi slt, %select_n3A_2891, %lt3A_2897 : i32
      %ne3A_2899 = arith.xori %lt3A_2896, %lt3A_2898 : i1
      %and3A_2900 = arith.andi %ne3A_2899, %ne3A_2894 : i1
      %add3A_2901 = arith.addi %rem3A_2892, %select_n3A_2891 : i32
      %select_n3A_2902 = arith.select %and3A_2900, %add3A_2901, %rem3A_2892 : i32
      %jit3A_2903 = arith.constant 1024 : i32
      %div3A_2904 = arith.divsi %select_n3A_2902, %jit3A_2903 : i32
      %sign3A_2905 = arith.constant 0 : i32
      %sign3A_2906 = arith.cmpi sgt, %select_n3A_2902, %sign3A_2905 : i32
      %sign3A_2907 = arith.extui %sign3A_2906 : i1 to i32
      %sign3A_2908 = arith.constant 0 : i32
      %sign3A_2909 = arith.cmpi slt, %select_n3A_2902, %sign3A_2908 : i32
      %sign3A_2910 = arith.extui %sign3A_2909 : i1 to i32
      %sign3A_2911 = arith.subi %sign3A_2907, %sign3A_2910 : i32
      %sign3A_2912 = arith.constant 0 : i32
      %sign3A_2913 = arith.cmpi sgt, %jit3A_2903, %sign3A_2912 : i32
      %sign3A_2914 = arith.extui %sign3A_2913 : i1 to i32
      %sign3A_2915 = arith.constant 0 : i32
      %sign3A_2916 = arith.cmpi slt, %jit3A_2903, %sign3A_2915 : i32
      %sign3A_2917 = arith.extui %sign3A_2916 : i1 to i32
      %sign3A_2918 = arith.subi %sign3A_2914, %sign3A_2917 : i32
      %ne3A_2919 = arith.cmpi ne, %sign3A_2911, %sign3A_2918 : i32
      %rem3A_2920 = arith.remsi %select_n3A_2902, %jit3A_2903 : i32
      %ne3A_2921 = arith.constant 0 : i32
      %ne3A_2922 = arith.cmpi ne, %rem3A_2920, %ne3A_2921 : i32
      %and3A_2923 = arith.andi %ne3A_2919, %ne3A_2922 : i1
      %sub3A_2924 = arith.constant 1 : i32
      %sub3A_2925 = arith.subi %div3A_2904, %sub3A_2924 : i32
      %select_n3A_2926 = arith.select %and3A_2923, %sub3A_2925, %div3A_2904 : i32
      %mul3A_2927 = arith.constant 128 : i32
      %mul3A_2928 = arith.muli %select_n3A_2824, %mul3A_2927 : i32
      %dma_wait3A_2929 = arith.constant 3 : i32
      %dma_wait3A_2930 = arith.constant 0 : i32
      %dma_wait3A_2931 = arith.constant 0 : i32
      %dma_wait3A_2932 = tpu.memref_slice %arg6[%dma_wait3A_2929, %dma_wait3A_2930, %dma_wait3A_2931] : memref<4x128x64xf32, #tpu.memory_space<vmem>> -> memref<1x128x64xf32, #tpu.memory_space<vmem>>
      %dma_wait3A_2933 = tpu.memref_squeeze %dma_wait3A_2932 : memref<1x128x64xf32, #tpu.memory_space<vmem>> -> memref<128x64xf32, #tpu.memory_space<vmem>>
      %dma_wait3A_2934 = tpu.memref_slice %arg5[%select_n3A_2808, %mul3A_2928] : memref<50x512xi32, #tpu.memory_space<vmem>> -> memref<1x128xi32, #tpu.memory_space<vmem>>
      %dma_wait3A_2935 = tpu.memref_squeeze %dma_wait3A_2934 : memref<1x128xi32, #tpu.memory_space<vmem>> -> memref<128xi32, #tpu.memory_space<vmem>>
      %dma_wait3A_2936 = arith.constant 0 : i32
      %dma_wait3A_2937 = arith.constant 0 : i32
      %dma_wait3A_2938 = tpu.memref_slice %arg2[%dma_wait3A_2936, %dma_wait3A_2937] : memref<100000x64xf32, #tpu.memory_space<hbm>> -> memref<100000x64xf32, #tpu.memory_space<hbm>>
      tpu.wait_indirect_dma semaphore(%arg10 : memref<!tpu.dma_semaphore, #tpu.memory_space<semaphore_mem>>) src(%dma_wait3A_2938 : memref<100000x64xf32, #tpu.memory_space<hbm>>) dst(%dma_wait3A_2933 : memref<128x64xf32, #tpu.memory_space<vmem>>)
      %add3A_2939 = arith.constant 3 : i32
      %add3A_2940 = arith.addi %mul3A_1837, %add3A_2939 : i32
      %jit3A_2941 = arith.constant 4 : i32
      %div3A_2942 = arith.divsi %add3A_2940, %jit3A_2941 : i32
      %sign3A_2943 = arith.constant 0 : i32
      %sign3A_2944 = arith.cmpi sgt, %add3A_2940, %sign3A_2943 : i32
      %sign3A_2945 = arith.extui %sign3A_2944 : i1 to i32
      %sign3A_2946 = arith.constant 0 : i32
      %sign3A_2947 = arith.cmpi slt, %add3A_2940, %sign3A_2946 : i32
      %sign3A_2948 = arith.extui %sign3A_2947 : i1 to i32
      %sign3A_2949 = arith.subi %sign3A_2945, %sign3A_2948 : i32
      %sign3A_2950 = arith.constant 0 : i32
      %sign3A_2951 = arith.cmpi sgt, %jit3A_2941, %sign3A_2950 : i32
      %sign3A_2952 = arith.extui %sign3A_2951 : i1 to i32
      %sign3A_2953 = arith.constant 0 : i32
      %sign3A_2954 = arith.cmpi slt, %jit3A_2941, %sign3A_2953 : i32
      %sign3A_2955 = arith.extui %sign3A_2954 : i1 to i32
      %sign3A_2956 = arith.subi %sign3A_2952, %sign3A_2955 : i32
      %ne3A_2957 = arith.cmpi ne, %sign3A_2949, %sign3A_2956 : i32
      %rem3A_2958 = arith.remsi %add3A_2940, %jit3A_2941 : i32
      %ne3A_2959 = arith.constant 0 : i32
      %ne3A_2960 = arith.cmpi ne, %rem3A_2958, %ne3A_2959 : i32
      %and3A_2961 = arith.andi %ne3A_2957, %ne3A_2960 : i1
      %sub3A_2962 = arith.constant 1 : i32
      %sub3A_2963 = arith.subi %div3A_2942, %sub3A_2962 : i32
      %select_n3A_2964 = arith.select %and3A_2961, %sub3A_2963, %div3A_2942 : i32
      %jit3A_2965 = arith.constant 4 : i32
      %eq3A_2966 = arith.constant 0 : i32
      %eq3A_2967 = arith.cmpi eq, %jit3A_2965, %eq3A_2966 : i32
      %jit3A_2968 = arith.constant 1 : i32
      %select_n3A_2969 = arith.select %eq3A_2967, %jit3A_2968, %jit3A_2965 : i32
      %rem3A_2970 = arith.remsi %add3A_2940, %select_n3A_2969 : i32
      %ne3A_2971 = arith.constant 0 : i32
      %ne3A_2972 = arith.cmpi ne, %rem3A_2970, %ne3A_2971 : i32
      %lt3A_2973 = arith.constant 0 : i32
      %lt3A_2974 = arith.cmpi slt, %rem3A_2970, %lt3A_2973 : i32
      %lt3A_2975 = arith.constant 0 : i32
      %lt3A_2976 = arith.cmpi slt, %select_n3A_2969, %lt3A_2975 : i32
      %ne3A_2977 = arith.xori %lt3A_2974, %lt3A_2976 : i1
      %and3A_2978 = arith.andi %ne3A_2977, %ne3A_2972 : i1
      %add3A_2979 = arith.addi %rem3A_2970, %select_n3A_2969 : i32
      %select_n3A_2980 = arith.select %and3A_2978, %add3A_2979, %rem3A_2970 : i32
      %mul3A_2981 = arith.constant 128 : i32
      %mul3A_2982 = arith.muli %select_n3A_2980, %mul3A_2981 : i32
      %add3A_2983 = arith.addi %mul3A_2, %mul3A_2982 : i32
      %jit3A_2984 = arith.constant 2048 : i32
      %div3A_2985 = arith.divsi %add3A_2983, %jit3A_2984 : i32
      %sign3A_2986 = arith.constant 0 : i32
      %sign3A_2987 = arith.cmpi sgt, %add3A_2983, %sign3A_2986 : i32
      %sign3A_2988 = arith.extui %sign3A_2987 : i1 to i32
      %sign3A_2989 = arith.constant 0 : i32
      %sign3A_2990 = arith.cmpi slt, %add3A_2983, %sign3A_2989 : i32
      %sign3A_2991 = arith.extui %sign3A_2990 : i1 to i32
      %sign3A_2992 = arith.subi %sign3A_2988, %sign3A_2991 : i32
      %sign3A_2993 = arith.constant 0 : i32
      %sign3A_2994 = arith.cmpi sgt, %jit3A_2984, %sign3A_2993 : i32
      %sign3A_2995 = arith.extui %sign3A_2994 : i1 to i32
      %sign3A_2996 = arith.constant 0 : i32
      %sign3A_2997 = arith.cmpi slt, %jit3A_2984, %sign3A_2996 : i32
      %sign3A_2998 = arith.extui %sign3A_2997 : i1 to i32
      %sign3A_2999 = arith.subi %sign3A_2995, %sign3A_2998 : i32
      %ne3A_3000 = arith.cmpi ne, %sign3A_2992, %sign3A_2999 : i32
      %rem3A_3001 = arith.remsi %add3A_2983, %jit3A_2984 : i32
      %ne3A_3002 = arith.constant 0 : i32
      %ne3A_3003 = arith.cmpi ne, %rem3A_3001, %ne3A_3002 : i32
      %and3A_3004 = arith.andi %ne3A_3000, %ne3A_3003 : i1
      %sub3A_3005 = arith.constant 1 : i32
      %sub3A_3006 = arith.subi %div3A_2985, %sub3A_3005 : i32
      %select_n3A_3007 = arith.select %and3A_3004, %sub3A_3006, %div3A_2985 : i32
      %mul3A_3008 = arith.constant 1024 : i32
      %mul3A_3009 = arith.muli %select_n3A_3007, %mul3A_3008 : i32
      %jit3A_3010 = arith.constant 2048 : i32
      %eq3A_3011 = arith.constant 0 : i32
      %eq3A_3012 = arith.cmpi eq, %jit3A_3010, %eq3A_3011 : i32
      %jit3A_3013 = arith.constant 1 : i32
      %select_n3A_3014 = arith.select %eq3A_3012, %jit3A_3013, %jit3A_3010 : i32
      %rem3A_3015 = arith.remsi %add3A_2983, %select_n3A_3014 : i32
      %ne3A_3016 = arith.constant 0 : i32
      %ne3A_3017 = arith.cmpi ne, %rem3A_3015, %ne3A_3016 : i32
      %lt3A_3018 = arith.constant 0 : i32
      %lt3A_3019 = arith.cmpi slt, %rem3A_3015, %lt3A_3018 : i32
      %lt3A_3020 = arith.constant 0 : i32
      %lt3A_3021 = arith.cmpi slt, %select_n3A_3014, %lt3A_3020 : i32
      %ne3A_3022 = arith.xori %lt3A_3019, %lt3A_3021 : i1
      %and3A_3023 = arith.andi %ne3A_3022, %ne3A_3017 : i1
      %add3A_3024 = arith.addi %rem3A_3015, %select_n3A_3014 : i32
      %select_n3A_3025 = arith.select %and3A_3023, %add3A_3024, %rem3A_3015 : i32
      %jit3A_3026 = arith.constant 1024 : i32
      %eq3A_3027 = arith.constant 0 : i32
      %eq3A_3028 = arith.cmpi eq, %jit3A_3026, %eq3A_3027 : i32
      %jit3A_3029 = arith.constant 1 : i32
      %select_n3A_3030 = arith.select %eq3A_3028, %jit3A_3029, %jit3A_3026 : i32
      %rem3A_3031 = arith.remsi %select_n3A_3025, %select_n3A_3030 : i32
      %ne3A_3032 = arith.constant 0 : i32
      %ne3A_3033 = arith.cmpi ne, %rem3A_3031, %ne3A_3032 : i32
      %lt3A_3034 = arith.constant 0 : i32
      %lt3A_3035 = arith.cmpi slt, %rem3A_3031, %lt3A_3034 : i32
      %lt3A_3036 = arith.constant 0 : i32
      %lt3A_3037 = arith.cmpi slt, %select_n3A_3030, %lt3A_3036 : i32
      %ne3A_3038 = arith.xori %lt3A_3035, %lt3A_3037 : i1
      %and3A_3039 = arith.andi %ne3A_3038, %ne3A_3033 : i1
      %add3A_3040 = arith.addi %rem3A_3031, %select_n3A_3030 : i32
      %select_n3A_3041 = arith.select %and3A_3039, %add3A_3040, %rem3A_3031 : i32
      %add3A_3042 = arith.addi %mul3A_3009, %select_n3A_3041 : i32
      %jit3A_3043 = arith.constant 2048 : i32
      %eq3A_3044 = arith.constant 0 : i32
      %eq3A_3045 = arith.cmpi eq, %jit3A_3043, %eq3A_3044 : i32
      %jit3A_3046 = arith.constant 1 : i32
      %select_n3A_3047 = arith.select %eq3A_3045, %jit3A_3046, %jit3A_3043 : i32
      %rem3A_3048 = arith.remsi %add3A_2983, %select_n3A_3047 : i32
      %ne3A_3049 = arith.constant 0 : i32
      %ne3A_3050 = arith.cmpi ne, %rem3A_3048, %ne3A_3049 : i32
      %lt3A_3051 = arith.constant 0 : i32
      %lt3A_3052 = arith.cmpi slt, %rem3A_3048, %lt3A_3051 : i32
      %lt3A_3053 = arith.constant 0 : i32
      %lt3A_3054 = arith.cmpi slt, %select_n3A_3047, %lt3A_3053 : i32
      %ne3A_3055 = arith.xori %lt3A_3052, %lt3A_3054 : i1
      %and3A_3056 = arith.andi %ne3A_3055, %ne3A_3050 : i1
      %add3A_3057 = arith.addi %rem3A_3048, %select_n3A_3047 : i32
      %select_n3A_3058 = arith.select %and3A_3056, %add3A_3057, %rem3A_3048 : i32
      %jit3A_3059 = arith.constant 1024 : i32
      %div3A_3060 = arith.divsi %select_n3A_3058, %jit3A_3059 : i32
      %sign3A_3061 = arith.constant 0 : i32
      %sign3A_3062 = arith.cmpi sgt, %select_n3A_3058, %sign3A_3061 : i32
      %sign3A_3063 = arith.extui %sign3A_3062 : i1 to i32
      %sign3A_3064 = arith.constant 0 : i32
      %sign3A_3065 = arith.cmpi slt, %select_n3A_3058, %sign3A_3064 : i32
      %sign3A_3066 = arith.extui %sign3A_3065 : i1 to i32
      %sign3A_3067 = arith.subi %sign3A_3063, %sign3A_3066 : i32
      %sign3A_3068 = arith.constant 0 : i32
      %sign3A_3069 = arith.cmpi sgt, %jit3A_3059, %sign3A_3068 : i32
      %sign3A_3070 = arith.extui %sign3A_3069 : i1 to i32
      %sign3A_3071 = arith.constant 0 : i32
      %sign3A_3072 = arith.cmpi slt, %jit3A_3059, %sign3A_3071 : i32
      %sign3A_3073 = arith.extui %sign3A_3072 : i1 to i32
      %sign3A_3074 = arith.subi %sign3A_3070, %sign3A_3073 : i32
      %ne3A_3075 = arith.cmpi ne, %sign3A_3067, %sign3A_3074 : i32
      %rem3A_3076 = arith.remsi %select_n3A_3058, %jit3A_3059 : i32
      %ne3A_3077 = arith.constant 0 : i32
      %ne3A_3078 = arith.cmpi ne, %rem3A_3076, %ne3A_3077 : i32
      %and3A_3079 = arith.andi %ne3A_3075, %ne3A_3078 : i1
      %sub3A_3080 = arith.constant 1 : i32
      %sub3A_3081 = arith.subi %div3A_3060, %sub3A_3080 : i32
      %select_n3A_3082 = arith.select %and3A_3079, %sub3A_3081, %div3A_3060 : i32
      %mul3A_3083 = arith.constant 64 : i32
      %mul3A_3084 = arith.muli %select_n3A_3082, %mul3A_3083 : i32
      %dma_start3A_3085 = arith.constant 3 : i32
      %dma_start3A_3086 = arith.constant 0 : i32
      %dma_start3A_3087 = arith.constant 0 : i32
      %dma_start3A_3088 = tpu.memref_slice %arg6[%dma_start3A_3085, %dma_start3A_3086, %dma_start3A_3087] : memref<4x128x64xf32, #tpu.memory_space<vmem>> -> memref<1x128x64xf32, #tpu.memory_space<vmem>>
      %dma_start3A_3089 = tpu.memref_squeeze %dma_start3A_3088 : memref<1x128x64xf32, #tpu.memory_space<vmem>> -> memref<128x64xf32, #tpu.memory_space<vmem>>
      %dma_start3A_3090 = tpu.memref_slice %arg4[%select_n3A_2964, %add3A_3042, %mul3A_3084] : memref<50x8192x128xf32, #tpu.memory_space<hbm>> -> memref<1x128x64xf32, #tpu.memory_space<hbm>>
      %dma_start3A_3091 = tpu.memref_squeeze %dma_start3A_3090 : memref<1x128x64xf32, #tpu.memory_space<hbm>> -> memref<128x64xf32, #tpu.memory_space<hbm>>
      %dma_start3A_3092 = tpu.memref_slice %arg4[%select_n3A_2964, %add3A_3042, %mul3A_3084] : memref<50x8192x128xf32, #tpu.memory_space<hbm>> -> memref<1x128x64xf32, #tpu.memory_space<hbm>>
      %dma_start3A_3093 = tpu.memref_squeeze %dma_start3A_3092 : memref<1x128x64xf32, #tpu.memory_space<hbm>> -> memref<128x64xf32, #tpu.memory_space<hbm>>
      %dma_start3A_3094 = arith.constant 0 : i32
      %dma_start3A_3095 = arith.constant 0 : i32
      %dma_start3A_3096 = tpu.memref_slice %arg6[%dma_start3A_3085, %dma_start3A_3094, %dma_start3A_3095] : memref<4x128x64xf32, #tpu.memory_space<vmem>> -> memref<1x128x64xf32, #tpu.memory_space<vmem>>
      %dma_start3A_3097 = tpu.memref_squeeze %dma_start3A_3096 : memref<1x128x64xf32, #tpu.memory_space<vmem>> -> memref<128x64xf32, #tpu.memory_space<vmem>>
      tpu.enqueue_dma source(%dma_start3A_3097 : memref<128x64xf32, #tpu.memory_space<vmem>>) target(%dma_start3A_3093 : memref<128x64xf32, #tpu.memory_space<hbm>>) target_semaphore(%arg14 : memref<!tpu.dma_semaphore, #tpu.memory_space<semaphore_mem>>)
      %add3A_3098 = arith.constant 0 : i32
      %add3A_3099 = arith.addi %mul3A_1837, %add3A_3098 : i32
      %jit3A_3100 = arith.constant 4 : i32
      %div3A_3101 = arith.divsi %add3A_3099, %jit3A_3100 : i32
      %sign3A_3102 = arith.constant 0 : i32
      %sign3A_3103 = arith.cmpi sgt, %add3A_3099, %sign3A_3102 : i32
      %sign3A_3104 = arith.extui %sign3A_3103 : i1 to i32
      %sign3A_3105 = arith.constant 0 : i32
      %sign3A_3106 = arith.cmpi slt, %add3A_3099, %sign3A_3105 : i32
      %sign3A_3107 = arith.extui %sign3A_3106 : i1 to i32
      %sign3A_3108 = arith.subi %sign3A_3104, %sign3A_3107 : i32
      %sign3A_3109 = arith.constant 0 : i32
      %sign3A_3110 = arith.cmpi sgt, %jit3A_3100, %sign3A_3109 : i32
      %sign3A_3111 = arith.extui %sign3A_3110 : i1 to i32
      %sign3A_3112 = arith.constant 0 : i32
      %sign3A_3113 = arith.cmpi slt, %jit3A_3100, %sign3A_3112 : i32
      %sign3A_3114 = arith.extui %sign3A_3113 : i1 to i32
      %sign3A_3115 = arith.subi %sign3A_3111, %sign3A_3114 : i32
      %ne3A_3116 = arith.cmpi ne, %sign3A_3108, %sign3A_3115 : i32
      %rem3A_3117 = arith.remsi %add3A_3099, %jit3A_3100 : i32
      %ne3A_3118 = arith.constant 0 : i32
      %ne3A_3119 = arith.cmpi ne, %rem3A_3117, %ne3A_3118 : i32
      %and3A_3120 = arith.andi %ne3A_3116, %ne3A_3119 : i1
      %sub3A_3121 = arith.constant 1 : i32
      %sub3A_3122 = arith.subi %div3A_3101, %sub3A_3121 : i32
      %select_n3A_3123 = arith.select %and3A_3120, %sub3A_3122, %div3A_3101 : i32
      %jit3A_3124 = arith.constant 4 : i32
      %eq3A_3125 = arith.constant 0 : i32
      %eq3A_3126 = arith.cmpi eq, %jit3A_3124, %eq3A_3125 : i32
      %jit3A_3127 = arith.constant 1 : i32
      %select_n3A_3128 = arith.select %eq3A_3126, %jit3A_3127, %jit3A_3124 : i32
      %rem3A_3129 = arith.remsi %add3A_3099, %select_n3A_3128 : i32
      %ne3A_3130 = arith.constant 0 : i32
      %ne3A_3131 = arith.cmpi ne, %rem3A_3129, %ne3A_3130 : i32
      %lt3A_3132 = arith.constant 0 : i32
      %lt3A_3133 = arith.cmpi slt, %rem3A_3129, %lt3A_3132 : i32
      %lt3A_3134 = arith.constant 0 : i32
      %lt3A_3135 = arith.cmpi slt, %select_n3A_3128, %lt3A_3134 : i32
      %ne3A_3136 = arith.xori %lt3A_3133, %lt3A_3135 : i1
      %and3A_3137 = arith.andi %ne3A_3136, %ne3A_3131 : i1
      %add3A_3138 = arith.addi %rem3A_3129, %select_n3A_3128 : i32
      %select_n3A_3139 = arith.select %and3A_3137, %add3A_3138, %rem3A_3129 : i32
      %mul3A_3140 = arith.constant 128 : i32
      %mul3A_3141 = arith.muli %select_n3A_3139, %mul3A_3140 : i32
      %add3A_3142 = arith.addi %mul3A_2, %mul3A_3141 : i32
      %jit3A_3143 = arith.constant 2048 : i32
      %div3A_3144 = arith.divsi %add3A_3142, %jit3A_3143 : i32
      %sign3A_3145 = arith.constant 0 : i32
      %sign3A_3146 = arith.cmpi sgt, %add3A_3142, %sign3A_3145 : i32
      %sign3A_3147 = arith.extui %sign3A_3146 : i1 to i32
      %sign3A_3148 = arith.constant 0 : i32
      %sign3A_3149 = arith.cmpi slt, %add3A_3142, %sign3A_3148 : i32
      %sign3A_3150 = arith.extui %sign3A_3149 : i1 to i32
      %sign3A_3151 = arith.subi %sign3A_3147, %sign3A_3150 : i32
      %sign3A_3152 = arith.constant 0 : i32
      %sign3A_3153 = arith.cmpi sgt, %jit3A_3143, %sign3A_3152 : i32
      %sign3A_3154 = arith.extui %sign3A_3153 : i1 to i32
      %sign3A_3155 = arith.constant 0 : i32
      %sign3A_3156 = arith.cmpi slt, %jit3A_3143, %sign3A_3155 : i32
      %sign3A_3157 = arith.extui %sign3A_3156 : i1 to i32
      %sign3A_3158 = arith.subi %sign3A_3154, %sign3A_3157 : i32
      %ne3A_3159 = arith.cmpi ne, %sign3A_3151, %sign3A_3158 : i32
      %rem3A_3160 = arith.remsi %add3A_3142, %jit3A_3143 : i32
      %ne3A_3161 = arith.constant 0 : i32
      %ne3A_3162 = arith.cmpi ne, %rem3A_3160, %ne3A_3161 : i32
      %and3A_3163 = arith.andi %ne3A_3159, %ne3A_3162 : i1
      %sub3A_3164 = arith.constant 1 : i32
      %sub3A_3165 = arith.subi %div3A_3144, %sub3A_3164 : i32
      %select_n3A_3166 = arith.select %and3A_3163, %sub3A_3165, %div3A_3144 : i32
      %mul3A_3167 = arith.constant 1024 : i32
      %mul3A_3168 = arith.muli %select_n3A_3166, %mul3A_3167 : i32
      %jit3A_3169 = arith.constant 2048 : i32
      %eq3A_3170 = arith.constant 0 : i32
      %eq3A_3171 = arith.cmpi eq, %jit3A_3169, %eq3A_3170 : i32
      %jit3A_3172 = arith.constant 1 : i32
      %select_n3A_3173 = arith.select %eq3A_3171, %jit3A_3172, %jit3A_3169 : i32
      %rem3A_3174 = arith.remsi %add3A_3142, %select_n3A_3173 : i32
      %ne3A_3175 = arith.constant 0 : i32
      %ne3A_3176 = arith.cmpi ne, %rem3A_3174, %ne3A_3175 : i32
      %lt3A_3177 = arith.constant 0 : i32
      %lt3A_3178 = arith.cmpi slt, %rem3A_3174, %lt3A_3177 : i32
      %lt3A_3179 = arith.constant 0 : i32
      %lt3A_3180 = arith.cmpi slt, %select_n3A_3173, %lt3A_3179 : i32
      %ne3A_3181 = arith.xori %lt3A_3178, %lt3A_3180 : i1
      %and3A_3182 = arith.andi %ne3A_3181, %ne3A_3176 : i1
      %add3A_3183 = arith.addi %rem3A_3174, %select_n3A_3173 : i32
      %select_n3A_3184 = arith.select %and3A_3182, %add3A_3183, %rem3A_3174 : i32
      %jit3A_3185 = arith.constant 1024 : i32
      %eq3A_3186 = arith.constant 0 : i32
      %eq3A_3187 = arith.cmpi eq, %jit3A_3185, %eq3A_3186 : i32
      %jit3A_3188 = arith.constant 1 : i32
      %select_n3A_3189 = arith.select %eq3A_3187, %jit3A_3188, %jit3A_3185 : i32
      %rem3A_3190 = arith.remsi %select_n3A_3184, %select_n3A_3189 : i32
      %ne3A_3191 = arith.constant 0 : i32
      %ne3A_3192 = arith.cmpi ne, %rem3A_3190, %ne3A_3191 : i32
      %lt3A_3193 = arith.constant 0 : i32
      %lt3A_3194 = arith.cmpi slt, %rem3A_3190, %lt3A_3193 : i32
      %lt3A_3195 = arith.constant 0 : i32
      %lt3A_3196 = arith.cmpi slt, %select_n3A_3189, %lt3A_3195 : i32
      %ne3A_3197 = arith.xori %lt3A_3194, %lt3A_3196 : i1
      %and3A_3198 = arith.andi %ne3A_3197, %ne3A_3192 : i1
      %add3A_3199 = arith.addi %rem3A_3190, %select_n3A_3189 : i32
      %select_n3A_3200 = arith.select %and3A_3198, %add3A_3199, %rem3A_3190 : i32
      %add3A_3201 = arith.addi %mul3A_3168, %select_n3A_3200 : i32
      %jit3A_3202 = arith.constant 2048 : i32
      %eq3A_3203 = arith.constant 0 : i32
      %eq3A_3204 = arith.cmpi eq, %jit3A_3202, %eq3A_3203 : i32
      %jit3A_3205 = arith.constant 1 : i32
      %select_n3A_3206 = arith.select %eq3A_3204, %jit3A_3205, %jit3A_3202 : i32
      %rem3A_3207 = arith.remsi %add3A_3142, %select_n3A_3206 : i32
      %ne3A_3208 = arith.constant 0 : i32
      %ne3A_3209 = arith.cmpi ne, %rem3A_3207, %ne3A_3208 : i32
      %lt3A_3210 = arith.constant 0 : i32
      %lt3A_3211 = arith.cmpi slt, %rem3A_3207, %lt3A_3210 : i32
      %lt3A_3212 = arith.constant 0 : i32
      %lt3A_3213 = arith.cmpi slt, %select_n3A_3206, %lt3A_3212 : i32
      %ne3A_3214 = arith.xori %lt3A_3211, %lt3A_3213 : i1
      %and3A_3215 = arith.andi %ne3A_3214, %ne3A_3209 : i1
      %add3A_3216 = arith.addi %rem3A_3207, %select_n3A_3206 : i32
      %select_n3A_3217 = arith.select %and3A_3215, %add3A_3216, %rem3A_3207 : i32
      %jit3A_3218 = arith.constant 1024 : i32
      %div3A_3219 = arith.divsi %select_n3A_3217, %jit3A_3218 : i32
      %sign3A_3220 = arith.constant 0 : i32
      %sign3A_3221 = arith.cmpi sgt, %select_n3A_3217, %sign3A_3220 : i32
      %sign3A_3222 = arith.extui %sign3A_3221 : i1 to i32
      %sign3A_3223 = arith.constant 0 : i32
      %sign3A_3224 = arith.cmpi slt, %select_n3A_3217, %sign3A_3223 : i32
      %sign3A_3225 = arith.extui %sign3A_3224 : i1 to i32
      %sign3A_3226 = arith.subi %sign3A_3222, %sign3A_3225 : i32
      %sign3A_3227 = arith.constant 0 : i32
      %sign3A_3228 = arith.cmpi sgt, %jit3A_3218, %sign3A_3227 : i32
      %sign3A_3229 = arith.extui %sign3A_3228 : i1 to i32
      %sign3A_3230 = arith.constant 0 : i32
      %sign3A_3231 = arith.cmpi slt, %jit3A_3218, %sign3A_3230 : i32
      %sign3A_3232 = arith.extui %sign3A_3231 : i1 to i32
      %sign3A_3233 = arith.subi %sign3A_3229, %sign3A_3232 : i32
      %ne3A_3234 = arith.cmpi ne, %sign3A_3226, %sign3A_3233 : i32
      %rem3A_3235 = arith.remsi %select_n3A_3217, %jit3A_3218 : i32
      %ne3A_3236 = arith.constant 0 : i32
      %ne3A_3237 = arith.cmpi ne, %rem3A_3235, %ne3A_3236 : i32
      %and3A_3238 = arith.andi %ne3A_3234, %ne3A_3237 : i1
      %sub3A_3239 = arith.constant 1 : i32
      %sub3A_3240 = arith.subi %div3A_3219, %sub3A_3239 : i32
      %select_n3A_3241 = arith.select %and3A_3238, %sub3A_3240, %div3A_3219 : i32
      %mul3A_3242 = arith.constant 64 : i32
      %mul3A_3243 = arith.muli %select_n3A_3241, %mul3A_3242 : i32
      %dma_wait3A_3244 = arith.constant 0 : i32
      %dma_wait3A_3245 = arith.constant 0 : i32
      %dma_wait3A_3246 = arith.constant 0 : i32
      %dma_wait3A_3247 = tpu.memref_slice %arg6[%dma_wait3A_3244, %dma_wait3A_3245, %dma_wait3A_3246] : memref<4x128x64xf32, #tpu.memory_space<vmem>> -> memref<1x128x64xf32, #tpu.memory_space<vmem>>
      %dma_wait3A_3248 = tpu.memref_squeeze %dma_wait3A_3247 : memref<1x128x64xf32, #tpu.memory_space<vmem>> -> memref<128x64xf32, #tpu.memory_space<vmem>>
      %dma_wait3A_3249 = tpu.memref_slice %arg4[%select_n3A_3123, %add3A_3201, %mul3A_3243] : memref<50x8192x128xf32, #tpu.memory_space<hbm>> -> memref<1x128x64xf32, #tpu.memory_space<hbm>>
      %dma_wait3A_3250 = tpu.memref_squeeze %dma_wait3A_3249 : memref<1x128x64xf32, #tpu.memory_space<hbm>> -> memref<128x64xf32, #tpu.memory_space<hbm>>
      %dma_wait3A_3251 = tpu.memref_slice %arg4[%select_n3A_3123, %add3A_3201, %mul3A_3243] : memref<50x8192x128xf32, #tpu.memory_space<hbm>> -> memref<1x128x64xf32, #tpu.memory_space<hbm>>
      %dma_wait3A_3252 = tpu.memref_squeeze %dma_wait3A_3251 : memref<1x128x64xf32, #tpu.memory_space<hbm>> -> memref<128x64xf32, #tpu.memory_space<hbm>>
      %dma_wait3A_3253 = arith.constant 0 : i32
      %dma_wait3A_3254 = arith.constant 0 : i32
      %dma_wait3A_3255 = tpu.memref_slice %arg6[%dma_wait3A_3244, %dma_wait3A_3253, %dma_wait3A_3254] : memref<4x128x64xf32, #tpu.memory_space<vmem>> -> memref<1x128x64xf32, #tpu.memory_space<vmem>>
      %dma_wait3A_3256 = tpu.memref_squeeze %dma_wait3A_3255 : memref<1x128x64xf32, #tpu.memory_space<vmem>> -> memref<128x64xf32, #tpu.memory_space<vmem>>
      tpu.wait_dma2 semaphore(%arg11 : memref<!tpu.dma_semaphore, #tpu.memory_space<semaphore_mem>>) src(%dma_wait3A_3256 : memref<128x64xf32, #tpu.memory_space<vmem>>) dst(%dma_wait3A_3252 : memref<128x64xf32, #tpu.memory_space<hbm>>)
      %add3A_3257 = arith.constant 4 : i32
      %add3A_3258 = arith.addi %mul3A_1837, %add3A_3257 : i32
      %add3A_3259 = arith.constant 0 : i32
      %add3A_3260 = arith.addi %add3A_3258, %add3A_3259 : i32
      %jit3A_3261 = arith.constant 4 : i32
      %div3A_3262 = arith.divsi %add3A_3260, %jit3A_3261 : i32
      %sign3A_3263 = arith.constant 0 : i32
      %sign3A_3264 = arith.cmpi sgt, %add3A_3260, %sign3A_3263 : i32
      %sign3A_3265 = arith.extui %sign3A_3264 : i1 to i32
      %sign3A_3266 = arith.constant 0 : i32
      %sign3A_3267 = arith.cmpi slt, %add3A_3260, %sign3A_3266 : i32
      %sign3A_3268 = arith.extui %sign3A_3267 : i1 to i32
      %sign3A_3269 = arith.subi %sign3A_3265, %sign3A_3268 : i32
      %sign3A_3270 = arith.constant 0 : i32
      %sign3A_3271 = arith.cmpi sgt, %jit3A_3261, %sign3A_3270 : i32
      %sign3A_3272 = arith.extui %sign3A_3271 : i1 to i32
      %sign3A_3273 = arith.constant 0 : i32
      %sign3A_3274 = arith.cmpi slt, %jit3A_3261, %sign3A_3273 : i32
      %sign3A_3275 = arith.extui %sign3A_3274 : i1 to i32
      %sign3A_3276 = arith.subi %sign3A_3272, %sign3A_3275 : i32
      %ne3A_3277 = arith.cmpi ne, %sign3A_3269, %sign3A_3276 : i32
      %rem3A_3278 = arith.remsi %add3A_3260, %jit3A_3261 : i32
      %ne3A_3279 = arith.constant 0 : i32
      %ne3A_3280 = arith.cmpi ne, %rem3A_3278, %ne3A_3279 : i32
      %and3A_3281 = arith.andi %ne3A_3277, %ne3A_3280 : i1
      %sub3A_3282 = arith.constant 1 : i32
      %sub3A_3283 = arith.subi %div3A_3262, %sub3A_3282 : i32
      %select_n3A_3284 = arith.select %and3A_3281, %sub3A_3283, %div3A_3262 : i32
      %jit3A_3285 = arith.constant 4 : i32
      %eq3A_3286 = arith.constant 0 : i32
      %eq3A_3287 = arith.cmpi eq, %jit3A_3285, %eq3A_3286 : i32
      %jit3A_3288 = arith.constant 1 : i32
      %select_n3A_3289 = arith.select %eq3A_3287, %jit3A_3288, %jit3A_3285 : i32
      %rem3A_3290 = arith.remsi %add3A_3260, %select_n3A_3289 : i32
      %ne3A_3291 = arith.constant 0 : i32
      %ne3A_3292 = arith.cmpi ne, %rem3A_3290, %ne3A_3291 : i32
      %lt3A_3293 = arith.constant 0 : i32
      %lt3A_3294 = arith.cmpi slt, %rem3A_3290, %lt3A_3293 : i32
      %lt3A_3295 = arith.constant 0 : i32
      %lt3A_3296 = arith.cmpi slt, %select_n3A_3289, %lt3A_3295 : i32
      %ne3A_3297 = arith.xori %lt3A_3294, %lt3A_3296 : i1
      %and3A_3298 = arith.andi %ne3A_3297, %ne3A_3292 : i1
      %add3A_3299 = arith.addi %rem3A_3290, %select_n3A_3289 : i32
      %select_n3A_3300 = arith.select %and3A_3298, %add3A_3299, %rem3A_3290 : i32
      %mul3A_3301 = arith.constant 128 : i32
      %mul3A_3302 = arith.muli %select_n3A_3300, %mul3A_3301 : i32
      %add3A_3303 = arith.addi %mul3A_2, %mul3A_3302 : i32
      %jit3A_3304 = arith.constant 2048 : i32
      %div3A_3305 = arith.divsi %add3A_3303, %jit3A_3304 : i32
      %sign3A_3306 = arith.constant 0 : i32
      %sign3A_3307 = arith.cmpi sgt, %add3A_3303, %sign3A_3306 : i32
      %sign3A_3308 = arith.extui %sign3A_3307 : i1 to i32
      %sign3A_3309 = arith.constant 0 : i32
      %sign3A_3310 = arith.cmpi slt, %add3A_3303, %sign3A_3309 : i32
      %sign3A_3311 = arith.extui %sign3A_3310 : i1 to i32
      %sign3A_3312 = arith.subi %sign3A_3308, %sign3A_3311 : i32
      %sign3A_3313 = arith.constant 0 : i32
      %sign3A_3314 = arith.cmpi sgt, %jit3A_3304, %sign3A_3313 : i32
      %sign3A_3315 = arith.extui %sign3A_3314 : i1 to i32
      %sign3A_3316 = arith.constant 0 : i32
      %sign3A_3317 = arith.cmpi slt, %jit3A_3304, %sign3A_3316 : i32
      %sign3A_3318 = arith.extui %sign3A_3317 : i1 to i32
      %sign3A_3319 = arith.subi %sign3A_3315, %sign3A_3318 : i32
      %ne3A_3320 = arith.cmpi ne, %sign3A_3312, %sign3A_3319 : i32
      %rem3A_3321 = arith.remsi %add3A_3303, %jit3A_3304 : i32
      %ne3A_3322 = arith.constant 0 : i32
      %ne3A_3323 = arith.cmpi ne, %rem3A_3321, %ne3A_3322 : i32
      %and3A_3324 = arith.andi %ne3A_3320, %ne3A_3323 : i1
      %sub3A_3325 = arith.constant 1 : i32
      %sub3A_3326 = arith.subi %div3A_3305, %sub3A_3325 : i32
      %select_n3A_3327 = arith.select %and3A_3324, %sub3A_3326, %div3A_3305 : i32
      %mul3A_3328 = arith.constant 1024 : i32
      %mul3A_3329 = arith.muli %select_n3A_3327, %mul3A_3328 : i32
      %jit3A_3330 = arith.constant 2048 : i32
      %eq3A_3331 = arith.constant 0 : i32
      %eq3A_3332 = arith.cmpi eq, %jit3A_3330, %eq3A_3331 : i32
      %jit3A_3333 = arith.constant 1 : i32
      %select_n3A_3334 = arith.select %eq3A_3332, %jit3A_3333, %jit3A_3330 : i32
      %rem3A_3335 = arith.remsi %add3A_3303, %select_n3A_3334 : i32
      %ne3A_3336 = arith.constant 0 : i32
      %ne3A_3337 = arith.cmpi ne, %rem3A_3335, %ne3A_3336 : i32
      %lt3A_3338 = arith.constant 0 : i32
      %lt3A_3339 = arith.cmpi slt, %rem3A_3335, %lt3A_3338 : i32
      %lt3A_3340 = arith.constant 0 : i32
      %lt3A_3341 = arith.cmpi slt, %select_n3A_3334, %lt3A_3340 : i32
      %ne3A_3342 = arith.xori %lt3A_3339, %lt3A_3341 : i1
      %and3A_3343 = arith.andi %ne3A_3342, %ne3A_3337 : i1
      %add3A_3344 = arith.addi %rem3A_3335, %select_n3A_3334 : i32
      %select_n3A_3345 = arith.select %and3A_3343, %add3A_3344, %rem3A_3335 : i32
      %jit3A_3346 = arith.constant 1024 : i32
      %eq3A_3347 = arith.constant 0 : i32
      %eq3A_3348 = arith.cmpi eq, %jit3A_3346, %eq3A_3347 : i32
      %jit3A_3349 = arith.constant 1 : i32
      %select_n3A_3350 = arith.select %eq3A_3348, %jit3A_3349, %jit3A_3346 : i32
      %rem3A_3351 = arith.remsi %select_n3A_3345, %select_n3A_3350 : i32
      %ne3A_3352 = arith.constant 0 : i32
      %ne3A_3353 = arith.cmpi ne, %rem3A_3351, %ne3A_3352 : i32
      %lt3A_3354 = arith.constant 0 : i32
      %lt3A_3355 = arith.cmpi slt, %rem3A_3351, %lt3A_3354 : i32
      %lt3A_3356 = arith.constant 0 : i32
      %lt3A_3357 = arith.cmpi slt, %select_n3A_3350, %lt3A_3356 : i32
      %ne3A_3358 = arith.xori %lt3A_3355, %lt3A_3357 : i1
      %and3A_3359 = arith.andi %ne3A_3358, %ne3A_3353 : i1
      %add3A_3360 = arith.addi %rem3A_3351, %select_n3A_3350 : i32
      %select_n3A_3361 = arith.select %and3A_3359, %add3A_3360, %rem3A_3351 : i32
      %add3A_3362 = arith.addi %mul3A_3329, %select_n3A_3361 : i32
      %jit3A_3363 = arith.constant 2048 : i32
      %eq3A_3364 = arith.constant 0 : i32
      %eq3A_3365 = arith.cmpi eq, %jit3A_3363, %eq3A_3364 : i32
      %jit3A_3366 = arith.constant 1 : i32
      %select_n3A_3367 = arith.select %eq3A_3365, %jit3A_3366, %jit3A_3363 : i32
      %rem3A_3368 = arith.remsi %add3A_3303, %select_n3A_3367 : i32
      %ne3A_3369 = arith.constant 0 : i32
      %ne3A_3370 = arith.cmpi ne, %rem3A_3368, %ne3A_3369 : i32
      %lt3A_3371 = arith.constant 0 : i32
      %lt3A_3372 = arith.cmpi slt, %rem3A_3368, %lt3A_3371 : i32
      %lt3A_3373 = arith.constant 0 : i32
      %lt3A_3374 = arith.cmpi slt, %select_n3A_3367, %lt3A_3373 : i32
      %ne3A_3375 = arith.xori %lt3A_3372, %lt3A_3374 : i1
      %and3A_3376 = arith.andi %ne3A_3375, %ne3A_3370 : i1
      %add3A_3377 = arith.addi %rem3A_3368, %select_n3A_3367 : i32
      %select_n3A_3378 = arith.select %and3A_3376, %add3A_3377, %rem3A_3368 : i32
      %jit3A_3379 = arith.constant 1024 : i32
      %div3A_3380 = arith.divsi %select_n3A_3378, %jit3A_3379 : i32
      %sign3A_3381 = arith.constant 0 : i32
      %sign3A_3382 = arith.cmpi sgt, %select_n3A_3378, %sign3A_3381 : i32
      %sign3A_3383 = arith.extui %sign3A_3382 : i1 to i32
      %sign3A_3384 = arith.constant 0 : i32
      %sign3A_3385 = arith.cmpi slt, %select_n3A_3378, %sign3A_3384 : i32
      %sign3A_3386 = arith.extui %sign3A_3385 : i1 to i32
      %sign3A_3387 = arith.subi %sign3A_3383, %sign3A_3386 : i32
      %sign3A_3388 = arith.constant 0 : i32
      %sign3A_3389 = arith.cmpi sgt, %jit3A_3379, %sign3A_3388 : i32
      %sign3A_3390 = arith.extui %sign3A_3389 : i1 to i32
      %sign3A_3391 = arith.constant 0 : i32
      %sign3A_3392 = arith.cmpi slt, %jit3A_3379, %sign3A_3391 : i32
      %sign3A_3393 = arith.extui %sign3A_3392 : i1 to i32
      %sign3A_3394 = arith.subi %sign3A_3390, %sign3A_3393 : i32
      %ne3A_3395 = arith.cmpi ne, %sign3A_3387, %sign3A_3394 : i32
      %rem3A_3396 = arith.remsi %select_n3A_3378, %jit3A_3379 : i32
      %ne3A_3397 = arith.constant 0 : i32
      %ne3A_3398 = arith.cmpi ne, %rem3A_3396, %ne3A_3397 : i32
      %and3A_3399 = arith.andi %ne3A_3395, %ne3A_3398 : i1
      %sub3A_3400 = arith.constant 1 : i32
      %sub3A_3401 = arith.subi %div3A_3380, %sub3A_3400 : i32
      %select_n3A_3402 = arith.select %and3A_3399, %sub3A_3401, %div3A_3380 : i32
      %mul3A_3403 = arith.constant 128 : i32
      %mul3A_3404 = arith.muli %select_n3A_3300, %mul3A_3403 : i32
      %dma_start3A_3405 = arith.constant 0 : i32
      %dma_start3A_3406 = arith.constant 0 : i32
      %dma_start3A_3407 = arith.constant 0 : i32
      %dma_start3A_3408 = tpu.memref_slice %arg6[%dma_start3A_3405, %dma_start3A_3406, %dma_start3A_3407] : memref<4x128x64xf32, #tpu.memory_space<vmem>> -> memref<1x128x64xf32, #tpu.memory_space<vmem>>
      %dma_start3A_3409 = tpu.memref_squeeze %dma_start3A_3408 : memref<1x128x64xf32, #tpu.memory_space<vmem>> -> memref<128x64xf32, #tpu.memory_space<vmem>>
      %dma_start3A_3410 = tpu.memref_slice %arg5[%select_n3A_3284, %mul3A_3404] : memref<50x512xi32, #tpu.memory_space<vmem>> -> memref<1x128xi32, #tpu.memory_space<vmem>>
      %dma_start3A_3411 = tpu.memref_squeeze %dma_start3A_3410 : memref<1x128xi32, #tpu.memory_space<vmem>> -> memref<128xi32, #tpu.memory_space<vmem>>
      %dma_start3A_3412 = arith.constant 0 : i32
      %dma_start3A_3413 = arith.constant 0 : i32
      %dma_start3A_3414 = tpu.memref_slice %arg2[%dma_start3A_3412, %dma_start3A_3413] : memref<100000x64xf32, #tpu.memory_space<hbm>> -> memref<100000x64xf32, #tpu.memory_space<hbm>>
      tpu.enqueue_indirect_dma source(%dma_start3A_3414 : memref<100000x64xf32, #tpu.memory_space<hbm>>) target(%dma_start3A_3409 : memref<128x64xf32, #tpu.memory_space<vmem>>) offsets(%dma_start3A_3411 : memref<128xi32, #tpu.memory_space<vmem>>) semaphore(%arg7 : memref<!tpu.dma_semaphore, #tpu.memory_space<semaphore_mem>>)
      %add3A_3415 = arith.constant 1 : i32
      %add3A_3416 = arith.addi %mul3A_1837, %add3A_3415 : i32
      %jit3A_3417 = arith.constant 4 : i32
      %div3A_3418 = arith.divsi %add3A_3416, %jit3A_3417 : i32
      %sign3A_3419 = arith.constant 0 : i32
      %sign3A_3420 = arith.cmpi sgt, %add3A_3416, %sign3A_3419 : i32
      %sign3A_3421 = arith.extui %sign3A_3420 : i1 to i32
      %sign3A_3422 = arith.constant 0 : i32
      %sign3A_3423 = arith.cmpi slt, %add3A_3416, %sign3A_3422 : i32
      %sign3A_3424 = arith.extui %sign3A_3423 : i1 to i32
      %sign3A_3425 = arith.subi %sign3A_3421, %sign3A_3424 : i32
      %sign3A_3426 = arith.constant 0 : i32
      %sign3A_3427 = arith.cmpi sgt, %jit3A_3417, %sign3A_3426 : i32
      %sign3A_3428 = arith.extui %sign3A_3427 : i1 to i32
      %sign3A_3429 = arith.constant 0 : i32
      %sign3A_3430 = arith.cmpi slt, %jit3A_3417, %sign3A_3429 : i32
      %sign3A_3431 = arith.extui %sign3A_3430 : i1 to i32
      %sign3A_3432 = arith.subi %sign3A_3428, %sign3A_3431 : i32
      %ne3A_3433 = arith.cmpi ne, %sign3A_3425, %sign3A_3432 : i32
      %rem3A_3434 = arith.remsi %add3A_3416, %jit3A_3417 : i32
      %ne3A_3435 = arith.constant 0 : i32
      %ne3A_3436 = arith.cmpi ne, %rem3A_3434, %ne3A_3435 : i32
      %and3A_3437 = arith.andi %ne3A_3433, %ne3A_3436 : i1
      %sub3A_3438 = arith.constant 1 : i32
      %sub3A_3439 = arith.subi %div3A_3418, %sub3A_3438 : i32
      %select_n3A_3440 = arith.select %and3A_3437, %sub3A_3439, %div3A_3418 : i32
      %jit3A_3441 = arith.constant 4 : i32
      %eq3A_3442 = arith.constant 0 : i32
      %eq3A_3443 = arith.cmpi eq, %jit3A_3441, %eq3A_3442 : i32
      %jit3A_3444 = arith.constant 1 : i32
      %select_n3A_3445 = arith.select %eq3A_3443, %jit3A_3444, %jit3A_3441 : i32
      %rem3A_3446 = arith.remsi %add3A_3416, %select_n3A_3445 : i32
      %ne3A_3447 = arith.constant 0 : i32
      %ne3A_3448 = arith.cmpi ne, %rem3A_3446, %ne3A_3447 : i32
      %lt3A_3449 = arith.constant 0 : i32
      %lt3A_3450 = arith.cmpi slt, %rem3A_3446, %lt3A_3449 : i32
      %lt3A_3451 = arith.constant 0 : i32
      %lt3A_3452 = arith.cmpi slt, %select_n3A_3445, %lt3A_3451 : i32
      %ne3A_3453 = arith.xori %lt3A_3450, %lt3A_3452 : i1
      %and3A_3454 = arith.andi %ne3A_3453, %ne3A_3448 : i1
      %add3A_3455 = arith.addi %rem3A_3446, %select_n3A_3445 : i32
      %select_n3A_3456 = arith.select %and3A_3454, %add3A_3455, %rem3A_3446 : i32
      %mul3A_3457 = arith.constant 128 : i32
      %mul3A_3458 = arith.muli %select_n3A_3456, %mul3A_3457 : i32
      %add3A_3459 = arith.addi %mul3A_2, %mul3A_3458 : i32
      %jit3A_3460 = arith.constant 2048 : i32
      %div3A_3461 = arith.divsi %add3A_3459, %jit3A_3460 : i32
      %sign3A_3462 = arith.constant 0 : i32
      %sign3A_3463 = arith.cmpi sgt, %add3A_3459, %sign3A_3462 : i32
      %sign3A_3464 = arith.extui %sign3A_3463 : i1 to i32
      %sign3A_3465 = arith.constant 0 : i32
      %sign3A_3466 = arith.cmpi slt, %add3A_3459, %sign3A_3465 : i32
      %sign3A_3467 = arith.extui %sign3A_3466 : i1 to i32
      %sign3A_3468 = arith.subi %sign3A_3464, %sign3A_3467 : i32
      %sign3A_3469 = arith.constant 0 : i32
      %sign3A_3470 = arith.cmpi sgt, %jit3A_3460, %sign3A_3469 : i32
      %sign3A_3471 = arith.extui %sign3A_3470 : i1 to i32
      %sign3A_3472 = arith.constant 0 : i32
      %sign3A_3473 = arith.cmpi slt, %jit3A_3460, %sign3A_3472 : i32
      %sign3A_3474 = arith.extui %sign3A_3473 : i1 to i32
      %sign3A_3475 = arith.subi %sign3A_3471, %sign3A_3474 : i32
      %ne3A_3476 = arith.cmpi ne, %sign3A_3468, %sign3A_3475 : i32
      %rem3A_3477 = arith.remsi %add3A_3459, %jit3A_3460 : i32
      %ne3A_3478 = arith.constant 0 : i32
      %ne3A_3479 = arith.cmpi ne, %rem3A_3477, %ne3A_3478 : i32
      %and3A_3480 = arith.andi %ne3A_3476, %ne3A_3479 : i1
      %sub3A_3481 = arith.constant 1 : i32
      %sub3A_3482 = arith.subi %div3A_3461, %sub3A_3481 : i32
      %select_n3A_3483 = arith.select %and3A_3480, %sub3A_3482, %div3A_3461 : i32
      %mul3A_3484 = arith.constant 1024 : i32
      %mul3A_3485 = arith.muli %select_n3A_3483, %mul3A_3484 : i32
      %jit3A_3486 = arith.constant 2048 : i32
      %eq3A_3487 = arith.constant 0 : i32
      %eq3A_3488 = arith.cmpi eq, %jit3A_3486, %eq3A_3487 : i32
      %jit3A_3489 = arith.constant 1 : i32
      %select_n3A_3490 = arith.select %eq3A_3488, %jit3A_3489, %jit3A_3486 : i32
      %rem3A_3491 = arith.remsi %add3A_3459, %select_n3A_3490 : i32
      %ne3A_3492 = arith.constant 0 : i32
      %ne3A_3493 = arith.cmpi ne, %rem3A_3491, %ne3A_3492 : i32
      %lt3A_3494 = arith.constant 0 : i32
      %lt3A_3495 = arith.cmpi slt, %rem3A_3491, %lt3A_3494 : i32
      %lt3A_3496 = arith.constant 0 : i32
      %lt3A_3497 = arith.cmpi slt, %select_n3A_3490, %lt3A_3496 : i32
      %ne3A_3498 = arith.xori %lt3A_3495, %lt3A_3497 : i1
      %and3A_3499 = arith.andi %ne3A_3498, %ne3A_3493 : i1
      %add3A_3500 = arith.addi %rem3A_3491, %select_n3A_3490 : i32
      %select_n3A_3501 = arith.select %and3A_3499, %add3A_3500, %rem3A_3491 : i32
      %jit3A_3502 = arith.constant 1024 : i32
      %eq3A_3503 = arith.constant 0 : i32
      %eq3A_3504 = arith.cmpi eq, %jit3A_3502, %eq3A_3503 : i32
      %jit3A_3505 = arith.constant 1 : i32
      %select_n3A_3506 = arith.select %eq3A_3504, %jit3A_3505, %jit3A_3502 : i32
      %rem3A_3507 = arith.remsi %select_n3A_3501, %select_n3A_3506 : i32
      %ne3A_3508 = arith.constant 0 : i32
      %ne3A_3509 = arith.cmpi ne, %rem3A_3507, %ne3A_3508 : i32
      %lt3A_3510 = arith.constant 0 : i32
      %lt3A_3511 = arith.cmpi slt, %rem3A_3507, %lt3A_3510 : i32
      %lt3A_3512 = arith.constant 0 : i32
      %lt3A_3513 = arith.cmpi slt, %select_n3A_3506, %lt3A_3512 : i32
      %ne3A_3514 = arith.xori %lt3A_3511, %lt3A_3513 : i1
      %and3A_3515 = arith.andi %ne3A_3514, %ne3A_3509 : i1
      %add3A_3516 = arith.addi %rem3A_3507, %select_n3A_3506 : i32
      %select_n3A_3517 = arith.select %and3A_3515, %add3A_3516, %rem3A_3507 : i32
      %add3A_3518 = arith.addi %mul3A_3485, %select_n3A_3517 : i32
      %jit3A_3519 = arith.constant 2048 : i32
      %eq3A_3520 = arith.constant 0 : i32
      %eq3A_3521 = arith.cmpi eq, %jit3A_3519, %eq3A_3520 : i32
      %jit3A_3522 = arith.constant 1 : i32
      %select_n3A_3523 = arith.select %eq3A_3521, %jit3A_3522, %jit3A_3519 : i32
      %rem3A_3524 = arith.remsi %add3A_3459, %select_n3A_3523 : i32
      %ne3A_3525 = arith.constant 0 : i32
      %ne3A_3526 = arith.cmpi ne, %rem3A_3524, %ne3A_3525 : i32
      %lt3A_3527 = arith.constant 0 : i32
      %lt3A_3528 = arith.cmpi slt, %rem3A_3524, %lt3A_3527 : i32
      %lt3A_3529 = arith.constant 0 : i32
      %lt3A_3530 = arith.cmpi slt, %select_n3A_3523, %lt3A_3529 : i32
      %ne3A_3531 = arith.xori %lt3A_3528, %lt3A_3530 : i1
      %and3A_3532 = arith.andi %ne3A_3531, %ne3A_3526 : i1
      %add3A_3533 = arith.addi %rem3A_3524, %select_n3A_3523 : i32
      %select_n3A_3534 = arith.select %and3A_3532, %add3A_3533, %rem3A_3524 : i32
      %jit3A_3535 = arith.constant 1024 : i32
      %div3A_3536 = arith.divsi %select_n3A_3534, %jit3A_3535 : i32
      %sign3A_3537 = arith.constant 0 : i32
      %sign3A_3538 = arith.cmpi sgt, %select_n3A_3534, %sign3A_3537 : i32
      %sign3A_3539 = arith.extui %sign3A_3538 : i1 to i32
      %sign3A_3540 = arith.constant 0 : i32
      %sign3A_3541 = arith.cmpi slt, %select_n3A_3534, %sign3A_3540 : i32
      %sign3A_3542 = arith.extui %sign3A_3541 : i1 to i32
      %sign3A_3543 = arith.subi %sign3A_3539, %sign3A_3542 : i32
      %sign3A_3544 = arith.constant 0 : i32
      %sign3A_3545 = arith.cmpi sgt, %jit3A_3535, %sign3A_3544 : i32
      %sign3A_3546 = arith.extui %sign3A_3545 : i1 to i32
      %sign3A_3547 = arith.constant 0 : i32
      %sign3A_3548 = arith.cmpi slt, %jit3A_3535, %sign3A_3547 : i32
      %sign3A_3549 = arith.extui %sign3A_3548 : i1 to i32
      %sign3A_3550 = arith.subi %sign3A_3546, %sign3A_3549 : i32
      %ne3A_3551 = arith.cmpi ne, %sign3A_3543, %sign3A_3550 : i32
      %rem3A_3552 = arith.remsi %select_n3A_3534, %jit3A_3535 : i32
      %ne3A_3553 = arith.constant 0 : i32
      %ne3A_3554 = arith.cmpi ne, %rem3A_3552, %ne3A_3553 : i32
      %and3A_3555 = arith.andi %ne3A_3551, %ne3A_3554 : i1
      %sub3A_3556 = arith.constant 1 : i32
      %sub3A_3557 = arith.subi %div3A_3536, %sub3A_3556 : i32
      %select_n3A_3558 = arith.select %and3A_3555, %sub3A_3557, %div3A_3536 : i32
      %mul3A_3559 = arith.constant 64 : i32
      %mul3A_3560 = arith.muli %select_n3A_3558, %mul3A_3559 : i32
      %dma_wait3A_3561 = arith.constant 1 : i32
      %dma_wait3A_3562 = arith.constant 0 : i32
      %dma_wait3A_3563 = arith.constant 0 : i32
      %dma_wait3A_3564 = tpu.memref_slice %arg6[%dma_wait3A_3561, %dma_wait3A_3562, %dma_wait3A_3563] : memref<4x128x64xf32, #tpu.memory_space<vmem>> -> memref<1x128x64xf32, #tpu.memory_space<vmem>>
      %dma_wait3A_3565 = tpu.memref_squeeze %dma_wait3A_3564 : memref<1x128x64xf32, #tpu.memory_space<vmem>> -> memref<128x64xf32, #tpu.memory_space<vmem>>
      %dma_wait3A_3566 = tpu.memref_slice %arg4[%select_n3A_3440, %add3A_3518, %mul3A_3560] : memref<50x8192x128xf32, #tpu.memory_space<hbm>> -> memref<1x128x64xf32, #tpu.memory_space<hbm>>
      %dma_wait3A_3567 = tpu.memref_squeeze %dma_wait3A_3566 : memref<1x128x64xf32, #tpu.memory_space<hbm>> -> memref<128x64xf32, #tpu.memory_space<hbm>>
      %dma_wait3A_3568 = tpu.memref_slice %arg4[%select_n3A_3440, %add3A_3518, %mul3A_3560] : memref<50x8192x128xf32, #tpu.memory_space<hbm>> -> memref<1x128x64xf32, #tpu.memory_space<hbm>>
      %dma_wait3A_3569 = tpu.memref_squeeze %dma_wait3A_3568 : memref<1x128x64xf32, #tpu.memory_space<hbm>> -> memref<128x64xf32, #tpu.memory_space<hbm>>
      %dma_wait3A_3570 = arith.constant 0 : i32
      %dma_wait3A_3571 = arith.constant 0 : i32
      %dma_wait3A_3572 = tpu.memref_slice %arg6[%dma_wait3A_3561, %dma_wait3A_3570, %dma_wait3A_3571] : memref<4x128x64xf32, #tpu.memory_space<vmem>> -> memref<1x128x64xf32, #tpu.memory_space<vmem>>
      %dma_wait3A_3573 = tpu.memref_squeeze %dma_wait3A_3572 : memref<1x128x64xf32, #tpu.memory_space<vmem>> -> memref<128x64xf32, #tpu.memory_space<vmem>>
      tpu.wait_dma2 semaphore(%arg12 : memref<!tpu.dma_semaphore, #tpu.memory_space<semaphore_mem>>) src(%dma_wait3A_3573 : memref<128x64xf32, #tpu.memory_space<vmem>>) dst(%dma_wait3A_3569 : memref<128x64xf32, #tpu.memory_space<hbm>>)
      %add3A_3574 = arith.constant 4 : i32
      %add3A_3575 = arith.addi %mul3A_1837, %add3A_3574 : i32
      %add3A_3576 = arith.constant 1 : i32
      %add3A_3577 = arith.addi %add3A_3575, %add3A_3576 : i32
      %jit3A_3578 = arith.constant 4 : i32
      %div3A_3579 = arith.divsi %add3A_3577, %jit3A_3578 : i32
      %sign3A_3580 = arith.constant 0 : i32
      %sign3A_3581 = arith.cmpi sgt, %add3A_3577, %sign3A_3580 : i32
      %sign3A_3582 = arith.extui %sign3A_3581 : i1 to i32
      %sign3A_3583 = arith.constant 0 : i32
      %sign3A_3584 = arith.cmpi slt, %add3A_3577, %sign3A_3583 : i32
      %sign3A_3585 = arith.extui %sign3A_3584 : i1 to i32
      %sign3A_3586 = arith.subi %sign3A_3582, %sign3A_3585 : i32
      %sign3A_3587 = arith.constant 0 : i32
      %sign3A_3588 = arith.cmpi sgt, %jit3A_3578, %sign3A_3587 : i32
      %sign3A_3589 = arith.extui %sign3A_3588 : i1 to i32
      %sign3A_3590 = arith.constant 0 : i32
      %sign3A_3591 = arith.cmpi slt, %jit3A_3578, %sign3A_3590 : i32
      %sign3A_3592 = arith.extui %sign3A_3591 : i1 to i32
      %sign3A_3593 = arith.subi %sign3A_3589, %sign3A_3592 : i32
      %ne3A_3594 = arith.cmpi ne, %sign3A_3586, %sign3A_3593 : i32
      %rem3A_3595 = arith.remsi %add3A_3577, %jit3A_3578 : i32
      %ne3A_3596 = arith.constant 0 : i32
      %ne3A_3597 = arith.cmpi ne, %rem3A_3595, %ne3A_3596 : i32
      %and3A_3598 = arith.andi %ne3A_3594, %ne3A_3597 : i1
      %sub3A_3599 = arith.constant 1 : i32
      %sub3A_3600 = arith.subi %div3A_3579, %sub3A_3599 : i32
      %select_n3A_3601 = arith.select %and3A_3598, %sub3A_3600, %div3A_3579 : i32
      %jit3A_3602 = arith.constant 4 : i32
      %eq3A_3603 = arith.constant 0 : i32
      %eq3A_3604 = arith.cmpi eq, %jit3A_3602, %eq3A_3603 : i32
      %jit3A_3605 = arith.constant 1 : i32
      %select_n3A_3606 = arith.select %eq3A_3604, %jit3A_3605, %jit3A_3602 : i32
      %rem3A_3607 = arith.remsi %add3A_3577, %select_n3A_3606 : i32
      %ne3A_3608 = arith.constant 0 : i32
      %ne3A_3609 = arith.cmpi ne, %rem3A_3607, %ne3A_3608 : i32
      %lt3A_3610 = arith.constant 0 : i32
      %lt3A_3611 = arith.cmpi slt, %rem3A_3607, %lt3A_3610 : i32
      %lt3A_3612 = arith.constant 0 : i32
      %lt3A_3613 = arith.cmpi slt, %select_n3A_3606, %lt3A_3612 : i32
      %ne3A_3614 = arith.xori %lt3A_3611, %lt3A_3613 : i1
      %and3A_3615 = arith.andi %ne3A_3614, %ne3A_3609 : i1
      %add3A_3616 = arith.addi %rem3A_3607, %select_n3A_3606 : i32
      %select_n3A_3617 = arith.select %and3A_3615, %add3A_3616, %rem3A_3607 : i32
      %mul3A_3618 = arith.constant 128 : i32
      %mul3A_3619 = arith.muli %select_n3A_3617, %mul3A_3618 : i32
      %add3A_3620 = arith.addi %mul3A_2, %mul3A_3619 : i32
      %jit3A_3621 = arith.constant 2048 : i32
      %div3A_3622 = arith.divsi %add3A_3620, %jit3A_3621 : i32
      %sign3A_3623 = arith.constant 0 : i32
      %sign3A_3624 = arith.cmpi sgt, %add3A_3620, %sign3A_3623 : i32
      %sign3A_3625 = arith.extui %sign3A_3624 : i1 to i32
      %sign3A_3626 = arith.constant 0 : i32
      %sign3A_3627 = arith.cmpi slt, %add3A_3620, %sign3A_3626 : i32
      %sign3A_3628 = arith.extui %sign3A_3627 : i1 to i32
      %sign3A_3629 = arith.subi %sign3A_3625, %sign3A_3628 : i32
      %sign3A_3630 = arith.constant 0 : i32
      %sign3A_3631 = arith.cmpi sgt, %jit3A_3621, %sign3A_3630 : i32
      %sign3A_3632 = arith.extui %sign3A_3631 : i1 to i32
      %sign3A_3633 = arith.constant 0 : i32
      %sign3A_3634 = arith.cmpi slt, %jit3A_3621, %sign3A_3633 : i32
      %sign3A_3635 = arith.extui %sign3A_3634 : i1 to i32
      %sign3A_3636 = arith.subi %sign3A_3632, %sign3A_3635 : i32
      %ne3A_3637 = arith.cmpi ne, %sign3A_3629, %sign3A_3636 : i32
      %rem3A_3638 = arith.remsi %add3A_3620, %jit3A_3621 : i32
      %ne3A_3639 = arith.constant 0 : i32
      %ne3A_3640 = arith.cmpi ne, %rem3A_3638, %ne3A_3639 : i32
      %and3A_3641 = arith.andi %ne3A_3637, %ne3A_3640 : i1
      %sub3A_3642 = arith.constant 1 : i32
      %sub3A_3643 = arith.subi %div3A_3622, %sub3A_3642 : i32
      %select_n3A_3644 = arith.select %and3A_3641, %sub3A_3643, %div3A_3622 : i32
      %mul3A_3645 = arith.constant 1024 : i32
      %mul3A_3646 = arith.muli %select_n3A_3644, %mul3A_3645 : i32
      %jit3A_3647 = arith.constant 2048 : i32
      %eq3A_3648 = arith.constant 0 : i32
      %eq3A_3649 = arith.cmpi eq, %jit3A_3647, %eq3A_3648 : i32
      %jit3A_3650 = arith.constant 1 : i32
      %select_n3A_3651 = arith.select %eq3A_3649, %jit3A_3650, %jit3A_3647 : i32
      %rem3A_3652 = arith.remsi %add3A_3620, %select_n3A_3651 : i32
      %ne3A_3653 = arith.constant 0 : i32
      %ne3A_3654 = arith.cmpi ne, %rem3A_3652, %ne3A_3653 : i32
      %lt3A_3655 = arith.constant 0 : i32
      %lt3A_3656 = arith.cmpi slt, %rem3A_3652, %lt3A_3655 : i32
      %lt3A_3657 = arith.constant 0 : i32
      %lt3A_3658 = arith.cmpi slt, %select_n3A_3651, %lt3A_3657 : i32
      %ne3A_3659 = arith.xori %lt3A_3656, %lt3A_3658 : i1
      %and3A_3660 = arith.andi %ne3A_3659, %ne3A_3654 : i1
      %add3A_3661 = arith.addi %rem3A_3652, %select_n3A_3651 : i32
      %select_n3A_3662 = arith.select %and3A_3660, %add3A_3661, %rem3A_3652 : i32
      %jit3A_3663 = arith.constant 1024 : i32
      %eq3A_3664 = arith.constant 0 : i32
      %eq3A_3665 = arith.cmpi eq, %jit3A_3663, %eq3A_3664 : i32
      %jit3A_3666 = arith.constant 1 : i32
      %select_n3A_3667 = arith.select %eq3A_3665, %jit3A_3666, %jit3A_3663 : i32
      %rem3A_3668 = arith.remsi %select_n3A_3662, %select_n3A_3667 : i32
      %ne3A_3669 = arith.constant 0 : i32
      %ne3A_3670 = arith.cmpi ne, %rem3A_3668, %ne3A_3669 : i32
      %lt3A_3671 = arith.constant 0 : i32
      %lt3A_3672 = arith.cmpi slt, %rem3A_3668, %lt3A_3671 : i32
      %lt3A_3673 = arith.constant 0 : i32
      %lt3A_3674 = arith.cmpi slt, %select_n3A_3667, %lt3A_3673 : i32
      %ne3A_3675 = arith.xori %lt3A_3672, %lt3A_3674 : i1
      %and3A_3676 = arith.andi %ne3A_3675, %ne3A_3670 : i1
      %add3A_3677 = arith.addi %rem3A_3668, %select_n3A_3667 : i32
      %select_n3A_3678 = arith.select %and3A_3676, %add3A_3677, %rem3A_3668 : i32
      %add3A_3679 = arith.addi %mul3A_3646, %select_n3A_3678 : i32
      %jit3A_3680 = arith.constant 2048 : i32
      %eq3A_3681 = arith.constant 0 : i32
      %eq3A_3682 = arith.cmpi eq, %jit3A_3680, %eq3A_3681 : i32
      %jit3A_3683 = arith.constant 1 : i32
      %select_n3A_3684 = arith.select %eq3A_3682, %jit3A_3683, %jit3A_3680 : i32
      %rem3A_3685 = arith.remsi %add3A_3620, %select_n3A_3684 : i32
      %ne3A_3686 = arith.constant 0 : i32
      %ne3A_3687 = arith.cmpi ne, %rem3A_3685, %ne3A_3686 : i32
      %lt3A_3688 = arith.constant 0 : i32
      %lt3A_3689 = arith.cmpi slt, %rem3A_3685, %lt3A_3688 : i32
      %lt3A_3690 = arith.constant 0 : i32
      %lt3A_3691 = arith.cmpi slt, %select_n3A_3684, %lt3A_3690 : i32
      %ne3A_3692 = arith.xori %lt3A_3689, %lt3A_3691 : i1
      %and3A_3693 = arith.andi %ne3A_3692, %ne3A_3687 : i1
      %add3A_3694 = arith.addi %rem3A_3685, %select_n3A_3684 : i32
      %select_n3A_3695 = arith.select %and3A_3693, %add3A_3694, %rem3A_3685 : i32
      %jit3A_3696 = arith.constant 1024 : i32
      %div3A_3697 = arith.divsi %select_n3A_3695, %jit3A_3696 : i32
      %sign3A_3698 = arith.constant 0 : i32
      %sign3A_3699 = arith.cmpi sgt, %select_n3A_3695, %sign3A_3698 : i32
      %sign3A_3700 = arith.extui %sign3A_3699 : i1 to i32
      %sign3A_3701 = arith.constant 0 : i32
      %sign3A_3702 = arith.cmpi slt, %select_n3A_3695, %sign3A_3701 : i32
      %sign3A_3703 = arith.extui %sign3A_3702 : i1 to i32
      %sign3A_3704 = arith.subi %sign3A_3700, %sign3A_3703 : i32
      %sign3A_3705 = arith.constant 0 : i32
      %sign3A_3706 = arith.cmpi sgt, %jit3A_3696, %sign3A_3705 : i32
      %sign3A_3707 = arith.extui %sign3A_3706 : i1 to i32
      %sign3A_3708 = arith.constant 0 : i32
      %sign3A_3709 = arith.cmpi slt, %jit3A_3696, %sign3A_3708 : i32
      %sign3A_3710 = arith.extui %sign3A_3709 : i1 to i32
      %sign3A_3711 = arith.subi %sign3A_3707, %sign3A_3710 : i32
      %ne3A_3712 = arith.cmpi ne, %sign3A_3704, %sign3A_3711 : i32
      %rem3A_3713 = arith.remsi %select_n3A_3695, %jit3A_3696 : i32
      %ne3A_3714 = arith.constant 0 : i32
      %ne3A_3715 = arith.cmpi ne, %rem3A_3713, %ne3A_3714 : i32
      %and3A_3716 = arith.andi %ne3A_3712, %ne3A_3715 : i1
      %sub3A_3717 = arith.constant 1 : i32
      %sub3A_3718 = arith.subi %div3A_3697, %sub3A_3717 : i32
      %select_n3A_3719 = arith.select %and3A_3716, %sub3A_3718, %div3A_3697 : i32
      %mul3A_3720 = arith.constant 128 : i32
      %mul3A_3721 = arith.muli %select_n3A_3617, %mul3A_3720 : i32
      %dma_start3A_3722 = arith.constant 1 : i32
      %dma_start3A_3723 = arith.constant 0 : i32
      %dma_start3A_3724 = arith.constant 0 : i32
      %dma_start3A_3725 = tpu.memref_slice %arg6[%dma_start3A_3722, %dma_start3A_3723, %dma_start3A_3724] : memref<4x128x64xf32, #tpu.memory_space<vmem>> -> memref<1x128x64xf32, #tpu.memory_space<vmem>>
      %dma_start3A_3726 = tpu.memref_squeeze %dma_start3A_3725 : memref<1x128x64xf32, #tpu.memory_space<vmem>> -> memref<128x64xf32, #tpu.memory_space<vmem>>
      %dma_start3A_3727 = tpu.memref_slice %arg5[%select_n3A_3601, %mul3A_3721] : memref<50x512xi32, #tpu.memory_space<vmem>> -> memref<1x128xi32, #tpu.memory_space<vmem>>
      %dma_start3A_3728 = tpu.memref_squeeze %dma_start3A_3727 : memref<1x128xi32, #tpu.memory_space<vmem>> -> memref<128xi32, #tpu.memory_space<vmem>>
      %dma_start3A_3729 = arith.constant 0 : i32
      %dma_start3A_3730 = arith.constant 0 : i32
      %dma_start3A_3731 = tpu.memref_slice %arg2[%dma_start3A_3729, %dma_start3A_3730] : memref<100000x64xf32, #tpu.memory_space<hbm>> -> memref<100000x64xf32, #tpu.memory_space<hbm>>
      tpu.enqueue_indirect_dma source(%dma_start3A_3731 : memref<100000x64xf32, #tpu.memory_space<hbm>>) target(%dma_start3A_3726 : memref<128x64xf32, #tpu.memory_space<vmem>>) offsets(%dma_start3A_3728 : memref<128xi32, #tpu.memory_space<vmem>>) semaphore(%arg8 : memref<!tpu.dma_semaphore, #tpu.memory_space<semaphore_mem>>)
      %add3A_3732 = arith.constant 2 : i32
      %add3A_3733 = arith.addi %mul3A_1837, %add3A_3732 : i32
      %jit3A_3734 = arith.constant 4 : i32
      %div3A_3735 = arith.divsi %add3A_3733, %jit3A_3734 : i32
      %sign3A_3736 = arith.constant 0 : i32
      %sign3A_3737 = arith.cmpi sgt, %add3A_3733, %sign3A_3736 : i32
      %sign3A_3738 = arith.extui %sign3A_3737 : i1 to i32
      %sign3A_3739 = arith.constant 0 : i32
      %sign3A_3740 = arith.cmpi slt, %add3A_3733, %sign3A_3739 : i32
      %sign3A_3741 = arith.extui %sign3A_3740 : i1 to i32
      %sign3A_3742 = arith.subi %sign3A_3738, %sign3A_3741 : i32
      %sign3A_3743 = arith.constant 0 : i32
      %sign3A_3744 = arith.cmpi sgt, %jit3A_3734, %sign3A_3743 : i32
      %sign3A_3745 = arith.extui %sign3A_3744 : i1 to i32
      %sign3A_3746 = arith.constant 0 : i32
      %sign3A_3747 = arith.cmpi slt, %jit3A_3734, %sign3A_3746 : i32
      %sign3A_3748 = arith.extui %sign3A_3747 : i1 to i32
      %sign3A_3749 = arith.subi %sign3A_3745, %sign3A_3748 : i32
      %ne3A_3750 = arith.cmpi ne, %sign3A_3742, %sign3A_3749 : i32
      %rem3A_3751 = arith.remsi %add3A_3733, %jit3A_3734 : i32
      %ne3A_3752 = arith.constant 0 : i32
      %ne3A_3753 = arith.cmpi ne, %rem3A_3751, %ne3A_3752 : i32
      %and3A_3754 = arith.andi %ne3A_3750, %ne3A_3753 : i1
      %sub3A_3755 = arith.constant 1 : i32
      %sub3A_3756 = arith.subi %div3A_3735, %sub3A_3755 : i32
      %select_n3A_3757 = arith.select %and3A_3754, %sub3A_3756, %div3A_3735 : i32
      %jit3A_3758 = arith.constant 4 : i32
      %eq3A_3759 = arith.constant 0 : i32
      %eq3A_3760 = arith.cmpi eq, %jit3A_3758, %eq3A_3759 : i32
      %jit3A_3761 = arith.constant 1 : i32
      %select_n3A_3762 = arith.select %eq3A_3760, %jit3A_3761, %jit3A_3758 : i32
      %rem3A_3763 = arith.remsi %add3A_3733, %select_n3A_3762 : i32
      %ne3A_3764 = arith.constant 0 : i32
      %ne3A_3765 = arith.cmpi ne, %rem3A_3763, %ne3A_3764 : i32
      %lt3A_3766 = arith.constant 0 : i32
      %lt3A_3767 = arith.cmpi slt, %rem3A_3763, %lt3A_3766 : i32
      %lt3A_3768 = arith.constant 0 : i32
      %lt3A_3769 = arith.cmpi slt, %select_n3A_3762, %lt3A_3768 : i32
      %ne3A_3770 = arith.xori %lt3A_3767, %lt3A_3769 : i1
      %and3A_3771 = arith.andi %ne3A_3770, %ne3A_3765 : i1
      %add3A_3772 = arith.addi %rem3A_3763, %select_n3A_3762 : i32
      %select_n3A_3773 = arith.select %and3A_3771, %add3A_3772, %rem3A_3763 : i32
      %mul3A_3774 = arith.constant 128 : i32
      %mul3A_3775 = arith.muli %select_n3A_3773, %mul3A_3774 : i32
      %add3A_3776 = arith.addi %mul3A_2, %mul3A_3775 : i32
      %jit3A_3777 = arith.constant 2048 : i32
      %div3A_3778 = arith.divsi %add3A_3776, %jit3A_3777 : i32
      %sign3A_3779 = arith.constant 0 : i32
      %sign3A_3780 = arith.cmpi sgt, %add3A_3776, %sign3A_3779 : i32
      %sign3A_3781 = arith.extui %sign3A_3780 : i1 to i32
      %sign3A_3782 = arith.constant 0 : i32
      %sign3A_3783 = arith.cmpi slt, %add3A_3776, %sign3A_3782 : i32
      %sign3A_3784 = arith.extui %sign3A_3783 : i1 to i32
      %sign3A_3785 = arith.subi %sign3A_3781, %sign3A_3784 : i32
      %sign3A_3786 = arith.constant 0 : i32
      %sign3A_3787 = arith.cmpi sgt, %jit3A_3777, %sign3A_3786 : i32
      %sign3A_3788 = arith.extui %sign3A_3787 : i1 to i32
      %sign3A_3789 = arith.constant 0 : i32
      %sign3A_3790 = arith.cmpi slt, %jit3A_3777, %sign3A_3789 : i32
      %sign3A_3791 = arith.extui %sign3A_3790 : i1 to i32
      %sign3A_3792 = arith.subi %sign3A_3788, %sign3A_3791 : i32
      %ne3A_3793 = arith.cmpi ne, %sign3A_3785, %sign3A_3792 : i32
      %rem3A_3794 = arith.remsi %add3A_3776, %jit3A_3777 : i32
      %ne3A_3795 = arith.constant 0 : i32
      %ne3A_3796 = arith.cmpi ne, %rem3A_3794, %ne3A_3795 : i32
      %and3A_3797 = arith.andi %ne3A_3793, %ne3A_3796 : i1
      %sub3A_3798 = arith.constant 1 : i32
      %sub3A_3799 = arith.subi %div3A_3778, %sub3A_3798 : i32
      %select_n3A_3800 = arith.select %and3A_3797, %sub3A_3799, %div3A_3778 : i32
      %mul3A_3801 = arith.constant 1024 : i32
      %mul3A_3802 = arith.muli %select_n3A_3800, %mul3A_3801 : i32
      %jit3A_3803 = arith.constant 2048 : i32
      %eq3A_3804 = arith.constant 0 : i32
      %eq3A_3805 = arith.cmpi eq, %jit3A_3803, %eq3A_3804 : i32
      %jit3A_3806 = arith.constant 1 : i32
      %select_n3A_3807 = arith.select %eq3A_3805, %jit3A_3806, %jit3A_3803 : i32
      %rem3A_3808 = arith.remsi %add3A_3776, %select_n3A_3807 : i32
      %ne3A_3809 = arith.constant 0 : i32
      %ne3A_3810 = arith.cmpi ne, %rem3A_3808, %ne3A_3809 : i32
      %lt3A_3811 = arith.constant 0 : i32
      %lt3A_3812 = arith.cmpi slt, %rem3A_3808, %lt3A_3811 : i32
      %lt3A_3813 = arith.constant 0 : i32
      %lt3A_3814 = arith.cmpi slt, %select_n3A_3807, %lt3A_3813 : i32
      %ne3A_3815 = arith.xori %lt3A_3812, %lt3A_3814 : i1
      %and3A_3816 = arith.andi %ne3A_3815, %ne3A_3810 : i1
      %add3A_3817 = arith.addi %rem3A_3808, %select_n3A_3807 : i32
      %select_n3A_3818 = arith.select %and3A_3816, %add3A_3817, %rem3A_3808 : i32
      %jit3A_3819 = arith.constant 1024 : i32
      %eq3A_3820 = arith.constant 0 : i32
      %eq3A_3821 = arith.cmpi eq, %jit3A_3819, %eq3A_3820 : i32
      %jit3A_3822 = arith.constant 1 : i32
      %select_n3A_3823 = arith.select %eq3A_3821, %jit3A_3822, %jit3A_3819 : i32
      %rem3A_3824 = arith.remsi %select_n3A_3818, %select_n3A_3823 : i32
      %ne3A_3825 = arith.constant 0 : i32
      %ne3A_3826 = arith.cmpi ne, %rem3A_3824, %ne3A_3825 : i32
      %lt3A_3827 = arith.constant 0 : i32
      %lt3A_3828 = arith.cmpi slt, %rem3A_3824, %lt3A_3827 : i32
      %lt3A_3829 = arith.constant 0 : i32
      %lt3A_3830 = arith.cmpi slt, %select_n3A_3823, %lt3A_3829 : i32
      %ne3A_3831 = arith.xori %lt3A_3828, %lt3A_3830 : i1
      %and3A_3832 = arith.andi %ne3A_3831, %ne3A_3826 : i1
      %add3A_3833 = arith.addi %rem3A_3824, %select_n3A_3823 : i32
      %select_n3A_3834 = arith.select %and3A_3832, %add3A_3833, %rem3A_3824 : i32
      %add3A_3835 = arith.addi %mul3A_3802, %select_n3A_3834 : i32
      %jit3A_3836 = arith.constant 2048 : i32
      %eq3A_3837 = arith.constant 0 : i32
      %eq3A_3838 = arith.cmpi eq, %jit3A_3836, %eq3A_3837 : i32
      %jit3A_3839 = arith.constant 1 : i32
      %select_n3A_3840 = arith.select %eq3A_3838, %jit3A_3839, %jit3A_3836 : i32
      %rem3A_3841 = arith.remsi %add3A_3776, %select_n3A_3840 : i32
      %ne3A_3842 = arith.constant 0 : i32
      %ne3A_3843 = arith.cmpi ne, %rem3A_3841, %ne3A_3842 : i32
      %lt3A_3844 = arith.constant 0 : i32
      %lt3A_3845 = arith.cmpi slt, %rem3A_3841, %lt3A_3844 : i32
      %lt3A_3846 = arith.constant 0 : i32
      %lt3A_3847 = arith.cmpi slt, %select_n3A_3840, %lt3A_3846 : i32
      %ne3A_3848 = arith.xori %lt3A_3845, %lt3A_3847 : i1
      %and3A_3849 = arith.andi %ne3A_3848, %ne3A_3843 : i1
      %add3A_3850 = arith.addi %rem3A_3841, %select_n3A_3840 : i32
      %select_n3A_3851 = arith.select %and3A_3849, %add3A_3850, %rem3A_3841 : i32
      %jit3A_3852 = arith.constant 1024 : i32
      %div3A_3853 = arith.divsi %select_n3A_3851, %jit3A_3852 : i32
      %sign3A_3854 = arith.constant 0 : i32
      %sign3A_3855 = arith.cmpi sgt, %select_n3A_3851, %sign3A_3854 : i32
      %sign3A_3856 = arith.extui %sign3A_3855 : i1 to i32
      %sign3A_3857 = arith.constant 0 : i32
      %sign3A_3858 = arith.cmpi slt, %select_n3A_3851, %sign3A_3857 : i32
      %sign3A_3859 = arith.extui %sign3A_3858 : i1 to i32
      %sign3A_3860 = arith.subi %sign3A_3856, %sign3A_3859 : i32
      %sign3A_3861 = arith.constant 0 : i32
      %sign3A_3862 = arith.cmpi sgt, %jit3A_3852, %sign3A_3861 : i32
      %sign3A_3863 = arith.extui %sign3A_3862 : i1 to i32
      %sign3A_3864 = arith.constant 0 : i32
      %sign3A_3865 = arith.cmpi slt, %jit3A_3852, %sign3A_3864 : i32
      %sign3A_3866 = arith.extui %sign3A_3865 : i1 to i32
      %sign3A_3867 = arith.subi %sign3A_3863, %sign3A_3866 : i32
      %ne3A_3868 = arith.cmpi ne, %sign3A_3860, %sign3A_3867 : i32
      %rem3A_3869 = arith.remsi %select_n3A_3851, %jit3A_3852 : i32
      %ne3A_3870 = arith.constant 0 : i32
      %ne3A_3871 = arith.cmpi ne, %rem3A_3869, %ne3A_3870 : i32
      %and3A_3872 = arith.andi %ne3A_3868, %ne3A_3871 : i1
      %sub3A_3873 = arith.constant 1 : i32
      %sub3A_3874 = arith.subi %div3A_3853, %sub3A_3873 : i32
      %select_n3A_3875 = arith.select %and3A_3872, %sub3A_3874, %div3A_3853 : i32
      %mul3A_3876 = arith.constant 64 : i32
      %mul3A_3877 = arith.muli %select_n3A_3875, %mul3A_3876 : i32
      %dma_wait3A_3878 = arith.constant 2 : i32
      %dma_wait3A_3879 = arith.constant 0 : i32
      %dma_wait3A_3880 = arith.constant 0 : i32
      %dma_wait3A_3881 = tpu.memref_slice %arg6[%dma_wait3A_3878, %dma_wait3A_3879, %dma_wait3A_3880] : memref<4x128x64xf32, #tpu.memory_space<vmem>> -> memref<1x128x64xf32, #tpu.memory_space<vmem>>
      %dma_wait3A_3882 = tpu.memref_squeeze %dma_wait3A_3881 : memref<1x128x64xf32, #tpu.memory_space<vmem>> -> memref<128x64xf32, #tpu.memory_space<vmem>>
      %dma_wait3A_3883 = tpu.memref_slice %arg4[%select_n3A_3757, %add3A_3835, %mul3A_3877] : memref<50x8192x128xf32, #tpu.memory_space<hbm>> -> memref<1x128x64xf32, #tpu.memory_space<hbm>>
      %dma_wait3A_3884 = tpu.memref_squeeze %dma_wait3A_3883 : memref<1x128x64xf32, #tpu.memory_space<hbm>> -> memref<128x64xf32, #tpu.memory_space<hbm>>
      %dma_wait3A_3885 = tpu.memref_slice %arg4[%select_n3A_3757, %add3A_3835, %mul3A_3877] : memref<50x8192x128xf32, #tpu.memory_space<hbm>> -> memref<1x128x64xf32, #tpu.memory_space<hbm>>
      %dma_wait3A_3886 = tpu.memref_squeeze %dma_wait3A_3885 : memref<1x128x64xf32, #tpu.memory_space<hbm>> -> memref<128x64xf32, #tpu.memory_space<hbm>>
      %dma_wait3A_3887 = arith.constant 0 : i32
      %dma_wait3A_3888 = arith.constant 0 : i32
      %dma_wait3A_3889 = tpu.memref_slice %arg6[%dma_wait3A_3878, %dma_wait3A_3887, %dma_wait3A_3888] : memref<4x128x64xf32, #tpu.memory_space<vmem>> -> memref<1x128x64xf32, #tpu.memory_space<vmem>>
      %dma_wait3A_3890 = tpu.memref_squeeze %dma_wait3A_3889 : memref<1x128x64xf32, #tpu.memory_space<vmem>> -> memref<128x64xf32, #tpu.memory_space<vmem>>
      tpu.wait_dma2 semaphore(%arg13 : memref<!tpu.dma_semaphore, #tpu.memory_space<semaphore_mem>>) src(%dma_wait3A_3890 : memref<128x64xf32, #tpu.memory_space<vmem>>) dst(%dma_wait3A_3886 : memref<128x64xf32, #tpu.memory_space<hbm>>)
      %add3A_3891 = arith.constant 4 : i32
      %add3A_3892 = arith.addi %mul3A_1837, %add3A_3891 : i32
      %add3A_3893 = arith.constant 2 : i32
      %add3A_3894 = arith.addi %add3A_3892, %add3A_3893 : i32
      %jit3A_3895 = arith.constant 4 : i32
      %div3A_3896 = arith.divsi %add3A_3894, %jit3A_3895 : i32
      %sign3A_3897 = arith.constant 0 : i32
      %sign3A_3898 = arith.cmpi sgt, %add3A_3894, %sign3A_3897 : i32
      %sign3A_3899 = arith.extui %sign3A_3898 : i1 to i32
      %sign3A_3900 = arith.constant 0 : i32
      %sign3A_3901 = arith.cmpi slt, %add3A_3894, %sign3A_3900 : i32
      %sign3A_3902 = arith.extui %sign3A_3901 : i1 to i32
      %sign3A_3903 = arith.subi %sign3A_3899, %sign3A_3902 : i32
      %sign3A_3904 = arith.constant 0 : i32
      %sign3A_3905 = arith.cmpi sgt, %jit3A_3895, %sign3A_3904 : i32
      %sign3A_3906 = arith.extui %sign3A_3905 : i1 to i32
      %sign3A_3907 = arith.constant 0 : i32
      %sign3A_3908 = arith.cmpi slt, %jit3A_3895, %sign3A_3907 : i32
      %sign3A_3909 = arith.extui %sign3A_3908 : i1 to i32
      %sign3A_3910 = arith.subi %sign3A_3906, %sign3A_3909 : i32
      %ne3A_3911 = arith.cmpi ne, %sign3A_3903, %sign3A_3910 : i32
      %rem3A_3912 = arith.remsi %add3A_3894, %jit3A_3895 : i32
      %ne3A_3913 = arith.constant 0 : i32
      %ne3A_3914 = arith.cmpi ne, %rem3A_3912, %ne3A_3913 : i32
      %and3A_3915 = arith.andi %ne3A_3911, %ne3A_3914 : i1
      %sub3A_3916 = arith.constant 1 : i32
      %sub3A_3917 = arith.subi %div3A_3896, %sub3A_3916 : i32
      %select_n3A_3918 = arith.select %and3A_3915, %sub3A_3917, %div3A_3896 : i32
      %jit3A_3919 = arith.constant 4 : i32
      %eq3A_3920 = arith.constant 0 : i32
      %eq3A_3921 = arith.cmpi eq, %jit3A_3919, %eq3A_3920 : i32
      %jit3A_3922 = arith.constant 1 : i32
      %select_n3A_3923 = arith.select %eq3A_3921, %jit3A_3922, %jit3A_3919 : i32
      %rem3A_3924 = arith.remsi %add3A_3894, %select_n3A_3923 : i32
      %ne3A_3925 = arith.constant 0 : i32
      %ne3A_3926 = arith.cmpi ne, %rem3A_3924, %ne3A_3925 : i32
      %lt3A_3927 = arith.constant 0 : i32
      %lt3A_3928 = arith.cmpi slt, %rem3A_3924, %lt3A_3927 : i32
      %lt3A_3929 = arith.constant 0 : i32
      %lt3A_3930 = arith.cmpi slt, %select_n3A_3923, %lt3A_3929 : i32
      %ne3A_3931 = arith.xori %lt3A_3928, %lt3A_3930 : i1
      %and3A_3932 = arith.andi %ne3A_3931, %ne3A_3926 : i1
      %add3A_3933 = arith.addi %rem3A_3924, %select_n3A_3923 : i32
      %select_n3A_3934 = arith.select %and3A_3932, %add3A_3933, %rem3A_3924 : i32
      %mul3A_3935 = arith.constant 128 : i32
      %mul3A_3936 = arith.muli %select_n3A_3934, %mul3A_3935 : i32
      %add3A_3937 = arith.addi %mul3A_2, %mul3A_3936 : i32
      %jit3A_3938 = arith.constant 2048 : i32
      %div3A_3939 = arith.divsi %add3A_3937, %jit3A_3938 : i32
      %sign3A_3940 = arith.constant 0 : i32
      %sign3A_3941 = arith.cmpi sgt, %add3A_3937, %sign3A_3940 : i32
      %sign3A_3942 = arith.extui %sign3A_3941 : i1 to i32
      %sign3A_3943 = arith.constant 0 : i32
      %sign3A_3944 = arith.cmpi slt, %add3A_3937, %sign3A_3943 : i32
      %sign3A_3945 = arith.extui %sign3A_3944 : i1 to i32
      %sign3A_3946 = arith.subi %sign3A_3942, %sign3A_3945 : i32
      %sign3A_3947 = arith.constant 0 : i32
      %sign3A_3948 = arith.cmpi sgt, %jit3A_3938, %sign3A_3947 : i32
      %sign3A_3949 = arith.extui %sign3A_3948 : i1 to i32
      %sign3A_3950 = arith.constant 0 : i32
      %sign3A_3951 = arith.cmpi slt, %jit3A_3938, %sign3A_3950 : i32
      %sign3A_3952 = arith.extui %sign3A_3951 : i1 to i32
      %sign3A_3953 = arith.subi %sign3A_3949, %sign3A_3952 : i32
      %ne3A_3954 = arith.cmpi ne, %sign3A_3946, %sign3A_3953 : i32
      %rem3A_3955 = arith.remsi %add3A_3937, %jit3A_3938 : i32
      %ne3A_3956 = arith.constant 0 : i32
      %ne3A_3957 = arith.cmpi ne, %rem3A_3955, %ne3A_3956 : i32
      %and3A_3958 = arith.andi %ne3A_3954, %ne3A_3957 : i1
      %sub3A_3959 = arith.constant 1 : i32
      %sub3A_3960 = arith.subi %div3A_3939, %sub3A_3959 : i32
      %select_n3A_3961 = arith.select %and3A_3958, %sub3A_3960, %div3A_3939 : i32
      %mul3A_3962 = arith.constant 1024 : i32
      %mul3A_3963 = arith.muli %select_n3A_3961, %mul3A_3962 : i32
      %jit3A_3964 = arith.constant 2048 : i32
      %eq3A_3965 = arith.constant 0 : i32
      %eq3A_3966 = arith.cmpi eq, %jit3A_3964, %eq3A_3965 : i32
      %jit3A_3967 = arith.constant 1 : i32
      %select_n3A_3968 = arith.select %eq3A_3966, %jit3A_3967, %jit3A_3964 : i32
      %rem3A_3969 = arith.remsi %add3A_3937, %select_n3A_3968 : i32
      %ne3A_3970 = arith.constant 0 : i32
      %ne3A_3971 = arith.cmpi ne, %rem3A_3969, %ne3A_3970 : i32
      %lt3A_3972 = arith.constant 0 : i32
      %lt3A_3973 = arith.cmpi slt, %rem3A_3969, %lt3A_3972 : i32
      %lt3A_3974 = arith.constant 0 : i32
      %lt3A_3975 = arith.cmpi slt, %select_n3A_3968, %lt3A_3974 : i32
      %ne3A_3976 = arith.xori %lt3A_3973, %lt3A_3975 : i1
      %and3A_3977 = arith.andi %ne3A_3976, %ne3A_3971 : i1
      %add3A_3978 = arith.addi %rem3A_3969, %select_n3A_3968 : i32
      %select_n3A_3979 = arith.select %and3A_3977, %add3A_3978, %rem3A_3969 : i32
      %jit3A_3980 = arith.constant 1024 : i32
      %eq3A_3981 = arith.constant 0 : i32
      %eq3A_3982 = arith.cmpi eq, %jit3A_3980, %eq3A_3981 : i32
      %jit3A_3983 = arith.constant 1 : i32
      %select_n3A_3984 = arith.select %eq3A_3982, %jit3A_3983, %jit3A_3980 : i32
      %rem3A_3985 = arith.remsi %select_n3A_3979, %select_n3A_3984 : i32
      %ne3A_3986 = arith.constant 0 : i32
      %ne3A_3987 = arith.cmpi ne, %rem3A_3985, %ne3A_3986 : i32
      %lt3A_3988 = arith.constant 0 : i32
      %lt3A_3989 = arith.cmpi slt, %rem3A_3985, %lt3A_3988 : i32
      %lt3A_3990 = arith.constant 0 : i32
      %lt3A_3991 = arith.cmpi slt, %select_n3A_3984, %lt3A_3990 : i32
      %ne3A_3992 = arith.xori %lt3A_3989, %lt3A_3991 : i1
      %and3A_3993 = arith.andi %ne3A_3992, %ne3A_3987 : i1
      %add3A_3994 = arith.addi %rem3A_3985, %select_n3A_3984 : i32
      %select_n3A_3995 = arith.select %and3A_3993, %add3A_3994, %rem3A_3985 : i32
      %add3A_3996 = arith.addi %mul3A_3963, %select_n3A_3995 : i32
      %jit3A_3997 = arith.constant 2048 : i32
      %eq3A_3998 = arith.constant 0 : i32
      %eq3A_3999 = arith.cmpi eq, %jit3A_3997, %eq3A_3998 : i32
      %jit3A_4000 = arith.constant 1 : i32
      %select_n3A_4001 = arith.select %eq3A_3999, %jit3A_4000, %jit3A_3997 : i32
      %rem3A_4002 = arith.remsi %add3A_3937, %select_n3A_4001 : i32
      %ne3A_4003 = arith.constant 0 : i32
      %ne3A_4004 = arith.cmpi ne, %rem3A_4002, %ne3A_4003 : i32
      %lt3A_4005 = arith.constant 0 : i32
      %lt3A_4006 = arith.cmpi slt, %rem3A_4002, %lt3A_4005 : i32
      %lt3A_4007 = arith.constant 0 : i32
      %lt3A_4008 = arith.cmpi slt, %select_n3A_4001, %lt3A_4007 : i32
      %ne3A_4009 = arith.xori %lt3A_4006, %lt3A_4008 : i1
      %and3A_4010 = arith.andi %ne3A_4009, %ne3A_4004 : i1
      %add3A_4011 = arith.addi %rem3A_4002, %select_n3A_4001 : i32
      %select_n3A_4012 = arith.select %and3A_4010, %add3A_4011, %rem3A_4002 : i32
      %jit3A_4013 = arith.constant 1024 : i32
      %div3A_4014 = arith.divsi %select_n3A_4012, %jit3A_4013 : i32
      %sign3A_4015 = arith.constant 0 : i32
      %sign3A_4016 = arith.cmpi sgt, %select_n3A_4012, %sign3A_4015 : i32
      %sign3A_4017 = arith.extui %sign3A_4016 : i1 to i32
      %sign3A_4018 = arith.constant 0 : i32
      %sign3A_4019 = arith.cmpi slt, %select_n3A_4012, %sign3A_4018 : i32
      %sign3A_4020 = arith.extui %sign3A_4019 : i1 to i32
      %sign3A_4021 = arith.subi %sign3A_4017, %sign3A_4020 : i32
      %sign3A_4022 = arith.constant 0 : i32
      %sign3A_4023 = arith.cmpi sgt, %jit3A_4013, %sign3A_4022 : i32
      %sign3A_4024 = arith.extui %sign3A_4023 : i1 to i32
      %sign3A_4025 = arith.constant 0 : i32
      %sign3A_4026 = arith.cmpi slt, %jit3A_4013, %sign3A_4025 : i32
      %sign3A_4027 = arith.extui %sign3A_4026 : i1 to i32
      %sign3A_4028 = arith.subi %sign3A_4024, %sign3A_4027 : i32
      %ne3A_4029 = arith.cmpi ne, %sign3A_4021, %sign3A_4028 : i32
      %rem3A_4030 = arith.remsi %select_n3A_4012, %jit3A_4013 : i32
      %ne3A_4031 = arith.constant 0 : i32
      %ne3A_4032 = arith.cmpi ne, %rem3A_4030, %ne3A_4031 : i32
      %and3A_4033 = arith.andi %ne3A_4029, %ne3A_4032 : i1
      %sub3A_4034 = arith.constant 1 : i32
      %sub3A_4035 = arith.subi %div3A_4014, %sub3A_4034 : i32
      %select_n3A_4036 = arith.select %and3A_4033, %sub3A_4035, %div3A_4014 : i32
      %mul3A_4037 = arith.constant 128 : i32
      %mul3A_4038 = arith.muli %select_n3A_3934, %mul3A_4037 : i32
      %dma_start3A_4039 = arith.constant 2 : i32
      %dma_start3A_4040 = arith.constant 0 : i32
      %dma_start3A_4041 = arith.constant 0 : i32
      %dma_start3A_4042 = tpu.memref_slice %arg6[%dma_start3A_4039, %dma_start3A_4040, %dma_start3A_4041] : memref<4x128x64xf32, #tpu.memory_space<vmem>> -> memref<1x128x64xf32, #tpu.memory_space<vmem>>
      %dma_start3A_4043 = tpu.memref_squeeze %dma_start3A_4042 : memref<1x128x64xf32, #tpu.memory_space<vmem>> -> memref<128x64xf32, #tpu.memory_space<vmem>>
      %dma_start3A_4044 = tpu.memref_slice %arg5[%select_n3A_3918, %mul3A_4038] : memref<50x512xi32, #tpu.memory_space<vmem>> -> memref<1x128xi32, #tpu.memory_space<vmem>>
      %dma_start3A_4045 = tpu.memref_squeeze %dma_start3A_4044 : memref<1x128xi32, #tpu.memory_space<vmem>> -> memref<128xi32, #tpu.memory_space<vmem>>
      %dma_start3A_4046 = arith.constant 0 : i32
      %dma_start3A_4047 = arith.constant 0 : i32
      %dma_start3A_4048 = tpu.memref_slice %arg2[%dma_start3A_4046, %dma_start3A_4047] : memref<100000x64xf32, #tpu.memory_space<hbm>> -> memref<100000x64xf32, #tpu.memory_space<hbm>>
      tpu.enqueue_indirect_dma source(%dma_start3A_4048 : memref<100000x64xf32, #tpu.memory_space<hbm>>) target(%dma_start3A_4043 : memref<128x64xf32, #tpu.memory_space<vmem>>) offsets(%dma_start3A_4045 : memref<128xi32, #tpu.memory_space<vmem>>) semaphore(%arg9 : memref<!tpu.dma_semaphore, #tpu.memory_space<semaphore_mem>>)
      %add3A_4049 = arith.constant 3 : i32
      %add3A_4050 = arith.addi %mul3A_1837, %add3A_4049 : i32
      %jit3A_4051 = arith.constant 4 : i32
      %div3A_4052 = arith.divsi %add3A_4050, %jit3A_4051 : i32
      %sign3A_4053 = arith.constant 0 : i32
      %sign3A_4054 = arith.cmpi sgt, %add3A_4050, %sign3A_4053 : i32
      %sign3A_4055 = arith.extui %sign3A_4054 : i1 to i32
      %sign3A_4056 = arith.constant 0 : i32
      %sign3A_4057 = arith.cmpi slt, %add3A_4050, %sign3A_4056 : i32
      %sign3A_4058 = arith.extui %sign3A_4057 : i1 to i32
      %sign3A_4059 = arith.subi %sign3A_4055, %sign3A_4058 : i32
      %sign3A_4060 = arith.constant 0 : i32
      %sign3A_4061 = arith.cmpi sgt, %jit3A_4051, %sign3A_4060 : i32
      %sign3A_4062 = arith.extui %sign3A_4061 : i1 to i32
      %sign3A_4063 = arith.constant 0 : i32
      %sign3A_4064 = arith.cmpi slt, %jit3A_4051, %sign3A_4063 : i32
      %sign3A_4065 = arith.extui %sign3A_4064 : i1 to i32
      %sign3A_4066 = arith.subi %sign3A_4062, %sign3A_4065 : i32
      %ne3A_4067 = arith.cmpi ne, %sign3A_4059, %sign3A_4066 : i32
      %rem3A_4068 = arith.remsi %add3A_4050, %jit3A_4051 : i32
      %ne3A_4069 = arith.constant 0 : i32
      %ne3A_4070 = arith.cmpi ne, %rem3A_4068, %ne3A_4069 : i32
      %and3A_4071 = arith.andi %ne3A_4067, %ne3A_4070 : i1
      %sub3A_4072 = arith.constant 1 : i32
      %sub3A_4073 = arith.subi %div3A_4052, %sub3A_4072 : i32
      %select_n3A_4074 = arith.select %and3A_4071, %sub3A_4073, %div3A_4052 : i32
      %jit3A_4075 = arith.constant 4 : i32
      %eq3A_4076 = arith.constant 0 : i32
      %eq3A_4077 = arith.cmpi eq, %jit3A_4075, %eq3A_4076 : i32
      %jit3A_4078 = arith.constant 1 : i32
      %select_n3A_4079 = arith.select %eq3A_4077, %jit3A_4078, %jit3A_4075 : i32
      %rem3A_4080 = arith.remsi %add3A_4050, %select_n3A_4079 : i32
      %ne3A_4081 = arith.constant 0 : i32
      %ne3A_4082 = arith.cmpi ne, %rem3A_4080, %ne3A_4081 : i32
      %lt3A_4083 = arith.constant 0 : i32
      %lt3A_4084 = arith.cmpi slt, %rem3A_4080, %lt3A_4083 : i32
      %lt3A_4085 = arith.constant 0 : i32
      %lt3A_4086 = arith.cmpi slt, %select_n3A_4079, %lt3A_4085 : i32
      %ne3A_4087 = arith.xori %lt3A_4084, %lt3A_4086 : i1
      %and3A_4088 = arith.andi %ne3A_4087, %ne3A_4082 : i1
      %add3A_4089 = arith.addi %rem3A_4080, %select_n3A_4079 : i32
      %select_n3A_4090 = arith.select %and3A_4088, %add3A_4089, %rem3A_4080 : i32
      %mul3A_4091 = arith.constant 128 : i32
      %mul3A_4092 = arith.muli %select_n3A_4090, %mul3A_4091 : i32
      %add3A_4093 = arith.addi %mul3A_2, %mul3A_4092 : i32
      %jit3A_4094 = arith.constant 2048 : i32
      %div3A_4095 = arith.divsi %add3A_4093, %jit3A_4094 : i32
      %sign3A_4096 = arith.constant 0 : i32
      %sign3A_4097 = arith.cmpi sgt, %add3A_4093, %sign3A_4096 : i32
      %sign3A_4098 = arith.extui %sign3A_4097 : i1 to i32
      %sign3A_4099 = arith.constant 0 : i32
      %sign3A_4100 = arith.cmpi slt, %add3A_4093, %sign3A_4099 : i32
      %sign3A_4101 = arith.extui %sign3A_4100 : i1 to i32
      %sign3A_4102 = arith.subi %sign3A_4098, %sign3A_4101 : i32
      %sign3A_4103 = arith.constant 0 : i32
      %sign3A_4104 = arith.cmpi sgt, %jit3A_4094, %sign3A_4103 : i32
      %sign3A_4105 = arith.extui %sign3A_4104 : i1 to i32
      %sign3A_4106 = arith.constant 0 : i32
      %sign3A_4107 = arith.cmpi slt, %jit3A_4094, %sign3A_4106 : i32
      %sign3A_4108 = arith.extui %sign3A_4107 : i1 to i32
      %sign3A_4109 = arith.subi %sign3A_4105, %sign3A_4108 : i32
      %ne3A_4110 = arith.cmpi ne, %sign3A_4102, %sign3A_4109 : i32
      %rem3A_4111 = arith.remsi %add3A_4093, %jit3A_4094 : i32
      %ne3A_4112 = arith.constant 0 : i32
      %ne3A_4113 = arith.cmpi ne, %rem3A_4111, %ne3A_4112 : i32
      %and3A_4114 = arith.andi %ne3A_4110, %ne3A_4113 : i1
      %sub3A_4115 = arith.constant 1 : i32
      %sub3A_4116 = arith.subi %div3A_4095, %sub3A_4115 : i32
      %select_n3A_4117 = arith.select %and3A_4114, %sub3A_4116, %div3A_4095 : i32
      %mul3A_4118 = arith.constant 1024 : i32
      %mul3A_4119 = arith.muli %select_n3A_4117, %mul3A_4118 : i32
      %jit3A_4120 = arith.constant 2048 : i32
      %eq3A_4121 = arith.constant 0 : i32
      %eq3A_4122 = arith.cmpi eq, %jit3A_4120, %eq3A_4121 : i32
      %jit3A_4123 = arith.constant 1 : i32
      %select_n3A_4124 = arith.select %eq3A_4122, %jit3A_4123, %jit3A_4120 : i32
      %rem3A_4125 = arith.remsi %add3A_4093, %select_n3A_4124 : i32
      %ne3A_4126 = arith.constant 0 : i32
      %ne3A_4127 = arith.cmpi ne, %rem3A_4125, %ne3A_4126 : i32
      %lt3A_4128 = arith.constant 0 : i32
      %lt3A_4129 = arith.cmpi slt, %rem3A_4125, %lt3A_4128 : i32
      %lt3A_4130 = arith.constant 0 : i32
      %lt3A_4131 = arith.cmpi slt, %select_n3A_4124, %lt3A_4130 : i32
      %ne3A_4132 = arith.xori %lt3A_4129, %lt3A_4131 : i1
      %and3A_4133 = arith.andi %ne3A_4132, %ne3A_4127 : i1
      %add3A_4134 = arith.addi %rem3A_4125, %select_n3A_4124 : i32
      %select_n3A_4135 = arith.select %and3A_4133, %add3A_4134, %rem3A_4125 : i32
      %jit3A_4136 = arith.constant 1024 : i32
      %eq3A_4137 = arith.constant 0 : i32
      %eq3A_4138 = arith.cmpi eq, %jit3A_4136, %eq3A_4137 : i32
      %jit3A_4139 = arith.constant 1 : i32
      %select_n3A_4140 = arith.select %eq3A_4138, %jit3A_4139, %jit3A_4136 : i32
      %rem3A_4141 = arith.remsi %select_n3A_4135, %select_n3A_4140 : i32
      %ne3A_4142 = arith.constant 0 : i32
      %ne3A_4143 = arith.cmpi ne, %rem3A_4141, %ne3A_4142 : i32
      %lt3A_4144 = arith.constant 0 : i32
      %lt3A_4145 = arith.cmpi slt, %rem3A_4141, %lt3A_4144 : i32
      %lt3A_4146 = arith.constant 0 : i32
      %lt3A_4147 = arith.cmpi slt, %select_n3A_4140, %lt3A_4146 : i32
      %ne3A_4148 = arith.xori %lt3A_4145, %lt3A_4147 : i1
      %and3A_4149 = arith.andi %ne3A_4148, %ne3A_4143 : i1
      %add3A_4150 = arith.addi %rem3A_4141, %select_n3A_4140 : i32
      %select_n3A_4151 = arith.select %and3A_4149, %add3A_4150, %rem3A_4141 : i32
      %add3A_4152 = arith.addi %mul3A_4119, %select_n3A_4151 : i32
      %jit3A_4153 = arith.constant 2048 : i32
      %eq3A_4154 = arith.constant 0 : i32
      %eq3A_4155 = arith.cmpi eq, %jit3A_4153, %eq3A_4154 : i32
      %jit3A_4156 = arith.constant 1 : i32
      %select_n3A_4157 = arith.select %eq3A_4155, %jit3A_4156, %jit3A_4153 : i32
      %rem3A_4158 = arith.remsi %add3A_4093, %select_n3A_4157 : i32
      %ne3A_4159 = arith.constant 0 : i32
      %ne3A_4160 = arith.cmpi ne, %rem3A_4158, %ne3A_4159 : i32
      %lt3A_4161 = arith.constant 0 : i32
      %lt3A_4162 = arith.cmpi slt, %rem3A_4158, %lt3A_4161 : i32
      %lt3A_4163 = arith.constant 0 : i32
      %lt3A_4164 = arith.cmpi slt, %select_n3A_4157, %lt3A_4163 : i32
      %ne3A_4165 = arith.xori %lt3A_4162, %lt3A_4164 : i1
      %and3A_4166 = arith.andi %ne3A_4165, %ne3A_4160 : i1
      %add3A_4167 = arith.addi %rem3A_4158, %select_n3A_4157 : i32
      %select_n3A_4168 = arith.select %and3A_4166, %add3A_4167, %rem3A_4158 : i32
      %jit3A_4169 = arith.constant 1024 : i32
      %div3A_4170 = arith.divsi %select_n3A_4168, %jit3A_4169 : i32
      %sign3A_4171 = arith.constant 0 : i32
      %sign3A_4172 = arith.cmpi sgt, %select_n3A_4168, %sign3A_4171 : i32
      %sign3A_4173 = arith.extui %sign3A_4172 : i1 to i32
      %sign3A_4174 = arith.constant 0 : i32
      %sign3A_4175 = arith.cmpi slt, %select_n3A_4168, %sign3A_4174 : i32
      %sign3A_4176 = arith.extui %sign3A_4175 : i1 to i32
      %sign3A_4177 = arith.subi %sign3A_4173, %sign3A_4176 : i32
      %sign3A_4178 = arith.constant 0 : i32
      %sign3A_4179 = arith.cmpi sgt, %jit3A_4169, %sign3A_4178 : i32
      %sign3A_4180 = arith.extui %sign3A_4179 : i1 to i32
      %sign3A_4181 = arith.constant 0 : i32
      %sign3A_4182 = arith.cmpi slt, %jit3A_4169, %sign3A_4181 : i32
      %sign3A_4183 = arith.extui %sign3A_4182 : i1 to i32
      %sign3A_4184 = arith.subi %sign3A_4180, %sign3A_4183 : i32
      %ne3A_4185 = arith.cmpi ne, %sign3A_4177, %sign3A_4184 : i32
      %rem3A_4186 = arith.remsi %select_n3A_4168, %jit3A_4169 : i32
      %ne3A_4187 = arith.constant 0 : i32
      %ne3A_4188 = arith.cmpi ne, %rem3A_4186, %ne3A_4187 : i32
      %and3A_4189 = arith.andi %ne3A_4185, %ne3A_4188 : i1
      %sub3A_4190 = arith.constant 1 : i32
      %sub3A_4191 = arith.subi %div3A_4170, %sub3A_4190 : i32
      %select_n3A_4192 = arith.select %and3A_4189, %sub3A_4191, %div3A_4170 : i32
      %mul3A_4193 = arith.constant 64 : i32
      %mul3A_4194 = arith.muli %select_n3A_4192, %mul3A_4193 : i32
      %dma_wait3A_4195 = arith.constant 3 : i32
      %dma_wait3A_4196 = arith.constant 0 : i32
      %dma_wait3A_4197 = arith.constant 0 : i32
      %dma_wait3A_4198 = tpu.memref_slice %arg6[%dma_wait3A_4195, %dma_wait3A_4196, %dma_wait3A_4197] : memref<4x128x64xf32, #tpu.memory_space<vmem>> -> memref<1x128x64xf32, #tpu.memory_space<vmem>>
      %dma_wait3A_4199 = tpu.memref_squeeze %dma_wait3A_4198 : memref<1x128x64xf32, #tpu.memory_space<vmem>> -> memref<128x64xf32, #tpu.memory_space<vmem>>
      %dma_wait3A_4200 = tpu.memref_slice %arg4[%select_n3A_4074, %add3A_4152, %mul3A_4194] : memref<50x8192x128xf32, #tpu.memory_space<hbm>> -> memref<1x128x64xf32, #tpu.memory_space<hbm>>
      %dma_wait3A_4201 = tpu.memref_squeeze %dma_wait3A_4200 : memref<1x128x64xf32, #tpu.memory_space<hbm>> -> memref<128x64xf32, #tpu.memory_space<hbm>>
      %dma_wait3A_4202 = tpu.memref_slice %arg4[%select_n3A_4074, %add3A_4152, %mul3A_4194] : memref<50x8192x128xf32, #tpu.memory_space<hbm>> -> memref<1x128x64xf32, #tpu.memory_space<hbm>>
      %dma_wait3A_4203 = tpu.memref_squeeze %dma_wait3A_4202 : memref<1x128x64xf32, #tpu.memory_space<hbm>> -> memref<128x64xf32, #tpu.memory_space<hbm>>
      %dma_wait3A_4204 = arith.constant 0 : i32
      %dma_wait3A_4205 = arith.constant 0 : i32
      %dma_wait3A_4206 = tpu.memref_slice %arg6[%dma_wait3A_4195, %dma_wait3A_4204, %dma_wait3A_4205] : memref<4x128x64xf32, #tpu.memory_space<vmem>> -> memref<1x128x64xf32, #tpu.memory_space<vmem>>
      %dma_wait3A_4207 = tpu.memref_squeeze %dma_wait3A_4206 : memref<1x128x64xf32, #tpu.memory_space<vmem>> -> memref<128x64xf32, #tpu.memory_space<vmem>>
      tpu.wait_dma2 semaphore(%arg14 : memref<!tpu.dma_semaphore, #tpu.memory_space<semaphore_mem>>) src(%dma_wait3A_4207 : memref<128x64xf32, #tpu.memory_space<vmem>>) dst(%dma_wait3A_4203 : memref<128x64xf32, #tpu.memory_space<hbm>>)
      %add3A_4208 = arith.constant 4 : i32
      %add3A_4209 = arith.addi %mul3A_1837, %add3A_4208 : i32
      %add3A_4210 = arith.constant 3 : i32
      %add3A_4211 = arith.addi %add3A_4209, %add3A_4210 : i32
      %jit3A_4212 = arith.constant 4 : i32
      %div3A_4213 = arith.divsi %add3A_4211, %jit3A_4212 : i32
      %sign3A_4214 = arith.constant 0 : i32
      %sign3A_4215 = arith.cmpi sgt, %add3A_4211, %sign3A_4214 : i32
      %sign3A_4216 = arith.extui %sign3A_4215 : i1 to i32
      %sign3A_4217 = arith.constant 0 : i32
      %sign3A_4218 = arith.cmpi slt, %add3A_4211, %sign3A_4217 : i32
      %sign3A_4219 = arith.extui %sign3A_4218 : i1 to i32
      %sign3A_4220 = arith.subi %sign3A_4216, %sign3A_4219 : i32
      %sign3A_4221 = arith.constant 0 : i32
      %sign3A_4222 = arith.cmpi sgt, %jit3A_4212, %sign3A_4221 : i32
      %sign3A_4223 = arith.extui %sign3A_4222 : i1 to i32
      %sign3A_4224 = arith.constant 0 : i32
      %sign3A_4225 = arith.cmpi slt, %jit3A_4212, %sign3A_4224 : i32
      %sign3A_4226 = arith.extui %sign3A_4225 : i1 to i32
      %sign3A_4227 = arith.subi %sign3A_4223, %sign3A_4226 : i32
      %ne3A_4228 = arith.cmpi ne, %sign3A_4220, %sign3A_4227 : i32
      %rem3A_4229 = arith.remsi %add3A_4211, %jit3A_4212 : i32
      %ne3A_4230 = arith.constant 0 : i32
      %ne3A_4231 = arith.cmpi ne, %rem3A_4229, %ne3A_4230 : i32
      %and3A_4232 = arith.andi %ne3A_4228, %ne3A_4231 : i1
      %sub3A_4233 = arith.constant 1 : i32
      %sub3A_4234 = arith.subi %div3A_4213, %sub3A_4233 : i32
      %select_n3A_4235 = arith.select %and3A_4232, %sub3A_4234, %div3A_4213 : i32
      %jit3A_4236 = arith.constant 4 : i32
      %eq3A_4237 = arith.constant 0 : i32
      %eq3A_4238 = arith.cmpi eq, %jit3A_4236, %eq3A_4237 : i32
      %jit3A_4239 = arith.constant 1 : i32
      %select_n3A_4240 = arith.select %eq3A_4238, %jit3A_4239, %jit3A_4236 : i32
      %rem3A_4241 = arith.remsi %add3A_4211, %select_n3A_4240 : i32
      %ne3A_4242 = arith.constant 0 : i32
      %ne3A_4243 = arith.cmpi ne, %rem3A_4241, %ne3A_4242 : i32
      %lt3A_4244 = arith.constant 0 : i32
      %lt3A_4245 = arith.cmpi slt, %rem3A_4241, %lt3A_4244 : i32
      %lt3A_4246 = arith.constant 0 : i32
      %lt3A_4247 = arith.cmpi slt, %select_n3A_4240, %lt3A_4246 : i32
      %ne3A_4248 = arith.xori %lt3A_4245, %lt3A_4247 : i1
      %and3A_4249 = arith.andi %ne3A_4248, %ne3A_4243 : i1
      %add3A_4250 = arith.addi %rem3A_4241, %select_n3A_4240 : i32
      %select_n3A_4251 = arith.select %and3A_4249, %add3A_4250, %rem3A_4241 : i32
      %mul3A_4252 = arith.constant 128 : i32
      %mul3A_4253 = arith.muli %select_n3A_4251, %mul3A_4252 : i32
      %add3A_4254 = arith.addi %mul3A_2, %mul3A_4253 : i32
      %jit3A_4255 = arith.constant 2048 : i32
      %div3A_4256 = arith.divsi %add3A_4254, %jit3A_4255 : i32
      %sign3A_4257 = arith.constant 0 : i32
      %sign3A_4258 = arith.cmpi sgt, %add3A_4254, %sign3A_4257 : i32
      %sign3A_4259 = arith.extui %sign3A_4258 : i1 to i32
      %sign3A_4260 = arith.constant 0 : i32
      %sign3A_4261 = arith.cmpi slt, %add3A_4254, %sign3A_4260 : i32
      %sign3A_4262 = arith.extui %sign3A_4261 : i1 to i32
      %sign3A_4263 = arith.subi %sign3A_4259, %sign3A_4262 : i32
      %sign3A_4264 = arith.constant 0 : i32
      %sign3A_4265 = arith.cmpi sgt, %jit3A_4255, %sign3A_4264 : i32
      %sign3A_4266 = arith.extui %sign3A_4265 : i1 to i32
      %sign3A_4267 = arith.constant 0 : i32
      %sign3A_4268 = arith.cmpi slt, %jit3A_4255, %sign3A_4267 : i32
      %sign3A_4269 = arith.extui %sign3A_4268 : i1 to i32
      %sign3A_4270 = arith.subi %sign3A_4266, %sign3A_4269 : i32
      %ne3A_4271 = arith.cmpi ne, %sign3A_4263, %sign3A_4270 : i32
      %rem3A_4272 = arith.remsi %add3A_4254, %jit3A_4255 : i32
      %ne3A_4273 = arith.constant 0 : i32
      %ne3A_4274 = arith.cmpi ne, %rem3A_4272, %ne3A_4273 : i32
      %and3A_4275 = arith.andi %ne3A_4271, %ne3A_4274 : i1
      %sub3A_4276 = arith.constant 1 : i32
      %sub3A_4277 = arith.subi %div3A_4256, %sub3A_4276 : i32
      %select_n3A_4278 = arith.select %and3A_4275, %sub3A_4277, %div3A_4256 : i32
      %mul3A_4279 = arith.constant 1024 : i32
      %mul3A_4280 = arith.muli %select_n3A_4278, %mul3A_4279 : i32
      %jit3A_4281 = arith.constant 2048 : i32
      %eq3A_4282 = arith.constant 0 : i32
      %eq3A_4283 = arith.cmpi eq, %jit3A_4281, %eq3A_4282 : i32
      %jit3A_4284 = arith.constant 1 : i32
      %select_n3A_4285 = arith.select %eq3A_4283, %jit3A_4284, %jit3A_4281 : i32
      %rem3A_4286 = arith.remsi %add3A_4254, %select_n3A_4285 : i32
      %ne3A_4287 = arith.constant 0 : i32
      %ne3A_4288 = arith.cmpi ne, %rem3A_4286, %ne3A_4287 : i32
      %lt3A_4289 = arith.constant 0 : i32
      %lt3A_4290 = arith.cmpi slt, %rem3A_4286, %lt3A_4289 : i32
      %lt3A_4291 = arith.constant 0 : i32
      %lt3A_4292 = arith.cmpi slt, %select_n3A_4285, %lt3A_4291 : i32
      %ne3A_4293 = arith.xori %lt3A_4290, %lt3A_4292 : i1
      %and3A_4294 = arith.andi %ne3A_4293, %ne3A_4288 : i1
      %add3A_4295 = arith.addi %rem3A_4286, %select_n3A_4285 : i32
      %select_n3A_4296 = arith.select %and3A_4294, %add3A_4295, %rem3A_4286 : i32
      %jit3A_4297 = arith.constant 1024 : i32
      %eq3A_4298 = arith.constant 0 : i32
      %eq3A_4299 = arith.cmpi eq, %jit3A_4297, %eq3A_4298 : i32
      %jit3A_4300 = arith.constant 1 : i32
      %select_n3A_4301 = arith.select %eq3A_4299, %jit3A_4300, %jit3A_4297 : i32
      %rem3A_4302 = arith.remsi %select_n3A_4296, %select_n3A_4301 : i32
      %ne3A_4303 = arith.constant 0 : i32
      %ne3A_4304 = arith.cmpi ne, %rem3A_4302, %ne3A_4303 : i32
      %lt3A_4305 = arith.constant 0 : i32
      %lt3A_4306 = arith.cmpi slt, %rem3A_4302, %lt3A_4305 : i32
      %lt3A_4307 = arith.constant 0 : i32
      %lt3A_4308 = arith.cmpi slt, %select_n3A_4301, %lt3A_4307 : i32
      %ne3A_4309 = arith.xori %lt3A_4306, %lt3A_4308 : i1
      %and3A_4310 = arith.andi %ne3A_4309, %ne3A_4304 : i1
      %add3A_4311 = arith.addi %rem3A_4302, %select_n3A_4301 : i32
      %select_n3A_4312 = arith.select %and3A_4310, %add3A_4311, %rem3A_4302 : i32
      %add3A_4313 = arith.addi %mul3A_4280, %select_n3A_4312 : i32
      %jit3A_4314 = arith.constant 2048 : i32
      %eq3A_4315 = arith.constant 0 : i32
      %eq3A_4316 = arith.cmpi eq, %jit3A_4314, %eq3A_4315 : i32
      %jit3A_4317 = arith.constant 1 : i32
      %select_n3A_4318 = arith.select %eq3A_4316, %jit3A_4317, %jit3A_4314 : i32
      %rem3A_4319 = arith.remsi %add3A_4254, %select_n3A_4318 : i32
      %ne3A_4320 = arith.constant 0 : i32
      %ne3A_4321 = arith.cmpi ne, %rem3A_4319, %ne3A_4320 : i32
      %lt3A_4322 = arith.constant 0 : i32
      %lt3A_4323 = arith.cmpi slt, %rem3A_4319, %lt3A_4322 : i32
      %lt3A_4324 = arith.constant 0 : i32
      %lt3A_4325 = arith.cmpi slt, %select_n3A_4318, %lt3A_4324 : i32
      %ne3A_4326 = arith.xori %lt3A_4323, %lt3A_4325 : i1
      %and3A_4327 = arith.andi %ne3A_4326, %ne3A_4321 : i1
      %add3A_4328 = arith.addi %rem3A_4319, %select_n3A_4318 : i32
      %select_n3A_4329 = arith.select %and3A_4327, %add3A_4328, %rem3A_4319 : i32
      %jit3A_4330 = arith.constant 1024 : i32
      %div3A_4331 = arith.divsi %select_n3A_4329, %jit3A_4330 : i32
      %sign3A_4332 = arith.constant 0 : i32
      %sign3A_4333 = arith.cmpi sgt, %select_n3A_4329, %sign3A_4332 : i32
      %sign3A_4334 = arith.extui %sign3A_4333 : i1 to i32
      %sign3A_4335 = arith.constant 0 : i32
      %sign3A_4336 = arith.cmpi slt, %select_n3A_4329, %sign3A_4335 : i32
      %sign3A_4337 = arith.extui %sign3A_4336 : i1 to i32
      %sign3A_4338 = arith.subi %sign3A_4334, %sign3A_4337 : i32
      %sign3A_4339 = arith.constant 0 : i32
      %sign3A_4340 = arith.cmpi sgt, %jit3A_4330, %sign3A_4339 : i32
      %sign3A_4341 = arith.extui %sign3A_4340 : i1 to i32
      %sign3A_4342 = arith.constant 0 : i32
      %sign3A_4343 = arith.cmpi slt, %jit3A_4330, %sign3A_4342 : i32
      %sign3A_4344 = arith.extui %sign3A_4343 : i1 to i32
      %sign3A_4345 = arith.subi %sign3A_4341, %sign3A_4344 : i32
      %ne3A_4346 = arith.cmpi ne, %sign3A_4338, %sign3A_4345 : i32
      %rem3A_4347 = arith.remsi %select_n3A_4329, %jit3A_4330 : i32
      %ne3A_4348 = arith.constant 0 : i32
      %ne3A_4349 = arith.cmpi ne, %rem3A_4347, %ne3A_4348 : i32
      %and3A_4350 = arith.andi %ne3A_4346, %ne3A_4349 : i1
      %sub3A_4351 = arith.constant 1 : i32
      %sub3A_4352 = arith.subi %div3A_4331, %sub3A_4351 : i32
      %select_n3A_4353 = arith.select %and3A_4350, %sub3A_4352, %div3A_4331 : i32
      %mul3A_4354 = arith.constant 128 : i32
      %mul3A_4355 = arith.muli %select_n3A_4251, %mul3A_4354 : i32
      %dma_start3A_4356 = arith.constant 3 : i32
      %dma_start3A_4357 = arith.constant 0 : i32
      %dma_start3A_4358 = arith.constant 0 : i32
      %dma_start3A_4359 = tpu.memref_slice %arg6[%dma_start3A_4356, %dma_start3A_4357, %dma_start3A_4358] : memref<4x128x64xf32, #tpu.memory_space<vmem>> -> memref<1x128x64xf32, #tpu.memory_space<vmem>>
      %dma_start3A_4360 = tpu.memref_squeeze %dma_start3A_4359 : memref<1x128x64xf32, #tpu.memory_space<vmem>> -> memref<128x64xf32, #tpu.memory_space<vmem>>
      %dma_start3A_4361 = tpu.memref_slice %arg5[%select_n3A_4235, %mul3A_4355] : memref<50x512xi32, #tpu.memory_space<vmem>> -> memref<1x128xi32, #tpu.memory_space<vmem>>
      %dma_start3A_4362 = tpu.memref_squeeze %dma_start3A_4361 : memref<1x128xi32, #tpu.memory_space<vmem>> -> memref<128xi32, #tpu.memory_space<vmem>>
      %dma_start3A_4363 = arith.constant 0 : i32
      %dma_start3A_4364 = arith.constant 0 : i32
      %dma_start3A_4365 = tpu.memref_slice %arg2[%dma_start3A_4363, %dma_start3A_4364] : memref<100000x64xf32, #tpu.memory_space<hbm>> -> memref<100000x64xf32, #tpu.memory_space<hbm>>
      tpu.enqueue_indirect_dma source(%dma_start3A_4365 : memref<100000x64xf32, #tpu.memory_space<hbm>>) target(%dma_start3A_4360 : memref<128x64xf32, #tpu.memory_space<vmem>>) offsets(%dma_start3A_4362 : memref<128xi32, #tpu.memory_space<vmem>>) semaphore(%arg10 : memref<!tpu.dma_semaphore, #tpu.memory_space<semaphore_mem>>)
    }
    %scan3A_447 = arith.constant 49 : i32
    %add3A_448 = arith.constant 0 : i32
    %add3A_449 = arith.addi %mul3A_2, %add3A_448 : i32
    %jit3A_450 = arith.constant 2048 : i32
    %div3A_451 = arith.divsi %add3A_449, %jit3A_450 : i32
    %sign3A_452 = arith.constant 0 : i32
    %sign3A_453 = arith.cmpi sgt, %add3A_449, %sign3A_452 : i32
    %sign3A_454 = arith.extui %sign3A_453 : i1 to i32
    %sign3A_455 = arith.constant 0 : i32
    %sign3A_456 = arith.cmpi slt, %add3A_449, %sign3A_455 : i32
    %sign3A_457 = arith.extui %sign3A_456 : i1 to i32
    %sign3A_458 = arith.subi %sign3A_454, %sign3A_457 : i32
    %sign3A_459 = arith.constant 0 : i32
    %sign3A_460 = arith.cmpi sgt, %jit3A_450, %sign3A_459 : i32
    %sign3A_461 = arith.extui %sign3A_460 : i1 to i32
    %sign3A_462 = arith.constant 0 : i32
    %sign3A_463 = arith.cmpi slt, %jit3A_450, %sign3A_462 : i32
    %sign3A_464 = arith.extui %sign3A_463 : i1 to i32
    %sign3A_465 = arith.subi %sign3A_461, %sign3A_464 : i32
    %ne3A_466 = arith.cmpi ne, %sign3A_458, %sign3A_465 : i32
    %rem3A_467 = arith.remsi %add3A_449, %jit3A_450 : i32
    %ne3A_468 = arith.constant 0 : i32
    %ne3A_469 = arith.cmpi ne, %rem3A_467, %ne3A_468 : i32
    %and3A_470 = arith.andi %ne3A_466, %ne3A_469 : i1
    %sub3A_471 = arith.constant 1 : i32
    %sub3A_472 = arith.subi %div3A_451, %sub3A_471 : i32
    %select_n3A_473 = arith.select %and3A_470, %sub3A_472, %div3A_451 : i32
    %mul3A_474 = arith.constant 1024 : i32
    %mul3A_475 = arith.muli %select_n3A_473, %mul3A_474 : i32
    %jit3A_476 = arith.constant 2048 : i32
    %eq3A_477 = arith.constant 0 : i32
    %eq3A_478 = arith.cmpi eq, %jit3A_476, %eq3A_477 : i32
    %jit3A_479 = arith.constant 1 : i32
    %select_n3A_480 = arith.select %eq3A_478, %jit3A_479, %jit3A_476 : i32
    %rem3A_481 = arith.remsi %add3A_449, %select_n3A_480 : i32
    %ne3A_482 = arith.constant 0 : i32
    %ne3A_483 = arith.cmpi ne, %rem3A_481, %ne3A_482 : i32
    %lt3A_484 = arith.constant 0 : i32
    %lt3A_485 = arith.cmpi slt, %rem3A_481, %lt3A_484 : i32
    %lt3A_486 = arith.constant 0 : i32
    %lt3A_487 = arith.cmpi slt, %select_n3A_480, %lt3A_486 : i32
    %ne3A_488 = arith.xori %lt3A_485, %lt3A_487 : i1
    %and3A_489 = arith.andi %ne3A_488, %ne3A_483 : i1
    %add3A_490 = arith.addi %rem3A_481, %select_n3A_480 : i32
    %select_n3A_491 = arith.select %and3A_489, %add3A_490, %rem3A_481 : i32
    %jit3A_492 = arith.constant 1024 : i32
    %eq3A_493 = arith.constant 0 : i32
    %eq3A_494 = arith.cmpi eq, %jit3A_492, %eq3A_493 : i32
    %jit3A_495 = arith.constant 1 : i32
    %select_n3A_496 = arith.select %eq3A_494, %jit3A_495, %jit3A_492 : i32
    %rem3A_497 = arith.remsi %select_n3A_491, %select_n3A_496 : i32
    %ne3A_498 = arith.constant 0 : i32
    %ne3A_499 = arith.cmpi ne, %rem3A_497, %ne3A_498 : i32
    %lt3A_500 = arith.constant 0 : i32
    %lt3A_501 = arith.cmpi slt, %rem3A_497, %lt3A_500 : i32
    %lt3A_502 = arith.constant 0 : i32
    %lt3A_503 = arith.cmpi slt, %select_n3A_496, %lt3A_502 : i32
    %ne3A_504 = arith.xori %lt3A_501, %lt3A_503 : i1
    %and3A_505 = arith.andi %ne3A_504, %ne3A_499 : i1
    %add3A_506 = arith.addi %rem3A_497, %select_n3A_496 : i32
    %select_n3A_507 = arith.select %and3A_505, %add3A_506, %rem3A_497 : i32
    %add3A_508 = arith.addi %mul3A_475, %select_n3A_507 : i32
    %jit3A_509 = arith.constant 2048 : i32
    %eq3A_510 = arith.constant 0 : i32
    %eq3A_511 = arith.cmpi eq, %jit3A_509, %eq3A_510 : i32
    %jit3A_512 = arith.constant 1 : i32
    %select_n3A_513 = arith.select %eq3A_511, %jit3A_512, %jit3A_509 : i32
    %rem3A_514 = arith.remsi %add3A_449, %select_n3A_513 : i32
    %ne3A_515 = arith.constant 0 : i32
    %ne3A_516 = arith.cmpi ne, %rem3A_514, %ne3A_515 : i32
    %lt3A_517 = arith.constant 0 : i32
    %lt3A_518 = arith.cmpi slt, %rem3A_514, %lt3A_517 : i32
    %lt3A_519 = arith.constant 0 : i32
    %lt3A_520 = arith.cmpi slt, %select_n3A_513, %lt3A_519 : i32
    %ne3A_521 = arith.xori %lt3A_518, %lt3A_520 : i1
    %and3A_522 = arith.andi %ne3A_521, %ne3A_516 : i1
    %add3A_523 = arith.addi %rem3A_514, %select_n3A_513 : i32
    %select_n3A_524 = arith.select %and3A_522, %add3A_523, %rem3A_514 : i32
    %jit3A_525 = arith.constant 1024 : i32
    %div3A_526 = arith.divsi %select_n3A_524, %jit3A_525 : i32
    %sign3A_527 = arith.constant 0 : i32
    %sign3A_528 = arith.cmpi sgt, %select_n3A_524, %sign3A_527 : i32
    %sign3A_529 = arith.extui %sign3A_528 : i1 to i32
    %sign3A_530 = arith.constant 0 : i32
    %sign3A_531 = arith.cmpi slt, %select_n3A_524, %sign3A_530 : i32
    %sign3A_532 = arith.extui %sign3A_531 : i1 to i32
    %sign3A_533 = arith.subi %sign3A_529, %sign3A_532 : i32
    %sign3A_534 = arith.constant 0 : i32
    %sign3A_535 = arith.cmpi sgt, %jit3A_525, %sign3A_534 : i32
    %sign3A_536 = arith.extui %sign3A_535 : i1 to i32
    %sign3A_537 = arith.constant 0 : i32
    %sign3A_538 = arith.cmpi slt, %jit3A_525, %sign3A_537 : i32
    %sign3A_539 = arith.extui %sign3A_538 : i1 to i32
    %sign3A_540 = arith.subi %sign3A_536, %sign3A_539 : i32
    %ne3A_541 = arith.cmpi ne, %sign3A_533, %sign3A_540 : i32
    %rem3A_542 = arith.remsi %select_n3A_524, %jit3A_525 : i32
    %ne3A_543 = arith.constant 0 : i32
    %ne3A_544 = arith.cmpi ne, %rem3A_542, %ne3A_543 : i32
    %and3A_545 = arith.andi %ne3A_541, %ne3A_544 : i1
    %sub3A_546 = arith.constant 1 : i32
    %sub3A_547 = arith.subi %div3A_526, %sub3A_546 : i32
    %select_n3A_548 = arith.select %and3A_545, %sub3A_547, %div3A_526 : i32
    %dma_wait3A = arith.constant 49 : i32
    %dma_wait3A_549 = arith.constant 0 : i32
    %dma_wait3A_550 = arith.constant 0 : i32
    %dma_wait3A_551 = arith.constant 0 : i32
    %dma_wait3A_552 = tpu.memref_slice %arg6[%dma_wait3A_549, %dma_wait3A_550, %dma_wait3A_551] : memref<4x128x64xf32, #tpu.memory_space<vmem>> -> memref<1x128x64xf32, #tpu.memory_space<vmem>>
    %dma_wait3A_553 = tpu.memref_squeeze %dma_wait3A_552 : memref<1x128x64xf32, #tpu.memory_space<vmem>> -> memref<128x64xf32, #tpu.memory_space<vmem>>
    %dma_wait3A_554 = arith.constant 0 : i32
    %dma_wait3A_555 = tpu.memref_slice %arg5[%dma_wait3A, %dma_wait3A_554] : memref<50x512xi32, #tpu.memory_space<vmem>> -> memref<1x128xi32, #tpu.memory_space<vmem>>
    %dma_wait3A_556 = tpu.memref_squeeze %dma_wait3A_555 : memref<1x128xi32, #tpu.memory_space<vmem>> -> memref<128xi32, #tpu.memory_space<vmem>>
    %dma_wait3A_557 = arith.constant 0 : i32
    %dma_wait3A_558 = arith.constant 0 : i32
    %dma_wait3A_559 = tpu.memref_slice %arg2[%dma_wait3A_557, %dma_wait3A_558] : memref<100000x64xf32, #tpu.memory_space<hbm>> -> memref<100000x64xf32, #tpu.memory_space<hbm>>
    tpu.wait_indirect_dma semaphore(%arg7 : memref<!tpu.dma_semaphore, #tpu.memory_space<semaphore_mem>>) src(%dma_wait3A_559 : memref<100000x64xf32, #tpu.memory_space<hbm>>) dst(%dma_wait3A_553 : memref<128x64xf32, #tpu.memory_space<vmem>>)
    %add3A_560 = arith.constant 0 : i32
    %add3A_561 = arith.addi %mul3A_2, %add3A_560 : i32
    %jit3A_562 = arith.constant 2048 : i32
    %div3A_563 = arith.divsi %add3A_561, %jit3A_562 : i32
    %sign3A_564 = arith.constant 0 : i32
    %sign3A_565 = arith.cmpi sgt, %add3A_561, %sign3A_564 : i32
    %sign3A_566 = arith.extui %sign3A_565 : i1 to i32
    %sign3A_567 = arith.constant 0 : i32
    %sign3A_568 = arith.cmpi slt, %add3A_561, %sign3A_567 : i32
    %sign3A_569 = arith.extui %sign3A_568 : i1 to i32
    %sign3A_570 = arith.subi %sign3A_566, %sign3A_569 : i32
    %sign3A_571 = arith.constant 0 : i32
    %sign3A_572 = arith.cmpi sgt, %jit3A_562, %sign3A_571 : i32
    %sign3A_573 = arith.extui %sign3A_572 : i1 to i32
    %sign3A_574 = arith.constant 0 : i32
    %sign3A_575 = arith.cmpi slt, %jit3A_562, %sign3A_574 : i32
    %sign3A_576 = arith.extui %sign3A_575 : i1 to i32
    %sign3A_577 = arith.subi %sign3A_573, %sign3A_576 : i32
    %ne3A_578 = arith.cmpi ne, %sign3A_570, %sign3A_577 : i32
    %rem3A_579 = arith.remsi %add3A_561, %jit3A_562 : i32
    %ne3A_580 = arith.constant 0 : i32
    %ne3A_581 = arith.cmpi ne, %rem3A_579, %ne3A_580 : i32
    %and3A_582 = arith.andi %ne3A_578, %ne3A_581 : i1
    %sub3A_583 = arith.constant 1 : i32
    %sub3A_584 = arith.subi %div3A_563, %sub3A_583 : i32
    %select_n3A_585 = arith.select %and3A_582, %sub3A_584, %div3A_563 : i32
    %mul3A_586 = arith.constant 1024 : i32
    %mul3A_587 = arith.muli %select_n3A_585, %mul3A_586 : i32
    %jit3A_588 = arith.constant 2048 : i32
    %eq3A_589 = arith.constant 0 : i32
    %eq3A_590 = arith.cmpi eq, %jit3A_588, %eq3A_589 : i32
    %jit3A_591 = arith.constant 1 : i32
    %select_n3A_592 = arith.select %eq3A_590, %jit3A_591, %jit3A_588 : i32
    %rem3A_593 = arith.remsi %add3A_561, %select_n3A_592 : i32
    %ne3A_594 = arith.constant 0 : i32
    %ne3A_595 = arith.cmpi ne, %rem3A_593, %ne3A_594 : i32
    %lt3A_596 = arith.constant 0 : i32
    %lt3A_597 = arith.cmpi slt, %rem3A_593, %lt3A_596 : i32
    %lt3A_598 = arith.constant 0 : i32
    %lt3A_599 = arith.cmpi slt, %select_n3A_592, %lt3A_598 : i32
    %ne3A_600 = arith.xori %lt3A_597, %lt3A_599 : i1
    %and3A_601 = arith.andi %ne3A_600, %ne3A_595 : i1
    %add3A_602 = arith.addi %rem3A_593, %select_n3A_592 : i32
    %select_n3A_603 = arith.select %and3A_601, %add3A_602, %rem3A_593 : i32
    %jit3A_604 = arith.constant 1024 : i32
    %eq3A_605 = arith.constant 0 : i32
    %eq3A_606 = arith.cmpi eq, %jit3A_604, %eq3A_605 : i32
    %jit3A_607 = arith.constant 1 : i32
    %select_n3A_608 = arith.select %eq3A_606, %jit3A_607, %jit3A_604 : i32
    %rem3A_609 = arith.remsi %select_n3A_603, %select_n3A_608 : i32
    %ne3A_610 = arith.constant 0 : i32
    %ne3A_611 = arith.cmpi ne, %rem3A_609, %ne3A_610 : i32
    %lt3A_612 = arith.constant 0 : i32
    %lt3A_613 = arith.cmpi slt, %rem3A_609, %lt3A_612 : i32
    %lt3A_614 = arith.constant 0 : i32
    %lt3A_615 = arith.cmpi slt, %select_n3A_608, %lt3A_614 : i32
    %ne3A_616 = arith.xori %lt3A_613, %lt3A_615 : i1
    %and3A_617 = arith.andi %ne3A_616, %ne3A_611 : i1
    %add3A_618 = arith.addi %rem3A_609, %select_n3A_608 : i32
    %select_n3A_619 = arith.select %and3A_617, %add3A_618, %rem3A_609 : i32
    %add3A_620 = arith.addi %mul3A_587, %select_n3A_619 : i32
    %jit3A_621 = arith.constant 2048 : i32
    %eq3A_622 = arith.constant 0 : i32
    %eq3A_623 = arith.cmpi eq, %jit3A_621, %eq3A_622 : i32
    %jit3A_624 = arith.constant 1 : i32
    %select_n3A_625 = arith.select %eq3A_623, %jit3A_624, %jit3A_621 : i32
    %rem3A_626 = arith.remsi %add3A_561, %select_n3A_625 : i32
    %ne3A_627 = arith.constant 0 : i32
    %ne3A_628 = arith.cmpi ne, %rem3A_626, %ne3A_627 : i32
    %lt3A_629 = arith.constant 0 : i32
    %lt3A_630 = arith.cmpi slt, %rem3A_626, %lt3A_629 : i32
    %lt3A_631 = arith.constant 0 : i32
    %lt3A_632 = arith.cmpi slt, %select_n3A_625, %lt3A_631 : i32
    %ne3A_633 = arith.xori %lt3A_630, %lt3A_632 : i1
    %and3A_634 = arith.andi %ne3A_633, %ne3A_628 : i1
    %add3A_635 = arith.addi %rem3A_626, %select_n3A_625 : i32
    %select_n3A_636 = arith.select %and3A_634, %add3A_635, %rem3A_626 : i32
    %jit3A_637 = arith.constant 1024 : i32
    %div3A_638 = arith.divsi %select_n3A_636, %jit3A_637 : i32
    %sign3A_639 = arith.constant 0 : i32
    %sign3A_640 = arith.cmpi sgt, %select_n3A_636, %sign3A_639 : i32
    %sign3A_641 = arith.extui %sign3A_640 : i1 to i32
    %sign3A_642 = arith.constant 0 : i32
    %sign3A_643 = arith.cmpi slt, %select_n3A_636, %sign3A_642 : i32
    %sign3A_644 = arith.extui %sign3A_643 : i1 to i32
    %sign3A_645 = arith.subi %sign3A_641, %sign3A_644 : i32
    %sign3A_646 = arith.constant 0 : i32
    %sign3A_647 = arith.cmpi sgt, %jit3A_637, %sign3A_646 : i32
    %sign3A_648 = arith.extui %sign3A_647 : i1 to i32
    %sign3A_649 = arith.constant 0 : i32
    %sign3A_650 = arith.cmpi slt, %jit3A_637, %sign3A_649 : i32
    %sign3A_651 = arith.extui %sign3A_650 : i1 to i32
    %sign3A_652 = arith.subi %sign3A_648, %sign3A_651 : i32
    %ne3A_653 = arith.cmpi ne, %sign3A_645, %sign3A_652 : i32
    %rem3A_654 = arith.remsi %select_n3A_636, %jit3A_637 : i32
    %ne3A_655 = arith.constant 0 : i32
    %ne3A_656 = arith.cmpi ne, %rem3A_654, %ne3A_655 : i32
    %and3A_657 = arith.andi %ne3A_653, %ne3A_656 : i1
    %sub3A_658 = arith.constant 1 : i32
    %sub3A_659 = arith.subi %div3A_638, %sub3A_658 : i32
    %select_n3A_660 = arith.select %and3A_657, %sub3A_659, %div3A_638 : i32
    %mul3A_661 = arith.constant 64 : i32
    %mul3A_662 = arith.muli %select_n3A_660, %mul3A_661 : i32
    %dma_start3A_663 = arith.constant 0 : i32
    %dma_start3A_664 = arith.constant 49 : i32
    %dma_start3A_665 = arith.constant 0 : i32
    %dma_start3A_666 = arith.constant 0 : i32
    %dma_start3A_667 = tpu.memref_slice %arg6[%dma_start3A_663, %dma_start3A_665, %dma_start3A_666] : memref<4x128x64xf32, #tpu.memory_space<vmem>> -> memref<1x128x64xf32, #tpu.memory_space<vmem>>
    %dma_start3A_668 = tpu.memref_squeeze %dma_start3A_667 : memref<1x128x64xf32, #tpu.memory_space<vmem>> -> memref<128x64xf32, #tpu.memory_space<vmem>>
    %dma_start3A_669 = tpu.memref_slice %arg4[%dma_start3A_664, %add3A_620, %mul3A_662] : memref<50x8192x128xf32, #tpu.memory_space<hbm>> -> memref<1x128x64xf32, #tpu.memory_space<hbm>>
    %dma_start3A_670 = tpu.memref_squeeze %dma_start3A_669 : memref<1x128x64xf32, #tpu.memory_space<hbm>> -> memref<128x64xf32, #tpu.memory_space<hbm>>
    %dma_start3A_671 = tpu.memref_slice %arg4[%dma_start3A_664, %add3A_620, %mul3A_662] : memref<50x8192x128xf32, #tpu.memory_space<hbm>> -> memref<1x128x64xf32, #tpu.memory_space<hbm>>
    %dma_start3A_672 = tpu.memref_squeeze %dma_start3A_671 : memref<1x128x64xf32, #tpu.memory_space<hbm>> -> memref<128x64xf32, #tpu.memory_space<hbm>>
    %dma_start3A_673 = arith.constant 0 : i32
    %dma_start3A_674 = arith.constant 0 : i32
    %dma_start3A_675 = tpu.memref_slice %arg6[%dma_start3A_663, %dma_start3A_673, %dma_start3A_674] : memref<4x128x64xf32, #tpu.memory_space<vmem>> -> memref<1x128x64xf32, #tpu.memory_space<vmem>>
    %dma_start3A_676 = tpu.memref_squeeze %dma_start3A_675 : memref<1x128x64xf32, #tpu.memory_space<vmem>> -> memref<128x64xf32, #tpu.memory_space<vmem>>
    tpu.enqueue_dma source(%dma_start3A_676 : memref<128x64xf32, #tpu.memory_space<vmem>>) target(%dma_start3A_672 : memref<128x64xf32, #tpu.memory_space<hbm>>) target_semaphore(%arg11 : memref<!tpu.dma_semaphore, #tpu.memory_space<semaphore_mem>>)
    %add3A_677 = arith.constant 128 : i32
    %add3A_678 = arith.addi %mul3A_2, %add3A_677 : i32
    %jit3A_679 = arith.constant 2048 : i32
    %div3A_680 = arith.divsi %add3A_678, %jit3A_679 : i32
    %sign3A_681 = arith.constant 0 : i32
    %sign3A_682 = arith.cmpi sgt, %add3A_678, %sign3A_681 : i32
    %sign3A_683 = arith.extui %sign3A_682 : i1 to i32
    %sign3A_684 = arith.constant 0 : i32
    %sign3A_685 = arith.cmpi slt, %add3A_678, %sign3A_684 : i32
    %sign3A_686 = arith.extui %sign3A_685 : i1 to i32
    %sign3A_687 = arith.subi %sign3A_683, %sign3A_686 : i32
    %sign3A_688 = arith.constant 0 : i32
    %sign3A_689 = arith.cmpi sgt, %jit3A_679, %sign3A_688 : i32
    %sign3A_690 = arith.extui %sign3A_689 : i1 to i32
    %sign3A_691 = arith.constant 0 : i32
    %sign3A_692 = arith.cmpi slt, %jit3A_679, %sign3A_691 : i32
    %sign3A_693 = arith.extui %sign3A_692 : i1 to i32
    %sign3A_694 = arith.subi %sign3A_690, %sign3A_693 : i32
    %ne3A_695 = arith.cmpi ne, %sign3A_687, %sign3A_694 : i32
    %rem3A_696 = arith.remsi %add3A_678, %jit3A_679 : i32
    %ne3A_697 = arith.constant 0 : i32
    %ne3A_698 = arith.cmpi ne, %rem3A_696, %ne3A_697 : i32
    %and3A_699 = arith.andi %ne3A_695, %ne3A_698 : i1
    %sub3A_700 = arith.constant 1 : i32
    %sub3A_701 = arith.subi %div3A_680, %sub3A_700 : i32
    %select_n3A_702 = arith.select %and3A_699, %sub3A_701, %div3A_680 : i32
    %mul3A_703 = arith.constant 1024 : i32
    %mul3A_704 = arith.muli %select_n3A_702, %mul3A_703 : i32
    %jit3A_705 = arith.constant 2048 : i32
    %eq3A_706 = arith.constant 0 : i32
    %eq3A_707 = arith.cmpi eq, %jit3A_705, %eq3A_706 : i32
    %jit3A_708 = arith.constant 1 : i32
    %select_n3A_709 = arith.select %eq3A_707, %jit3A_708, %jit3A_705 : i32
    %rem3A_710 = arith.remsi %add3A_678, %select_n3A_709 : i32
    %ne3A_711 = arith.constant 0 : i32
    %ne3A_712 = arith.cmpi ne, %rem3A_710, %ne3A_711 : i32
    %lt3A_713 = arith.constant 0 : i32
    %lt3A_714 = arith.cmpi slt, %rem3A_710, %lt3A_713 : i32
    %lt3A_715 = arith.constant 0 : i32
    %lt3A_716 = arith.cmpi slt, %select_n3A_709, %lt3A_715 : i32
    %ne3A_717 = arith.xori %lt3A_714, %lt3A_716 : i1
    %and3A_718 = arith.andi %ne3A_717, %ne3A_712 : i1
    %add3A_719 = arith.addi %rem3A_710, %select_n3A_709 : i32
    %select_n3A_720 = arith.select %and3A_718, %add3A_719, %rem3A_710 : i32
    %jit3A_721 = arith.constant 1024 : i32
    %eq3A_722 = arith.constant 0 : i32
    %eq3A_723 = arith.cmpi eq, %jit3A_721, %eq3A_722 : i32
    %jit3A_724 = arith.constant 1 : i32
    %select_n3A_725 = arith.select %eq3A_723, %jit3A_724, %jit3A_721 : i32
    %rem3A_726 = arith.remsi %select_n3A_720, %select_n3A_725 : i32
    %ne3A_727 = arith.constant 0 : i32
    %ne3A_728 = arith.cmpi ne, %rem3A_726, %ne3A_727 : i32
    %lt3A_729 = arith.constant 0 : i32
    %lt3A_730 = arith.cmpi slt, %rem3A_726, %lt3A_729 : i32
    %lt3A_731 = arith.constant 0 : i32
    %lt3A_732 = arith.cmpi slt, %select_n3A_725, %lt3A_731 : i32
    %ne3A_733 = arith.xori %lt3A_730, %lt3A_732 : i1
    %and3A_734 = arith.andi %ne3A_733, %ne3A_728 : i1
    %add3A_735 = arith.addi %rem3A_726, %select_n3A_725 : i32
    %select_n3A_736 = arith.select %and3A_734, %add3A_735, %rem3A_726 : i32
    %add3A_737 = arith.addi %mul3A_704, %select_n3A_736 : i32
    %jit3A_738 = arith.constant 2048 : i32
    %eq3A_739 = arith.constant 0 : i32
    %eq3A_740 = arith.cmpi eq, %jit3A_738, %eq3A_739 : i32
    %jit3A_741 = arith.constant 1 : i32
    %select_n3A_742 = arith.select %eq3A_740, %jit3A_741, %jit3A_738 : i32
    %rem3A_743 = arith.remsi %add3A_678, %select_n3A_742 : i32
    %ne3A_744 = arith.constant 0 : i32
    %ne3A_745 = arith.cmpi ne, %rem3A_743, %ne3A_744 : i32
    %lt3A_746 = arith.constant 0 : i32
    %lt3A_747 = arith.cmpi slt, %rem3A_743, %lt3A_746 : i32
    %lt3A_748 = arith.constant 0 : i32
    %lt3A_749 = arith.cmpi slt, %select_n3A_742, %lt3A_748 : i32
    %ne3A_750 = arith.xori %lt3A_747, %lt3A_749 : i1
    %and3A_751 = arith.andi %ne3A_750, %ne3A_745 : i1
    %add3A_752 = arith.addi %rem3A_743, %select_n3A_742 : i32
    %select_n3A_753 = arith.select %and3A_751, %add3A_752, %rem3A_743 : i32
    %jit3A_754 = arith.constant 1024 : i32
    %div3A_755 = arith.divsi %select_n3A_753, %jit3A_754 : i32
    %sign3A_756 = arith.constant 0 : i32
    %sign3A_757 = arith.cmpi sgt, %select_n3A_753, %sign3A_756 : i32
    %sign3A_758 = arith.extui %sign3A_757 : i1 to i32
    %sign3A_759 = arith.constant 0 : i32
    %sign3A_760 = arith.cmpi slt, %select_n3A_753, %sign3A_759 : i32
    %sign3A_761 = arith.extui %sign3A_760 : i1 to i32
    %sign3A_762 = arith.subi %sign3A_758, %sign3A_761 : i32
    %sign3A_763 = arith.constant 0 : i32
    %sign3A_764 = arith.cmpi sgt, %jit3A_754, %sign3A_763 : i32
    %sign3A_765 = arith.extui %sign3A_764 : i1 to i32
    %sign3A_766 = arith.constant 0 : i32
    %sign3A_767 = arith.cmpi slt, %jit3A_754, %sign3A_766 : i32
    %sign3A_768 = arith.extui %sign3A_767 : i1 to i32
    %sign3A_769 = arith.subi %sign3A_765, %sign3A_768 : i32
    %ne3A_770 = arith.cmpi ne, %sign3A_762, %sign3A_769 : i32
    %rem3A_771 = arith.remsi %select_n3A_753, %jit3A_754 : i32
    %ne3A_772 = arith.constant 0 : i32
    %ne3A_773 = arith.cmpi ne, %rem3A_771, %ne3A_772 : i32
    %and3A_774 = arith.andi %ne3A_770, %ne3A_773 : i1
    %sub3A_775 = arith.constant 1 : i32
    %sub3A_776 = arith.subi %div3A_755, %sub3A_775 : i32
    %select_n3A_777 = arith.select %and3A_774, %sub3A_776, %div3A_755 : i32
    %dma_wait3A_778 = arith.constant 49 : i32
    %dma_wait3A_779 = arith.constant 1 : i32
    %dma_wait3A_780 = arith.constant 0 : i32
    %dma_wait3A_781 = arith.constant 0 : i32
    %dma_wait3A_782 = tpu.memref_slice %arg6[%dma_wait3A_779, %dma_wait3A_780, %dma_wait3A_781] : memref<4x128x64xf32, #tpu.memory_space<vmem>> -> memref<1x128x64xf32, #tpu.memory_space<vmem>>
    %dma_wait3A_783 = tpu.memref_squeeze %dma_wait3A_782 : memref<1x128x64xf32, #tpu.memory_space<vmem>> -> memref<128x64xf32, #tpu.memory_space<vmem>>
    %dma_wait3A_784 = arith.constant 128 : i32
    %dma_wait3A_785 = tpu.memref_slice %arg5[%dma_wait3A_778, %dma_wait3A_784] : memref<50x512xi32, #tpu.memory_space<vmem>> -> memref<1x128xi32, #tpu.memory_space<vmem>>
    %dma_wait3A_786 = tpu.memref_squeeze %dma_wait3A_785 : memref<1x128xi32, #tpu.memory_space<vmem>> -> memref<128xi32, #tpu.memory_space<vmem>>
    %dma_wait3A_787 = arith.constant 0 : i32
    %dma_wait3A_788 = arith.constant 0 : i32
    %dma_wait3A_789 = tpu.memref_slice %arg2[%dma_wait3A_787, %dma_wait3A_788] : memref<100000x64xf32, #tpu.memory_space<hbm>> -> memref<100000x64xf32, #tpu.memory_space<hbm>>
    tpu.wait_indirect_dma semaphore(%arg8 : memref<!tpu.dma_semaphore, #tpu.memory_space<semaphore_mem>>) src(%dma_wait3A_789 : memref<100000x64xf32, #tpu.memory_space<hbm>>) dst(%dma_wait3A_783 : memref<128x64xf32, #tpu.memory_space<vmem>>)
    %add3A_790 = arith.constant 128 : i32
    %add3A_791 = arith.addi %mul3A_2, %add3A_790 : i32
    %jit3A_792 = arith.constant 2048 : i32
    %div3A_793 = arith.divsi %add3A_791, %jit3A_792 : i32
    %sign3A_794 = arith.constant 0 : i32
    %sign3A_795 = arith.cmpi sgt, %add3A_791, %sign3A_794 : i32
    %sign3A_796 = arith.extui %sign3A_795 : i1 to i32
    %sign3A_797 = arith.constant 0 : i32
    %sign3A_798 = arith.cmpi slt, %add3A_791, %sign3A_797 : i32
    %sign3A_799 = arith.extui %sign3A_798 : i1 to i32
    %sign3A_800 = arith.subi %sign3A_796, %sign3A_799 : i32
    %sign3A_801 = arith.constant 0 : i32
    %sign3A_802 = arith.cmpi sgt, %jit3A_792, %sign3A_801 : i32
    %sign3A_803 = arith.extui %sign3A_802 : i1 to i32
    %sign3A_804 = arith.constant 0 : i32
    %sign3A_805 = arith.cmpi slt, %jit3A_792, %sign3A_804 : i32
    %sign3A_806 = arith.extui %sign3A_805 : i1 to i32
    %sign3A_807 = arith.subi %sign3A_803, %sign3A_806 : i32
    %ne3A_808 = arith.cmpi ne, %sign3A_800, %sign3A_807 : i32
    %rem3A_809 = arith.remsi %add3A_791, %jit3A_792 : i32
    %ne3A_810 = arith.constant 0 : i32
    %ne3A_811 = arith.cmpi ne, %rem3A_809, %ne3A_810 : i32
    %and3A_812 = arith.andi %ne3A_808, %ne3A_811 : i1
    %sub3A_813 = arith.constant 1 : i32
    %sub3A_814 = arith.subi %div3A_793, %sub3A_813 : i32
    %select_n3A_815 = arith.select %and3A_812, %sub3A_814, %div3A_793 : i32
    %mul3A_816 = arith.constant 1024 : i32
    %mul3A_817 = arith.muli %select_n3A_815, %mul3A_816 : i32
    %jit3A_818 = arith.constant 2048 : i32
    %eq3A_819 = arith.constant 0 : i32
    %eq3A_820 = arith.cmpi eq, %jit3A_818, %eq3A_819 : i32
    %jit3A_821 = arith.constant 1 : i32
    %select_n3A_822 = arith.select %eq3A_820, %jit3A_821, %jit3A_818 : i32
    %rem3A_823 = arith.remsi %add3A_791, %select_n3A_822 : i32
    %ne3A_824 = arith.constant 0 : i32
    %ne3A_825 = arith.cmpi ne, %rem3A_823, %ne3A_824 : i32
    %lt3A_826 = arith.constant 0 : i32
    %lt3A_827 = arith.cmpi slt, %rem3A_823, %lt3A_826 : i32
    %lt3A_828 = arith.constant 0 : i32
    %lt3A_829 = arith.cmpi slt, %select_n3A_822, %lt3A_828 : i32
    %ne3A_830 = arith.xori %lt3A_827, %lt3A_829 : i1
    %and3A_831 = arith.andi %ne3A_830, %ne3A_825 : i1
    %add3A_832 = arith.addi %rem3A_823, %select_n3A_822 : i32
    %select_n3A_833 = arith.select %and3A_831, %add3A_832, %rem3A_823 : i32
    %jit3A_834 = arith.constant 1024 : i32
    %eq3A_835 = arith.constant 0 : i32
    %eq3A_836 = arith.cmpi eq, %jit3A_834, %eq3A_835 : i32
    %jit3A_837 = arith.constant 1 : i32
    %select_n3A_838 = arith.select %eq3A_836, %jit3A_837, %jit3A_834 : i32
    %rem3A_839 = arith.remsi %select_n3A_833, %select_n3A_838 : i32
    %ne3A_840 = arith.constant 0 : i32
    %ne3A_841 = arith.cmpi ne, %rem3A_839, %ne3A_840 : i32
    %lt3A_842 = arith.constant 0 : i32
    %lt3A_843 = arith.cmpi slt, %rem3A_839, %lt3A_842 : i32
    %lt3A_844 = arith.constant 0 : i32
    %lt3A_845 = arith.cmpi slt, %select_n3A_838, %lt3A_844 : i32
    %ne3A_846 = arith.xori %lt3A_843, %lt3A_845 : i1
    %and3A_847 = arith.andi %ne3A_846, %ne3A_841 : i1
    %add3A_848 = arith.addi %rem3A_839, %select_n3A_838 : i32
    %select_n3A_849 = arith.select %and3A_847, %add3A_848, %rem3A_839 : i32
    %add3A_850 = arith.addi %mul3A_817, %select_n3A_849 : i32
    %jit3A_851 = arith.constant 2048 : i32
    %eq3A_852 = arith.constant 0 : i32
    %eq3A_853 = arith.cmpi eq, %jit3A_851, %eq3A_852 : i32
    %jit3A_854 = arith.constant 1 : i32
    %select_n3A_855 = arith.select %eq3A_853, %jit3A_854, %jit3A_851 : i32
    %rem3A_856 = arith.remsi %add3A_791, %select_n3A_855 : i32
    %ne3A_857 = arith.constant 0 : i32
    %ne3A_858 = arith.cmpi ne, %rem3A_856, %ne3A_857 : i32
    %lt3A_859 = arith.constant 0 : i32
    %lt3A_860 = arith.cmpi slt, %rem3A_856, %lt3A_859 : i32
    %lt3A_861 = arith.constant 0 : i32
    %lt3A_862 = arith.cmpi slt, %select_n3A_855, %lt3A_861 : i32
    %ne3A_863 = arith.xori %lt3A_860, %lt3A_862 : i1
    %and3A_864 = arith.andi %ne3A_863, %ne3A_858 : i1
    %add3A_865 = arith.addi %rem3A_856, %select_n3A_855 : i32
    %select_n3A_866 = arith.select %and3A_864, %add3A_865, %rem3A_856 : i32
    %jit3A_867 = arith.constant 1024 : i32
    %div3A_868 = arith.divsi %select_n3A_866, %jit3A_867 : i32
    %sign3A_869 = arith.constant 0 : i32
    %sign3A_870 = arith.cmpi sgt, %select_n3A_866, %sign3A_869 : i32
    %sign3A_871 = arith.extui %sign3A_870 : i1 to i32
    %sign3A_872 = arith.constant 0 : i32
    %sign3A_873 = arith.cmpi slt, %select_n3A_866, %sign3A_872 : i32
    %sign3A_874 = arith.extui %sign3A_873 : i1 to i32
    %sign3A_875 = arith.subi %sign3A_871, %sign3A_874 : i32
    %sign3A_876 = arith.constant 0 : i32
    %sign3A_877 = arith.cmpi sgt, %jit3A_867, %sign3A_876 : i32
    %sign3A_878 = arith.extui %sign3A_877 : i1 to i32
    %sign3A_879 = arith.constant 0 : i32
    %sign3A_880 = arith.cmpi slt, %jit3A_867, %sign3A_879 : i32
    %sign3A_881 = arith.extui %sign3A_880 : i1 to i32
    %sign3A_882 = arith.subi %sign3A_878, %sign3A_881 : i32
    %ne3A_883 = arith.cmpi ne, %sign3A_875, %sign3A_882 : i32
    %rem3A_884 = arith.remsi %select_n3A_866, %jit3A_867 : i32
    %ne3A_885 = arith.constant 0 : i32
    %ne3A_886 = arith.cmpi ne, %rem3A_884, %ne3A_885 : i32
    %and3A_887 = arith.andi %ne3A_883, %ne3A_886 : i1
    %sub3A_888 = arith.constant 1 : i32
    %sub3A_889 = arith.subi %div3A_868, %sub3A_888 : i32
    %select_n3A_890 = arith.select %and3A_887, %sub3A_889, %div3A_868 : i32
    %mul3A_891 = arith.constant 64 : i32
    %mul3A_892 = arith.muli %select_n3A_890, %mul3A_891 : i32
    %dma_start3A_893 = arith.constant 1 : i32
    %dma_start3A_894 = arith.constant 49 : i32
    %dma_start3A_895 = arith.constant 0 : i32
    %dma_start3A_896 = arith.constant 0 : i32
    %dma_start3A_897 = tpu.memref_slice %arg6[%dma_start3A_893, %dma_start3A_895, %dma_start3A_896] : memref<4x128x64xf32, #tpu.memory_space<vmem>> -> memref<1x128x64xf32, #tpu.memory_space<vmem>>
    %dma_start3A_898 = tpu.memref_squeeze %dma_start3A_897 : memref<1x128x64xf32, #tpu.memory_space<vmem>> -> memref<128x64xf32, #tpu.memory_space<vmem>>
    %dma_start3A_899 = tpu.memref_slice %arg4[%dma_start3A_894, %add3A_850, %mul3A_892] : memref<50x8192x128xf32, #tpu.memory_space<hbm>> -> memref<1x128x64xf32, #tpu.memory_space<hbm>>
    %dma_start3A_900 = tpu.memref_squeeze %dma_start3A_899 : memref<1x128x64xf32, #tpu.memory_space<hbm>> -> memref<128x64xf32, #tpu.memory_space<hbm>>
    %dma_start3A_901 = tpu.memref_slice %arg4[%dma_start3A_894, %add3A_850, %mul3A_892] : memref<50x8192x128xf32, #tpu.memory_space<hbm>> -> memref<1x128x64xf32, #tpu.memory_space<hbm>>
    %dma_start3A_902 = tpu.memref_squeeze %dma_start3A_901 : memref<1x128x64xf32, #tpu.memory_space<hbm>> -> memref<128x64xf32, #tpu.memory_space<hbm>>
    %dma_start3A_903 = arith.constant 0 : i32
    %dma_start3A_904 = arith.constant 0 : i32
    %dma_start3A_905 = tpu.memref_slice %arg6[%dma_start3A_893, %dma_start3A_903, %dma_start3A_904] : memref<4x128x64xf32, #tpu.memory_space<vmem>> -> memref<1x128x64xf32, #tpu.memory_space<vmem>>
    %dma_start3A_906 = tpu.memref_squeeze %dma_start3A_905 : memref<1x128x64xf32, #tpu.memory_space<vmem>> -> memref<128x64xf32, #tpu.memory_space<vmem>>
    tpu.enqueue_dma source(%dma_start3A_906 : memref<128x64xf32, #tpu.memory_space<vmem>>) target(%dma_start3A_902 : memref<128x64xf32, #tpu.memory_space<hbm>>) target_semaphore(%arg12 : memref<!tpu.dma_semaphore, #tpu.memory_space<semaphore_mem>>)
    %add3A_907 = arith.constant 256 : i32
    %add3A_908 = arith.addi %mul3A_2, %add3A_907 : i32
    %jit3A_909 = arith.constant 2048 : i32
    %div3A_910 = arith.divsi %add3A_908, %jit3A_909 : i32
    %sign3A_911 = arith.constant 0 : i32
    %sign3A_912 = arith.cmpi sgt, %add3A_908, %sign3A_911 : i32
    %sign3A_913 = arith.extui %sign3A_912 : i1 to i32
    %sign3A_914 = arith.constant 0 : i32
    %sign3A_915 = arith.cmpi slt, %add3A_908, %sign3A_914 : i32
    %sign3A_916 = arith.extui %sign3A_915 : i1 to i32
    %sign3A_917 = arith.subi %sign3A_913, %sign3A_916 : i32
    %sign3A_918 = arith.constant 0 : i32
    %sign3A_919 = arith.cmpi sgt, %jit3A_909, %sign3A_918 : i32
    %sign3A_920 = arith.extui %sign3A_919 : i1 to i32
    %sign3A_921 = arith.constant 0 : i32
    %sign3A_922 = arith.cmpi slt, %jit3A_909, %sign3A_921 : i32
    %sign3A_923 = arith.extui %sign3A_922 : i1 to i32
    %sign3A_924 = arith.subi %sign3A_920, %sign3A_923 : i32
    %ne3A_925 = arith.cmpi ne, %sign3A_917, %sign3A_924 : i32
    %rem3A_926 = arith.remsi %add3A_908, %jit3A_909 : i32
    %ne3A_927 = arith.constant 0 : i32
    %ne3A_928 = arith.cmpi ne, %rem3A_926, %ne3A_927 : i32
    %and3A_929 = arith.andi %ne3A_925, %ne3A_928 : i1
    %sub3A_930 = arith.constant 1 : i32
    %sub3A_931 = arith.subi %div3A_910, %sub3A_930 : i32
    %select_n3A_932 = arith.select %and3A_929, %sub3A_931, %div3A_910 : i32
    %mul3A_933 = arith.constant 1024 : i32
    %mul3A_934 = arith.muli %select_n3A_932, %mul3A_933 : i32
    %jit3A_935 = arith.constant 2048 : i32
    %eq3A_936 = arith.constant 0 : i32
    %eq3A_937 = arith.cmpi eq, %jit3A_935, %eq3A_936 : i32
    %jit3A_938 = arith.constant 1 : i32
    %select_n3A_939 = arith.select %eq3A_937, %jit3A_938, %jit3A_935 : i32
    %rem3A_940 = arith.remsi %add3A_908, %select_n3A_939 : i32
    %ne3A_941 = arith.constant 0 : i32
    %ne3A_942 = arith.cmpi ne, %rem3A_940, %ne3A_941 : i32
    %lt3A_943 = arith.constant 0 : i32
    %lt3A_944 = arith.cmpi slt, %rem3A_940, %lt3A_943 : i32
    %lt3A_945 = arith.constant 0 : i32
    %lt3A_946 = arith.cmpi slt, %select_n3A_939, %lt3A_945 : i32
    %ne3A_947 = arith.xori %lt3A_944, %lt3A_946 : i1
    %and3A_948 = arith.andi %ne3A_947, %ne3A_942 : i1
    %add3A_949 = arith.addi %rem3A_940, %select_n3A_939 : i32
    %select_n3A_950 = arith.select %and3A_948, %add3A_949, %rem3A_940 : i32
    %jit3A_951 = arith.constant 1024 : i32
    %eq3A_952 = arith.constant 0 : i32
    %eq3A_953 = arith.cmpi eq, %jit3A_951, %eq3A_952 : i32
    %jit3A_954 = arith.constant 1 : i32
    %select_n3A_955 = arith.select %eq3A_953, %jit3A_954, %jit3A_951 : i32
    %rem3A_956 = arith.remsi %select_n3A_950, %select_n3A_955 : i32
    %ne3A_957 = arith.constant 0 : i32
    %ne3A_958 = arith.cmpi ne, %rem3A_956, %ne3A_957 : i32
    %lt3A_959 = arith.constant 0 : i32
    %lt3A_960 = arith.cmpi slt, %rem3A_956, %lt3A_959 : i32
    %lt3A_961 = arith.constant 0 : i32
    %lt3A_962 = arith.cmpi slt, %select_n3A_955, %lt3A_961 : i32
    %ne3A_963 = arith.xori %lt3A_960, %lt3A_962 : i1
    %and3A_964 = arith.andi %ne3A_963, %ne3A_958 : i1
    %add3A_965 = arith.addi %rem3A_956, %select_n3A_955 : i32
    %select_n3A_966 = arith.select %and3A_964, %add3A_965, %rem3A_956 : i32
    %add3A_967 = arith.addi %mul3A_934, %select_n3A_966 : i32
    %jit3A_968 = arith.constant 2048 : i32
    %eq3A_969 = arith.constant 0 : i32
    %eq3A_970 = arith.cmpi eq, %jit3A_968, %eq3A_969 : i32
    %jit3A_971 = arith.constant 1 : i32
    %select_n3A_972 = arith.select %eq3A_970, %jit3A_971, %jit3A_968 : i32
    %rem3A_973 = arith.remsi %add3A_908, %select_n3A_972 : i32
    %ne3A_974 = arith.constant 0 : i32
    %ne3A_975 = arith.cmpi ne, %rem3A_973, %ne3A_974 : i32
    %lt3A_976 = arith.constant 0 : i32
    %lt3A_977 = arith.cmpi slt, %rem3A_973, %lt3A_976 : i32
    %lt3A_978 = arith.constant 0 : i32
    %lt3A_979 = arith.cmpi slt, %select_n3A_972, %lt3A_978 : i32
    %ne3A_980 = arith.xori %lt3A_977, %lt3A_979 : i1
    %and3A_981 = arith.andi %ne3A_980, %ne3A_975 : i1
    %add3A_982 = arith.addi %rem3A_973, %select_n3A_972 : i32
    %select_n3A_983 = arith.select %and3A_981, %add3A_982, %rem3A_973 : i32
    %jit3A_984 = arith.constant 1024 : i32
    %div3A_985 = arith.divsi %select_n3A_983, %jit3A_984 : i32
    %sign3A_986 = arith.constant 0 : i32
    %sign3A_987 = arith.cmpi sgt, %select_n3A_983, %sign3A_986 : i32
    %sign3A_988 = arith.extui %sign3A_987 : i1 to i32
    %sign3A_989 = arith.constant 0 : i32
    %sign3A_990 = arith.cmpi slt, %select_n3A_983, %sign3A_989 : i32
    %sign3A_991 = arith.extui %sign3A_990 : i1 to i32
    %sign3A_992 = arith.subi %sign3A_988, %sign3A_991 : i32
    %sign3A_993 = arith.constant 0 : i32
    %sign3A_994 = arith.cmpi sgt, %jit3A_984, %sign3A_993 : i32
    %sign3A_995 = arith.extui %sign3A_994 : i1 to i32
    %sign3A_996 = arith.constant 0 : i32
    %sign3A_997 = arith.cmpi slt, %jit3A_984, %sign3A_996 : i32
    %sign3A_998 = arith.extui %sign3A_997 : i1 to i32
    %sign3A_999 = arith.subi %sign3A_995, %sign3A_998 : i32
    %ne3A_1000 = arith.cmpi ne, %sign3A_992, %sign3A_999 : i32
    %rem3A_1001 = arith.remsi %select_n3A_983, %jit3A_984 : i32
    %ne3A_1002 = arith.constant 0 : i32
    %ne3A_1003 = arith.cmpi ne, %rem3A_1001, %ne3A_1002 : i32
    %and3A_1004 = arith.andi %ne3A_1000, %ne3A_1003 : i1
    %sub3A_1005 = arith.constant 1 : i32
    %sub3A_1006 = arith.subi %div3A_985, %sub3A_1005 : i32
    %select_n3A_1007 = arith.select %and3A_1004, %sub3A_1006, %div3A_985 : i32
    %dma_wait3A_1008 = arith.constant 49 : i32
    %dma_wait3A_1009 = arith.constant 2 : i32
    %dma_wait3A_1010 = arith.constant 0 : i32
    %dma_wait3A_1011 = arith.constant 0 : i32
    %dma_wait3A_1012 = tpu.memref_slice %arg6[%dma_wait3A_1009, %dma_wait3A_1010, %dma_wait3A_1011] : memref<4x128x64xf32, #tpu.memory_space<vmem>> -> memref<1x128x64xf32, #tpu.memory_space<vmem>>
    %dma_wait3A_1013 = tpu.memref_squeeze %dma_wait3A_1012 : memref<1x128x64xf32, #tpu.memory_space<vmem>> -> memref<128x64xf32, #tpu.memory_space<vmem>>
    %dma_wait3A_1014 = arith.constant 256 : i32
    %dma_wait3A_1015 = tpu.memref_slice %arg5[%dma_wait3A_1008, %dma_wait3A_1014] : memref<50x512xi32, #tpu.memory_space<vmem>> -> memref<1x128xi32, #tpu.memory_space<vmem>>
    %dma_wait3A_1016 = tpu.memref_squeeze %dma_wait3A_1015 : memref<1x128xi32, #tpu.memory_space<vmem>> -> memref<128xi32, #tpu.memory_space<vmem>>
    %dma_wait3A_1017 = arith.constant 0 : i32
    %dma_wait3A_1018 = arith.constant 0 : i32
    %dma_wait3A_1019 = tpu.memref_slice %arg2[%dma_wait3A_1017, %dma_wait3A_1018] : memref<100000x64xf32, #tpu.memory_space<hbm>> -> memref<100000x64xf32, #tpu.memory_space<hbm>>
    tpu.wait_indirect_dma semaphore(%arg9 : memref<!tpu.dma_semaphore, #tpu.memory_space<semaphore_mem>>) src(%dma_wait3A_1019 : memref<100000x64xf32, #tpu.memory_space<hbm>>) dst(%dma_wait3A_1013 : memref<128x64xf32, #tpu.memory_space<vmem>>)
    %add3A_1020 = arith.constant 256 : i32
    %add3A_1021 = arith.addi %mul3A_2, %add3A_1020 : i32
    %jit3A_1022 = arith.constant 2048 : i32
    %div3A_1023 = arith.divsi %add3A_1021, %jit3A_1022 : i32
    %sign3A_1024 = arith.constant 0 : i32
    %sign3A_1025 = arith.cmpi sgt, %add3A_1021, %sign3A_1024 : i32
    %sign3A_1026 = arith.extui %sign3A_1025 : i1 to i32
    %sign3A_1027 = arith.constant 0 : i32
    %sign3A_1028 = arith.cmpi slt, %add3A_1021, %sign3A_1027 : i32
    %sign3A_1029 = arith.extui %sign3A_1028 : i1 to i32
    %sign3A_1030 = arith.subi %sign3A_1026, %sign3A_1029 : i32
    %sign3A_1031 = arith.constant 0 : i32
    %sign3A_1032 = arith.cmpi sgt, %jit3A_1022, %sign3A_1031 : i32
    %sign3A_1033 = arith.extui %sign3A_1032 : i1 to i32
    %sign3A_1034 = arith.constant 0 : i32
    %sign3A_1035 = arith.cmpi slt, %jit3A_1022, %sign3A_1034 : i32
    %sign3A_1036 = arith.extui %sign3A_1035 : i1 to i32
    %sign3A_1037 = arith.subi %sign3A_1033, %sign3A_1036 : i32
    %ne3A_1038 = arith.cmpi ne, %sign3A_1030, %sign3A_1037 : i32
    %rem3A_1039 = arith.remsi %add3A_1021, %jit3A_1022 : i32
    %ne3A_1040 = arith.constant 0 : i32
    %ne3A_1041 = arith.cmpi ne, %rem3A_1039, %ne3A_1040 : i32
    %and3A_1042 = arith.andi %ne3A_1038, %ne3A_1041 : i1
    %sub3A_1043 = arith.constant 1 : i32
    %sub3A_1044 = arith.subi %div3A_1023, %sub3A_1043 : i32
    %select_n3A_1045 = arith.select %and3A_1042, %sub3A_1044, %div3A_1023 : i32
    %mul3A_1046 = arith.constant 1024 : i32
    %mul3A_1047 = arith.muli %select_n3A_1045, %mul3A_1046 : i32
    %jit3A_1048 = arith.constant 2048 : i32
    %eq3A_1049 = arith.constant 0 : i32
    %eq3A_1050 = arith.cmpi eq, %jit3A_1048, %eq3A_1049 : i32
    %jit3A_1051 = arith.constant 1 : i32
    %select_n3A_1052 = arith.select %eq3A_1050, %jit3A_1051, %jit3A_1048 : i32
    %rem3A_1053 = arith.remsi %add3A_1021, %select_n3A_1052 : i32
    %ne3A_1054 = arith.constant 0 : i32
    %ne3A_1055 = arith.cmpi ne, %rem3A_1053, %ne3A_1054 : i32
    %lt3A_1056 = arith.constant 0 : i32
    %lt3A_1057 = arith.cmpi slt, %rem3A_1053, %lt3A_1056 : i32
    %lt3A_1058 = arith.constant 0 : i32
    %lt3A_1059 = arith.cmpi slt, %select_n3A_1052, %lt3A_1058 : i32
    %ne3A_1060 = arith.xori %lt3A_1057, %lt3A_1059 : i1
    %and3A_1061 = arith.andi %ne3A_1060, %ne3A_1055 : i1
    %add3A_1062 = arith.addi %rem3A_1053, %select_n3A_1052 : i32
    %select_n3A_1063 = arith.select %and3A_1061, %add3A_1062, %rem3A_1053 : i32
    %jit3A_1064 = arith.constant 1024 : i32
    %eq3A_1065 = arith.constant 0 : i32
    %eq3A_1066 = arith.cmpi eq, %jit3A_1064, %eq3A_1065 : i32
    %jit3A_1067 = arith.constant 1 : i32
    %select_n3A_1068 = arith.select %eq3A_1066, %jit3A_1067, %jit3A_1064 : i32
    %rem3A_1069 = arith.remsi %select_n3A_1063, %select_n3A_1068 : i32
    %ne3A_1070 = arith.constant 0 : i32
    %ne3A_1071 = arith.cmpi ne, %rem3A_1069, %ne3A_1070 : i32
    %lt3A_1072 = arith.constant 0 : i32
    %lt3A_1073 = arith.cmpi slt, %rem3A_1069, %lt3A_1072 : i32
    %lt3A_1074 = arith.constant 0 : i32
    %lt3A_1075 = arith.cmpi slt, %select_n3A_1068, %lt3A_1074 : i32
    %ne3A_1076 = arith.xori %lt3A_1073, %lt3A_1075 : i1
    %and3A_1077 = arith.andi %ne3A_1076, %ne3A_1071 : i1
    %add3A_1078 = arith.addi %rem3A_1069, %select_n3A_1068 : i32
    %select_n3A_1079 = arith.select %and3A_1077, %add3A_1078, %rem3A_1069 : i32
    %add3A_1080 = arith.addi %mul3A_1047, %select_n3A_1079 : i32
    %jit3A_1081 = arith.constant 2048 : i32
    %eq3A_1082 = arith.constant 0 : i32
    %eq3A_1083 = arith.cmpi eq, %jit3A_1081, %eq3A_1082 : i32
    %jit3A_1084 = arith.constant 1 : i32
    %select_n3A_1085 = arith.select %eq3A_1083, %jit3A_1084, %jit3A_1081 : i32
    %rem3A_1086 = arith.remsi %add3A_1021, %select_n3A_1085 : i32
    %ne3A_1087 = arith.constant 0 : i32
    %ne3A_1088 = arith.cmpi ne, %rem3A_1086, %ne3A_1087 : i32
    %lt3A_1089 = arith.constant 0 : i32
    %lt3A_1090 = arith.cmpi slt, %rem3A_1086, %lt3A_1089 : i32
    %lt3A_1091 = arith.constant 0 : i32
    %lt3A_1092 = arith.cmpi slt, %select_n3A_1085, %lt3A_1091 : i32
    %ne3A_1093 = arith.xori %lt3A_1090, %lt3A_1092 : i1
    %and3A_1094 = arith.andi %ne3A_1093, %ne3A_1088 : i1
    %add3A_1095 = arith.addi %rem3A_1086, %select_n3A_1085 : i32
    %select_n3A_1096 = arith.select %and3A_1094, %add3A_1095, %rem3A_1086 : i32
    %jit3A_1097 = arith.constant 1024 : i32
    %div3A_1098 = arith.divsi %select_n3A_1096, %jit3A_1097 : i32
    %sign3A_1099 = arith.constant 0 : i32
    %sign3A_1100 = arith.cmpi sgt, %select_n3A_1096, %sign3A_1099 : i32
    %sign3A_1101 = arith.extui %sign3A_1100 : i1 to i32
    %sign3A_1102 = arith.constant 0 : i32
    %sign3A_1103 = arith.cmpi slt, %select_n3A_1096, %sign3A_1102 : i32
    %sign3A_1104 = arith.extui %sign3A_1103 : i1 to i32
    %sign3A_1105 = arith.subi %sign3A_1101, %sign3A_1104 : i32
    %sign3A_1106 = arith.constant 0 : i32
    %sign3A_1107 = arith.cmpi sgt, %jit3A_1097, %sign3A_1106 : i32
    %sign3A_1108 = arith.extui %sign3A_1107 : i1 to i32
    %sign3A_1109 = arith.constant 0 : i32
    %sign3A_1110 = arith.cmpi slt, %jit3A_1097, %sign3A_1109 : i32
    %sign3A_1111 = arith.extui %sign3A_1110 : i1 to i32
    %sign3A_1112 = arith.subi %sign3A_1108, %sign3A_1111 : i32
    %ne3A_1113 = arith.cmpi ne, %sign3A_1105, %sign3A_1112 : i32
    %rem3A_1114 = arith.remsi %select_n3A_1096, %jit3A_1097 : i32
    %ne3A_1115 = arith.constant 0 : i32
    %ne3A_1116 = arith.cmpi ne, %rem3A_1114, %ne3A_1115 : i32
    %and3A_1117 = arith.andi %ne3A_1113, %ne3A_1116 : i1
    %sub3A_1118 = arith.constant 1 : i32
    %sub3A_1119 = arith.subi %div3A_1098, %sub3A_1118 : i32
    %select_n3A_1120 = arith.select %and3A_1117, %sub3A_1119, %div3A_1098 : i32
    %mul3A_1121 = arith.constant 64 : i32
    %mul3A_1122 = arith.muli %select_n3A_1120, %mul3A_1121 : i32
    %dma_start3A_1123 = arith.constant 2 : i32
    %dma_start3A_1124 = arith.constant 49 : i32
    %dma_start3A_1125 = arith.constant 0 : i32
    %dma_start3A_1126 = arith.constant 0 : i32
    %dma_start3A_1127 = tpu.memref_slice %arg6[%dma_start3A_1123, %dma_start3A_1125, %dma_start3A_1126] : memref<4x128x64xf32, #tpu.memory_space<vmem>> -> memref<1x128x64xf32, #tpu.memory_space<vmem>>
    %dma_start3A_1128 = tpu.memref_squeeze %dma_start3A_1127 : memref<1x128x64xf32, #tpu.memory_space<vmem>> -> memref<128x64xf32, #tpu.memory_space<vmem>>
    %dma_start3A_1129 = tpu.memref_slice %arg4[%dma_start3A_1124, %add3A_1080, %mul3A_1122] : memref<50x8192x128xf32, #tpu.memory_space<hbm>> -> memref<1x128x64xf32, #tpu.memory_space<hbm>>
    %dma_start3A_1130 = tpu.memref_squeeze %dma_start3A_1129 : memref<1x128x64xf32, #tpu.memory_space<hbm>> -> memref<128x64xf32, #tpu.memory_space<hbm>>
    %dma_start3A_1131 = tpu.memref_slice %arg4[%dma_start3A_1124, %add3A_1080, %mul3A_1122] : memref<50x8192x128xf32, #tpu.memory_space<hbm>> -> memref<1x128x64xf32, #tpu.memory_space<hbm>>
    %dma_start3A_1132 = tpu.memref_squeeze %dma_start3A_1131 : memref<1x128x64xf32, #tpu.memory_space<hbm>> -> memref<128x64xf32, #tpu.memory_space<hbm>>
    %dma_start3A_1133 = arith.constant 0 : i32
    %dma_start3A_1134 = arith.constant 0 : i32
    %dma_start3A_1135 = tpu.memref_slice %arg6[%dma_start3A_1123, %dma_start3A_1133, %dma_start3A_1134] : memref<4x128x64xf32, #tpu.memory_space<vmem>> -> memref<1x128x64xf32, #tpu.memory_space<vmem>>
    %dma_start3A_1136 = tpu.memref_squeeze %dma_start3A_1135 : memref<1x128x64xf32, #tpu.memory_space<vmem>> -> memref<128x64xf32, #tpu.memory_space<vmem>>
    tpu.enqueue_dma source(%dma_start3A_1136 : memref<128x64xf32, #tpu.memory_space<vmem>>) target(%dma_start3A_1132 : memref<128x64xf32, #tpu.memory_space<hbm>>) target_semaphore(%arg13 : memref<!tpu.dma_semaphore, #tpu.memory_space<semaphore_mem>>)
    %add3A_1137 = arith.constant 384 : i32
    %add3A_1138 = arith.addi %mul3A_2, %add3A_1137 : i32
    %jit3A_1139 = arith.constant 2048 : i32
    %div3A_1140 = arith.divsi %add3A_1138, %jit3A_1139 : i32
    %sign3A_1141 = arith.constant 0 : i32
    %sign3A_1142 = arith.cmpi sgt, %add3A_1138, %sign3A_1141 : i32
    %sign3A_1143 = arith.extui %sign3A_1142 : i1 to i32
    %sign3A_1144 = arith.constant 0 : i32
    %sign3A_1145 = arith.cmpi slt, %add3A_1138, %sign3A_1144 : i32
    %sign3A_1146 = arith.extui %sign3A_1145 : i1 to i32
    %sign3A_1147 = arith.subi %sign3A_1143, %sign3A_1146 : i32
    %sign3A_1148 = arith.constant 0 : i32
    %sign3A_1149 = arith.cmpi sgt, %jit3A_1139, %sign3A_1148 : i32
    %sign3A_1150 = arith.extui %sign3A_1149 : i1 to i32
    %sign3A_1151 = arith.constant 0 : i32
    %sign3A_1152 = arith.cmpi slt, %jit3A_1139, %sign3A_1151 : i32
    %sign3A_1153 = arith.extui %sign3A_1152 : i1 to i32
    %sign3A_1154 = arith.subi %sign3A_1150, %sign3A_1153 : i32
    %ne3A_1155 = arith.cmpi ne, %sign3A_1147, %sign3A_1154 : i32
    %rem3A_1156 = arith.remsi %add3A_1138, %jit3A_1139 : i32
    %ne3A_1157 = arith.constant 0 : i32
    %ne3A_1158 = arith.cmpi ne, %rem3A_1156, %ne3A_1157 : i32
    %and3A_1159 = arith.andi %ne3A_1155, %ne3A_1158 : i1
    %sub3A_1160 = arith.constant 1 : i32
    %sub3A_1161 = arith.subi %div3A_1140, %sub3A_1160 : i32
    %select_n3A_1162 = arith.select %and3A_1159, %sub3A_1161, %div3A_1140 : i32
    %mul3A_1163 = arith.constant 1024 : i32
    %mul3A_1164 = arith.muli %select_n3A_1162, %mul3A_1163 : i32
    %jit3A_1165 = arith.constant 2048 : i32
    %eq3A_1166 = arith.constant 0 : i32
    %eq3A_1167 = arith.cmpi eq, %jit3A_1165, %eq3A_1166 : i32
    %jit3A_1168 = arith.constant 1 : i32
    %select_n3A_1169 = arith.select %eq3A_1167, %jit3A_1168, %jit3A_1165 : i32
    %rem3A_1170 = arith.remsi %add3A_1138, %select_n3A_1169 : i32
    %ne3A_1171 = arith.constant 0 : i32
    %ne3A_1172 = arith.cmpi ne, %rem3A_1170, %ne3A_1171 : i32
    %lt3A_1173 = arith.constant 0 : i32
    %lt3A_1174 = arith.cmpi slt, %rem3A_1170, %lt3A_1173 : i32
    %lt3A_1175 = arith.constant 0 : i32
    %lt3A_1176 = arith.cmpi slt, %select_n3A_1169, %lt3A_1175 : i32
    %ne3A_1177 = arith.xori %lt3A_1174, %lt3A_1176 : i1
    %and3A_1178 = arith.andi %ne3A_1177, %ne3A_1172 : i1
    %add3A_1179 = arith.addi %rem3A_1170, %select_n3A_1169 : i32
    %select_n3A_1180 = arith.select %and3A_1178, %add3A_1179, %rem3A_1170 : i32
    %jit3A_1181 = arith.constant 1024 : i32
    %eq3A_1182 = arith.constant 0 : i32
    %eq3A_1183 = arith.cmpi eq, %jit3A_1181, %eq3A_1182 : i32
    %jit3A_1184 = arith.constant 1 : i32
    %select_n3A_1185 = arith.select %eq3A_1183, %jit3A_1184, %jit3A_1181 : i32
    %rem3A_1186 = arith.remsi %select_n3A_1180, %select_n3A_1185 : i32
    %ne3A_1187 = arith.constant 0 : i32
    %ne3A_1188 = arith.cmpi ne, %rem3A_1186, %ne3A_1187 : i32
    %lt3A_1189 = arith.constant 0 : i32
    %lt3A_1190 = arith.cmpi slt, %rem3A_1186, %lt3A_1189 : i32
    %lt3A_1191 = arith.constant 0 : i32
    %lt3A_1192 = arith.cmpi slt, %select_n3A_1185, %lt3A_1191 : i32
    %ne3A_1193 = arith.xori %lt3A_1190, %lt3A_1192 : i1
    %and3A_1194 = arith.andi %ne3A_1193, %ne3A_1188 : i1
    %add3A_1195 = arith.addi %rem3A_1186, %select_n3A_1185 : i32
    %select_n3A_1196 = arith.select %and3A_1194, %add3A_1195, %rem3A_1186 : i32
    %add3A_1197 = arith.addi %mul3A_1164, %select_n3A_1196 : i32
    %jit3A_1198 = arith.constant 2048 : i32
    %eq3A_1199 = arith.constant 0 : i32
    %eq3A_1200 = arith.cmpi eq, %jit3A_1198, %eq3A_1199 : i32
    %jit3A_1201 = arith.constant 1 : i32
    %select_n3A_1202 = arith.select %eq3A_1200, %jit3A_1201, %jit3A_1198 : i32
    %rem3A_1203 = arith.remsi %add3A_1138, %select_n3A_1202 : i32
    %ne3A_1204 = arith.constant 0 : i32
    %ne3A_1205 = arith.cmpi ne, %rem3A_1203, %ne3A_1204 : i32
    %lt3A_1206 = arith.constant 0 : i32
    %lt3A_1207 = arith.cmpi slt, %rem3A_1203, %lt3A_1206 : i32
    %lt3A_1208 = arith.constant 0 : i32
    %lt3A_1209 = arith.cmpi slt, %select_n3A_1202, %lt3A_1208 : i32
    %ne3A_1210 = arith.xori %lt3A_1207, %lt3A_1209 : i1
    %and3A_1211 = arith.andi %ne3A_1210, %ne3A_1205 : i1
    %add3A_1212 = arith.addi %rem3A_1203, %select_n3A_1202 : i32
    %select_n3A_1213 = arith.select %and3A_1211, %add3A_1212, %rem3A_1203 : i32
    %jit3A_1214 = arith.constant 1024 : i32
    %div3A_1215 = arith.divsi %select_n3A_1213, %jit3A_1214 : i32
    %sign3A_1216 = arith.constant 0 : i32
    %sign3A_1217 = arith.cmpi sgt, %select_n3A_1213, %sign3A_1216 : i32
    %sign3A_1218 = arith.extui %sign3A_1217 : i1 to i32
    %sign3A_1219 = arith.constant 0 : i32
    %sign3A_1220 = arith.cmpi slt, %select_n3A_1213, %sign3A_1219 : i32
    %sign3A_1221 = arith.extui %sign3A_1220 : i1 to i32
    %sign3A_1222 = arith.subi %sign3A_1218, %sign3A_1221 : i32
    %sign3A_1223 = arith.constant 0 : i32
    %sign3A_1224 = arith.cmpi sgt, %jit3A_1214, %sign3A_1223 : i32
    %sign3A_1225 = arith.extui %sign3A_1224 : i1 to i32
    %sign3A_1226 = arith.constant 0 : i32
    %sign3A_1227 = arith.cmpi slt, %jit3A_1214, %sign3A_1226 : i32
    %sign3A_1228 = arith.extui %sign3A_1227 : i1 to i32
    %sign3A_1229 = arith.subi %sign3A_1225, %sign3A_1228 : i32
    %ne3A_1230 = arith.cmpi ne, %sign3A_1222, %sign3A_1229 : i32
    %rem3A_1231 = arith.remsi %select_n3A_1213, %jit3A_1214 : i32
    %ne3A_1232 = arith.constant 0 : i32
    %ne3A_1233 = arith.cmpi ne, %rem3A_1231, %ne3A_1232 : i32
    %and3A_1234 = arith.andi %ne3A_1230, %ne3A_1233 : i1
    %sub3A_1235 = arith.constant 1 : i32
    %sub3A_1236 = arith.subi %div3A_1215, %sub3A_1235 : i32
    %select_n3A_1237 = arith.select %and3A_1234, %sub3A_1236, %div3A_1215 : i32
    %dma_wait3A_1238 = arith.constant 49 : i32
    %dma_wait3A_1239 = arith.constant 3 : i32
    %dma_wait3A_1240 = arith.constant 0 : i32
    %dma_wait3A_1241 = arith.constant 0 : i32
    %dma_wait3A_1242 = tpu.memref_slice %arg6[%dma_wait3A_1239, %dma_wait3A_1240, %dma_wait3A_1241] : memref<4x128x64xf32, #tpu.memory_space<vmem>> -> memref<1x128x64xf32, #tpu.memory_space<vmem>>
    %dma_wait3A_1243 = tpu.memref_squeeze %dma_wait3A_1242 : memref<1x128x64xf32, #tpu.memory_space<vmem>> -> memref<128x64xf32, #tpu.memory_space<vmem>>
    %dma_wait3A_1244 = arith.constant 384 : i32
    %dma_wait3A_1245 = tpu.memref_slice %arg5[%dma_wait3A_1238, %dma_wait3A_1244] : memref<50x512xi32, #tpu.memory_space<vmem>> -> memref<1x128xi32, #tpu.memory_space<vmem>>
    %dma_wait3A_1246 = tpu.memref_squeeze %dma_wait3A_1245 : memref<1x128xi32, #tpu.memory_space<vmem>> -> memref<128xi32, #tpu.memory_space<vmem>>
    %dma_wait3A_1247 = arith.constant 0 : i32
    %dma_wait3A_1248 = arith.constant 0 : i32
    %dma_wait3A_1249 = tpu.memref_slice %arg2[%dma_wait3A_1247, %dma_wait3A_1248] : memref<100000x64xf32, #tpu.memory_space<hbm>> -> memref<100000x64xf32, #tpu.memory_space<hbm>>
    tpu.wait_indirect_dma semaphore(%arg10 : memref<!tpu.dma_semaphore, #tpu.memory_space<semaphore_mem>>) src(%dma_wait3A_1249 : memref<100000x64xf32, #tpu.memory_space<hbm>>) dst(%dma_wait3A_1243 : memref<128x64xf32, #tpu.memory_space<vmem>>)
    %add3A_1250 = arith.constant 384 : i32
    %add3A_1251 = arith.addi %mul3A_2, %add3A_1250 : i32
    %jit3A_1252 = arith.constant 2048 : i32
    %div3A_1253 = arith.divsi %add3A_1251, %jit3A_1252 : i32
    %sign3A_1254 = arith.constant 0 : i32
    %sign3A_1255 = arith.cmpi sgt, %add3A_1251, %sign3A_1254 : i32
    %sign3A_1256 = arith.extui %sign3A_1255 : i1 to i32
    %sign3A_1257 = arith.constant 0 : i32
    %sign3A_1258 = arith.cmpi slt, %add3A_1251, %sign3A_1257 : i32
    %sign3A_1259 = arith.extui %sign3A_1258 : i1 to i32
    %sign3A_1260 = arith.subi %sign3A_1256, %sign3A_1259 : i32
    %sign3A_1261 = arith.constant 0 : i32
    %sign3A_1262 = arith.cmpi sgt, %jit3A_1252, %sign3A_1261 : i32
    %sign3A_1263 = arith.extui %sign3A_1262 : i1 to i32
    %sign3A_1264 = arith.constant 0 : i32
    %sign3A_1265 = arith.cmpi slt, %jit3A_1252, %sign3A_1264 : i32
    %sign3A_1266 = arith.extui %sign3A_1265 : i1 to i32
    %sign3A_1267 = arith.subi %sign3A_1263, %sign3A_1266 : i32
    %ne3A_1268 = arith.cmpi ne, %sign3A_1260, %sign3A_1267 : i32
    %rem3A_1269 = arith.remsi %add3A_1251, %jit3A_1252 : i32
    %ne3A_1270 = arith.constant 0 : i32
    %ne3A_1271 = arith.cmpi ne, %rem3A_1269, %ne3A_1270 : i32
    %and3A_1272 = arith.andi %ne3A_1268, %ne3A_1271 : i1
    %sub3A_1273 = arith.constant 1 : i32
    %sub3A_1274 = arith.subi %div3A_1253, %sub3A_1273 : i32
    %select_n3A_1275 = arith.select %and3A_1272, %sub3A_1274, %div3A_1253 : i32
    %mul3A_1276 = arith.constant 1024 : i32
    %mul3A_1277 = arith.muli %select_n3A_1275, %mul3A_1276 : i32
    %jit3A_1278 = arith.constant 2048 : i32
    %eq3A_1279 = arith.constant 0 : i32
    %eq3A_1280 = arith.cmpi eq, %jit3A_1278, %eq3A_1279 : i32
    %jit3A_1281 = arith.constant 1 : i32
    %select_n3A_1282 = arith.select %eq3A_1280, %jit3A_1281, %jit3A_1278 : i32
    %rem3A_1283 = arith.remsi %add3A_1251, %select_n3A_1282 : i32
    %ne3A_1284 = arith.constant 0 : i32
    %ne3A_1285 = arith.cmpi ne, %rem3A_1283, %ne3A_1284 : i32
    %lt3A_1286 = arith.constant 0 : i32
    %lt3A_1287 = arith.cmpi slt, %rem3A_1283, %lt3A_1286 : i32
    %lt3A_1288 = arith.constant 0 : i32
    %lt3A_1289 = arith.cmpi slt, %select_n3A_1282, %lt3A_1288 : i32
    %ne3A_1290 = arith.xori %lt3A_1287, %lt3A_1289 : i1
    %and3A_1291 = arith.andi %ne3A_1290, %ne3A_1285 : i1
    %add3A_1292 = arith.addi %rem3A_1283, %select_n3A_1282 : i32
    %select_n3A_1293 = arith.select %and3A_1291, %add3A_1292, %rem3A_1283 : i32
    %jit3A_1294 = arith.constant 1024 : i32
    %eq3A_1295 = arith.constant 0 : i32
    %eq3A_1296 = arith.cmpi eq, %jit3A_1294, %eq3A_1295 : i32
    %jit3A_1297 = arith.constant 1 : i32
    %select_n3A_1298 = arith.select %eq3A_1296, %jit3A_1297, %jit3A_1294 : i32
    %rem3A_1299 = arith.remsi %select_n3A_1293, %select_n3A_1298 : i32
    %ne3A_1300 = arith.constant 0 : i32
    %ne3A_1301 = arith.cmpi ne, %rem3A_1299, %ne3A_1300 : i32
    %lt3A_1302 = arith.constant 0 : i32
    %lt3A_1303 = arith.cmpi slt, %rem3A_1299, %lt3A_1302 : i32
    %lt3A_1304 = arith.constant 0 : i32
    %lt3A_1305 = arith.cmpi slt, %select_n3A_1298, %lt3A_1304 : i32
    %ne3A_1306 = arith.xori %lt3A_1303, %lt3A_1305 : i1
    %and3A_1307 = arith.andi %ne3A_1306, %ne3A_1301 : i1
    %add3A_1308 = arith.addi %rem3A_1299, %select_n3A_1298 : i32
    %select_n3A_1309 = arith.select %and3A_1307, %add3A_1308, %rem3A_1299 : i32
    %add3A_1310 = arith.addi %mul3A_1277, %select_n3A_1309 : i32
    %jit3A_1311 = arith.constant 2048 : i32
    %eq3A_1312 = arith.constant 0 : i32
    %eq3A_1313 = arith.cmpi eq, %jit3A_1311, %eq3A_1312 : i32
    %jit3A_1314 = arith.constant 1 : i32
    %select_n3A_1315 = arith.select %eq3A_1313, %jit3A_1314, %jit3A_1311 : i32
    %rem3A_1316 = arith.remsi %add3A_1251, %select_n3A_1315 : i32
    %ne3A_1317 = arith.constant 0 : i32
    %ne3A_1318 = arith.cmpi ne, %rem3A_1316, %ne3A_1317 : i32
    %lt3A_1319 = arith.constant 0 : i32
    %lt3A_1320 = arith.cmpi slt, %rem3A_1316, %lt3A_1319 : i32
    %lt3A_1321 = arith.constant 0 : i32
    %lt3A_1322 = arith.cmpi slt, %select_n3A_1315, %lt3A_1321 : i32
    %ne3A_1323 = arith.xori %lt3A_1320, %lt3A_1322 : i1
    %and3A_1324 = arith.andi %ne3A_1323, %ne3A_1318 : i1
    %add3A_1325 = arith.addi %rem3A_1316, %select_n3A_1315 : i32
    %select_n3A_1326 = arith.select %and3A_1324, %add3A_1325, %rem3A_1316 : i32
    %jit3A_1327 = arith.constant 1024 : i32
    %div3A_1328 = arith.divsi %select_n3A_1326, %jit3A_1327 : i32
    %sign3A_1329 = arith.constant 0 : i32
    %sign3A_1330 = arith.cmpi sgt, %select_n3A_1326, %sign3A_1329 : i32
    %sign3A_1331 = arith.extui %sign3A_1330 : i1 to i32
    %sign3A_1332 = arith.constant 0 : i32
    %sign3A_1333 = arith.cmpi slt, %select_n3A_1326, %sign3A_1332 : i32
    %sign3A_1334 = arith.extui %sign3A_1333 : i1 to i32
    %sign3A_1335 = arith.subi %sign3A_1331, %sign3A_1334 : i32
    %sign3A_1336 = arith.constant 0 : i32
    %sign3A_1337 = arith.cmpi sgt, %jit3A_1327, %sign3A_1336 : i32
    %sign3A_1338 = arith.extui %sign3A_1337 : i1 to i32
    %sign3A_1339 = arith.constant 0 : i32
    %sign3A_1340 = arith.cmpi slt, %jit3A_1327, %sign3A_1339 : i32
    %sign3A_1341 = arith.extui %sign3A_1340 : i1 to i32
    %sign3A_1342 = arith.subi %sign3A_1338, %sign3A_1341 : i32
    %ne3A_1343 = arith.cmpi ne, %sign3A_1335, %sign3A_1342 : i32
    %rem3A_1344 = arith.remsi %select_n3A_1326, %jit3A_1327 : i32
    %ne3A_1345 = arith.constant 0 : i32
    %ne3A_1346 = arith.cmpi ne, %rem3A_1344, %ne3A_1345 : i32
    %and3A_1347 = arith.andi %ne3A_1343, %ne3A_1346 : i1
    %sub3A_1348 = arith.constant 1 : i32
    %sub3A_1349 = arith.subi %div3A_1328, %sub3A_1348 : i32
    %select_n3A_1350 = arith.select %and3A_1347, %sub3A_1349, %div3A_1328 : i32
    %mul3A_1351 = arith.constant 64 : i32
    %mul3A_1352 = arith.muli %select_n3A_1350, %mul3A_1351 : i32
    %dma_start3A_1353 = arith.constant 3 : i32
    %dma_start3A_1354 = arith.constant 49 : i32
    %dma_start3A_1355 = arith.constant 0 : i32
    %dma_start3A_1356 = arith.constant 0 : i32
    %dma_start3A_1357 = tpu.memref_slice %arg6[%dma_start3A_1353, %dma_start3A_1355, %dma_start3A_1356] : memref<4x128x64xf32, #tpu.memory_space<vmem>> -> memref<1x128x64xf32, #tpu.memory_space<vmem>>
    %dma_start3A_1358 = tpu.memref_squeeze %dma_start3A_1357 : memref<1x128x64xf32, #tpu.memory_space<vmem>> -> memref<128x64xf32, #tpu.memory_space<vmem>>
    %dma_start3A_1359 = tpu.memref_slice %arg4[%dma_start3A_1354, %add3A_1310, %mul3A_1352] : memref<50x8192x128xf32, #tpu.memory_space<hbm>> -> memref<1x128x64xf32, #tpu.memory_space<hbm>>
    %dma_start3A_1360 = tpu.memref_squeeze %dma_start3A_1359 : memref<1x128x64xf32, #tpu.memory_space<hbm>> -> memref<128x64xf32, #tpu.memory_space<hbm>>
    %dma_start3A_1361 = tpu.memref_slice %arg4[%dma_start3A_1354, %add3A_1310, %mul3A_1352] : memref<50x8192x128xf32, #tpu.memory_space<hbm>> -> memref<1x128x64xf32, #tpu.memory_space<hbm>>
    %dma_start3A_1362 = tpu.memref_squeeze %dma_start3A_1361 : memref<1x128x64xf32, #tpu.memory_space<hbm>> -> memref<128x64xf32, #tpu.memory_space<hbm>>
    %dma_start3A_1363 = arith.constant 0 : i32
    %dma_start3A_1364 = arith.constant 0 : i32
    %dma_start3A_1365 = tpu.memref_slice %arg6[%dma_start3A_1353, %dma_start3A_1363, %dma_start3A_1364] : memref<4x128x64xf32, #tpu.memory_space<vmem>> -> memref<1x128x64xf32, #tpu.memory_space<vmem>>
    %dma_start3A_1366 = tpu.memref_squeeze %dma_start3A_1365 : memref<1x128x64xf32, #tpu.memory_space<vmem>> -> memref<128x64xf32, #tpu.memory_space<vmem>>
    tpu.enqueue_dma source(%dma_start3A_1366 : memref<128x64xf32, #tpu.memory_space<vmem>>) target(%dma_start3A_1362 : memref<128x64xf32, #tpu.memory_space<hbm>>) target_semaphore(%arg14 : memref<!tpu.dma_semaphore, #tpu.memory_space<semaphore_mem>>)
    %add3A_1367 = arith.constant 0 : i32
    %add3A_1368 = arith.addi %mul3A_2, %add3A_1367 : i32
    %jit3A_1369 = arith.constant 2048 : i32
    %div3A_1370 = arith.divsi %add3A_1368, %jit3A_1369 : i32
    %sign3A_1371 = arith.constant 0 : i32
    %sign3A_1372 = arith.cmpi sgt, %add3A_1368, %sign3A_1371 : i32
    %sign3A_1373 = arith.extui %sign3A_1372 : i1 to i32
    %sign3A_1374 = arith.constant 0 : i32
    %sign3A_1375 = arith.cmpi slt, %add3A_1368, %sign3A_1374 : i32
    %sign3A_1376 = arith.extui %sign3A_1375 : i1 to i32
    %sign3A_1377 = arith.subi %sign3A_1373, %sign3A_1376 : i32
    %sign3A_1378 = arith.constant 0 : i32
    %sign3A_1379 = arith.cmpi sgt, %jit3A_1369, %sign3A_1378 : i32
    %sign3A_1380 = arith.extui %sign3A_1379 : i1 to i32
    %sign3A_1381 = arith.constant 0 : i32
    %sign3A_1382 = arith.cmpi slt, %jit3A_1369, %sign3A_1381 : i32
    %sign3A_1383 = arith.extui %sign3A_1382 : i1 to i32
    %sign3A_1384 = arith.subi %sign3A_1380, %sign3A_1383 : i32
    %ne3A_1385 = arith.cmpi ne, %sign3A_1377, %sign3A_1384 : i32
    %rem3A_1386 = arith.remsi %add3A_1368, %jit3A_1369 : i32
    %ne3A_1387 = arith.constant 0 : i32
    %ne3A_1388 = arith.cmpi ne, %rem3A_1386, %ne3A_1387 : i32
    %and3A_1389 = arith.andi %ne3A_1385, %ne3A_1388 : i1
    %sub3A_1390 = arith.constant 1 : i32
    %sub3A_1391 = arith.subi %div3A_1370, %sub3A_1390 : i32
    %select_n3A_1392 = arith.select %and3A_1389, %sub3A_1391, %div3A_1370 : i32
    %mul3A_1393 = arith.constant 1024 : i32
    %mul3A_1394 = arith.muli %select_n3A_1392, %mul3A_1393 : i32
    %jit3A_1395 = arith.constant 2048 : i32
    %eq3A_1396 = arith.constant 0 : i32
    %eq3A_1397 = arith.cmpi eq, %jit3A_1395, %eq3A_1396 : i32
    %jit3A_1398 = arith.constant 1 : i32
    %select_n3A_1399 = arith.select %eq3A_1397, %jit3A_1398, %jit3A_1395 : i32
    %rem3A_1400 = arith.remsi %add3A_1368, %select_n3A_1399 : i32
    %ne3A_1401 = arith.constant 0 : i32
    %ne3A_1402 = arith.cmpi ne, %rem3A_1400, %ne3A_1401 : i32
    %lt3A_1403 = arith.constant 0 : i32
    %lt3A_1404 = arith.cmpi slt, %rem3A_1400, %lt3A_1403 : i32
    %lt3A_1405 = arith.constant 0 : i32
    %lt3A_1406 = arith.cmpi slt, %select_n3A_1399, %lt3A_1405 : i32
    %ne3A_1407 = arith.xori %lt3A_1404, %lt3A_1406 : i1
    %and3A_1408 = arith.andi %ne3A_1407, %ne3A_1402 : i1
    %add3A_1409 = arith.addi %rem3A_1400, %select_n3A_1399 : i32
    %select_n3A_1410 = arith.select %and3A_1408, %add3A_1409, %rem3A_1400 : i32
    %jit3A_1411 = arith.constant 1024 : i32
    %eq3A_1412 = arith.constant 0 : i32
    %eq3A_1413 = arith.cmpi eq, %jit3A_1411, %eq3A_1412 : i32
    %jit3A_1414 = arith.constant 1 : i32
    %select_n3A_1415 = arith.select %eq3A_1413, %jit3A_1414, %jit3A_1411 : i32
    %rem3A_1416 = arith.remsi %select_n3A_1410, %select_n3A_1415 : i32
    %ne3A_1417 = arith.constant 0 : i32
    %ne3A_1418 = arith.cmpi ne, %rem3A_1416, %ne3A_1417 : i32
    %lt3A_1419 = arith.constant 0 : i32
    %lt3A_1420 = arith.cmpi slt, %rem3A_1416, %lt3A_1419 : i32
    %lt3A_1421 = arith.constant 0 : i32
    %lt3A_1422 = arith.cmpi slt, %select_n3A_1415, %lt3A_1421 : i32
    %ne3A_1423 = arith.xori %lt3A_1420, %lt3A_1422 : i1
    %and3A_1424 = arith.andi %ne3A_1423, %ne3A_1418 : i1
    %add3A_1425 = arith.addi %rem3A_1416, %select_n3A_1415 : i32
    %select_n3A_1426 = arith.select %and3A_1424, %add3A_1425, %rem3A_1416 : i32
    %add3A_1427 = arith.addi %mul3A_1394, %select_n3A_1426 : i32
    %jit3A_1428 = arith.constant 2048 : i32
    %eq3A_1429 = arith.constant 0 : i32
    %eq3A_1430 = arith.cmpi eq, %jit3A_1428, %eq3A_1429 : i32
    %jit3A_1431 = arith.constant 1 : i32
    %select_n3A_1432 = arith.select %eq3A_1430, %jit3A_1431, %jit3A_1428 : i32
    %rem3A_1433 = arith.remsi %add3A_1368, %select_n3A_1432 : i32
    %ne3A_1434 = arith.constant 0 : i32
    %ne3A_1435 = arith.cmpi ne, %rem3A_1433, %ne3A_1434 : i32
    %lt3A_1436 = arith.constant 0 : i32
    %lt3A_1437 = arith.cmpi slt, %rem3A_1433, %lt3A_1436 : i32
    %lt3A_1438 = arith.constant 0 : i32
    %lt3A_1439 = arith.cmpi slt, %select_n3A_1432, %lt3A_1438 : i32
    %ne3A_1440 = arith.xori %lt3A_1437, %lt3A_1439 : i1
    %and3A_1441 = arith.andi %ne3A_1440, %ne3A_1435 : i1
    %add3A_1442 = arith.addi %rem3A_1433, %select_n3A_1432 : i32
    %select_n3A_1443 = arith.select %and3A_1441, %add3A_1442, %rem3A_1433 : i32
    %jit3A_1444 = arith.constant 1024 : i32
    %div3A_1445 = arith.divsi %select_n3A_1443, %jit3A_1444 : i32
    %sign3A_1446 = arith.constant 0 : i32
    %sign3A_1447 = arith.cmpi sgt, %select_n3A_1443, %sign3A_1446 : i32
    %sign3A_1448 = arith.extui %sign3A_1447 : i1 to i32
    %sign3A_1449 = arith.constant 0 : i32
    %sign3A_1450 = arith.cmpi slt, %select_n3A_1443, %sign3A_1449 : i32
    %sign3A_1451 = arith.extui %sign3A_1450 : i1 to i32
    %sign3A_1452 = arith.subi %sign3A_1448, %sign3A_1451 : i32
    %sign3A_1453 = arith.constant 0 : i32
    %sign3A_1454 = arith.cmpi sgt, %jit3A_1444, %sign3A_1453 : i32
    %sign3A_1455 = arith.extui %sign3A_1454 : i1 to i32
    %sign3A_1456 = arith.constant 0 : i32
    %sign3A_1457 = arith.cmpi slt, %jit3A_1444, %sign3A_1456 : i32
    %sign3A_1458 = arith.extui %sign3A_1457 : i1 to i32
    %sign3A_1459 = arith.subi %sign3A_1455, %sign3A_1458 : i32
    %ne3A_1460 = arith.cmpi ne, %sign3A_1452, %sign3A_1459 : i32
    %rem3A_1461 = arith.remsi %select_n3A_1443, %jit3A_1444 : i32
    %ne3A_1462 = arith.constant 0 : i32
    %ne3A_1463 = arith.cmpi ne, %rem3A_1461, %ne3A_1462 : i32
    %and3A_1464 = arith.andi %ne3A_1460, %ne3A_1463 : i1
    %sub3A_1465 = arith.constant 1 : i32
    %sub3A_1466 = arith.subi %div3A_1445, %sub3A_1465 : i32
    %select_n3A_1467 = arith.select %and3A_1464, %sub3A_1466, %div3A_1445 : i32
    %mul3A_1468 = arith.constant 64 : i32
    %mul3A_1469 = arith.muli %select_n3A_1467, %mul3A_1468 : i32
    %dma_wait3A_1470 = arith.constant 0 : i32
    %dma_wait3A_1471 = arith.constant 49 : i32
    %dma_wait3A_1472 = arith.constant 0 : i32
    %dma_wait3A_1473 = arith.constant 0 : i32
    %dma_wait3A_1474 = tpu.memref_slice %arg6[%dma_wait3A_1470, %dma_wait3A_1472, %dma_wait3A_1473] : memref<4x128x64xf32, #tpu.memory_space<vmem>> -> memref<1x128x64xf32, #tpu.memory_space<vmem>>
    %dma_wait3A_1475 = tpu.memref_squeeze %dma_wait3A_1474 : memref<1x128x64xf32, #tpu.memory_space<vmem>> -> memref<128x64xf32, #tpu.memory_space<vmem>>
    %dma_wait3A_1476 = tpu.memref_slice %arg4[%dma_wait3A_1471, %add3A_1427, %mul3A_1469] : memref<50x8192x128xf32, #tpu.memory_space<hbm>> -> memref<1x128x64xf32, #tpu.memory_space<hbm>>
    %dma_wait3A_1477 = tpu.memref_squeeze %dma_wait3A_1476 : memref<1x128x64xf32, #tpu.memory_space<hbm>> -> memref<128x64xf32, #tpu.memory_space<hbm>>
    %dma_wait3A_1478 = tpu.memref_slice %arg4[%dma_wait3A_1471, %add3A_1427, %mul3A_1469] : memref<50x8192x128xf32, #tpu.memory_space<hbm>> -> memref<1x128x64xf32, #tpu.memory_space<hbm>>
    %dma_wait3A_1479 = tpu.memref_squeeze %dma_wait3A_1478 : memref<1x128x64xf32, #tpu.memory_space<hbm>> -> memref<128x64xf32, #tpu.memory_space<hbm>>
    %dma_wait3A_1480 = arith.constant 0 : i32
    %dma_wait3A_1481 = arith.constant 0 : i32
    %dma_wait3A_1482 = tpu.memref_slice %arg6[%dma_wait3A_1470, %dma_wait3A_1480, %dma_wait3A_1481] : memref<4x128x64xf32, #tpu.memory_space<vmem>> -> memref<1x128x64xf32, #tpu.memory_space<vmem>>
    %dma_wait3A_1483 = tpu.memref_squeeze %dma_wait3A_1482 : memref<1x128x64xf32, #tpu.memory_space<vmem>> -> memref<128x64xf32, #tpu.memory_space<vmem>>
    tpu.wait_dma2 semaphore(%arg11 : memref<!tpu.dma_semaphore, #tpu.memory_space<semaphore_mem>>) src(%dma_wait3A_1483 : memref<128x64xf32, #tpu.memory_space<vmem>>) dst(%dma_wait3A_1479 : memref<128x64xf32, #tpu.memory_space<hbm>>)
    %add3A_1484 = arith.constant 128 : i32
    %add3A_1485 = arith.addi %mul3A_2, %add3A_1484 : i32
    %jit3A_1486 = arith.constant 2048 : i32
    %div3A_1487 = arith.divsi %add3A_1485, %jit3A_1486 : i32
    %sign3A_1488 = arith.constant 0 : i32
    %sign3A_1489 = arith.cmpi sgt, %add3A_1485, %sign3A_1488 : i32
    %sign3A_1490 = arith.extui %sign3A_1489 : i1 to i32
    %sign3A_1491 = arith.constant 0 : i32
    %sign3A_1492 = arith.cmpi slt, %add3A_1485, %sign3A_1491 : i32
    %sign3A_1493 = arith.extui %sign3A_1492 : i1 to i32
    %sign3A_1494 = arith.subi %sign3A_1490, %sign3A_1493 : i32
    %sign3A_1495 = arith.constant 0 : i32
    %sign3A_1496 = arith.cmpi sgt, %jit3A_1486, %sign3A_1495 : i32
    %sign3A_1497 = arith.extui %sign3A_1496 : i1 to i32
    %sign3A_1498 = arith.constant 0 : i32
    %sign3A_1499 = arith.cmpi slt, %jit3A_1486, %sign3A_1498 : i32
    %sign3A_1500 = arith.extui %sign3A_1499 : i1 to i32
    %sign3A_1501 = arith.subi %sign3A_1497, %sign3A_1500 : i32
    %ne3A_1502 = arith.cmpi ne, %sign3A_1494, %sign3A_1501 : i32
    %rem3A_1503 = arith.remsi %add3A_1485, %jit3A_1486 : i32
    %ne3A_1504 = arith.constant 0 : i32
    %ne3A_1505 = arith.cmpi ne, %rem3A_1503, %ne3A_1504 : i32
    %and3A_1506 = arith.andi %ne3A_1502, %ne3A_1505 : i1
    %sub3A_1507 = arith.constant 1 : i32
    %sub3A_1508 = arith.subi %div3A_1487, %sub3A_1507 : i32
    %select_n3A_1509 = arith.select %and3A_1506, %sub3A_1508, %div3A_1487 : i32
    %mul3A_1510 = arith.constant 1024 : i32
    %mul3A_1511 = arith.muli %select_n3A_1509, %mul3A_1510 : i32
    %jit3A_1512 = arith.constant 2048 : i32
    %eq3A_1513 = arith.constant 0 : i32
    %eq3A_1514 = arith.cmpi eq, %jit3A_1512, %eq3A_1513 : i32
    %jit3A_1515 = arith.constant 1 : i32
    %select_n3A_1516 = arith.select %eq3A_1514, %jit3A_1515, %jit3A_1512 : i32
    %rem3A_1517 = arith.remsi %add3A_1485, %select_n3A_1516 : i32
    %ne3A_1518 = arith.constant 0 : i32
    %ne3A_1519 = arith.cmpi ne, %rem3A_1517, %ne3A_1518 : i32
    %lt3A_1520 = arith.constant 0 : i32
    %lt3A_1521 = arith.cmpi slt, %rem3A_1517, %lt3A_1520 : i32
    %lt3A_1522 = arith.constant 0 : i32
    %lt3A_1523 = arith.cmpi slt, %select_n3A_1516, %lt3A_1522 : i32
    %ne3A_1524 = arith.xori %lt3A_1521, %lt3A_1523 : i1
    %and3A_1525 = arith.andi %ne3A_1524, %ne3A_1519 : i1
    %add3A_1526 = arith.addi %rem3A_1517, %select_n3A_1516 : i32
    %select_n3A_1527 = arith.select %and3A_1525, %add3A_1526, %rem3A_1517 : i32
    %jit3A_1528 = arith.constant 1024 : i32
    %eq3A_1529 = arith.constant 0 : i32
    %eq3A_1530 = arith.cmpi eq, %jit3A_1528, %eq3A_1529 : i32
    %jit3A_1531 = arith.constant 1 : i32
    %select_n3A_1532 = arith.select %eq3A_1530, %jit3A_1531, %jit3A_1528 : i32
    %rem3A_1533 = arith.remsi %select_n3A_1527, %select_n3A_1532 : i32
    %ne3A_1534 = arith.constant 0 : i32
    %ne3A_1535 = arith.cmpi ne, %rem3A_1533, %ne3A_1534 : i32
    %lt3A_1536 = arith.constant 0 : i32
    %lt3A_1537 = arith.cmpi slt, %rem3A_1533, %lt3A_1536 : i32
    %lt3A_1538 = arith.constant 0 : i32
    %lt3A_1539 = arith.cmpi slt, %select_n3A_1532, %lt3A_1538 : i32
    %ne3A_1540 = arith.xori %lt3A_1537, %lt3A_1539 : i1
    %and3A_1541 = arith.andi %ne3A_1540, %ne3A_1535 : i1
    %add3A_1542 = arith.addi %rem3A_1533, %select_n3A_1532 : i32
    %select_n3A_1543 = arith.select %and3A_1541, %add3A_1542, %rem3A_1533 : i32
    %add3A_1544 = arith.addi %mul3A_1511, %select_n3A_1543 : i32
    %jit3A_1545 = arith.constant 2048 : i32
    %eq3A_1546 = arith.constant 0 : i32
    %eq3A_1547 = arith.cmpi eq, %jit3A_1545, %eq3A_1546 : i32
    %jit3A_1548 = arith.constant 1 : i32
    %select_n3A_1549 = arith.select %eq3A_1547, %jit3A_1548, %jit3A_1545 : i32
    %rem3A_1550 = arith.remsi %add3A_1485, %select_n3A_1549 : i32
    %ne3A_1551 = arith.constant 0 : i32
    %ne3A_1552 = arith.cmpi ne, %rem3A_1550, %ne3A_1551 : i32
    %lt3A_1553 = arith.constant 0 : i32
    %lt3A_1554 = arith.cmpi slt, %rem3A_1550, %lt3A_1553 : i32
    %lt3A_1555 = arith.constant 0 : i32
    %lt3A_1556 = arith.cmpi slt, %select_n3A_1549, %lt3A_1555 : i32
    %ne3A_1557 = arith.xori %lt3A_1554, %lt3A_1556 : i1
    %and3A_1558 = arith.andi %ne3A_1557, %ne3A_1552 : i1
    %add3A_1559 = arith.addi %rem3A_1550, %select_n3A_1549 : i32
    %select_n3A_1560 = arith.select %and3A_1558, %add3A_1559, %rem3A_1550 : i32
    %jit3A_1561 = arith.constant 1024 : i32
    %div3A_1562 = arith.divsi %select_n3A_1560, %jit3A_1561 : i32
    %sign3A_1563 = arith.constant 0 : i32
    %sign3A_1564 = arith.cmpi sgt, %select_n3A_1560, %sign3A_1563 : i32
    %sign3A_1565 = arith.extui %sign3A_1564 : i1 to i32
    %sign3A_1566 = arith.constant 0 : i32
    %sign3A_1567 = arith.cmpi slt, %select_n3A_1560, %sign3A_1566 : i32
    %sign3A_1568 = arith.extui %sign3A_1567 : i1 to i32
    %sign3A_1569 = arith.subi %sign3A_1565, %sign3A_1568 : i32
    %sign3A_1570 = arith.constant 0 : i32
    %sign3A_1571 = arith.cmpi sgt, %jit3A_1561, %sign3A_1570 : i32
    %sign3A_1572 = arith.extui %sign3A_1571 : i1 to i32
    %sign3A_1573 = arith.constant 0 : i32
    %sign3A_1574 = arith.cmpi slt, %jit3A_1561, %sign3A_1573 : i32
    %sign3A_1575 = arith.extui %sign3A_1574 : i1 to i32
    %sign3A_1576 = arith.subi %sign3A_1572, %sign3A_1575 : i32
    %ne3A_1577 = arith.cmpi ne, %sign3A_1569, %sign3A_1576 : i32
    %rem3A_1578 = arith.remsi %select_n3A_1560, %jit3A_1561 : i32
    %ne3A_1579 = arith.constant 0 : i32
    %ne3A_1580 = arith.cmpi ne, %rem3A_1578, %ne3A_1579 : i32
    %and3A_1581 = arith.andi %ne3A_1577, %ne3A_1580 : i1
    %sub3A_1582 = arith.constant 1 : i32
    %sub3A_1583 = arith.subi %div3A_1562, %sub3A_1582 : i32
    %select_n3A_1584 = arith.select %and3A_1581, %sub3A_1583, %div3A_1562 : i32
    %mul3A_1585 = arith.constant 64 : i32
    %mul3A_1586 = arith.muli %select_n3A_1584, %mul3A_1585 : i32
    %dma_wait3A_1587 = arith.constant 1 : i32
    %dma_wait3A_1588 = arith.constant 49 : i32
    %dma_wait3A_1589 = arith.constant 0 : i32
    %dma_wait3A_1590 = arith.constant 0 : i32
    %dma_wait3A_1591 = tpu.memref_slice %arg6[%dma_wait3A_1587, %dma_wait3A_1589, %dma_wait3A_1590] : memref<4x128x64xf32, #tpu.memory_space<vmem>> -> memref<1x128x64xf32, #tpu.memory_space<vmem>>
    %dma_wait3A_1592 = tpu.memref_squeeze %dma_wait3A_1591 : memref<1x128x64xf32, #tpu.memory_space<vmem>> -> memref<128x64xf32, #tpu.memory_space<vmem>>
    %dma_wait3A_1593 = tpu.memref_slice %arg4[%dma_wait3A_1588, %add3A_1544, %mul3A_1586] : memref<50x8192x128xf32, #tpu.memory_space<hbm>> -> memref<1x128x64xf32, #tpu.memory_space<hbm>>
    %dma_wait3A_1594 = tpu.memref_squeeze %dma_wait3A_1593 : memref<1x128x64xf32, #tpu.memory_space<hbm>> -> memref<128x64xf32, #tpu.memory_space<hbm>>
    %dma_wait3A_1595 = tpu.memref_slice %arg4[%dma_wait3A_1588, %add3A_1544, %mul3A_1586] : memref<50x8192x128xf32, #tpu.memory_space<hbm>> -> memref<1x128x64xf32, #tpu.memory_space<hbm>>
    %dma_wait3A_1596 = tpu.memref_squeeze %dma_wait3A_1595 : memref<1x128x64xf32, #tpu.memory_space<hbm>> -> memref<128x64xf32, #tpu.memory_space<hbm>>
    %dma_wait3A_1597 = arith.constant 0 : i32
    %dma_wait3A_1598 = arith.constant 0 : i32
    %dma_wait3A_1599 = tpu.memref_slice %arg6[%dma_wait3A_1587, %dma_wait3A_1597, %dma_wait3A_1598] : memref<4x128x64xf32, #tpu.memory_space<vmem>> -> memref<1x128x64xf32, #tpu.memory_space<vmem>>
    %dma_wait3A_1600 = tpu.memref_squeeze %dma_wait3A_1599 : memref<1x128x64xf32, #tpu.memory_space<vmem>> -> memref<128x64xf32, #tpu.memory_space<vmem>>
    tpu.wait_dma2 semaphore(%arg12 : memref<!tpu.dma_semaphore, #tpu.memory_space<semaphore_mem>>) src(%dma_wait3A_1600 : memref<128x64xf32, #tpu.memory_space<vmem>>) dst(%dma_wait3A_1596 : memref<128x64xf32, #tpu.memory_space<hbm>>)
    %add3A_1601 = arith.constant 256 : i32
    %add3A_1602 = arith.addi %mul3A_2, %add3A_1601 : i32
    %jit3A_1603 = arith.constant 2048 : i32
    %div3A_1604 = arith.divsi %add3A_1602, %jit3A_1603 : i32
    %sign3A_1605 = arith.constant 0 : i32
    %sign3A_1606 = arith.cmpi sgt, %add3A_1602, %sign3A_1605 : i32
    %sign3A_1607 = arith.extui %sign3A_1606 : i1 to i32
    %sign3A_1608 = arith.constant 0 : i32
    %sign3A_1609 = arith.cmpi slt, %add3A_1602, %sign3A_1608 : i32
    %sign3A_1610 = arith.extui %sign3A_1609 : i1 to i32
    %sign3A_1611 = arith.subi %sign3A_1607, %sign3A_1610 : i32
    %sign3A_1612 = arith.constant 0 : i32
    %sign3A_1613 = arith.cmpi sgt, %jit3A_1603, %sign3A_1612 : i32
    %sign3A_1614 = arith.extui %sign3A_1613 : i1 to i32
    %sign3A_1615 = arith.constant 0 : i32
    %sign3A_1616 = arith.cmpi slt, %jit3A_1603, %sign3A_1615 : i32
    %sign3A_1617 = arith.extui %sign3A_1616 : i1 to i32
    %sign3A_1618 = arith.subi %sign3A_1614, %sign3A_1617 : i32
    %ne3A_1619 = arith.cmpi ne, %sign3A_1611, %sign3A_1618 : i32
    %rem3A_1620 = arith.remsi %add3A_1602, %jit3A_1603 : i32
    %ne3A_1621 = arith.constant 0 : i32
    %ne3A_1622 = arith.cmpi ne, %rem3A_1620, %ne3A_1621 : i32
    %and3A_1623 = arith.andi %ne3A_1619, %ne3A_1622 : i1
    %sub3A_1624 = arith.constant 1 : i32
    %sub3A_1625 = arith.subi %div3A_1604, %sub3A_1624 : i32
    %select_n3A_1626 = arith.select %and3A_1623, %sub3A_1625, %div3A_1604 : i32
    %mul3A_1627 = arith.constant 1024 : i32
    %mul3A_1628 = arith.muli %select_n3A_1626, %mul3A_1627 : i32
    %jit3A_1629 = arith.constant 2048 : i32
    %eq3A_1630 = arith.constant 0 : i32
    %eq3A_1631 = arith.cmpi eq, %jit3A_1629, %eq3A_1630 : i32
    %jit3A_1632 = arith.constant 1 : i32
    %select_n3A_1633 = arith.select %eq3A_1631, %jit3A_1632, %jit3A_1629 : i32
    %rem3A_1634 = arith.remsi %add3A_1602, %select_n3A_1633 : i32
    %ne3A_1635 = arith.constant 0 : i32
    %ne3A_1636 = arith.cmpi ne, %rem3A_1634, %ne3A_1635 : i32
    %lt3A_1637 = arith.constant 0 : i32
    %lt3A_1638 = arith.cmpi slt, %rem3A_1634, %lt3A_1637 : i32
    %lt3A_1639 = arith.constant 0 : i32
    %lt3A_1640 = arith.cmpi slt, %select_n3A_1633, %lt3A_1639 : i32
    %ne3A_1641 = arith.xori %lt3A_1638, %lt3A_1640 : i1
    %and3A_1642 = arith.andi %ne3A_1641, %ne3A_1636 : i1
    %add3A_1643 = arith.addi %rem3A_1634, %select_n3A_1633 : i32
    %select_n3A_1644 = arith.select %and3A_1642, %add3A_1643, %rem3A_1634 : i32
    %jit3A_1645 = arith.constant 1024 : i32
    %eq3A_1646 = arith.constant 0 : i32
    %eq3A_1647 = arith.cmpi eq, %jit3A_1645, %eq3A_1646 : i32
    %jit3A_1648 = arith.constant 1 : i32
    %select_n3A_1649 = arith.select %eq3A_1647, %jit3A_1648, %jit3A_1645 : i32
    %rem3A_1650 = arith.remsi %select_n3A_1644, %select_n3A_1649 : i32
    %ne3A_1651 = arith.constant 0 : i32
    %ne3A_1652 = arith.cmpi ne, %rem3A_1650, %ne3A_1651 : i32
    %lt3A_1653 = arith.constant 0 : i32
    %lt3A_1654 = arith.cmpi slt, %rem3A_1650, %lt3A_1653 : i32
    %lt3A_1655 = arith.constant 0 : i32
    %lt3A_1656 = arith.cmpi slt, %select_n3A_1649, %lt3A_1655 : i32
    %ne3A_1657 = arith.xori %lt3A_1654, %lt3A_1656 : i1
    %and3A_1658 = arith.andi %ne3A_1657, %ne3A_1652 : i1
    %add3A_1659 = arith.addi %rem3A_1650, %select_n3A_1649 : i32
    %select_n3A_1660 = arith.select %and3A_1658, %add3A_1659, %rem3A_1650 : i32
    %add3A_1661 = arith.addi %mul3A_1628, %select_n3A_1660 : i32
    %jit3A_1662 = arith.constant 2048 : i32
    %eq3A_1663 = arith.constant 0 : i32
    %eq3A_1664 = arith.cmpi eq, %jit3A_1662, %eq3A_1663 : i32
    %jit3A_1665 = arith.constant 1 : i32
    %select_n3A_1666 = arith.select %eq3A_1664, %jit3A_1665, %jit3A_1662 : i32
    %rem3A_1667 = arith.remsi %add3A_1602, %select_n3A_1666 : i32
    %ne3A_1668 = arith.constant 0 : i32
    %ne3A_1669 = arith.cmpi ne, %rem3A_1667, %ne3A_1668 : i32
    %lt3A_1670 = arith.constant 0 : i32
    %lt3A_1671 = arith.cmpi slt, %rem3A_1667, %lt3A_1670 : i32
    %lt3A_1672 = arith.constant 0 : i32
    %lt3A_1673 = arith.cmpi slt, %select_n3A_1666, %lt3A_1672 : i32
    %ne3A_1674 = arith.xori %lt3A_1671, %lt3A_1673 : i1
    %and3A_1675 = arith.andi %ne3A_1674, %ne3A_1669 : i1
    %add3A_1676 = arith.addi %rem3A_1667, %select_n3A_1666 : i32
    %select_n3A_1677 = arith.select %and3A_1675, %add3A_1676, %rem3A_1667 : i32
    %jit3A_1678 = arith.constant 1024 : i32
    %div3A_1679 = arith.divsi %select_n3A_1677, %jit3A_1678 : i32
    %sign3A_1680 = arith.constant 0 : i32
    %sign3A_1681 = arith.cmpi sgt, %select_n3A_1677, %sign3A_1680 : i32
    %sign3A_1682 = arith.extui %sign3A_1681 : i1 to i32
    %sign3A_1683 = arith.constant 0 : i32
    %sign3A_1684 = arith.cmpi slt, %select_n3A_1677, %sign3A_1683 : i32
    %sign3A_1685 = arith.extui %sign3A_1684 : i1 to i32
    %sign3A_1686 = arith.subi %sign3A_1682, %sign3A_1685 : i32
    %sign3A_1687 = arith.constant 0 : i32
    %sign3A_1688 = arith.cmpi sgt, %jit3A_1678, %sign3A_1687 : i32
    %sign3A_1689 = arith.extui %sign3A_1688 : i1 to i32
    %sign3A_1690 = arith.constant 0 : i32
    %sign3A_1691 = arith.cmpi slt, %jit3A_1678, %sign3A_1690 : i32
    %sign3A_1692 = arith.extui %sign3A_1691 : i1 to i32
    %sign3A_1693 = arith.subi %sign3A_1689, %sign3A_1692 : i32
    %ne3A_1694 = arith.cmpi ne, %sign3A_1686, %sign3A_1693 : i32
    %rem3A_1695 = arith.remsi %select_n3A_1677, %jit3A_1678 : i32
    %ne3A_1696 = arith.constant 0 : i32
    %ne3A_1697 = arith.cmpi ne, %rem3A_1695, %ne3A_1696 : i32
    %and3A_1698 = arith.andi %ne3A_1694, %ne3A_1697 : i1
    %sub3A_1699 = arith.constant 1 : i32
    %sub3A_1700 = arith.subi %div3A_1679, %sub3A_1699 : i32
    %select_n3A_1701 = arith.select %and3A_1698, %sub3A_1700, %div3A_1679 : i32
    %mul3A_1702 = arith.constant 64 : i32
    %mul3A_1703 = arith.muli %select_n3A_1701, %mul3A_1702 : i32
    %dma_wait3A_1704 = arith.constant 2 : i32
    %dma_wait3A_1705 = arith.constant 49 : i32
    %dma_wait3A_1706 = arith.constant 0 : i32
    %dma_wait3A_1707 = arith.constant 0 : i32
    %dma_wait3A_1708 = tpu.memref_slice %arg6[%dma_wait3A_1704, %dma_wait3A_1706, %dma_wait3A_1707] : memref<4x128x64xf32, #tpu.memory_space<vmem>> -> memref<1x128x64xf32, #tpu.memory_space<vmem>>
    %dma_wait3A_1709 = tpu.memref_squeeze %dma_wait3A_1708 : memref<1x128x64xf32, #tpu.memory_space<vmem>> -> memref<128x64xf32, #tpu.memory_space<vmem>>
    %dma_wait3A_1710 = tpu.memref_slice %arg4[%dma_wait3A_1705, %add3A_1661, %mul3A_1703] : memref<50x8192x128xf32, #tpu.memory_space<hbm>> -> memref<1x128x64xf32, #tpu.memory_space<hbm>>
    %dma_wait3A_1711 = tpu.memref_squeeze %dma_wait3A_1710 : memref<1x128x64xf32, #tpu.memory_space<hbm>> -> memref<128x64xf32, #tpu.memory_space<hbm>>
    %dma_wait3A_1712 = tpu.memref_slice %arg4[%dma_wait3A_1705, %add3A_1661, %mul3A_1703] : memref<50x8192x128xf32, #tpu.memory_space<hbm>> -> memref<1x128x64xf32, #tpu.memory_space<hbm>>
    %dma_wait3A_1713 = tpu.memref_squeeze %dma_wait3A_1712 : memref<1x128x64xf32, #tpu.memory_space<hbm>> -> memref<128x64xf32, #tpu.memory_space<hbm>>
    %dma_wait3A_1714 = arith.constant 0 : i32
    %dma_wait3A_1715 = arith.constant 0 : i32
    %dma_wait3A_1716 = tpu.memref_slice %arg6[%dma_wait3A_1704, %dma_wait3A_1714, %dma_wait3A_1715] : memref<4x128x64xf32, #tpu.memory_space<vmem>> -> memref<1x128x64xf32, #tpu.memory_space<vmem>>
    %dma_wait3A_1717 = tpu.memref_squeeze %dma_wait3A_1716 : memref<1x128x64xf32, #tpu.memory_space<vmem>> -> memref<128x64xf32, #tpu.memory_space<vmem>>
    tpu.wait_dma2 semaphore(%arg13 : memref<!tpu.dma_semaphore, #tpu.memory_space<semaphore_mem>>) src(%dma_wait3A_1717 : memref<128x64xf32, #tpu.memory_space<vmem>>) dst(%dma_wait3A_1713 : memref<128x64xf32, #tpu.memory_space<hbm>>)
    %add3A_1718 = arith.constant 384 : i32
    %add3A_1719 = arith.addi %mul3A_2, %add3A_1718 : i32
    %jit3A_1720 = arith.constant 2048 : i32
    %div3A_1721 = arith.divsi %add3A_1719, %jit3A_1720 : i32
    %sign3A_1722 = arith.constant 0 : i32
    %sign3A_1723 = arith.cmpi sgt, %add3A_1719, %sign3A_1722 : i32
    %sign3A_1724 = arith.extui %sign3A_1723 : i1 to i32
    %sign3A_1725 = arith.constant 0 : i32
    %sign3A_1726 = arith.cmpi slt, %add3A_1719, %sign3A_1725 : i32
    %sign3A_1727 = arith.extui %sign3A_1726 : i1 to i32
    %sign3A_1728 = arith.subi %sign3A_1724, %sign3A_1727 : i32
    %sign3A_1729 = arith.constant 0 : i32
    %sign3A_1730 = arith.cmpi sgt, %jit3A_1720, %sign3A_1729 : i32
    %sign3A_1731 = arith.extui %sign3A_1730 : i1 to i32
    %sign3A_1732 = arith.constant 0 : i32
    %sign3A_1733 = arith.cmpi slt, %jit3A_1720, %sign3A_1732 : i32
    %sign3A_1734 = arith.extui %sign3A_1733 : i1 to i32
    %sign3A_1735 = arith.subi %sign3A_1731, %sign3A_1734 : i32
    %ne3A_1736 = arith.cmpi ne, %sign3A_1728, %sign3A_1735 : i32
    %rem3A_1737 = arith.remsi %add3A_1719, %jit3A_1720 : i32
    %ne3A_1738 = arith.constant 0 : i32
    %ne3A_1739 = arith.cmpi ne, %rem3A_1737, %ne3A_1738 : i32
    %and3A_1740 = arith.andi %ne3A_1736, %ne3A_1739 : i1
    %sub3A_1741 = arith.constant 1 : i32
    %sub3A_1742 = arith.subi %div3A_1721, %sub3A_1741 : i32
    %select_n3A_1743 = arith.select %and3A_1740, %sub3A_1742, %div3A_1721 : i32
    %mul3A_1744 = arith.constant 1024 : i32
    %mul3A_1745 = arith.muli %select_n3A_1743, %mul3A_1744 : i32
    %jit3A_1746 = arith.constant 2048 : i32
    %eq3A_1747 = arith.constant 0 : i32
    %eq3A_1748 = arith.cmpi eq, %jit3A_1746, %eq3A_1747 : i32
    %jit3A_1749 = arith.constant 1 : i32
    %select_n3A_1750 = arith.select %eq3A_1748, %jit3A_1749, %jit3A_1746 : i32
    %rem3A_1751 = arith.remsi %add3A_1719, %select_n3A_1750 : i32
    %ne3A_1752 = arith.constant 0 : i32
    %ne3A_1753 = arith.cmpi ne, %rem3A_1751, %ne3A_1752 : i32
    %lt3A_1754 = arith.constant 0 : i32
    %lt3A_1755 = arith.cmpi slt, %rem3A_1751, %lt3A_1754 : i32
    %lt3A_1756 = arith.constant 0 : i32
    %lt3A_1757 = arith.cmpi slt, %select_n3A_1750, %lt3A_1756 : i32
    %ne3A_1758 = arith.xori %lt3A_1755, %lt3A_1757 : i1
    %and3A_1759 = arith.andi %ne3A_1758, %ne3A_1753 : i1
    %add3A_1760 = arith.addi %rem3A_1751, %select_n3A_1750 : i32
    %select_n3A_1761 = arith.select %and3A_1759, %add3A_1760, %rem3A_1751 : i32
    %jit3A_1762 = arith.constant 1024 : i32
    %eq3A_1763 = arith.constant 0 : i32
    %eq3A_1764 = arith.cmpi eq, %jit3A_1762, %eq3A_1763 : i32
    %jit3A_1765 = arith.constant 1 : i32
    %select_n3A_1766 = arith.select %eq3A_1764, %jit3A_1765, %jit3A_1762 : i32
    %rem3A_1767 = arith.remsi %select_n3A_1761, %select_n3A_1766 : i32
    %ne3A_1768 = arith.constant 0 : i32
    %ne3A_1769 = arith.cmpi ne, %rem3A_1767, %ne3A_1768 : i32
    %lt3A_1770 = arith.constant 0 : i32
    %lt3A_1771 = arith.cmpi slt, %rem3A_1767, %lt3A_1770 : i32
    %lt3A_1772 = arith.constant 0 : i32
    %lt3A_1773 = arith.cmpi slt, %select_n3A_1766, %lt3A_1772 : i32
    %ne3A_1774 = arith.xori %lt3A_1771, %lt3A_1773 : i1
    %and3A_1775 = arith.andi %ne3A_1774, %ne3A_1769 : i1
    %add3A_1776 = arith.addi %rem3A_1767, %select_n3A_1766 : i32
    %select_n3A_1777 = arith.select %and3A_1775, %add3A_1776, %rem3A_1767 : i32
    %add3A_1778 = arith.addi %mul3A_1745, %select_n3A_1777 : i32
    %jit3A_1779 = arith.constant 2048 : i32
    %eq3A_1780 = arith.constant 0 : i32
    %eq3A_1781 = arith.cmpi eq, %jit3A_1779, %eq3A_1780 : i32
    %jit3A_1782 = arith.constant 1 : i32
    %select_n3A_1783 = arith.select %eq3A_1781, %jit3A_1782, %jit3A_1779 : i32
    %rem3A_1784 = arith.remsi %add3A_1719, %select_n3A_1783 : i32
    %ne3A_1785 = arith.constant 0 : i32
    %ne3A_1786 = arith.cmpi ne, %rem3A_1784, %ne3A_1785 : i32
    %lt3A_1787 = arith.constant 0 : i32
    %lt3A_1788 = arith.cmpi slt, %rem3A_1784, %lt3A_1787 : i32
    %lt3A_1789 = arith.constant 0 : i32
    %lt3A_1790 = arith.cmpi slt, %select_n3A_1783, %lt3A_1789 : i32
    %ne3A_1791 = arith.xori %lt3A_1788, %lt3A_1790 : i1
    %and3A_1792 = arith.andi %ne3A_1791, %ne3A_1786 : i1
    %add3A_1793 = arith.addi %rem3A_1784, %select_n3A_1783 : i32
    %select_n3A_1794 = arith.select %and3A_1792, %add3A_1793, %rem3A_1784 : i32
    %jit3A_1795 = arith.constant 1024 : i32
    %div3A_1796 = arith.divsi %select_n3A_1794, %jit3A_1795 : i32
    %sign3A_1797 = arith.constant 0 : i32
    %sign3A_1798 = arith.cmpi sgt, %select_n3A_1794, %sign3A_1797 : i32
    %sign3A_1799 = arith.extui %sign3A_1798 : i1 to i32
    %sign3A_1800 = arith.constant 0 : i32
    %sign3A_1801 = arith.cmpi slt, %select_n3A_1794, %sign3A_1800 : i32
    %sign3A_1802 = arith.extui %sign3A_1801 : i1 to i32
    %sign3A_1803 = arith.subi %sign3A_1799, %sign3A_1802 : i32
    %sign3A_1804 = arith.constant 0 : i32
    %sign3A_1805 = arith.cmpi sgt, %jit3A_1795, %sign3A_1804 : i32
    %sign3A_1806 = arith.extui %sign3A_1805 : i1 to i32
    %sign3A_1807 = arith.constant 0 : i32
    %sign3A_1808 = arith.cmpi slt, %jit3A_1795, %sign3A_1807 : i32
    %sign3A_1809 = arith.extui %sign3A_1808 : i1 to i32
    %sign3A_1810 = arith.subi %sign3A_1806, %sign3A_1809 : i32
    %ne3A_1811 = arith.cmpi ne, %sign3A_1803, %sign3A_1810 : i32
    %rem3A_1812 = arith.remsi %select_n3A_1794, %jit3A_1795 : i32
    %ne3A_1813 = arith.constant 0 : i32
    %ne3A_1814 = arith.cmpi ne, %rem3A_1812, %ne3A_1813 : i32
    %and3A_1815 = arith.andi %ne3A_1811, %ne3A_1814 : i1
    %sub3A_1816 = arith.constant 1 : i32
    %sub3A_1817 = arith.subi %div3A_1796, %sub3A_1816 : i32
    %select_n3A_1818 = arith.select %and3A_1815, %sub3A_1817, %div3A_1796 : i32
    %mul3A_1819 = arith.constant 64 : i32
    %mul3A_1820 = arith.muli %select_n3A_1818, %mul3A_1819 : i32
    %dma_wait3A_1821 = arith.constant 3 : i32
    %dma_wait3A_1822 = arith.constant 49 : i32
    %dma_wait3A_1823 = arith.constant 0 : i32
    %dma_wait3A_1824 = arith.constant 0 : i32
    %dma_wait3A_1825 = tpu.memref_slice %arg6[%dma_wait3A_1821, %dma_wait3A_1823, %dma_wait3A_1824] : memref<4x128x64xf32, #tpu.memory_space<vmem>> -> memref<1x128x64xf32, #tpu.memory_space<vmem>>
    %dma_wait3A_1826 = tpu.memref_squeeze %dma_wait3A_1825 : memref<1x128x64xf32, #tpu.memory_space<vmem>> -> memref<128x64xf32, #tpu.memory_space<vmem>>
    %dma_wait3A_1827 = tpu.memref_slice %arg4[%dma_wait3A_1822, %add3A_1778, %mul3A_1820] : memref<50x8192x128xf32, #tpu.memory_space<hbm>> -> memref<1x128x64xf32, #tpu.memory_space<hbm>>
    %dma_wait3A_1828 = tpu.memref_squeeze %dma_wait3A_1827 : memref<1x128x64xf32, #tpu.memory_space<hbm>> -> memref<128x64xf32, #tpu.memory_space<hbm>>
    %dma_wait3A_1829 = tpu.memref_slice %arg4[%dma_wait3A_1822, %add3A_1778, %mul3A_1820] : memref<50x8192x128xf32, #tpu.memory_space<hbm>> -> memref<1x128x64xf32, #tpu.memory_space<hbm>>
    %dma_wait3A_1830 = tpu.memref_squeeze %dma_wait3A_1829 : memref<1x128x64xf32, #tpu.memory_space<hbm>> -> memref<128x64xf32, #tpu.memory_space<hbm>>
    %dma_wait3A_1831 = arith.constant 0 : i32
    %dma_wait3A_1832 = arith.constant 0 : i32
    %dma_wait3A_1833 = tpu.memref_slice %arg6[%dma_wait3A_1821, %dma_wait3A_1831, %dma_wait3A_1832] : memref<4x128x64xf32, #tpu.memory_space<vmem>> -> memref<1x128x64xf32, #tpu.memory_space<vmem>>
    %dma_wait3A_1834 = tpu.memref_squeeze %dma_wait3A_1833 : memref<1x128x64xf32, #tpu.memory_space<vmem>> -> memref<128x64xf32, #tpu.memory_space<vmem>>
    tpu.wait_dma2 semaphore(%arg14 : memref<!tpu.dma_semaphore, #tpu.memory_space<semaphore_mem>>) src(%dma_wait3A_1834 : memref<128x64xf32, #tpu.memory_space<vmem>>) dst(%dma_wait3A_1830 : memref<128x64xf32, #tpu.memory_space<hbm>>)
    return
  }
}

module attributes {stable_mosaic.version = 14 : i64} {
  func.func @_tr_body(%arg0: i32, %arg1: i32, %arg2: memref<1x1024x128xf32, #tpu.memory_space<vmem>>, %arg3: memref<1x64x2048xf32, #tpu.memory_space<vmem>>) attributes {dimension_semantics = [#tpu.dimension_semantics<arbitrary>, #tpu.dimension_semantics<arbitrary>], iteration_bounds = array<i64: 50, 8>, scalar_prefetch = 0 : i64, scratch_operands = 0 : i64, tpu.core_type = #tpu.core_type<tc>, window_params = [{transform_indices = @transform_0, window_bounds = array<i64: 1, 1024, 128>}, {transform_indices = @transform_1, window_bounds = array<i64: 1, 64, 2048>}]} {
    %get3A = arith.constant 0 : index
    %get3A_0 = arith.constant 0 : index
    %get3A_1 = arith.constant 0 : index
    %get3A_2 = vector.load %arg2[%get3A, %get3A_0, %get3A_1] : memref<1x1024x128xf32, #tpu.memory_space<vmem>>, vector<1x1024x128xf32>
    %get3A_3 = vector.shape_cast %get3A_2 : vector<1x1024x128xf32> to vector<1024x128xf32>
    %slice3A = vector.extract_strided_slice %get3A_3 {offsets = [0, 0], sizes = [1024, 64], strides = [1, 1]} : vector<1024x128xf32> to vector<1024x64xf32>
    %transpose3A = tpu.transpose %slice3A, [1, 0] : vector<1024x64xf32> -> vector<64x1024xf32>
    %slice3A_4 = vector.extract_strided_slice %get3A_3 {offsets = [0, 64], sizes = [1024, 64], strides = [1, 1]} : vector<1024x128xf32> to vector<1024x64xf32>
    %transpose3A_5 = tpu.transpose %slice3A_4, [1, 0] : vector<1024x64xf32> -> vector<64x1024xf32>
    %concatenate3A = tpu.concatenate %transpose3A, %transpose3A_5 in 1 : vector<64x1024xf32>, vector<64x1024xf32> -> vector<64x2048xf32>
    %swap3A = arith.constant 0 : index
    %swap3A_6 = arith.constant 0 : index
    %swap3A_7 = arith.constant 0 : index
    %swap3A_8 = vector.load %arg3[%swap3A, %swap3A_6, %swap3A_7] : memref<1x64x2048xf32, #tpu.memory_space<vmem>>, vector<1x64x2048xf32>
    %swap3A_9 = vector.shape_cast %swap3A_8 : vector<1x64x2048xf32> to vector<64x2048xf32>
    %swap3A_10 = vector.shape_cast %concatenate3A : vector<64x2048xf32> to vector<1x64x2048xf32>
    tpu.vector_store %arg3[%swap3A, %swap3A_6, %swap3A_7], %swap3A_10 {strides = array<i32>} : memref<1x64x2048xf32, #tpu.memory_space<vmem>>, vector<1x64x2048xf32>,
    return
  }
  func.func @transform_0(%arg0: i32, %arg1: i32) -> (i32, i32, i32) {
    %c0_i32 = arith.constant 0 : i32
    %c0_i32_0 = arith.constant 0 : i32
    return %arg0, %arg1, %c0_i32 : i32, i32, i32
  }
  func.func @transform_1(%arg0: i32, %arg1: i32) -> (i32, i32, i32) {
    %c0_i32 = arith.constant 0 : i32
    %c0_i32_0 = arith.constant 0 : i32
    return %arg0, %c0_i32, %arg1 : i32, i32, i32
  }
}

</mosaic_0001>

<sc_bundles>
// kernel: _embedding_sc.4.cloned.1.call-start
scs
__scs_entry_jumppad:
0x0: {  	(pc) =	sbr.rel $0x88, $3  }
0x1: {  	(tag) =	ssettag $0x0;
	lr =	simm.s32 $0x1  }
0x2: {  	[smem:$0x3F9F] =	sst lr;
	_ =	strace $0xD0000000  }
0x3: {  	_ = 	snop  }
0x4: {  	_ = 	snop  }
0x5: {  	_ = 	snop  }
0x6: {  	_ = 	snop  }
0x7: {  	_ = 	snop  }
__scs_overlays_trampoline_lowered:
0x8: {  	[smem:$0x3FAE] =	sst s0  }
0x9: {  	[smem:$0x3FAF] =	sst s1  }
0xa: {  	[smem:$0x3FB0] =	sst s2  }
0xb: {  	[smem:$0x3FB1] =	sst s3  }
0xc: {  	[smem:$0x3FB2] =	sst s4  }
0xd: {  	[smem:$0x3FB3] =	sst s5  }
0xe: {  	[smem:$0x3FB4] =	sst s6  }
0xf: {  	[smem:$0x3FB5] =	sst s7  }
0x10: {  	[smem:$0x3FB6] =	sst s8  }
0x11: {  	[smem:$0x3FB7] =	sst s9;
	s0 =	simm.s32 @!p0 $0x0  }
0x12: {  	s1 =	sld [smem:$0x3F9D];
	s0 =	simm.s32 @p0 $0x1  }
0x13: {  	[smem:$0x3FB8] =	sst s0;
	s0 =	simm.s32 @!p1 $0x0  }
0x14: {  	s2 =	sld [smem:$0x3F9C];
	s0 =	simm.s32 @p1 $0x1  }
0x15: {  	[smem:$0x3FB9] =	sst s0;
	s0 =	simm.s32 @!p2 $0x0  }
0x16: {  	s3 =	sld [smem:$0x3FDB];
	s0 =	simm.s32 @p2 $0x1  }
0x17: {  	s4 =	simm.s32 $0x1BF5;
	[smem:$0x3FBB] =	sst s0  }
0x18: {  	s0 =	sld [smem:$0x3F9E];
	_ =	swait.ge [sflag:s4], $0x0  }
0x19: {  	s7 =	sld [smem:$0x3F9F]  }
0x1a: {  	s8 =	sadd.s32 $0xFFFFE003, lr  }
0x1b: {  	s9 =	sadd.s32 $0xFFFFFEF7, lr;
	s5 =	simm.s32 $0xFFFFFFFF;
	p2 =	slt.u32 s8, $0xFFFFF086  }
0x1c: {  	p1 =	slt.u32 s9, $0xF7A;
	s5 =	simm.s32 @!p2 $0x0  }
0x1d: {  	s5 =	simm.s32 @p1 $0x1;
	p0 =	seq.s32 s7, s2  }
0x1e: {  	s7 =	smul.u32 @!p0 $0xF7A, s2;
	p2 =	seq.s32 @!p0 s5, $0x0  }
0x1f: {  	s9 =	smul.u32 $0xF7A, s1;
	s8 =	simm.s32 @!p0 $0x1BF5;
	p2 =	por !p2, p0  }
0x20: {  	[sflag:s8] =	ssyncset.s32 @!p0 $0xFFFFF086;
	s6 =	sadd.s32 @!p0 s3, s7;
	s7 =	simm.s32 @!p0 $0x108  }
0x21: {  	s3 =	sadd.s32 s3, s9;
	s6 =	sadd.s32 @!p0 $0x88, s6;
	s7 =	simm.s32 @p2 $0x1082  }
0x22: {  	[simem:s7], [sflag:s8] =	dma.local @!p0 [hbm:s6], $0xF7A  }
0x23: {  	s9 =	sor.u32 $0xD0000000, s2;
	s6 =	simm.s32 $0x108;
	_ =	swait.ge @!p0 [sflag:s8], $0x0  }
0x24: {  	s3 =	sadd.s32 $0x88, s3;
	s6 =	simm.s32 @!p1 $0x1082;
	[sflag:s4] =	ssyncset.s32 $0xFFFFF086  }
0x25: {  	[simem:s6], [sflag:s4] =	dma.local [hbm:s3], $0xF7A  }
0x26: {  	[smem:$0x3F9F] =	sst s1;
	(tag) =	ssettag s2;
	_ =	strace s9  }
0x27: {  	s1 =	sld [smem:$0x3FAF]  }
0x28: {  	s2 =	sld [smem:$0x3FB0]  }
0x29: {  	s4 =	sld [smem:$0x3FB2]  }
0x2a: {  	p0 =	seq.s32 s5, $0x0;
	s5 =	sld [smem:$0x3FB3]  }
0x2b: {  	s6 =	sld [smem:$0x3FB4]  }
0x2c: {  	s7 =	sld [smem:$0x3FB5]  }
0x2d: {  	s3 =	simm.s32 $0x108;
	s8 =	sld [smem:$0x3FB6]  }
0x2e: {  	s3 =	simm.s32 @!p0 $0x1082;
	s9 =	sld [smem:$0x3FB7]  }
0x2f: {  	lr =	sadd.s32 s0, s3;
	s0 =	sld [smem:$0x3FAE]  }
0x30: {  	s3 =	sld [smem:$0x3FB1]  }
0x31: {  	[smem:$0x3FBA] =	sst s10  }
0x32: {  	s10 =	sld [smem:$0x3FB8];
	_ =	sdelay $0x3  }
0x33: {  	p0 =	seq.s32 s10, $0x1;
	s10 =	sld [smem:$0x3FBA];
	_ =	sdelay $0x3  }
0x34: {  	[smem:$0x3FBA] =	sst s10  }
0x35: {  	s10 =	sld [smem:$0x3FB9];
	_ =	sdelay $0x3  }
0x36: {  	p1 =	seq.s32 s10, $0x1;
	s10 =	sld [smem:$0x3FBA];
	_ =	sdelay $0x3  }
0x37: {  	[smem:$0x3FBA] =	sst s10  }
0x38: {  	s10 =	sld [smem:$0x3FBB]  }
0x39: {  	_ = 	snop;
	(pc) =	sbr.ind lr, $3  }
0x3a: {  	_ = 	snop  }
0x3b: {  	_ = 	snop  }
0x3c: {  	p2 =	seq.s32 s10, $0x1;
	s10 =	sld [smem:$0x3FBA]  }
0x3d: {  	_ =	shalt  }
0x3e: {  	_ =	shalt  }
0x3f: {  	_ =	shalt  }
0x40: {  	_ =	shalt  }
0x41: {  	_ =	shalt  }
0x42: {  	_ =	shalt  }
0x43: {  	_ =	shalt  }
0x44: {  	_ =	shalt  }
0x45: {  	_ =	shalt  }
0x46: {  	_ =	shalt  }
0x47: {  	_ =	shalt  }
0x48: {  	_ =	shalt  }
0x49: {  	_ =	shalt  }
0x4a: {  	_ =	shalt  }
0x4b: {  	_ =	shalt  }
0x4c: {  	_ =	shalt  }
0x4d: {  	_ =	shalt  }
0x4e: {  	_ =	shalt  }
0x4f: {  	_ =	shalt  }
0x50: {  	_ =	shalt  }
0x51: {  	_ =	shalt  }
0x52: {  	_ =	shalt  }
0x53: {  	_ =	shalt  }
0x54: {  	_ =	shalt  }
0x55: {  	_ =	shalt  }
0x56: {  	_ =	shalt  }
0x57: {  	_ =	shalt  }
0x58: {  	_ =	shalt  }
0x59: {  	_ =	shalt  }
0x5a: {  	_ =	shalt  }
0x5b: {  	_ =	shalt  }
0x5c: {  	_ =	shalt  }
0x5d: {  	_ =	shalt  }
0x5e: {  	_ =	shalt  }
0x5f: {  	_ =	shalt  }
0x60: {  	_ =	shalt  }
0x61: {  	_ =	shalt  }
0x62: {  	_ =	shalt  }
0x63: {  	_ =	shalt  }
0x64: {  	_ =	shalt  }
0x65: {  	_ =	shalt  }
0x66: {  	_ =	shalt  }
0x67: {  	_ =	shalt  }
0x68: {  	_ =	shalt  }
0x69: {  	_ =	shalt  }
0x6a: {  	_ =	shalt  }
0x6b: {  	_ =	shalt  }
0x6c: {  	_ =	shalt  }
0x6d: {  	_ =	shalt  }
0x6e: {  	_ =	shalt  }
0x6f: {  	_ =	shalt  }
0x70: {  	_ =	shalt  }
0x71: {  	_ =	shalt  }
0x72: {  	_ =	shalt  }
0x73: {  	_ =	shalt  }
0x74: {  	_ =	shalt  }
0x75: {  	_ =	shalt  }
0x76: {  	_ =	shalt  }
0x77: {  	_ =	shalt  }
0x78: {  	_ =	shalt  }
0x79: {  	_ =	shalt  }
0x7a: {  	_ =	shalt  }
0x7b: {  	_ =	shalt  }
0x7c: {  	_ =	shalt  }
0x7d: {  	_ =	shalt  }
0x7e: {  	_ =	shalt  }
0x7f: {  	_ =	shalt  }
0x80: {  	_ =	shalt  }
0x81: {  	_ =	shalt  }
0x82: {  	_ =	shalt  }
0x83: {  	_ =	shalt  }
0x84: {  	_ =	shalt  }
0x85: {  	_ =	shalt  }
0x86: {  	_ =	shalt  }
0x87: {  	_ =	shalt  }
.Lfunc_end0:
.L_simem_size_0:
called_computation_lowered:
.L_overlay_start_0:
0x88: {  	s2 =	sld [smem:$0x3FD9]  }
0x89: {  	s3 =	sld [smem:$0x3FFE];
	_ =	sdelay $0x1  }
0x8a: {  	s1 =	srdreg.scid  }
0x8b: {  	s0 =	sand.u32 $0x1, s1  }
0x8c: {  	s16 =	sshll.u32 s0, $0xA;
	s2 =	sadd.s32 s3, s2  }
0x8d: {  	s2 =	sadd.s32 s2, s16  }
0x8e: {  	[smem:$0x3FC6] =	sst s2  }
0x8f: {  	_ = 	snop  }
0x90: {  	(tm) =	ssettm $0x1  }
0x91: {  	s17 =	sld [smem:$0x3FFB];
	_ =	sdelay $0x3  }
0x92: {  	_ =	strace s17  }
0x93: {  	s2 =	sld [smem:$0x3FFC];
	_ =	sdelay $0x3  }
0x94: {  	_ =	strace s2  }
0x95: {  	s2 =	sld [smem:$0x3FFD];
	_ =	sdelay $0x3  }
0x96: {  	_ =	strace s2  }
0x97: {  	_ =	strace $0x8FFFFFFF  }
0x98: {  	s18 =	sld [smem:$0x3FDB];
	_ =	sdelay $0x1  }
0x99: {  	s19 =	simm.s32 $_scs_section_size  }
0x9a: {  	s4 =	simm.s32 $_size__tile_overlayer_lowered;
	s5 =	simm.s32 $_tile_overlayer_lowered  }
0x9b: {  	s22 =	simm.s32 $0x1BFF;
	s21 =	sshll.u32 s5, $0x1;
	s2 =	sadd.s32 s19, s18  }
0x9c: {  	s6 =	simm.s32 $0x0;
	s20 =	sshll.u32 s4, $0x1;
	s4 =	sadd.s32 s21, s2  }
0x9d: {  	[timem:s6], [sflag:s22] =	dma.local [hbm:s4], s20  }
0x9e: {  	_ =	swait.ge [sflag:s22], s20  }
0x9f: {  	s3 =	ssub.s32 $0x0, s20;
	[sflag:s22] =	ssyncset.done $0x0  }
0xa0: {  	[sflag:s22] =	ssyncadd.s32 s3;
	_ =	sdelay $0x1  }
0xa1: {  	s23 =	simm.s32 $0x1B8B  }
0xa2: {  	_ =	swait.ge [sflag:s23], $0x1  }
0xa3: {  	[sflag:s23] =	ssyncset.done $0x0  }
0xa4: {  	s25 =	simm.s32 $0x1B8E;
	s24 =	sld [smem:$0x3FFE];
	[sflag:s23] =	ssyncadd.s32 $0xFFFFFFFF  }
0xa5: {  	s26 =	simm.s32 $execute0_lowered;
	[smem:$0x3FD2] =	sst s25  }
0xa6: {  	s4 =	sshll.u32 s26, $0x1;
	_ =	strace $0x80000046;
	[dreg:$0x1] =	wrdreg $0xFFFFFFFF  }
0xa7: {  	s28 =	simm.s32 $_size_execute0_lowered;
	s2 =	sadd.s32 s2, s4;
	[dreg:$0x0] =	wrdreg $0x0  }
0xa8: {  	s4 =	sshll.u32 s28, $0x1;
	[dreg:$0x2] =	wrdreg s2  }
0xa9: {  	[dreg:$0x3] =	wrdreg s4  }
0xaa: {  	[dreg:$0x4] =	wrdreg $0xC0  }
0xab: {  	_ =	task [dreg:s6], $0x5FFFF  }
0xac: {  	[dreg:$0x1] =	wrdreg $0xFFFFFFFF  }
0xad: {  	[dreg:$0x0] =	wrdreg $0x60  }
0xae: {  	[dreg:$0x2] =	wrdreg s24  }
0xaf: {  	[dreg:$0x3] =	wrdreg $0x9  }
0xb0: {  	_ =	task.clear_ibuf [dreg:s6], $0x4FFFF;
	_ =	strace $0x90000046  }
0xb1: {  	s29 =	simm.s32 $0x9;
	_ =	strace $0x80000048  }
0xb2: {  	_ =	swait.ge [sflag:s29], $0x1  }
0xb3: {  	[sflag:s29] =	ssyncadd.s32 $0xFFFFFFFF  }
0xb4: {  	_ =	strace $0x90000048  }
0xb5: {  	_ =	sfence  }
0xb6: {  	s30 =	sld [smem:$0x0];
	_ =	sdelay $0x2  }
0xb7: {  	s31 =	sshll.u32 s1, $0xD;
	s1 =	sshrl.u32 s1, $0x2  }
0xb8: {  	s3 =	sand.u32 $0x4000, s31;
	s1 =	sadd.s32 s1, s30  }
0xb9: {  	s0 =	sor.u32 s3, s0;
	s1 =	sshll.u32 s1, $0x11  }
0xba: {  	s0 =	sor.u32 s1, s0  }
0xbb: {  	s0 =	sadd.s32 $0x8F2B, s0  }
0xbc: {  	[sflag:s0] =	ssyncadd.remote.s32 $0x1  }
0xbd: {  	_ =	sfence.sel $0xFFFF  }
0xbe: {  	[dreg:$0x0] =	wrdreg $0xFFFFFFFF;
	(pc) =	sbr.abs _section_cstart, $3  }
0xbf: {  	[dreg:$0x1] =	wrdreg $0xFFFFFFFF  }
0xc0: {  	_ =	task.clear_ibuf [dreg:s6], $0x2FFFF;
	_ =	strace $0x9FFFFFFF  }
0xc1: {  	(tm) =	ssettm $0x7FFFFFFF  }
tec
execute0_lowered:
.L_overlay_start_1:
0x0: {  	(tag) =	ssettag $0x1  }
0x1: {  	s0 =	rddreg [dreg:$0x0]  }
0x2: {  	s2 =	simm.s32 $0x0;
	s1 =	srdreg.scid;
	s10 =	stileid.u32  }
0x3: {  	s13 =	simm.s32 $0x9;
	s14 =	simm.s32 $0x80;
	s15 =	simm.s32 $0x6400  }
0x4: {  	s16 =	simm.s32 $0x8400;
	s17 =	simm.s32 $0x100;
	s18 =	simm.s32 $0xA400  }
0x5: {  	s19 =	simm.s32 $0x180;
	s20 =	simm.s32 $0xC400;
	s28 =	simm.s32 $0x6  }
0x6: {  	s29 =	simm.s32 $0x7;
	s30 =	simm.s32 $0x8;
	s31 =	simm.s32 $0x0  }
0x7: {  	[smem:$0x7FF] =	sst s2;
	s3 =	sadd.s32 $0x19400, s0;
	s1 =	sand.u32 $0x1, s1  }
0x8: {  	s4 =	sshll.u32 s10, $0x7;
	s6 =	sshll.u32 s10, $0xD;
	s23 =	sshll.u32 s10, $0x10  }
0x9: {  	s24 =	sshll.u32 s10, $0x6;
	s10 =	sshll.u32 s10, $0x3;
	_ =	strace $0x80000047  }
0xa: {  	s5 =	sshll.u32 s1, $0x6;
	s7 =	ssub.s32 $0x2, s1;
	s21 =	sand.u32 $0x1C000, s6  }
0xb: {  	s25 =	sshll.u32 s1, $0x10;
	s6 =	sand.u32 $0x40, s24;
	s10 =	sand.u32 $0x8, s10  }
0xc: {  	s1 =	sshll.u32 s1, $0xD;
	s24 =	simm.s32 $0x3;
	s4 =	sor.u32 s5, s4  }
0xd: {  	s22 =	sshrl.u32 s7, $0x1;
	s8 =	sadd.s32 s21, s0;
	s5 =	sand.u32 $0xE0000, s23  }
0xe: {  	s21 =	simm.s32 $0x1;
	s23 =	simm.s32 $0x2;
	s4 =	sadd.s32 s4, s0  }
0xf: {  	s9 =	ssub.s32 s7, s22;
	s11 =	sor.u32 s5, s25;
	s7 =	sor.u32 s25, s6  }
0x10: {  	s0 =	sadd.s32 $0x6FCA00, s0;
	s1 =	sadd.s32 s1, s8;
	s22 =	simm.s32 $0x40  }
0x11: {  	s25 =	simm.s32 $0x4;
	s4 =	sadd.s32 $0x400, s4;
	s6 =	sor.u32 s6, s11  }
0x12: {  	s5 =	sor.u32 s5, s7;
	s9 =	smax.u32 s9, $0x1;
	s26 =	sadd.s32 s10, s1  }
0x13: {  	s6 =	sshrl.u32 s6, $0x3;
	s7 =	sshrl.u32 s5, $0x3;
	s10 =	sadd.s32 $0xDE200, s26  }
0x14: {  	s26 =	simm.s32 $0x5;
	s5 =	sadd.s32 s6, s0;
	s0 =	sadd.s32 s7, s0  }
0x15: {  	s6 =	sadd.s32 $0x800, s0;
	s7 =	sadd.s32 $0x1000, s0;
	s8 =	sadd.s32 $0x1800, s0  }
.LBB2_1:
0x16: {  	s0 =	simm.s32 $0x200;
	s1 =	simm.s32 $0x4000  }
0x17: {  	[tilespmem:s2], [sflag:$0x9] =	stream.strided.gather [hbm4b:s4+s0], $0x6400, s1, s0, $0x38;
	[tilespmem:$0xE400] =	vst v63  }
0x18: {  	_ =	swait.ge [sflag:s13], $0x6400  }
0x19: {  	[sflag:s13] =	ssyncset.done $0x0  }
0x1a: {  	[sflag:s13] =	ssyncadd.s32 $0xFFFF9C00  }
0x1b: {  	[tilespmem:s15], [sflag:$0x1] =	stream.indirect.gather [hbm4b:s3+s14], $0x40, s2, s14, $0xb8;
	[tilespmem:$0xE400] =	vst v63  }
0x1c: {  	_ = 	snop  }
0x1d: {  	[tilespmem:s16], [sflag:$0x2] =	stream.indirect.gather [hbm4b:s3+s14], $0x40, s14, s14, $0xb8;
	[tilespmem:$0xE400] =	vst v63  }
0x1e: {  	_ = 	snop  }
0x1f: {  	[tilespmem:s18], [sflag:$0x3] =	stream.indirect.gather [hbm4b:s3+s14], $0x40, s17, s14, $0xb8;
	[tilespmem:$0xE400] =	vst v63  }
0x20: {  	_ = 	snop  }
0x21: {  	[tilespmem:s20], [sflag:$0x4] =	stream.indirect.gather [hbm4b:s3+s14], $0x40, s19, s14, $0xb8;
	[tilespmem:$0xE400] =	vst v63  }
0x22: {  	_ =	swait.ge [sflag:s21], $0x2000  }
0x23: {  	[sflag:s21] =	ssyncset.done $0x0  }
0x24: {  	s1 =	sadd.s32 $0xFFFFE800, s10;
	[sflag:s21] =	ssyncadd.s32 $0xFFFFE000  }
0x25: {  	[hbm4b:s1+s22] =	stream.strided.scatter [tilespmem:s15], [sflag:$0x5], $0x2000, s14, s22, $0x38;
	[tilespmem:$0xE400] =	vst v63  }
0x26: {  	_ =	swait.ge [sflag:s23], $0x2000  }
0x27: {  	[sflag:s23] =	ssyncset.done $0x0  }
0x28: {  	s11 =	sadd.s32 $0xFFFFF000, s10;
	[sflag:s23] =	ssyncadd.s32 $0xFFFFE000  }
0x29: {  	[hbm4b:s11+s22] =	stream.strided.scatter [tilespmem:s16], [sflag:$0x6], $0x2000, s14, s22, $0x38;
	[tilespmem:$0xE400] =	vst v63  }
0x2a: {  	_ =	swait.ge [sflag:s24], $0x2000  }
0x2b: {  	[sflag:s24] =	ssyncset.done $0x0  }
0x2c: {  	s12 =	sadd.s32 $0xFFFFF800, s10;
	[sflag:s24] =	ssyncadd.s32 $0xFFFFE000  }
0x2d: {  	[hbm4b:s12+s22] =	stream.strided.scatter [tilespmem:s18], [sflag:$0x7], $0x2000, s14, s22, $0x38;
	[tilespmem:$0xE400] =	vst v63  }
0x2e: {  	_ =	swait.ge [sflag:s25], $0x2000  }
0x2f: {  	[sflag:s25] =	ssyncset.done $0x0  }
0x30: {  	[sflag:s25] =	ssyncadd.s32 $0xFFFFE000  }
0x31: {  	[hbm4b:s10+s22] =	stream.strided.scatter [tilespmem:s20], [sflag:$0x8], $0x2000, s14, s22, $0x38;
	[tilespmem:$0xE400] =	vst v63  }
0x32: {  	_ =	swait.ge [sflag:s26], $0x2000  }
0x33: {  	[sflag:s26] =	ssyncset.done $0x0  }
0x34: {  	s1 =	simm.s32 $0x200;
	[sflag:s26] =	ssyncadd.s32 $0xFFFFE000  }
0x35: {  	[tilespmem:s15], [sflag:$0x1] =	stream.indirect.gather [hbm4b:s3+s14], $0x40, s1, s14, $0xb8;
	[tilespmem:$0xE400] =	vst v63  }
0x36: {  	_ =	swait.ge [sflag:s28], $0x2000  }
0x37: {  	[sflag:s28] =	ssyncset.done $0x0  }
0x38: {  	s11 =	simm.s32 $0x280;
	[sflag:s28] =	ssyncadd.s32 $0xFFFFE000  }
0x39: {  	[tilespmem:s16], [sflag:$0x2] =	stream.indirect.gather [hbm4b:s3+s14], $0x40, s11, s14, $0xb8;
	[tilespmem:$0xE400] =	vst v63  }
0x3a: {  	_ =	swait.ge [sflag:s29], $0x2000  }
0x3b: {  	[sflag:s29] =	ssyncset.done $0x0  }
0x3c: {  	s12 =	simm.s32 $0x300;
	[sflag:s29] =	ssyncadd.s32 $0xFFFFE000  }
0x3d: {  	[tilespmem:s18], [sflag:$0x3] =	stream.indirect.gather [hbm4b:s3+s14], $0x40, s12, s14, $0xb8;
	[tilespmem:$0xE400] =	vst v63  }
0x3e: {  	_ =	swait.ge [sflag:s30], $0x2000  }
0x3f: {  	s0 =	simm.s32 $0x800;
	[sflag:s30] =	ssyncset.done $0x0  }
0x40: {  	s1 =	sadd.s32 $0x20000, s10;
	s11 =	simm.s32 $0x380;
	[sflag:s30] =	ssyncadd.s32 $0xFFFFE000  }
.LBB2_2:
0x41: {  	[tilespmem:s20], [sflag:$0x4] =	stream.indirect.gather [hbm4b:s3+s14], $0x40, s11, s14, $0xb8;
	[tilespmem:$0xE400] =	vst v63  }
0x42: {  	s11 =	smov.u32 s0  }
0x43: {  	p0 =	sne.s32 s0, $0x18000;
	s0 =	sadd.s32 $0x800, s0;
	_ =	swait.ge [sflag:s21], $0x2000  }
0x44: {  	[sflag:s21] =	ssyncset.done $0x0  }
0x45: {  	s12 =	sadd.s32 $0xFFFFE800, s1;
	[sflag:s21] =	ssyncadd.s32 $0xFFFFE000  }
0x46: {  	[hbm4b:s12+s22] =	stream.strided.scatter [tilespmem:s15], [sflag:$0x5], $0x2000, s14, s22, $0x38;
	[tilespmem:$0xE400] =	vst v63  }
0x47: {  	_ =	swait.ge [sflag:s23], $0x2000  }
0x48: {  	[sflag:s23] =	ssyncset.done $0x0  }
0x49: {  	s12 =	sadd.s32 $0xFFFFF000, s1;
	[sflag:s23] =	ssyncadd.s32 $0xFFFFE000  }
0x4a: {  	[hbm4b:s12+s22] =	stream.strided.scatter [tilespmem:s16], [sflag:$0x6], $0x2000, s14, s22, $0x38;
	[tilespmem:$0xE400] =	vst v63  }
0x4b: {  	_ =	swait.ge [sflag:s24], $0x2000  }
0x4c: {  	[sflag:s24] =	ssyncset.done $0x0  }
0x4d: {  	s12 =	sadd.s32 $0xFFFFF800, s1;
	[sflag:s24] =	ssyncadd.s32 $0xFFFFE000  }
0x4e: {  	[hbm4b:s12+s22] =	stream.strided.scatter [tilespmem:s18], [sflag:$0x7], $0x2000, s14, s22, $0x38;
	[tilespmem:$0xE400] =	vst v63  }
0x4f: {  	_ =	swait.ge [sflag:s25], $0x2000  }
0x50: {  	[sflag:s25] =	ssyncset.done $0x0  }
0x51: {  	[sflag:s25] =	ssyncadd.s32 $0xFFFFE000  }
0x52: {  	[hbm4b:s1+s22] =	stream.strided.scatter [tilespmem:s20], [sflag:$0x8], $0x2000, s14, s22, $0x38;
	[tilespmem:$0xE400] =	vst v63  }
0x53: {  	_ =	swait.ge [sflag:s26], $0x2000  }
0x54: {  	s11 =	sshra.s32 s11, $0x2;
	[sflag:s26] =	ssyncset.done $0x0  }
0x55: {  	s12 =	sadd.s32 $0x200, s11;
	[sflag:s26] =	ssyncadd.s32 $0xFFFFE000  }
0x56: {  	[tilespmem:s15], [sflag:$0x1] =	stream.indirect.gather [hbm4b:s3+s14], $0x40, s12, s14, $0xb8;
	[tilespmem:$0xE400] =	vst v63  }
0x57: {  	_ =	swait.ge [sflag:s28], $0x2000  }
0x58: {  	[sflag:s28] =	ssyncset.done $0x0  }
0x59: {  	s12 =	sadd.s32 $0x280, s11;
	[sflag:s28] =	ssyncadd.s32 $0xFFFFE000  }
0x5a: {  	[tilespmem:s16], [sflag:$0x2] =	stream.indirect.gather [hbm4b:s3+s14], $0x40, s12, s14, $0xb8;
	[tilespmem:$0xE400] =	vst v63  }
0x5b: {  	_ =	swait.ge [sflag:s29], $0x2000  }
0x5c: {  	[sflag:s29] =	ssyncset.done $0x0  }
.Ltmp0:
0x5d: {  	s12 =	sadd.s32 $0x300, s11;
	[sflag:s29] =	ssyncadd.s32 $0xFFFFE000;
	(pc) =	sbr.rel @p0 .LBB2_2-.Ltmp0, $4  }
0x5e: {  	[tilespmem:s18], [sflag:$0x3] =	stream.indirect.gather [hbm4b:s3+s14], $0x40, s12, s14, $0xb8;
	[tilespmem:$0xE400] =	vst v63  }
0x5f: {  	_ =	swait.ge [sflag:s30], $0x2000  }
0x60: {  	[sflag:s30] =	ssyncset.done $0x0  }
0x61: {  	s1 =	sadd.s32 $0x20000, s1;
	s11 =	sadd.s32 $0x380, s11;
	[sflag:s30] =	ssyncadd.s32 $0xFFFFE000  }
0x62: {  	[tilespmem:s20], [sflag:$0x4] =	stream.indirect.gather [hbm4b:s3+s14], $0x40, s11, s14, $0xb8;
	[tilespmem:$0xE400] =	vst v63  }
0x63: {  	_ =	swait.ge [sflag:s21], $0x2000  }
0x64: {  	[sflag:s21] =	ssyncset.done $0x0  }
0x65: {  	[sflag:s21] =	ssyncadd.s32 $0xFFFFE000  }
0x66: {  	[hbm4b:s5+s22] =	stream.strided.scatter [tilespmem:s15], [sflag:$0x5], $0x2000, s14, s22, $0x38;
	[tilespmem:$0xE400] =	vst v63  }
0x67: {  	_ =	swait.ge [sflag:s23], $0x2000  }
0x68: {  	[sflag:s23] =	ssyncset.done $0x0  }
0x69: {  	[sflag:s23] =	ssyncadd.s32 $0xFFFFE000  }
0x6a: {  	[hbm4b:s6+s22] =	stream.strided.scatter [tilespmem:s16], [sflag:$0x6], $0x2000, s14, s22, $0x38;
	[tilespmem:$0xE400] =	vst v63  }
0x6b: {  	_ =	swait.ge [sflag:s24], $0x2000  }
0x6c: {  	[sflag:s24] =	ssyncset.done $0x0  }
0x6d: {  	[sflag:s24] =	ssyncadd.s32 $0xFFFFE000  }
0x6e: {  	[hbm4b:s7+s22] =	stream.strided.scatter [tilespmem:s18], [sflag:$0x7], $0x2000, s14, s22, $0x38;
	[tilespmem:$0xE400] =	vst v63  }
0x6f: {  	_ =	swait.ge [sflag:s25], $0x2000  }
0x70: {  	[sflag:s25] =	ssyncset.done $0x0  }
0x71: {  	[sflag:s25] =	ssyncadd.s32 $0xFFFFE000  }
0x72: {  	[hbm4b:s8+s22] =	stream.strided.scatter [tilespmem:s20], [sflag:$0x8], $0x2000, s14, s22, $0x38;
	[tilespmem:$0xE400] =	vst v63  }
0x73: {  	_ =	swait.ge [sflag:s26], $0x2000  }
0x74: {  	[sflag:s26] =	ssyncset.done $0x0  }
0x75: {  	[sflag:s26] =	ssyncadd.s32 $0xFFFFE000  }
0x76: {  	_ =	swait.ge [sflag:s28], $0x2000  }
0x77: {  	[sflag:s28] =	ssyncset.done $0x0  }
0x78: {  	s31 =	sadd.s32 $0x1, s31;
	[sflag:s28] =	ssyncadd.s32 $0xFFFFE000  }
0x79: {  	p0 =	sne.s32 s31, s9;
	_ =	swait.ge [sflag:s29], $0x2000  }
.Ltmp1:
0x7a: {  	[sflag:s29] =	ssyncset.done $0x0;
	(pc) =	sbr.rel @p0 .LBB2_1-.Ltmp1, $4  }
0x7b: {  	[sflag:s29] =	ssyncadd.s32 $0xFFFFE000  }
0x7c: {  	_ =	swait.ge [sflag:s30], $0x2000  }
0x7d: {  	[sflag:s30] =	ssyncset.done $0x0  }
0x7e: {  	[sflag:s30] =	ssyncadd.s32 $0xFFFFE000  }
0x7f: {  	_ =	sfence.sel $0x180000  }
0x80: {  	[bflag:$0x0] =	sbarrier.arrive $0xFFFF  }
0x81: {  	_ =	strace $0x90000047  }
0x82: {  	s0 =	stileid.u32;
	[bflag:$0x2] =	sbarrier.arrive $0xFFFF  }
0x83: {  	p0 =	sne.s32 s0, $0x0;
	s0 =	rddreg [dreg:$0x1]  }
0x84: {  	s0 =	sadd.s32 @!p0 $0x100000, s0  }
0x85: {  	[sflag:s0] =	ssyncadd.tile.s32 @!p0 $0x1;
	_ =	shalt  }
.Lfunc_end2:
_tile_overlayer_lowered:
.L_overlay_start_2:
0x86: {  	(tag) =	ssettag $0x2  }
0x87: {  	s0 =	rddreg [dreg:$0x0];
	s2 =	stileid.u32  }
0x88: {  	s1 =	rddreg [dreg:$0x1];
	p0 =	sne.s32 s2, $0x0  }
0x89: {  	s3 =	rddreg [dreg:$0x2];
	[bflag:$0x3] =	sbarrier.arrive $0xFFFF;
	s2 =	simm.s32 @!p0 $0x1C09  }
0x8a: {  	[timem:s3], [sflag:s2] =	dma.local @!p0 [hbm:s0], s1  }
0x8b: {  	s0 =	simm.s32 @!p0 $0x9  }
0x8c: {  	_ =	swait.ge @!p0 [sflag:s0], s1  }
0x8d: {  	s1 =	ssub.s32 @!p0 $0x0, s1;
	[sflag:s0] =	ssyncset.done @!p0 $0x0  }
0x8e: {  	[sflag:s0] =	ssyncadd.s32 @!p0 s1  }
0x8f: {  	[bflag:$0x3] =	sbarrier.arrive $0xFFFF  }
0x90: {  	_ =	shalt  }

</sc_bundles>
